<compile_context>
chip_gen: v7x
topology: tpu7x:2x2x1
jax: 0.10.2.dev20260603
libtpu: 0.0.44.dev20260713+nightly
codegen_flags: <defaults>
</compile_context>

<pallas_src>
import functools
import jax
import jax.numpy as jnp
from jax import lax
from jax.experimental import pallas as pl
from jax.experimental.pallas import tpu as pltpu
from jax.experimental.pallas import tpu_sc as plsc

N = 10000
NPAD = 10240
E = 160000
NS = 16
NCORES = 2
EPT = 10240
EB = 128
NBLK = EPT // EB
EB_W = 80
NBLK_W = EPT // EB_W
EPAD = EPT * NS
ROWS_PT = NPAD // NS
BN = 1024
GRID_N = NPAD // BN

_SC_PARAMS = pltpu.CompilerParams(use_tc_tiling_on_sc=False)
_MESH = plsc.VectorSubcoreMesh(core_axis_name="c", subcore_axis_name="s")


def _make_agg(nchunks, dc, dtype=jnp.float32):
    edge_split = nchunks == 1
    ncpc = 1 if edge_split else nchunks // NCORES

    nout = NCORES if edge_split else nchunks
    eb = EB_W if dc == 128 else EB
    nblk = EPT // eb

    @functools.partial(
        pl.kernel,
        out_type=jax.ShapeDtypeStruct((nout, NPAD, dc), dtype),
        mesh=_MESH,
        scratch_types=[
            pltpu.VMEM((nblk, eb), jnp.int32),
            pltpu.VMEM((nblk, eb), jnp.int32),
            pltpu.VMEM((eb, dc), dtype),
            pltpu.VMEM((eb, dc), dtype),
            pltpu.VMEM_SHARED((NPAD, dc), dtype),
            pltpu.SemaphoreType.DMA,
            pltpu.SemaphoreType.DMA,
        ],
        compiler_params=_SC_PARAMS,
    )
    def agg(y_hbm, zeros_hbm, src_hbm, dst_hbm, out_hbm, src_v, dst_v,
            buf0, buf1, acc_sh, sem0, sem1):
        c = lax.axis_index("c")
        s = lax.axis_index("s")
        rb = s * ROWS_PT
        pltpu.sync_copy(src_hbm.at[s], src_v)
        pltpu.sync_copy(dst_hbm.at[s], dst_v)
        for p in range(ncpc):
            if edge_split:
                chunk = 0
                oidx = c
                lo = c * (nblk // 2)
            else:
                chunk = p * NCORES + c
                oidx = chunk
                lo = 0
            hi = lo + (nblk if not edge_split else nblk // 2)

            if edge_split:
                @pl.when(c == 0)
                def _():
                    pltpu.sync_copy(y_hbm.at[0].at[pl.ds(rb, ROWS_PT)],
                                    acc_sh.at[pl.ds(rb, ROWS_PT)])

                @pl.when(c == 1)
                def _():
                    pltpu.sync_copy(zeros_hbm.at[pl.ds(rb, ROWS_PT)],
                                    acc_sh.at[pl.ds(rb, ROWS_PT)])
            else:
                pltpu.sync_copy(y_hbm.at[chunk].at[pl.ds(rb, ROWS_PT)],
                                acc_sh.at[pl.ds(rb, ROWS_PT)])
            bufs = (buf0, buf1)
            sems = (sem0, sem1)
            for k in range(2):
                pltpu.async_copy(y_hbm.at[chunk].at[src_v.at[lo + k]],
                                 bufs[k], sems[k])
            plsc.subcore_barrier()

            def outer(t, carry):
                base = 2 * t
                for k in range(2):
                    m = base + k
                    pltpu.make_async_copy(
                        y_hbm.at[chunk].at[src_v.at[m]],
                        bufs[k], sems[k]).wait()
                    pltpu.sync_copy(bufs[k], acc_sh.at[dst_v.at[m]],
                                    add=True)

                    @pl.when(m + 2 < hi)
                    def _():
                        pltpu.async_copy(y_hbm.at[chunk].at[src_v.at[m + 2]],
                                         bufs[k], sems[k])
                return carry

            lax.fori_loop(lo // 2, hi // 2, outer, 0)
            plsc.subcore_barrier()
            pltpu.sync_copy(acc_sh.at[pl.ds(rb, ROWS_PT)],
                            out_hbm.at[oidx].at[pl.ds(rb, ROWS_PT)])
            plsc.subcore_barrier()

    return agg


@functools.partial(
    pl.kernel,
    out_type=jax.ShapeDtypeStruct((NPAD, 16), jnp.float32),
    mesh=_MESH,
    scratch_types=[
        pltpu.VMEM((NBLK, EB), jnp.int32),
        pltpu.VMEM((EB, 16), jnp.float32),
        pltpu.VMEM_SHARED((NPAD, 16), jnp.float32),
    ],
    compiler_params=_SC_PARAMS,
)
def _deg_kernel(zeros_hbm, ones_hbm, dst_hbm, out_hbm, dst_v, ones_v, acc_sh):
    c = lax.axis_index("c")
    s = lax.axis_index("s")
    rb = s * ROWS_PT

    @pl.when(c == 0)
    def _():
        pltpu.sync_copy(dst_hbm.at[s], dst_v)
        pltpu.sync_copy(ones_hbm, ones_v)
        pltpu.sync_copy(zeros_hbm.at[pl.ds(rb, ROWS_PT)],
                        acc_sh.at[pl.ds(rb, ROWS_PT)])
        plsc.subcore_barrier()

        def blk(j, carry):
            pltpu.sync_copy(ones_v, acc_sh.at[dst_v.at[j]], add=True)
            return carry

        lax.fori_loop(0, NBLK, blk, 0)
        plsc.subcore_barrier()
        pltpu.sync_copy(acc_sh.at[pl.ds(rb, ROWS_PT)],
                        out_hbm.at[pl.ds(rb, ROWS_PT)])


def _prep_kernel(deg_ref, pos_ref, dinv_ref, y0_ref):
    i = pl.program_id(0)
    rows = i * BN + lax.broadcasted_iota(jnp.int32, (BN, 1), 0)
    dv = lax.rsqrt(deg_ref[:, :1] + 1.0)
    dv = jnp.where(rows < N, dv, 0.0)
    dinv_ref[...] = dv
    y0_ref[0] = pos_ref[...] * dv


_prep = pl.pallas_call(
    _prep_kernel,
    grid=(GRID_N,),
    in_specs=[
        pl.BlockSpec((BN, 16), lambda i: (i, 0)),
        pl.BlockSpec((BN, 16), lambda i: (i, 0)),
    ],
    out_specs=[
        pl.BlockSpec((BN, 1), lambda i: (i, 0)),
        pl.BlockSpec((1, BN, 16), lambda i: (0, i, 0)),
    ],
    out_shape=[
        jax.ShapeDtypeStruct((NPAD, 1), jnp.float32),
        jax.ShapeDtypeStruct((1, NPAD, 16), jnp.float32),
    ],
)


def _make_gemm(nc_in, dc_in, nc_out, dc_out,
               in_dtype=jnp.float32, out_dtype=jnp.float32, sum_in=False):
    d_out = nc_out * dc_out

    def kern(acc_ref, dinv_ref, w_ref, b_ref, y_ref):
        d = dinv_ref[...]
        if sum_in:
            x = (acc_ref[0].astype(jnp.float32)
                 + acc_ref[1].astype(jnp.float32)) * d
            z = jnp.dot(x, w_ref[0], preferred_element_type=jnp.float32)
        else:
            z = jnp.zeros((BN, d_out), jnp.float32)
            for ci in range(nc_in):
                x = acc_ref[ci].astype(jnp.float32) * d
                z = z + jnp.dot(x, w_ref[ci],
                                preferred_element_type=jnp.float32)
        z = z + b_ref[...]
        h = jnp.where(z >= 0, z, 0.01 * z)
        y = h * d
        for co in range(nc_out):
            y_ref[co] = y[:, co * dc_out:(co + 1) * dc_out].astype(out_dtype)

    return pl.pallas_call(
        kern,
        grid=(GRID_N,),
        in_specs=[
            pl.BlockSpec((2 if sum_in else nc_in, BN, dc_in),
                         lambda i: (0, i, 0)),
            pl.BlockSpec((BN, 1), lambda i: (i, 0)),
            pl.BlockSpec((1 if sum_in else nc_in, dc_in, d_out),
                         lambda i: (0, 0, 0)),
            pl.BlockSpec((1, d_out), lambda i: (0, 0)),
        ],
        out_specs=pl.BlockSpec((nc_out, BN, dc_out), lambda i: (0, i, 0)),
        out_shape=jax.ShapeDtypeStruct((nc_out, NPAD, dc_out), out_dtype),
    )


def _final_kernel(acc_ref, dinv_ref, w_ref, b_ref, fcw_ref, fcb_ref,
                  out_ref, r_sc):
    i = pl.program_id(0)
    d = dinv_ref[...]
    z = jnp.zeros((BN, 1024), jnp.float32)
    for ci in range(4):
        z = z + jnp.dot(acc_ref[ci].astype(jnp.float32) * d, w_ref[ci],
                        preferred_element_type=jnp.float32)
    z = z + b_ref[...]
    h = jnp.where(z >= 0, z, 0.01 * z)
    rows = i * BN + lax.broadcasted_iota(jnp.int32, (BN, 1), 0)
    hm = jnp.where(rows < N, h, -jnp.inf)
    m = jnp.max(hm, axis=0, keepdims=True)

    @pl.when(i == 0)
    def _():
        r_sc[...] = m

    @pl.when(i > 0)
    def _():
        r_sc[...] = jnp.maximum(r_sc[...], m)

    @pl.when(i == GRID_N - 1)
    def _():
        r = r_sc[...]
        out_ref[...] = lax.dot_general(
            r, fcw_ref[...], (((1,), (1,)), ((), ())),
            preferred_element_type=jnp.float32) + fcb_ref[...]


_final = pl.pallas_call(
    _final_kernel,
    grid=(GRID_N,),
    in_specs=[
        pl.BlockSpec((4, BN, 128), lambda i: (0, i, 0)),
        pl.BlockSpec((BN, 1), lambda i: (i, 0)),
        pl.BlockSpec((4, 128, 1024), lambda i: (0, 0, 0)),
        pl.BlockSpec((1, 1024), lambda i: (0, 0)),
        pl.BlockSpec((1024, 1024), lambda i: (0, 0)),
        pl.BlockSpec((1, 1024), lambda i: (0, 0)),
    ],
    out_specs=pl.BlockSpec((1, 1024), lambda i: (0, 0)),
    out_shape=jax.ShapeDtypeStruct((1, 1024), jnp.float32),
    scratch_shapes=[pltpu.VMEM((1, 1024), jnp.float32)],
    compiler_params=pltpu.CompilerParams(
        dimension_semantics=("arbitrary",)),
)

_agg1 = _make_agg(1, 16)
_agg2 = _make_agg(2, 32)
_agg3 = _make_agg(2, 64)
_agg4 = _make_agg(2, 128)
_agg5 = _make_agg(4, 128)
_gemm1 = _make_gemm(1, 16, 2, 32, sum_in=True)
_gemm2 = _make_gemm(2, 32, 2, 64)
_gemm3 = _make_gemm(2, 64, 2, 128)
_gemm4 = _make_gemm(2, 128, 4, 128)


def kernel(pos, edge_index, W1, b1, W2, b2, W3, b3, W4, b4, W5, b5, fcW, fcb):
    src = edge_index[0]
    dst = edge_index[1]
    pad = N + jnp.arange(EPAD - E, dtype=jnp.int32) % (NPAD - N)
    srcpad = jnp.concatenate([src, pad])
    dstpad = jnp.concatenate([dst, pad])
    srcp = srcpad.reshape(NS, NBLK, EB)
    dstp = dstpad.reshape(NS, NBLK, EB)
    srcw = srcpad.reshape(NS, NBLK_W, EB_W)
    dstw = dstpad.reshape(NS, NBLK_W, EB_W)
    pos_pad = jnp.pad(pos, ((0, NPAD - N), (0, 13)))
    zeros16 = jnp.zeros((NPAD, 16), jnp.float32)
    ones_rows = jnp.ones((EB, 16), jnp.float32)

    deg = _deg_kernel(zeros16, ones_rows, dstp)
    dinv, y0 = _prep(deg, pos_pad)

    a1 = _agg1(y0, zeros16, srcp, dstp)
    y1 = _gemm1(a1, dinv, jnp.pad(W1, ((0, 13), (0, 0)))[None], b1[None])
    a2 = _agg2(y1, zeros16, srcp, dstp)
    y2 = _gemm2(a2, dinv, W2.reshape(2, 32, 128), b2[None])
    a3 = _agg3(y2, zeros16, srcp, dstp)
    y3 = _gemm3(a3, dinv, W3.reshape(2, 64, 256), b3[None])
    a4 = _agg4(y3, zeros16, srcw, dstw)
    y4 = _gemm4(a4, dinv, W4.reshape(2, 128, 512), b4[None])
    a5 = _agg5(y4, zeros16, srcw, dstw)
    out = _final(a5, dinv, W5.reshape(4, 128, 1024), b5[None], fcW, fcb[None])
    return out.reshape(1024)

# --- scband reference (transcript-rebuilt; emitter-appended) ---
"""Pipeline reference for scband-test-net2-24257975287984 (READ-ONLY COPY).

The authoritative reference and input builder live on the scoring server;
editing this copy changes nothing except your own understanding.
"""

import jax, jax.numpy as jnp
import numpy as np

N = 10000
E = 160000
DIMS = [3, 64, 128, 256, 512, 1024]


def setup_inputs(seed: int = 0) -> dict:
    key = jax.random.key(seed)
    ks = jax.random.split(key, 20)
    pos = jax.random.normal(ks[0], (N, 3), dtype=jnp.float32)
    edge_index = jax.random.randint(ks[1], (2, E), 0, N, dtype=jnp.int32)
    inp = {"pos": pos, "edge_index": edge_index}
    # GCN conv weights: W_i has shape (d_in, d_out) (applied as x @ W), bias (d_out,)
    for i in range(5):
        d_in, d_out = DIMS[i], DIMS[i + 1]
        scale = 1.0 / np.sqrt(d_in)
        inp[f"W{i+1}"] = jax.random.normal(ks[2 + 2 * i], (d_in, d_out), dtype=jnp.float32) * scale
        inp[f"b{i+1}"] = jax.random.normal(ks[3 + 2 * i], (d_out,), dtype=jnp.float32) * 0.01
    # fc1: torch Linear(1024, 1024): y = x @ W.T + b, W shape (out, in)
    inp["fcW"] = jax.random.normal(ks[12], (1024, 1024), dtype=jnp.float32) * (1.0 / np.sqrt(1024))
    inp["fcb"] = jax.random.normal(ks[13], (1024,), dtype=jnp.float32) * 0.01
    return inp


def gcn_conv(x, W, b, src, dst):
    # PyG GCNConv: h = x @ W; add self-loops; symmetric normalization; scatter-add; + bias
    h = x @ W
    loop = jnp.arange(N, dtype=src.dtype)
    s = jnp.concatenate([src, loop])
    d = jnp.concatenate([dst, loop])
    deg = jnp.zeros((N,), dtype=h.dtype).at[d].add(1.0)
    dinv = jnp.where(deg > 0, 1.0 / jnp.sqrt(deg), 0.0)
    coef = dinv[s] * dinv[d]
    msg = h[s] * coef[:, None]
    out = jnp.zeros((N, W.shape[1]), dtype=h.dtype).at[d].add(msg)
    return out + b


def reference(pos, edge_index, W1, b1, W2, b2, W3, b3, W4, b4, W5, b5, fcW, fcb):
    src, dst = edge_index[0], edge_index[1]
    x = pos
    for W, b in [(W1, b1), (W2, b2), (W3, b3), (W4, b4), (W5, b5)]:
        x = gcn_conv(x, W, b, src, dst)
        x = jax.nn.leaky_relu(x, negative_slope=0.01)
    # MaxPool23: max over dim 0 -> [1024], unsqueeze(1) -> [1024, 1]
    r = jnp.max(x, axis=0)[:, None]
    # Flatten(start_dim=0) -> [1024]
    r = r.reshape(-1)
    # fc1
    out = r @ fcW.T + fcb
    return out

if __name__ == "__main__":
    import jax
    _d = setup_inputs()
    print(jax.jit(kernel)(*tuple(_d.values())))

</pallas_src>

<mosaic_0001>
#map = affine_map<(d0, d1) -> (0, 0, 0)>
#map1 = affine_map<(d0, d1) -> (0, 0)>
module attributes {stable_mosaic.version = 14 : i64} {
  func.func @agg(%arg0: i32, %arg1: i32, %arg2: memref<1x10240x16xf32, #tpu.memory_space<hbm>>, %arg3: memref<10240x16xf32, #tpu.memory_space<hbm>>, %arg4: memref<16x80x128xi32, #tpu.memory_space<hbm>>, %arg5: memref<16x80x128xi32, #tpu.memory_space<hbm>>, %arg6: memref<2x10240x16xf32, #tpu.memory_space<hbm>>, %arg7: memref<80x128xi32, #tpu.memory_space<vmem>>, %arg8: memref<80x128xi32, #tpu.memory_space<vmem>>, %arg9: memref<128x16xf32, #tpu.memory_space<vmem>>, %arg10: memref<128x16xf32, #tpu.memory_space<vmem>>, %arg11: memref<10240x16xf32, #tpu.memory_space<vmem_shared>>, %arg12: memref<!tpu.dma_semaphore, #tpu.memory_space<semaphore_mem>>, %arg13: memref<!tpu.dma_semaphore, #tpu.memory_space<semaphore_mem>>) attributes {dimension_semantics = [#tpu.dimension_semantics<core_parallel>, #tpu.dimension_semantics<subcore_parallel>], iteration_bounds = array<i64: 2, 16>, scalar_prefetch = 0 : i64, scratch_operands = 7 : i64, tpu.core_type = #tpu.core_type<sc_vector_subcore>, window_params = [{transform_indices = #map}, {transform_indices = #map1}, {transform_indices = #map}, {transform_indices = #map}, {transform_indices = #map}]} {
    %mul3A = arith.constant 640 : i32
    %mul3A_0 = arith.muli %arg1, %mul3A : i32
    "tpu.region"() ({
      %run_scoped3A = tpu.sem_alloc : memref<!tpu.dma_semaphore, #tpu.memory_space<semaphore_mem>>
      %dma_start3A_86 = arith.constant 0 : i32
      %dma_start3A_87 = arith.constant 0 : i32
      %dma_start3A_88 = tpu.memref_slice %arg4[%arg1, %dma_start3A_86, %dma_start3A_87] : memref<16x80x128xi32, #tpu.memory_space<hbm>> -> memref<1x80x128xi32, #tpu.memory_space<hbm>>
      %dma_start3A_89 = tpu.memref_squeeze %dma_start3A_88 : memref<1x80x128xi32, #tpu.memory_space<hbm>> -> memref<80x128xi32, #tpu.memory_space<hbm>>
      %dma_start3A_90 = arith.constant 0 : i32
      %dma_start3A_91 = arith.constant 0 : i32
      %dma_start3A_92 = tpu.memref_slice %arg4[%arg1, %dma_start3A_90, %dma_start3A_91] : memref<16x80x128xi32, #tpu.memory_space<hbm>> -> memref<1x80x128xi32, #tpu.memory_space<hbm>>
      %dma_start3A_93 = tpu.memref_squeeze %dma_start3A_92 : memref<1x80x128xi32, #tpu.memory_space<hbm>> -> memref<80x128xi32, #tpu.memory_space<hbm>>
      tpu.enqueue_dma source(%dma_start3A_93 : memref<80x128xi32, #tpu.memory_space<hbm>>) target(%arg7 : memref<80x128xi32, #tpu.memory_space<vmem>>) target_semaphore(%run_scoped3A : memref<!tpu.dma_semaphore, #tpu.memory_space<semaphore_mem>>)
      %dma_wait3A = arith.constant 0 : i32
      %dma_wait3A_94 = arith.constant 0 : i32
      %dma_wait3A_95 = tpu.memref_slice %arg4[%arg1, %dma_wait3A, %dma_wait3A_94] : memref<16x80x128xi32, #tpu.memory_space<hbm>> -> memref<1x80x128xi32, #tpu.memory_space<hbm>>
      %dma_wait3A_96 = tpu.memref_squeeze %dma_wait3A_95 : memref<1x80x128xi32, #tpu.memory_space<hbm>> -> memref<80x128xi32, #tpu.memory_space<hbm>>
      %dma_wait3A_97 = arith.constant 0 : i32
      %dma_wait3A_98 = arith.constant 0 : i32
      %dma_wait3A_99 = tpu.memref_slice %arg4[%arg1, %dma_wait3A_97, %dma_wait3A_98] : memref<16x80x128xi32, #tpu.memory_space<hbm>> -> memref<1x80x128xi32, #tpu.memory_space<hbm>>
      %dma_wait3A_100 = tpu.memref_squeeze %dma_wait3A_99 : memref<1x80x128xi32, #tpu.memory_space<hbm>> -> memref<80x128xi32, #tpu.memory_space<hbm>>
      tpu.wait_dma2 semaphore(%run_scoped3A : memref<!tpu.dma_semaphore, #tpu.memory_space<semaphore_mem>>) src(%dma_wait3A_100 : memref<80x128xi32, #tpu.memory_space<hbm>>) dst(%arg7 : memref<80x128xi32, #tpu.memory_space<vmem>>)
      tpu.yield
    }) : () -> ()
    "tpu.region"() ({
      %run_scoped3A = tpu.sem_alloc : memref<!tpu.dma_semaphore, #tpu.memory_space<semaphore_mem>>
      %dma_start3A_86 = arith.constant 0 : i32
      %dma_start3A_87 = arith.constant 0 : i32
      %dma_start3A_88 = tpu.memref_slice %arg5[%arg1, %dma_start3A_86, %dma_start3A_87] : memref<16x80x128xi32, #tpu.memory_space<hbm>> -> memref<1x80x128xi32, #tpu.memory_space<hbm>>
      %dma_start3A_89 = tpu.memref_squeeze %dma_start3A_88 : memref<1x80x128xi32, #tpu.memory_space<hbm>> -> memref<80x128xi32, #tpu.memory_space<hbm>>
      %dma_start3A_90 = arith.constant 0 : i32
      %dma_start3A_91 = arith.constant 0 : i32
      %dma_start3A_92 = tpu.memref_slice %arg5[%arg1, %dma_start3A_90, %dma_start3A_91] : memref<16x80x128xi32, #tpu.memory_space<hbm>> -> memref<1x80x128xi32, #tpu.memory_space<hbm>>
      %dma_start3A_93 = tpu.memref_squeeze %dma_start3A_92 : memref<1x80x128xi32, #tpu.memory_space<hbm>> -> memref<80x128xi32, #tpu.memory_space<hbm>>
      tpu.enqueue_dma source(%dma_start3A_93 : memref<80x128xi32, #tpu.memory_space<hbm>>) target(%arg8 : memref<80x128xi32, #tpu.memory_space<vmem>>) target_semaphore(%run_scoped3A : memref<!tpu.dma_semaphore, #tpu.memory_space<semaphore_mem>>)
      %dma_wait3A = arith.constant 0 : i32
      %dma_wait3A_94 = arith.constant 0 : i32
      %dma_wait3A_95 = tpu.memref_slice %arg5[%arg1, %dma_wait3A, %dma_wait3A_94] : memref<16x80x128xi32, #tpu.memory_space<hbm>> -> memref<1x80x128xi32, #tpu.memory_space<hbm>>
      %dma_wait3A_96 = tpu.memref_squeeze %dma_wait3A_95 : memref<1x80x128xi32, #tpu.memory_space<hbm>> -> memref<80x128xi32, #tpu.memory_space<hbm>>
      %dma_wait3A_97 = arith.constant 0 : i32
      %dma_wait3A_98 = arith.constant 0 : i32
      %dma_wait3A_99 = tpu.memref_slice %arg5[%arg1, %dma_wait3A_97, %dma_wait3A_98] : memref<16x80x128xi32, #tpu.memory_space<hbm>> -> memref<1x80x128xi32, #tpu.memory_space<hbm>>
      %dma_wait3A_100 = tpu.memref_squeeze %dma_wait3A_99 : memref<1x80x128xi32, #tpu.memory_space<hbm>> -> memref<80x128xi32, #tpu.memory_space<hbm>>
      tpu.wait_dma2 semaphore(%run_scoped3A : memref<!tpu.dma_semaphore, #tpu.memory_space<semaphore_mem>>) src(%dma_wait3A_100 : memref<80x128xi32, #tpu.memory_space<hbm>>) dst(%arg8 : memref<80x128xi32, #tpu.memory_space<vmem>>)
      tpu.yield
    }) : () -> ()
    %mul3A_1 = arith.constant 40 : i32
    %mul3A_2 = arith.muli %arg0, %mul3A_1 : i32
    %add3A = arith.constant 40 : i32
    %add3A_3 = arith.addi %mul3A_2, %add3A : i32
    %eq3A = arith.constant 0 : i32
    %eq3A_4 = arith.cmpi eq, %arg0, %eq3A : i32
    %convert_element_type3A = arith.extui %eq3A_4 : i1 to i32
    %cond3A = arith.constant 0 : i32
    %cond3A_5 = arith.cmpi ne, %convert_element_type3A, %cond3A : i32
    scf.if %cond3A_5 {
      %run_scoped3A = arith.constant 0 : i32
      "tpu.region"() ({
        %run_scoped3A_86 = tpu.sem_alloc : memref<!tpu.dma_semaphore, #tpu.memory_space<semaphore_mem>>
        %dma_start3A_87 = arith.constant 0 : i32
        %dma_start3A_88 = tpu.memref_slice %arg11[%mul3A_0, %dma_start3A_87] : memref<10240x16xf32, #tpu.memory_space<vmem_shared>> -> memref<640x16xf32, #tpu.memory_space<vmem_shared>>
        %dma_start3A_89 = arith.constant 0 : i32
        %dma_start3A_90 = arith.constant 0 : i32
        %dma_start3A_91 = tpu.memref_slice %arg2[%run_scoped3A, %dma_start3A_89, %dma_start3A_90] : memref<1x10240x16xf32, #tpu.memory_space<hbm>> -> memref<1x10240x16xf32, #tpu.memory_space<hbm>>
        %dma_start3A_92 = tpu.memref_squeeze %dma_start3A_91 : memref<1x10240x16xf32, #tpu.memory_space<hbm>> -> memref<10240x16xf32, #tpu.memory_space<hbm>>
        %dma_start3A_93 = arith.constant 0 : i32
        %dma_start3A_94 = tpu.memref_slice %dma_start3A_92[%mul3A_0, %dma_start3A_93] : memref<10240x16xf32, #tpu.memory_space<hbm>> -> memref<640x16xf32, #tpu.memory_space<hbm>>
        tpu.enqueue_dma source(%dma_start3A_94 : memref<640x16xf32, #tpu.memory_space<hbm>>) target(%dma_start3A_88 : memref<640x16xf32, #tpu.memory_space<vmem_shared>>) target_semaphore(%run_scoped3A_86 : memref<!tpu.dma_semaphore, #tpu.memory_space<semaphore_mem>>)
        %dma_wait3A = arith.constant 0 : i32
        %dma_wait3A_95 = tpu.memref_slice %arg11[%mul3A_0, %dma_wait3A] : memref<10240x16xf32, #tpu.memory_space<vmem_shared>> -> memref<640x16xf32, #tpu.memory_space<vmem_shared>>
        %dma_wait3A_96 = arith.constant 0 : i32
        %dma_wait3A_97 = arith.constant 0 : i32
        %dma_wait3A_98 = tpu.memref_slice %arg2[%run_scoped3A, %dma_wait3A_96, %dma_wait3A_97] : memref<1x10240x16xf32, #tpu.memory_space<hbm>> -> memref<1x10240x16xf32, #tpu.memory_space<hbm>>
        %dma_wait3A_99 = tpu.memref_squeeze %dma_wait3A_98 : memref<1x10240x16xf32, #tpu.memory_space<hbm>> -> memref<10240x16xf32, #tpu.memory_space<hbm>>
        %dma_wait3A_100 = arith.constant 0 : i32
        %dma_wait3A_101 = tpu.memref_slice %dma_wait3A_99[%mul3A_0, %dma_wait3A_100] : memref<10240x16xf32, #tpu.memory_space<hbm>> -> memref<640x16xf32, #tpu.memory_space<hbm>>
        tpu.wait_dma2 semaphore(%run_scoped3A_86 : memref<!tpu.dma_semaphore, #tpu.memory_space<semaphore_mem>>) src(%dma_wait3A_101 : memref<640x16xf32, #tpu.memory_space<hbm>>) dst(%dma_wait3A_95 : memref<640x16xf32, #tpu.memory_space<vmem_shared>>)
        tpu.yield
      }) : () -> ()
    } else {
    }
    %eq3A_6 = arith.constant 1 : i32
    %eq3A_7 = arith.cmpi eq, %arg0, %eq3A_6 : i32
    %convert_element_type3A_8 = arith.extui %eq3A_7 : i1 to i32
    %cond3A_9 = arith.constant 0 : i32
    %cond3A_10 = arith.cmpi ne, %convert_element_type3A_8, %cond3A_9 : i32
    scf.if %cond3A_10 {
      "tpu.region"() ({
        %run_scoped3A = tpu.sem_alloc : memref<!tpu.dma_semaphore, #tpu.memory_space<semaphore_mem>>
        %dma_start3A_86 = arith.constant 0 : i32
        %dma_start3A_87 = tpu.memref_slice %arg11[%mul3A_0, %dma_start3A_86] : memref<10240x16xf32, #tpu.memory_space<vmem_shared>> -> memref<640x16xf32, #tpu.memory_space<vmem_shared>>
        %dma_start3A_88 = arith.constant 0 : i32
        %dma_start3A_89 = tpu.memref_slice %arg3[%mul3A_0, %dma_start3A_88] : memref<10240x16xf32, #tpu.memory_space<hbm>> -> memref<640x16xf32, #tpu.memory_space<hbm>>
        tpu.enqueue_dma source(%dma_start3A_89 : memref<640x16xf32, #tpu.memory_space<hbm>>) target(%dma_start3A_87 : memref<640x16xf32, #tpu.memory_space<vmem_shared>>) target_semaphore(%run_scoped3A : memref<!tpu.dma_semaphore, #tpu.memory_space<semaphore_mem>>)
        %dma_wait3A = arith.constant 0 : i32
        %dma_wait3A_90 = tpu.memref_slice %arg11[%mul3A_0, %dma_wait3A] : memref<10240x16xf32, #tpu.memory_space<vmem_shared>> -> memref<640x16xf32, #tpu.memory_space<vmem_shared>>
        %dma_wait3A_91 = arith.constant 0 : i32
        %dma_wait3A_92 = tpu.memref_slice %arg3[%mul3A_0, %dma_wait3A_91] : memref<10240x16xf32, #tpu.memory_space<hbm>> -> memref<640x16xf32, #tpu.memory_space<hbm>>
        tpu.wait_dma2 semaphore(%run_scoped3A : memref<!tpu.dma_semaphore, #tpu.memory_space<semaphore_mem>>) src(%dma_wait3A_92 : memref<640x16xf32, #tpu.memory_space<hbm>>) dst(%dma_wait3A_90 : memref<640x16xf32, #tpu.memory_space<vmem_shared>>)
        tpu.yield
      }) : () -> ()
    } else {
    }
    %add3A_11 = arith.constant 0 : i32
    %add3A_12 = arith.addi %mul3A_2, %add3A_11 : i32
    %dma_start3A = arith.constant 0 : i32
    %dma_start3A_13 = arith.constant 0 : i32
    %dma_start3A_14 = tpu.memref_slice %arg7[%add3A_12, %dma_start3A_13] : memref<80x128xi32, #tpu.memory_space<vmem>> -> memref<1x128xi32, #tpu.memory_space<vmem>>
    %dma_start3A_15 = tpu.memref_squeeze %dma_start3A_14 : memref<1x128xi32, #tpu.memory_space<vmem>> -> memref<128xi32, #tpu.memory_space<vmem>>
    %dma_start3A_16 = arith.constant 0 : i32
    %dma_start3A_17 = arith.constant 0 : i32
    %dma_start3A_18 = tpu.memref_slice %arg2[%dma_start3A, %dma_start3A_16, %dma_start3A_17] : memref<1x10240x16xf32, #tpu.memory_space<hbm>> -> memref<1x10240x16xf32, #tpu.memory_space<hbm>>
    %dma_start3A_19 = tpu.memref_squeeze %dma_start3A_18 : memref<1x10240x16xf32, #tpu.memory_space<hbm>> -> memref<10240x16xf32, #tpu.memory_space<hbm>>
    %dma_start3A_20 = arith.constant 0 : i32
    %dma_start3A_21 = arith.constant 0 : i32
    %dma_start3A_22 = tpu.memref_slice %dma_start3A_19[%dma_start3A_20, %dma_start3A_21] : memref<10240x16xf32, #tpu.memory_space<hbm>> -> memref<10240x16xf32, #tpu.memory_space<hbm>>
    tpu.enqueue_indirect_dma source(%dma_start3A_22 : memref<10240x16xf32, #tpu.memory_space<hbm>>) target(%arg9 : memref<128x16xf32, #tpu.memory_space<vmem>>) offsets(%dma_start3A_15 : memref<128xi32, #tpu.memory_space<vmem>>) semaphore(%arg12 : memref<!tpu.dma_semaphore, #tpu.memory_space<semaphore_mem>>)
    %add3A_23 = arith.constant 1 : i32
    %add3A_24 = arith.addi %mul3A_2, %add3A_23 : i32
    %dma_start3A_25 = arith.constant 0 : i32
    %dma_start3A_26 = arith.constant 0 : i32
    %dma_start3A_27 = tpu.memref_slice %arg7[%add3A_24, %dma_start3A_26] : memref<80x128xi32, #tpu.memory_space<vmem>> -> memref<1x128xi32, #tpu.memory_space<vmem>>
    %dma_start3A_28 = tpu.memref_squeeze %dma_start3A_27 : memref<1x128xi32, #tpu.memory_space<vmem>> -> memref<128xi32, #tpu.memory_space<vmem>>
    %dma_start3A_29 = arith.constant 0 : i32
    %dma_start3A_30 = arith.constant 0 : i32
    %dma_start3A_31 = tpu.memref_slice %arg2[%dma_start3A_25, %dma_start3A_29, %dma_start3A_30] : memref<1x10240x16xf32, #tpu.memory_space<hbm>> -> memref<1x10240x16xf32, #tpu.memory_space<hbm>>
    %dma_start3A_32 = tpu.memref_squeeze %dma_start3A_31 : memref<1x10240x16xf32, #tpu.memory_space<hbm>> -> memref<10240x16xf32, #tpu.memory_space<hbm>>
    %dma_start3A_33 = arith.constant 0 : i32
    %dma_start3A_34 = arith.constant 0 : i32
    %dma_start3A_35 = tpu.memref_slice %dma_start3A_32[%dma_start3A_33, %dma_start3A_34] : memref<10240x16xf32, #tpu.memory_space<hbm>> -> memref<10240x16xf32, #tpu.memory_space<hbm>>
    tpu.enqueue_indirect_dma source(%dma_start3A_35 : memref<10240x16xf32, #tpu.memory_space<hbm>>) target(%arg10 : memref<128x16xf32, #tpu.memory_space<vmem>>) offsets(%dma_start3A_28 : memref<128xi32, #tpu.memory_space<vmem>>) semaphore(%arg13 : memref<!tpu.dma_semaphore, #tpu.memory_space<semaphore_mem>>)
    %barrier3A = arith.constant 0 : index
    tpu.barrier barrier_id(%barrier3A)
    %jit3A = arith.constant 2 : i32
    %div3A = arith.divsi %mul3A_2, %jit3A : i32
    %sign3A = arith.constant 0 : i32
    %sign3A_36 = arith.cmpi sgt, %mul3A_2, %sign3A : i32
    %sign3A_37 = arith.extui %sign3A_36 : i1 to i32
    %sign3A_38 = arith.constant 0 : i32
    %sign3A_39 = arith.cmpi slt, %mul3A_2, %sign3A_38 : i32
    %sign3A_40 = arith.extui %sign3A_39 : i1 to i32
    %sign3A_41 = arith.subi %sign3A_37, %sign3A_40 : i32
    %sign3A_42 = arith.constant 0 : i32
    %sign3A_43 = arith.cmpi sgt, %jit3A, %sign3A_42 : i32
    %sign3A_44 = arith.extui %sign3A_43 : i1 to i32
    %sign3A_45 = arith.constant 0 : i32
    %sign3A_46 = arith.cmpi slt, %jit3A, %sign3A_45 : i32
    %sign3A_47 = arith.extui %sign3A_46 : i1 to i32
    %sign3A_48 = arith.subi %sign3A_44, %sign3A_47 : i32
    %ne3A = arith.cmpi ne, %sign3A_41, %sign3A_48 : i32
    %rem3A = arith.remsi %mul3A_2, %jit3A : i32
    %ne3A_49 = arith.constant 0 : i32
    %ne3A_50 = arith.cmpi ne, %rem3A, %ne3A_49 : i32
    %and3A = arith.andi %ne3A, %ne3A_50 : i1
    %sub3A = arith.constant 1 : i32
    %sub3A_51 = arith.subi %div3A, %sub3A : i32
    %select_n3A = arith.select %and3A, %sub3A_51, %div3A : i32
    %jit3A_52 = arith.constant 2 : i32
    %div3A_53 = arith.divsi %add3A_3, %jit3A_52 : i32
    %sign3A_54 = arith.constant 0 : i32
    %sign3A_55 = arith.cmpi sgt, %add3A_3, %sign3A_54 : i32
    %sign3A_56 = arith.extui %sign3A_55 : i1 to i32
    %sign3A_57 = arith.constant 0 : i32
    %sign3A_58 = arith.cmpi slt, %add3A_3, %sign3A_57 : i32
    %sign3A_59 = arith.extui %sign3A_58 : i1 to i32
    %sign3A_60 = arith.subi %sign3A_56, %sign3A_59 : i32
    %sign3A_61 = arith.constant 0 : i32
    %sign3A_62 = arith.cmpi sgt, %jit3A_52, %sign3A_61 : i32
    %sign3A_63 = arith.extui %sign3A_62 : i1 to i32
    %sign3A_64 = arith.constant 0 : i32
    %sign3A_65 = arith.cmpi slt, %jit3A_52, %sign3A_64 : i32
    %sign3A_66 = arith.extui %sign3A_65 : i1 to i32
    %sign3A_67 = arith.subi %sign3A_63, %sign3A_66 : i32
    %ne3A_68 = arith.cmpi ne, %sign3A_60, %sign3A_67 : i32
    %rem3A_69 = arith.remsi %add3A_3, %jit3A_52 : i32
    %ne3A_70 = arith.constant 0 : i32
    %ne3A_71 = arith.cmpi ne, %rem3A_69, %ne3A_70 : i32
    %and3A_72 = arith.andi %ne3A_68, %ne3A_71 : i1
    %sub3A_73 = arith.constant 1 : i32
    %sub3A_74 = arith.subi %div3A_53, %sub3A_73 : i32
    %select_n3A_75 = arith.select %and3A_72, %sub3A_74, %div3A_53 : i32
    %while3A = arith.constant 0 : i32
    %while3A_76 = arith.subi %select_n3A_75, %select_n3A : i32
    %while3A_77 = arith.addi %select_n3A, %while3A_76 : i32
    %while3A_78 = arith.constant 1 : i32
    %while3A_79 = arith.divsi %while3A_76, %while3A_78 : i32
    %while3A_80 = arith.muli %while3A_79, %while3A_78 : i32
    %while3A_81 = arith.addi %select_n3A, %while3A_80 : i32
    %while3A_82 = arith.constant 1 : i32
    scf.for %while3A_86 = %select_n3A to %while3A_81 step %while3A_82  : i32 {
      %mul3A_87 = arith.constant 2 : i32
      %mul3A_88 = arith.muli %mul3A_87, %while3A_86 : i32
      %add3A_89 = arith.constant 0 : i32
      %add3A_90 = arith.addi %mul3A_88, %add3A_89 : i32
      %dma_wait3A = arith.constant 0 : i32
      %dma_wait3A_91 = arith.constant 0 : i32
      %dma_wait3A_92 = tpu.memref_slice %arg7[%add3A_90, %dma_wait3A_91] : memref<80x128xi32, #tpu.memory_space<vmem>> -> memref<1x128xi32, #tpu.memory_space<vmem>>
      %dma_wait3A_93 = tpu.memref_squeeze %dma_wait3A_92 : memref<1x128xi32, #tpu.memory_space<vmem>> -> memref<128xi32, #tpu.memory_space<vmem>>
      %dma_wait3A_94 = arith.constant 0 : i32
      %dma_wait3A_95 = arith.constant 0 : i32
      %dma_wait3A_96 = tpu.memref_slice %arg2[%dma_wait3A, %dma_wait3A_94, %dma_wait3A_95] : memref<1x10240x16xf32, #tpu.memory_space<hbm>> -> memref<1x10240x16xf32, #tpu.memory_space<hbm>>
      %dma_wait3A_97 = tpu.memref_squeeze %dma_wait3A_96 : memref<1x10240x16xf32, #tpu.memory_space<hbm>> -> memref<10240x16xf32, #tpu.memory_space<hbm>>
      %dma_wait3A_98 = arith.constant 0 : i32
      %dma_wait3A_99 = arith.constant 0 : i32
      %dma_wait3A_100 = tpu.memref_slice %dma_wait3A_97[%dma_wait3A_98, %dma_wait3A_99] : memref<10240x16xf32, #tpu.memory_space<hbm>> -> memref<10240x16xf32, #tpu.memory_space<hbm>>
      tpu.wait_indirect_dma semaphore(%arg12 : memref<!tpu.dma_semaphore, #tpu.memory_space<semaphore_mem>>) src(%dma_wait3A_100 : memref<10240x16xf32, #tpu.memory_space<hbm>>) dst(%arg9 : memref<128x16xf32, #tpu.memory_space<vmem>>)
      "tpu.region"() ({
        %run_scoped3A = tpu.sem_alloc : memref<!tpu.dma_semaphore, #tpu.memory_space<semaphore_mem>>
        %dma_start3A_125 = arith.constant 0 : i32
        %dma_start3A_126 = tpu.memref_slice %arg8[%add3A_90, %dma_start3A_125] : memref<80x128xi32, #tpu.memory_space<vmem>> -> memref<1x128xi32, #tpu.memory_space<vmem>>
        %dma_start3A_127 = tpu.memref_squeeze %dma_start3A_126 : memref<1x128xi32, #tpu.memory_space<vmem>> -> memref<128xi32, #tpu.memory_space<vmem>>
        %dma_start3A_128 = arith.constant 0 : i32
        %dma_start3A_129 = arith.constant 0 : i32
        %dma_start3A_130 = tpu.memref_slice %arg11[%dma_start3A_128, %dma_start3A_129] : memref<10240x16xf32, #tpu.memory_space<vmem_shared>> -> memref<10240x16xf32, #tpu.memory_space<vmem_shared>>
        tpu.enqueue_indirect_dma source(%arg9 : memref<128x16xf32, #tpu.memory_space<vmem>>) target(%dma_start3A_130 : memref<10240x16xf32, #tpu.memory_space<vmem_shared>>) offsets(%dma_start3A_127 : memref<128xi32, #tpu.memory_space<vmem>>) semaphore(%run_scoped3A : memref<!tpu.dma_semaphore, #tpu.memory_space<semaphore_mem>>) {add = true}
        %dma_wait3A_131 = arith.constant 0 : i32
        %dma_wait3A_132 = tpu.memref_slice %arg8[%add3A_90, %dma_wait3A_131] : memref<80x128xi32, #tpu.memory_space<vmem>> -> memref<1x128xi32, #tpu.memory_space<vmem>>
        %dma_wait3A_133 = tpu.memref_squeeze %dma_wait3A_132 : memref<1x128xi32, #tpu.memory_space<vmem>> -> memref<128xi32, #tpu.memory_space<vmem>>
        %dma_wait3A_134 = arith.constant 0 : i32
        %dma_wait3A_135 = arith.constant 0 : i32
        %dma_wait3A_136 = tpu.memref_slice %arg11[%dma_wait3A_134, %dma_wait3A_135] : memref<10240x16xf32, #tpu.memory_space<vmem_shared>> -> memref<10240x16xf32, #tpu.memory_space<vmem_shared>>
        tpu.wait_indirect_dma semaphore(%run_scoped3A : memref<!tpu.dma_semaphore, #tpu.memory_space<semaphore_mem>>) src(%arg9 : memref<128x16xf32, #tpu.memory_space<vmem>>) dst(%dma_wait3A_136 : memref<10240x16xf32, #tpu.memory_space<vmem_shared>>)
        tpu.yield
      }) : () -> ()
      %add3A_101 = arith.constant 2 : i32
      %add3A_102 = arith.addi %add3A_90, %add3A_101 : i32
      %lt3A = arith.cmpi slt, %add3A_102, %add3A_3 : i32
      %convert_element_type3A_103 = arith.extui %lt3A : i1 to i32
      %cond3A_104 = arith.constant 0 : i32
      %cond3A_105 = arith.cmpi ne, %convert_element_type3A_103, %cond3A_104 : i32
      scf.if %cond3A_105 {
        %add3A_125 = arith.constant 2 : i32
        %add3A_126 = arith.addi %add3A_90, %add3A_125 : i32
        %dma_start3A_127 = arith.constant 0 : i32
        %dma_start3A_128 = arith.constant 0 : i32
        %dma_start3A_129 = tpu.memref_slice %arg7[%add3A_126, %dma_start3A_128] : memref<80x128xi32, #tpu.memory_space<vmem>> -> memref<1x128xi32, #tpu.memory_space<vmem>>
        %dma_start3A_130 = tpu.memref_squeeze %dma_start3A_129 : memref<1x128xi32, #tpu.memory_space<vmem>> -> memref<128xi32, #tpu.memory_space<vmem>>
        %dma_start3A_131 = arith.constant 0 : i32
        %dma_start3A_132 = arith.constant 0 : i32
        %dma_start3A_133 = tpu.memref_slice %arg2[%dma_start3A_127, %dma_start3A_131, %dma_start3A_132] : memref<1x10240x16xf32, #tpu.memory_space<hbm>> -> memref<1x10240x16xf32, #tpu.memory_space<hbm>>
        %dma_start3A_134 = tpu.memref_squeeze %dma_start3A_133 : memref<1x10240x16xf32, #tpu.memory_space<hbm>> -> memref<10240x16xf32, #tpu.memory_space<hbm>>
        %dma_start3A_135 = arith.constant 0 : i32
        %dma_start3A_136 = arith.constant 0 : i32
        %dma_start3A_137 = tpu.memref_slice %dma_start3A_134[%dma_start3A_135, %dma_start3A_136] : memref<10240x16xf32, #tpu.memory_space<hbm>> -> memref<10240x16xf32, #tpu.memory_space<hbm>>
        tpu.enqueue_indirect_dma source(%dma_start3A_137 : memref<10240x16xf32, #tpu.memory_space<hbm>>) target(%arg9 : memref<128x16xf32, #tpu.memory_space<vmem>>) offsets(%dma_start3A_130 : memref<128xi32, #tpu.memory_space<vmem>>) semaphore(%arg12 : memref<!tpu.dma_semaphore, #tpu.memory_space<semaphore_mem>>)
      } else {
      }
      %add3A_106 = arith.constant 1 : i32
      %add3A_107 = arith.addi %mul3A_88, %add3A_106 : i32
      %dma_wait3A_108 = arith.constant 0 : i32
      %dma_wait3A_109 = arith.constant 0 : i32
      %dma_wait3A_110 = tpu.memref_slice %arg7[%add3A_107, %dma_wait3A_109] : memref<80x128xi32, #tpu.memory_space<vmem>> -> memref<1x128xi32, #tpu.memory_space<vmem>>
      %dma_wait3A_111 = tpu.memref_squeeze %dma_wait3A_110 : memref<1x128xi32, #tpu.memory_space<vmem>> -> memref<128xi32, #tpu.memory_space<vmem>>
      %dma_wait3A_112 = arith.constant 0 : i32
      %dma_wait3A_113 = arith.constant 0 : i32
      %dma_wait3A_114 = tpu.memref_slice %arg2[%dma_wait3A_108, %dma_wait3A_112, %dma_wait3A_113] : memref<1x10240x16xf32, #tpu.memory_space<hbm>> -> memref<1x10240x16xf32, #tpu.memory_space<hbm>>
      %dma_wait3A_115 = tpu.memref_squeeze %dma_wait3A_114 : memref<1x10240x16xf32, #tpu.memory_space<hbm>> -> memref<10240x16xf32, #tpu.memory_space<hbm>>
      %dma_wait3A_116 = arith.constant 0 : i32
      %dma_wait3A_117 = arith.constant 0 : i32
      %dma_wait3A_118 = tpu.memref_slice %dma_wait3A_115[%dma_wait3A_116, %dma_wait3A_117] : memref<10240x16xf32, #tpu.memory_space<hbm>> -> memref<10240x16xf32, #tpu.memory_space<hbm>>
      tpu.wait_indirect_dma semaphore(%arg13 : memref<!tpu.dma_semaphore, #tpu.memory_space<semaphore_mem>>) src(%dma_wait3A_118 : memref<10240x16xf32, #tpu.memory_space<hbm>>) dst(%arg10 : memref<128x16xf32, #tpu.memory_space<vmem>>)
      "tpu.region"() ({
        %run_scoped3A = tpu.sem_alloc : memref<!tpu.dma_semaphore, #tpu.memory_space<semaphore_mem>>
        %dma_start3A_125 = arith.constant 0 : i32
        %dma_start3A_126 = tpu.memref_slice %arg8[%add3A_107, %dma_start3A_125] : memref<80x128xi32, #tpu.memory_space<vmem>> -> memref<1x128xi32, #tpu.memory_space<vmem>>
        %dma_start3A_127 = tpu.memref_squeeze %dma_start3A_126 : memref<1x128xi32, #tpu.memory_space<vmem>> -> memref<128xi32, #tpu.memory_space<vmem>>
        %dma_start3A_128 = arith.constant 0 : i32
        %dma_start3A_129 = arith.constant 0 : i32
        %dma_start3A_130 = tpu.memref_slice %arg11[%dma_start3A_128, %dma_start3A_129] : memref<10240x16xf32, #tpu.memory_space<vmem_shared>> -> memref<10240x16xf32, #tpu.memory_space<vmem_shared>>
        tpu.enqueue_indirect_dma source(%arg10 : memref<128x16xf32, #tpu.memory_space<vmem>>) target(%dma_start3A_130 : memref<10240x16xf32, #tpu.memory_space<vmem_shared>>) offsets(%dma_start3A_127 : memref<128xi32, #tpu.memory_space<vmem>>) semaphore(%run_scoped3A : memref<!tpu.dma_semaphore, #tpu.memory_space<semaphore_mem>>) {add = true}
        %dma_wait3A_131 = arith.constant 0 : i32
        %dma_wait3A_132 = tpu.memref_slice %arg8[%add3A_107, %dma_wait3A_131] : memref<80x128xi32, #tpu.memory_space<vmem>> -> memref<1x128xi32, #tpu.memory_space<vmem>>
        %dma_wait3A_133 = tpu.memref_squeeze %dma_wait3A_132 : memref<1x128xi32, #tpu.memory_space<vmem>> -> memref<128xi32, #tpu.memory_space<vmem>>
        %dma_wait3A_134 = arith.constant 0 : i32
        %dma_wait3A_135 = arith.constant 0 : i32
        %dma_wait3A_136 = tpu.memref_slice %arg11[%dma_wait3A_134, %dma_wait3A_135] : memref<10240x16xf32, #tpu.memory_space<vmem_shared>> -> memref<10240x16xf32, #tpu.memory_space<vmem_shared>>
        tpu.wait_indirect_dma semaphore(%run_scoped3A : memref<!tpu.dma_semaphore, #tpu.memory_space<semaphore_mem>>) src(%arg10 : memref<128x16xf32, #tpu.memory_space<vmem>>) dst(%dma_wait3A_136 : memref<10240x16xf32, #tpu.memory_space<vmem_shared>>)
        tpu.yield
      }) : () -> ()
      %add3A_119 = arith.constant 2 : i32
      %add3A_120 = arith.addi %add3A_107, %add3A_119 : i32
      %lt3A_121 = arith.cmpi slt, %add3A_120, %add3A_3 : i32
      %convert_element_type3A_122 = arith.extui %lt3A_121 : i1 to i32
      %cond3A_123 = arith.constant 0 : i32
      %cond3A_124 = arith.cmpi ne, %convert_element_type3A_122, %cond3A_123 : i32
      scf.if %cond3A_124 {
        %add3A_125 = arith.constant 2 : i32
        %add3A_126 = arith.addi %add3A_107, %add3A_125 : i32
        %dma_start3A_127 = arith.constant 0 : i32
        %dma_start3A_128 = arith.constant 0 : i32
        %dma_start3A_129 = tpu.memref_slice %arg7[%add3A_126, %dma_start3A_128] : memref<80x128xi32, #tpu.memory_space<vmem>> -> memref<1x128xi32, #tpu.memory_space<vmem>>
        %dma_start3A_130 = tpu.memref_squeeze %dma_start3A_129 : memref<1x128xi32, #tpu.memory_space<vmem>> -> memref<128xi32, #tpu.memory_space<vmem>>
        %dma_start3A_131 = arith.constant 0 : i32
        %dma_start3A_132 = arith.constant 0 : i32
        %dma_start3A_133 = tpu.memref_slice %arg2[%dma_start3A_127, %dma_start3A_131, %dma_start3A_132] : memref<1x10240x16xf32, #tpu.memory_space<hbm>> -> memref<1x10240x16xf32, #tpu.memory_space<hbm>>
        %dma_start3A_134 = tpu.memref_squeeze %dma_start3A_133 : memref<1x10240x16xf32, #tpu.memory_space<hbm>> -> memref<10240x16xf32, #tpu.memory_space<hbm>>
        %dma_start3A_135 = arith.constant 0 : i32
        %dma_start3A_136 = arith.constant 0 : i32
        %dma_start3A_137 = tpu.memref_slice %dma_start3A_134[%dma_start3A_135, %dma_start3A_136] : memref<10240x16xf32, #tpu.memory_space<hbm>> -> memref<10240x16xf32, #tpu.memory_space<hbm>>
        tpu.enqueue_indirect_dma source(%dma_start3A_137 : memref<10240x16xf32, #tpu.memory_space<hbm>>) target(%arg10 : memref<128x16xf32, #tpu.memory_space<vmem>>) offsets(%dma_start3A_130 : memref<128xi32, #tpu.memory_space<vmem>>) semaphore(%arg13 : memref<!tpu.dma_semaphore, #tpu.memory_space<semaphore_mem>>)
      } else {
      }
    }
    %while3A_83 = arith.constant 1 : i32
    scf.for %while3A_86 = %while3A_81 to %while3A_77 step %while3A_83  : i32 {
      %mul3A_87 = arith.constant 2 : i32
      %mul3A_88 = arith.muli %mul3A_87, %while3A_86 : i32
      %add3A_89 = arith.constant 0 : i32
      %add3A_90 = arith.addi %mul3A_88, %add3A_89 : i32
      %dma_wait3A = arith.constant 0 : i32
      %dma_wait3A_91 = arith.constant 0 : i32
      %dma_wait3A_92 = tpu.memref_slice %arg7[%add3A_90, %dma_wait3A_91] : memref<80x128xi32, #tpu.memory_space<vmem>> -> memref<1x128xi32, #tpu.memory_space<vmem>>
      %dma_wait3A_93 = tpu.memref_squeeze %dma_wait3A_92 : memref<1x128xi32, #tpu.memory_space<vmem>> -> memref<128xi32, #tpu.memory_space<vmem>>
      %dma_wait3A_94 = arith.constant 0 : i32
      %dma_wait3A_95 = arith.constant 0 : i32
      %dma_wait3A_96 = tpu.memref_slice %arg2[%dma_wait3A, %dma_wait3A_94, %dma_wait3A_95] : memref<1x10240x16xf32, #tpu.memory_space<hbm>> -> memref<1x10240x16xf32, #tpu.memory_space<hbm>>
      %dma_wait3A_97 = tpu.memref_squeeze %dma_wait3A_96 : memref<1x10240x16xf32, #tpu.memory_space<hbm>> -> memref<10240x16xf32, #tpu.memory_space<hbm>>
      %dma_wait3A_98 = arith.constant 0 : i32
      %dma_wait3A_99 = arith.constant 0 : i32
      %dma_wait3A_100 = tpu.memref_slice %dma_wait3A_97[%dma_wait3A_98, %dma_wait3A_99] : memref<10240x16xf32, #tpu.memory_space<hbm>> -> memref<10240x16xf32, #tpu.memory_space<hbm>>
      tpu.wait_indirect_dma semaphore(%arg12 : memref<!tpu.dma_semaphore, #tpu.memory_space<semaphore_mem>>) src(%dma_wait3A_100 : memref<10240x16xf32, #tpu.memory_space<hbm>>) dst(%arg9 : memref<128x16xf32, #tpu.memory_space<vmem>>)
      "tpu.region"() ({
        %run_scoped3A = tpu.sem_alloc : memref<!tpu.dma_semaphore, #tpu.memory_space<semaphore_mem>>
        %dma_start3A_125 = arith.constant 0 : i32
        %dma_start3A_126 = tpu.memref_slice %arg8[%add3A_90, %dma_start3A_125] : memref<80x128xi32, #tpu.memory_space<vmem>> -> memref<1x128xi32, #tpu.memory_space<vmem>>
        %dma_start3A_127 = tpu.memref_squeeze %dma_start3A_126 : memref<1x128xi32, #tpu.memory_space<vmem>> -> memref<128xi32, #tpu.memory_space<vmem>>
        %dma_start3A_128 = arith.constant 0 : i32
        %dma_start3A_129 = arith.constant 0 : i32
        %dma_start3A_130 = tpu.memref_slice %arg11[%dma_start3A_128, %dma_start3A_129] : memref<10240x16xf32, #tpu.memory_space<vmem_shared>> -> memref<10240x16xf32, #tpu.memory_space<vmem_shared>>
        tpu.enqueue_indirect_dma source(%arg9 : memref<128x16xf32, #tpu.memory_space<vmem>>) target(%dma_start3A_130 : memref<10240x16xf32, #tpu.memory_space<vmem_shared>>) offsets(%dma_start3A_127 : memref<128xi32, #tpu.memory_space<vmem>>) semaphore(%run_scoped3A : memref<!tpu.dma_semaphore, #tpu.memory_space<semaphore_mem>>) {add = true}
        %dma_wait3A_131 = arith.constant 0 : i32
        %dma_wait3A_132 = tpu.memref_slice %arg8[%add3A_90, %dma_wait3A_131] : memref<80x128xi32, #tpu.memory_space<vmem>> -> memref<1x128xi32, #tpu.memory_space<vmem>>
        %dma_wait3A_133 = tpu.memref_squeeze %dma_wait3A_132 : memref<1x128xi32, #tpu.memory_space<vmem>> -> memref<128xi32, #tpu.memory_space<vmem>>
        %dma_wait3A_134 = arith.constant 0 : i32
        %dma_wait3A_135 = arith.constant 0 : i32
        %dma_wait3A_136 = tpu.memref_slice %arg11[%dma_wait3A_134, %dma_wait3A_135] : memref<10240x16xf32, #tpu.memory_space<vmem_shared>> -> memref<10240x16xf32, #tpu.memory_space<vmem_shared>>
        tpu.wait_indirect_dma semaphore(%run_scoped3A : memref<!tpu.dma_semaphore, #tpu.memory_space<semaphore_mem>>) src(%arg9 : memref<128x16xf32, #tpu.memory_space<vmem>>) dst(%dma_wait3A_136 : memref<10240x16xf32, #tpu.memory_space<vmem_shared>>)
        tpu.yield
      }) : () -> ()
      %add3A_101 = arith.constant 2 : i32
      %add3A_102 = arith.addi %add3A_90, %add3A_101 : i32
      %lt3A = arith.cmpi slt, %add3A_102, %add3A_3 : i32
      %convert_element_type3A_103 = arith.extui %lt3A : i1 to i32
      %cond3A_104 = arith.constant 0 : i32
      %cond3A_105 = arith.cmpi ne, %convert_element_type3A_103, %cond3A_104 : i32
      scf.if %cond3A_105 {
        %add3A_125 = arith.constant 2 : i32
        %add3A_126 = arith.addi %add3A_90, %add3A_125 : i32
        %dma_start3A_127 = arith.constant 0 : i32
        %dma_start3A_128 = arith.constant 0 : i32
        %dma_start3A_129 = tpu.memref_slice %arg7[%add3A_126, %dma_start3A_128] : memref<80x128xi32, #tpu.memory_space<vmem>> -> memref<1x128xi32, #tpu.memory_space<vmem>>
        %dma_start3A_130 = tpu.memref_squeeze %dma_start3A_129 : memref<1x128xi32, #tpu.memory_space<vmem>> -> memref<128xi32, #tpu.memory_space<vmem>>
        %dma_start3A_131 = arith.constant 0 : i32
        %dma_start3A_132 = arith.constant 0 : i32
        %dma_start3A_133 = tpu.memref_slice %arg2[%dma_start3A_127, %dma_start3A_131, %dma_start3A_132] : memref<1x10240x16xf32, #tpu.memory_space<hbm>> -> memref<1x10240x16xf32, #tpu.memory_space<hbm>>
        %dma_start3A_134 = tpu.memref_squeeze %dma_start3A_133 : memref<1x10240x16xf32, #tpu.memory_space<hbm>> -> memref<10240x16xf32, #tpu.memory_space<hbm>>
        %dma_start3A_135 = arith.constant 0 : i32
        %dma_start3A_136 = arith.constant 0 : i32
        %dma_start3A_137 = tpu.memref_slice %dma_start3A_134[%dma_start3A_135, %dma_start3A_136] : memref<10240x16xf32, #tpu.memory_space<hbm>> -> memref<10240x16xf32, #tpu.memory_space<hbm>>
        tpu.enqueue_indirect_dma source(%dma_start3A_137 : memref<10240x16xf32, #tpu.memory_space<hbm>>) target(%arg9 : memref<128x16xf32, #tpu.memory_space<vmem>>) offsets(%dma_start3A_130 : memref<128xi32, #tpu.memory_space<vmem>>) semaphore(%arg12 : memref<!tpu.dma_semaphore, #tpu.memory_space<semaphore_mem>>)
      } else {
      }
      %add3A_106 = arith.constant 1 : i32
      %add3A_107 = arith.addi %mul3A_88, %add3A_106 : i32
      %dma_wait3A_108 = arith.constant 0 : i32
      %dma_wait3A_109 = arith.constant 0 : i32
      %dma_wait3A_110 = tpu.memref_slice %arg7[%add3A_107, %dma_wait3A_109] : memref<80x128xi32, #tpu.memory_space<vmem>> -> memref<1x128xi32, #tpu.memory_space<vmem>>
      %dma_wait3A_111 = tpu.memref_squeeze %dma_wait3A_110 : memref<1x128xi32, #tpu.memory_space<vmem>> -> memref<128xi32, #tpu.memory_space<vmem>>
      %dma_wait3A_112 = arith.constant 0 : i32
      %dma_wait3A_113 = arith.constant 0 : i32
      %dma_wait3A_114 = tpu.memref_slice %arg2[%dma_wait3A_108, %dma_wait3A_112, %dma_wait3A_113] : memref<1x10240x16xf32, #tpu.memory_space<hbm>> -> memref<1x10240x16xf32, #tpu.memory_space<hbm>>
      %dma_wait3A_115 = tpu.memref_squeeze %dma_wait3A_114 : memref<1x10240x16xf32, #tpu.memory_space<hbm>> -> memref<10240x16xf32, #tpu.memory_space<hbm>>
      %dma_wait3A_116 = arith.constant 0 : i32
      %dma_wait3A_117 = arith.constant 0 : i32
      %dma_wait3A_118 = tpu.memref_slice %dma_wait3A_115[%dma_wait3A_116, %dma_wait3A_117] : memref<10240x16xf32, #tpu.memory_space<hbm>> -> memref<10240x16xf32, #tpu.memory_space<hbm>>
      tpu.wait_indirect_dma semaphore(%arg13 : memref<!tpu.dma_semaphore, #tpu.memory_space<semaphore_mem>>) src(%dma_wait3A_118 : memref<10240x16xf32, #tpu.memory_space<hbm>>) dst(%arg10 : memref<128x16xf32, #tpu.memory_space<vmem>>)
      "tpu.region"() ({
        %run_scoped3A = tpu.sem_alloc : memref<!tpu.dma_semaphore, #tpu.memory_space<semaphore_mem>>
        %dma_start3A_125 = arith.constant 0 : i32
        %dma_start3A_126 = tpu.memref_slice %arg8[%add3A_107, %dma_start3A_125] : memref<80x128xi32, #tpu.memory_space<vmem>> -> memref<1x128xi32, #tpu.memory_space<vmem>>
        %dma_start3A_127 = tpu.memref_squeeze %dma_start3A_126 : memref<1x128xi32, #tpu.memory_space<vmem>> -> memref<128xi32, #tpu.memory_space<vmem>>
        %dma_start3A_128 = arith.constant 0 : i32
        %dma_start3A_129 = arith.constant 0 : i32
        %dma_start3A_130 = tpu.memref_slice %arg11[%dma_start3A_128, %dma_start3A_129] : memref<10240x16xf32, #tpu.memory_space<vmem_shared>> -> memref<10240x16xf32, #tpu.memory_space<vmem_shared>>
        tpu.enqueue_indirect_dma source(%arg10 : memref<128x16xf32, #tpu.memory_space<vmem>>) target(%dma_start3A_130 : memref<10240x16xf32, #tpu.memory_space<vmem_shared>>) offsets(%dma_start3A_127 : memref<128xi32, #tpu.memory_space<vmem>>) semaphore(%run_scoped3A : memref<!tpu.dma_semaphore, #tpu.memory_space<semaphore_mem>>) {add = true}
        %dma_wait3A_131 = arith.constant 0 : i32
        %dma_wait3A_132 = tpu.memref_slice %arg8[%add3A_107, %dma_wait3A_131] : memref<80x128xi32, #tpu.memory_space<vmem>> -> memref<1x128xi32, #tpu.memory_space<vmem>>
        %dma_wait3A_133 = tpu.memref_squeeze %dma_wait3A_132 : memref<1x128xi32, #tpu.memory_space<vmem>> -> memref<128xi32, #tpu.memory_space<vmem>>
        %dma_wait3A_134 = arith.constant 0 : i32
        %dma_wait3A_135 = arith.constant 0 : i32
        %dma_wait3A_136 = tpu.memref_slice %arg11[%dma_wait3A_134, %dma_wait3A_135] : memref<10240x16xf32, #tpu.memory_space<vmem_shared>> -> memref<10240x16xf32, #tpu.memory_space<vmem_shared>>
        tpu.wait_indirect_dma semaphore(%run_scoped3A : memref<!tpu.dma_semaphore, #tpu.memory_space<semaphore_mem>>) src(%arg10 : memref<128x16xf32, #tpu.memory_space<vmem>>) dst(%dma_wait3A_136 : memref<10240x16xf32, #tpu.memory_space<vmem_shared>>)
        tpu.yield
      }) : () -> ()
      %add3A_119 = arith.constant 2 : i32
      %add3A_120 = arith.addi %add3A_107, %add3A_119 : i32
      %lt3A_121 = arith.cmpi slt, %add3A_120, %add3A_3 : i32
      %convert_element_type3A_122 = arith.extui %lt3A_121 : i1 to i32
      %cond3A_123 = arith.constant 0 : i32
      %cond3A_124 = arith.cmpi ne, %convert_element_type3A_122, %cond3A_123 : i32
      scf.if %cond3A_124 {
        %add3A_125 = arith.constant 2 : i32
        %add3A_126 = arith.addi %add3A_107, %add3A_125 : i32
        %dma_start3A_127 = arith.constant 0 : i32
        %dma_start3A_128 = arith.constant 0 : i32
        %dma_start3A_129 = tpu.memref_slice %arg7[%add3A_126, %dma_start3A_128] : memref<80x128xi32, #tpu.memory_space<vmem>> -> memref<1x128xi32, #tpu.memory_space<vmem>>
        %dma_start3A_130 = tpu.memref_squeeze %dma_start3A_129 : memref<1x128xi32, #tpu.memory_space<vmem>> -> memref<128xi32, #tpu.memory_space<vmem>>
        %dma_start3A_131 = arith.constant 0 : i32
        %dma_start3A_132 = arith.constant 0 : i32
        %dma_start3A_133 = tpu.memref_slice %arg2[%dma_start3A_127, %dma_start3A_131, %dma_start3A_132] : memref<1x10240x16xf32, #tpu.memory_space<hbm>> -> memref<1x10240x16xf32, #tpu.memory_space<hbm>>
        %dma_start3A_134 = tpu.memref_squeeze %dma_start3A_133 : memref<1x10240x16xf32, #tpu.memory_space<hbm>> -> memref<10240x16xf32, #tpu.memory_space<hbm>>
        %dma_start3A_135 = arith.constant 0 : i32
        %dma_start3A_136 = arith.constant 0 : i32
        %dma_start3A_137 = tpu.memref_slice %dma_start3A_134[%dma_start3A_135, %dma_start3A_136] : memref<10240x16xf32, #tpu.memory_space<hbm>> -> memref<10240x16xf32, #tpu.memory_space<hbm>>
        tpu.enqueue_indirect_dma source(%dma_start3A_137 : memref<10240x16xf32, #tpu.memory_space<hbm>>) target(%arg10 : memref<128x16xf32, #tpu.memory_space<vmem>>) offsets(%dma_start3A_130 : memref<128xi32, #tpu.memory_space<vmem>>) semaphore(%arg13 : memref<!tpu.dma_semaphore, #tpu.memory_space<semaphore_mem>>)
      } else {
      }
    }
    %barrier3A_84 = arith.constant 0 : index
    tpu.barrier barrier_id(%barrier3A_84)
    "tpu.region"() ({
      %run_scoped3A = tpu.sem_alloc : memref<!tpu.dma_semaphore, #tpu.memory_space<semaphore_mem>>
      %dma_start3A_86 = arith.constant 0 : i32
      %dma_start3A_87 = arith.constant 0 : i32
      %dma_start3A_88 = tpu.memref_slice %arg6[%arg0, %dma_start3A_86, %dma_start3A_87] : memref<2x10240x16xf32, #tpu.memory_space<hbm>> -> memref<1x10240x16xf32, #tpu.memory_space<hbm>>
      %dma_start3A_89 = tpu.memref_squeeze %dma_start3A_88 : memref<1x10240x16xf32, #tpu.memory_space<hbm>> -> memref<10240x16xf32, #tpu.memory_space<hbm>>
      %dma_start3A_90 = arith.constant 0 : i32
      %dma_start3A_91 = tpu.memref_slice %dma_start3A_89[%mul3A_0, %dma_start3A_90] : memref<10240x16xf32, #tpu.memory_space<hbm>> -> memref<640x16xf32, #tpu.memory_space<hbm>>
      %dma_start3A_92 = arith.constant 0 : i32
      %dma_start3A_93 = tpu.memref_slice %arg11[%mul3A_0, %dma_start3A_92] : memref<10240x16xf32, #tpu.memory_space<vmem_shared>> -> memref<640x16xf32, #tpu.memory_space<vmem_shared>>
      tpu.enqueue_dma source(%dma_start3A_93 : memref<640x16xf32, #tpu.memory_space<vmem_shared>>) target(%dma_start3A_91 : memref<640x16xf32, #tpu.memory_space<hbm>>) target_semaphore(%run_scoped3A : memref<!tpu.dma_semaphore, #tpu.memory_space<semaphore_mem>>)
      %dma_wait3A = arith.constant 0 : i32
      %dma_wait3A_94 = arith.constant 0 : i32
      %dma_wait3A_95 = tpu.memref_slice %arg6[%arg0, %dma_wait3A, %dma_wait3A_94] : memref<2x10240x16xf32, #tpu.memory_space<hbm>> -> memref<1x10240x16xf32, #tpu.memory_space<hbm>>
      %dma_wait3A_96 = tpu.memref_squeeze %dma_wait3A_95 : memref<1x10240x16xf32, #tpu.memory_space<hbm>> -> memref<10240x16xf32, #tpu.memory_space<hbm>>
      %dma_wait3A_97 = arith.constant 0 : i32
      %dma_wait3A_98 = tpu.memref_slice %dma_wait3A_96[%mul3A_0, %dma_wait3A_97] : memref<10240x16xf32, #tpu.memory_space<hbm>> -> memref<640x16xf32, #tpu.memory_space<hbm>>
      %dma_wait3A_99 = arith.constant 0 : i32
      %dma_wait3A_100 = tpu.memref_slice %arg11[%mul3A_0, %dma_wait3A_99] : memref<10240x16xf32, #tpu.memory_space<vmem_shared>> -> memref<640x16xf32, #tpu.memory_space<vmem_shared>>
      tpu.wait_dma2 semaphore(%run_scoped3A : memref<!tpu.dma_semaphore, #tpu.memory_space<semaphore_mem>>) src(%dma_wait3A_100 : memref<640x16xf32, #tpu.memory_space<vmem_shared>>) dst(%dma_wait3A_98 : memref<640x16xf32, #tpu.memory_space<hbm>>)
      tpu.yield
    }) : () -> ()
    %barrier3A_85 = arith.constant 0 : index
    tpu.barrier barrier_id(%barrier3A_85)
    return
  }
}

#map = affine_map<(d0, d1) -> (0, 0)>
#map1 = affine_map<(d0, d1) -> (0, 0, 0)>
module attributes {stable_mosaic.version = 14 : i64} {
  func.func @_deg_kernel(%arg0: i32, %arg1: i32, %arg2: memref<10240x16xf32, #tpu.memory_space<hbm>>, %arg3: memref<128x16xf32, #tpu.memory_space<hbm>>, %arg4: memref<16x80x128xi32, #tpu.memory_space<hbm>>, %arg5: memref<10240x16xf32, #tpu.memory_space<hbm>>, %arg6: memref<80x128xi32, #tpu.memory_space<vmem>>, %arg7: memref<128x16xf32, #tpu.memory_space<vmem>>, %arg8: memref<10240x16xf32, #tpu.memory_space<vmem_shared>>) attributes {dimension_semantics = [#tpu.dimension_semantics<core_parallel>, #tpu.dimension_semantics<subcore_parallel>], iteration_bounds = array<i64: 2, 16>, scalar_prefetch = 0 : i64, scratch_operands = 3 : i64, tpu.core_type = #tpu.core_type<sc_vector_subcore>, window_params = [{transform_indices = #map}, {transform_indices = #map}, {transform_indices = #map1}, {transform_indices = #map}]} {
    %mul3A = arith.constant 640 : i32
    %mul3A_0 = arith.muli %arg1, %mul3A : i32
    %eq3A = arith.constant 0 : i32
    %eq3A_1 = arith.cmpi eq, %arg0, %eq3A : i32
    %convert_element_type3A = arith.extui %eq3A_1 : i1 to i32
    %cond3A = arith.constant 0 : i32
    %cond3A_2 = arith.cmpi ne, %convert_element_type3A, %cond3A : i32
    scf.if %cond3A_2 {
      "tpu.region"() ({
        %run_scoped3A = tpu.sem_alloc : memref<!tpu.dma_semaphore, #tpu.memory_space<semaphore_mem>>
        %dma_start3A = arith.constant 0 : i32
        %dma_start3A_9 = arith.constant 0 : i32
        %dma_start3A_10 = tpu.memref_slice %arg4[%arg1, %dma_start3A, %dma_start3A_9] : memref<16x80x128xi32, #tpu.memory_space<hbm>> -> memref<1x80x128xi32, #tpu.memory_space<hbm>>
        %dma_start3A_11 = tpu.memref_squeeze %dma_start3A_10 : memref<1x80x128xi32, #tpu.memory_space<hbm>> -> memref<80x128xi32, #tpu.memory_space<hbm>>
        %dma_start3A_12 = arith.constant 0 : i32
        %dma_start3A_13 = arith.constant 0 : i32
        %dma_start3A_14 = tpu.memref_slice %arg4[%arg1, %dma_start3A_12, %dma_start3A_13] : memref<16x80x128xi32, #tpu.memory_space<hbm>> -> memref<1x80x128xi32, #tpu.memory_space<hbm>>
        %dma_start3A_15 = tpu.memref_squeeze %dma_start3A_14 : memref<1x80x128xi32, #tpu.memory_space<hbm>> -> memref<80x128xi32, #tpu.memory_space<hbm>>
        tpu.enqueue_dma source(%dma_start3A_15 : memref<80x128xi32, #tpu.memory_space<hbm>>) target(%arg6 : memref<80x128xi32, #tpu.memory_space<vmem>>) target_semaphore(%run_scoped3A : memref<!tpu.dma_semaphore, #tpu.memory_space<semaphore_mem>>)
        %dma_wait3A = arith.constant 0 : i32
        %dma_wait3A_16 = arith.constant 0 : i32
        %dma_wait3A_17 = tpu.memref_slice %arg4[%arg1, %dma_wait3A, %dma_wait3A_16] : memref<16x80x128xi32, #tpu.memory_space<hbm>> -> memref<1x80x128xi32, #tpu.memory_space<hbm>>
        %dma_wait3A_18 = tpu.memref_squeeze %dma_wait3A_17 : memref<1x80x128xi32, #tpu.memory_space<hbm>> -> memref<80x128xi32, #tpu.memory_space<hbm>>
        %dma_wait3A_19 = arith.constant 0 : i32
        %dma_wait3A_20 = arith.constant 0 : i32
        %dma_wait3A_21 = tpu.memref_slice %arg4[%arg1, %dma_wait3A_19, %dma_wait3A_20] : memref<16x80x128xi32, #tpu.memory_space<hbm>> -> memref<1x80x128xi32, #tpu.memory_space<hbm>>
        %dma_wait3A_22 = tpu.memref_squeeze %dma_wait3A_21 : memref<1x80x128xi32, #tpu.memory_space<hbm>> -> memref<80x128xi32, #tpu.memory_space<hbm>>
        tpu.wait_dma2 semaphore(%run_scoped3A : memref<!tpu.dma_semaphore, #tpu.memory_space<semaphore_mem>>) src(%dma_wait3A_22 : memref<80x128xi32, #tpu.memory_space<hbm>>) dst(%arg6 : memref<80x128xi32, #tpu.memory_space<vmem>>)
        tpu.yield
      }) : () -> ()
      "tpu.region"() ({
        %run_scoped3A = tpu.sem_alloc : memref<!tpu.dma_semaphore, #tpu.memory_space<semaphore_mem>>
        tpu.enqueue_dma source(%arg3 : memref<128x16xf32, #tpu.memory_space<hbm>>) target(%arg7 : memref<128x16xf32, #tpu.memory_space<vmem>>) target_semaphore(%run_scoped3A : memref<!tpu.dma_semaphore, #tpu.memory_space<semaphore_mem>>)
        tpu.wait_dma2 semaphore(%run_scoped3A : memref<!tpu.dma_semaphore, #tpu.memory_space<semaphore_mem>>) src(%arg3 : memref<128x16xf32, #tpu.memory_space<hbm>>) dst(%arg7 : memref<128x16xf32, #tpu.memory_space<vmem>>)
        tpu.yield
      }) : () -> ()
      "tpu.region"() ({
        %run_scoped3A = tpu.sem_alloc : memref<!tpu.dma_semaphore, #tpu.memory_space<semaphore_mem>>
        %dma_start3A = arith.constant 0 : i32
        %dma_start3A_9 = tpu.memref_slice %arg8[%mul3A_0, %dma_start3A] : memref<10240x16xf32, #tpu.memory_space<vmem_shared>> -> memref<640x16xf32, #tpu.memory_space<vmem_shared>>
        %dma_start3A_10 = arith.constant 0 : i32
        %dma_start3A_11 = tpu.memref_slice %arg2[%mul3A_0, %dma_start3A_10] : memref<10240x16xf32, #tpu.memory_space<hbm>> -> memref<640x16xf32, #tpu.memory_space<hbm>>
        tpu.enqueue_dma source(%dma_start3A_11 : memref<640x16xf32, #tpu.memory_space<hbm>>) target(%dma_start3A_9 : memref<640x16xf32, #tpu.memory_space<vmem_shared>>) target_semaphore(%run_scoped3A : memref<!tpu.dma_semaphore, #tpu.memory_space<semaphore_mem>>)
        %dma_wait3A = arith.constant 0 : i32
        %dma_wait3A_12 = tpu.memref_slice %arg8[%mul3A_0, %dma_wait3A] : memref<10240x16xf32, #tpu.memory_space<vmem_shared>> -> memref<640x16xf32, #tpu.memory_space<vmem_shared>>
        %dma_wait3A_13 = arith.constant 0 : i32
        %dma_wait3A_14 = tpu.memref_slice %arg2[%mul3A_0, %dma_wait3A_13] : memref<10240x16xf32, #tpu.memory_space<hbm>> -> memref<640x16xf32, #tpu.memory_space<hbm>>
        tpu.wait_dma2 semaphore(%run_scoped3A : memref<!tpu.dma_semaphore, #tpu.memory_space<semaphore_mem>>) src(%dma_wait3A_14 : memref<640x16xf32, #tpu.memory_space<hbm>>) dst(%dma_wait3A_12 : memref<640x16xf32, #tpu.memory_space<vmem_shared>>)
        tpu.yield
      }) : () -> ()
      %barrier3A = arith.constant 0 : index
      tpu.barrier barrier_id(%barrier3A)
      %scan3A = arith.constant 0 : i32
      %scan3A_3 = arith.constant 0 : i32
      %scan3A_4 = arith.constant 80 : i32
      %scan3A_5 = arith.addi %scan3A_3, %scan3A_4 : i32
      %scan3A_6 = arith.constant 1 : i32
      scf.for %scan3A_9 = %scan3A_3 to %scan3A_5 step %scan3A_6  : i32 {
        "tpu.region"() ({
          %run_scoped3A = tpu.sem_alloc : memref<!tpu.dma_semaphore, #tpu.memory_space<semaphore_mem>>
          %dma_start3A = arith.constant 0 : i32
          %dma_start3A_10 = tpu.memref_slice %arg6[%scan3A_9, %dma_start3A] : memref<80x128xi32, #tpu.memory_space<vmem>> -> memref<1x128xi32, #tpu.memory_space<vmem>>
          %dma_start3A_11 = tpu.memref_squeeze %dma_start3A_10 : memref<1x128xi32, #tpu.memory_space<vmem>> -> memref<128xi32, #tpu.memory_space<vmem>>
          %dma_start3A_12 = arith.constant 0 : i32
          %dma_start3A_13 = arith.constant 0 : i32
          %dma_start3A_14 = tpu.memref_slice %arg8[%dma_start3A_12, %dma_start3A_13] : memref<10240x16xf32, #tpu.memory_space<vmem_shared>> -> memref<10240x16xf32, #tpu.memory_space<vmem_shared>>
          tpu.enqueue_indirect_dma source(%arg7 : memref<128x16xf32, #tpu.memory_space<vmem>>) target(%dma_start3A_14 : memref<10240x16xf32, #tpu.memory_space<vmem_shared>>) offsets(%dma_start3A_11 : memref<128xi32, #tpu.memory_space<vmem>>) semaphore(%run_scoped3A : memref<!tpu.dma_semaphore, #tpu.memory_space<semaphore_mem>>) {add = true}
          %dma_wait3A = arith.constant 0 : i32
          %dma_wait3A_15 = tpu.memref_slice %arg6[%scan3A_9, %dma_wait3A] : memref<80x128xi32, #tpu.memory_space<vmem>> -> memref<1x128xi32, #tpu.memory_space<vmem>>
          %dma_wait3A_16 = tpu.memref_squeeze %dma_wait3A_15 : memref<1x128xi32, #tpu.memory_space<vmem>> -> memref<128xi32, #tpu.memory_space<vmem>>
          %dma_wait3A_17 = arith.constant 0 : i32
          %dma_wait3A_18 = arith.constant 0 : i32
          %dma_wait3A_19 = tpu.memref_slice %arg8[%dma_wait3A_17, %dma_wait3A_18] : memref<10240x16xf32, #tpu.memory_space<vmem_shared>> -> memref<10240x16xf32, #tpu.memory_space<vmem_shared>>
          tpu.wait_indirect_dma semaphore(%run_scoped3A : memref<!tpu.dma_semaphore, #tpu.memory_space<semaphore_mem>>) src(%arg7 : memref<128x16xf32, #tpu.memory_space<vmem>>) dst(%dma_wait3A_19 : memref<10240x16xf32, #tpu.memory_space<vmem_shared>>)
          tpu.yield
        }) : () -> ()
      }
      %scan3A_7 = arith.constant 80 : i32
      %barrier3A_8 = arith.constant 0 : index
      tpu.barrier barrier_id(%barrier3A_8)
      "tpu.region"() ({
        %run_scoped3A = tpu.sem_alloc : memref<!tpu.dma_semaphore, #tpu.memory_space<semaphore_mem>>
        %dma_start3A = arith.constant 0 : i32
        %dma_start3A_9 = tpu.memref_slice %arg5[%mul3A_0, %dma_start3A] : memref<10240x16xf32, #tpu.memory_space<hbm>> -> memref<640x16xf32, #tpu.memory_space<hbm>>
        %dma_start3A_10 = arith.constant 0 : i32
        %dma_start3A_11 = tpu.memref_slice %arg8[%mul3A_0, %dma_start3A_10] : memref<10240x16xf32, #tpu.memory_space<vmem_shared>> -> memref<640x16xf32, #tpu.memory_space<vmem_shared>>
        tpu.enqueue_dma source(%dma_start3A_11 : memref<640x16xf32, #tpu.memory_space<vmem_shared>>) target(%dma_start3A_9 : memref<640x16xf32, #tpu.memory_space<hbm>>) target_semaphore(%run_scoped3A : memref<!tpu.dma_semaphore, #tpu.memory_space<semaphore_mem>>)
        %dma_wait3A = arith.constant 0 : i32
        %dma_wait3A_12 = tpu.memref_slice %arg5[%mul3A_0, %dma_wait3A] : memref<10240x16xf32, #tpu.memory_space<hbm>> -> memref<640x16xf32, #tpu.memory_space<hbm>>
        %dma_wait3A_13 = arith.constant 0 : i32
        %dma_wait3A_14 = tpu.memref_slice %arg8[%mul3A_0, %dma_wait3A_13] : memref<10240x16xf32, #tpu.memory_space<vmem_shared>> -> memref<640x16xf32, #tpu.memory_space<vmem_shared>>
        tpu.wait_dma2 semaphore(%run_scoped3A : memref<!tpu.dma_semaphore, #tpu.memory_space<semaphore_mem>>) src(%dma_wait3A_14 : memref<640x16xf32, #tpu.memory_space<vmem_shared>>) dst(%dma_wait3A_12 : memref<640x16xf32, #tpu.memory_space<hbm>>)
        tpu.yield
      }) : () -> ()
    } else {
    }
    return
  }
}

#map = affine_map<(d0, d1) -> (0, 0, 0)>
#map1 = affine_map<(d0, d1) -> (0, 0)>
module attributes {stable_mosaic.version = 14 : i64} {
  func.func @agg(%arg0: i32, %arg1: i32, %arg2: memref<2x10240x64xf32, #tpu.memory_space<hbm>>, %arg3: memref<10240x16xf32, #tpu.memory_space<hbm>>, %arg4: memref<16x80x128xi32, #tpu.memory_space<hbm>>, %arg5: memref<16x80x128xi32, #tpu.memory_space<hbm>>, %arg6: memref<2x10240x64xf32, #tpu.memory_space<hbm>>, %arg7: memref<80x128xi32, #tpu.memory_space<vmem>>, %arg8: memref<80x128xi32, #tpu.memory_space<vmem>>, %arg9: memref<128x64xf32, #tpu.memory_space<vmem>>, %arg10: memref<128x64xf32, #tpu.memory_space<vmem>>, %arg11: memref<10240x64xf32, #tpu.memory_space<vmem_shared>>, %arg12: memref<!tpu.dma_semaphore, #tpu.memory_space<semaphore_mem>>, %arg13: memref<!tpu.dma_semaphore, #tpu.memory_space<semaphore_mem>>) attributes {dimension_semantics = [#tpu.dimension_semantics<core_parallel>, #tpu.dimension_semantics<subcore_parallel>], iteration_bounds = array<i64: 2, 16>, scalar_prefetch = 0 : i64, scratch_operands = 7 : i64, tpu.core_type = #tpu.core_type<sc_vector_subcore>, window_params = [{transform_indices = #map}, {transform_indices = #map1}, {transform_indices = #map}, {transform_indices = #map}, {transform_indices = #map}]} {
    %mul3A = arith.constant 640 : i32
    %mul3A_0 = arith.muli %arg1, %mul3A : i32
    "tpu.region"() ({
      %run_scoped3A = tpu.sem_alloc : memref<!tpu.dma_semaphore, #tpu.memory_space<semaphore_mem>>
      %dma_start3A_30 = arith.constant 0 : i32
      %dma_start3A_31 = arith.constant 0 : i32
      %dma_start3A_32 = tpu.memref_slice %arg4[%arg1, %dma_start3A_30, %dma_start3A_31] : memref<16x80x128xi32, #tpu.memory_space<hbm>> -> memref<1x80x128xi32, #tpu.memory_space<hbm>>
      %dma_start3A_33 = tpu.memref_squeeze %dma_start3A_32 : memref<1x80x128xi32, #tpu.memory_space<hbm>> -> memref<80x128xi32, #tpu.memory_space<hbm>>
      %dma_start3A_34 = arith.constant 0 : i32
      %dma_start3A_35 = arith.constant 0 : i32
      %dma_start3A_36 = tpu.memref_slice %arg4[%arg1, %dma_start3A_34, %dma_start3A_35] : memref<16x80x128xi32, #tpu.memory_space<hbm>> -> memref<1x80x128xi32, #tpu.memory_space<hbm>>
      %dma_start3A_37 = tpu.memref_squeeze %dma_start3A_36 : memref<1x80x128xi32, #tpu.memory_space<hbm>> -> memref<80x128xi32, #tpu.memory_space<hbm>>
      tpu.enqueue_dma source(%dma_start3A_37 : memref<80x128xi32, #tpu.memory_space<hbm>>) target(%arg7 : memref<80x128xi32, #tpu.memory_space<vmem>>) target_semaphore(%run_scoped3A : memref<!tpu.dma_semaphore, #tpu.memory_space<semaphore_mem>>)
      %dma_wait3A = arith.constant 0 : i32
      %dma_wait3A_38 = arith.constant 0 : i32
      %dma_wait3A_39 = tpu.memref_slice %arg4[%arg1, %dma_wait3A, %dma_wait3A_38] : memref<16x80x128xi32, #tpu.memory_space<hbm>> -> memref<1x80x128xi32, #tpu.memory_space<hbm>>
      %dma_wait3A_40 = tpu.memref_squeeze %dma_wait3A_39 : memref<1x80x128xi32, #tpu.memory_space<hbm>> -> memref<80x128xi32, #tpu.memory_space<hbm>>
      %dma_wait3A_41 = arith.constant 0 : i32
      %dma_wait3A_42 = arith.constant 0 : i32
      %dma_wait3A_43 = tpu.memref_slice %arg4[%arg1, %dma_wait3A_41, %dma_wait3A_42] : memref<16x80x128xi32, #tpu.memory_space<hbm>> -> memref<1x80x128xi32, #tpu.memory_space<hbm>>
      %dma_wait3A_44 = tpu.memref_squeeze %dma_wait3A_43 : memref<1x80x128xi32, #tpu.memory_space<hbm>> -> memref<80x128xi32, #tpu.memory_space<hbm>>
      tpu.wait_dma2 semaphore(%run_scoped3A : memref<!tpu.dma_semaphore, #tpu.memory_space<semaphore_mem>>) src(%dma_wait3A_44 : memref<80x128xi32, #tpu.memory_space<hbm>>) dst(%arg7 : memref<80x128xi32, #tpu.memory_space<vmem>>)
      tpu.yield
    }) : () -> ()
    "tpu.region"() ({
      %run_scoped3A = tpu.sem_alloc : memref<!tpu.dma_semaphore, #tpu.memory_space<semaphore_mem>>
      %dma_start3A_30 = arith.constant 0 : i32
      %dma_start3A_31 = arith.constant 0 : i32
      %dma_start3A_32 = tpu.memref_slice %arg5[%arg1, %dma_start3A_30, %dma_start3A_31] : memref<16x80x128xi32, #tpu.memory_space<hbm>> -> memref<1x80x128xi32, #tpu.memory_space<hbm>>
      %dma_start3A_33 = tpu.memref_squeeze %dma_start3A_32 : memref<1x80x128xi32, #tpu.memory_space<hbm>> -> memref<80x128xi32, #tpu.memory_space<hbm>>
      %dma_start3A_34 = arith.constant 0 : i32
      %dma_start3A_35 = arith.constant 0 : i32
      %dma_start3A_36 = tpu.memref_slice %arg5[%arg1, %dma_start3A_34, %dma_start3A_35] : memref<16x80x128xi32, #tpu.memory_space<hbm>> -> memref<1x80x128xi32, #tpu.memory_space<hbm>>
      %dma_start3A_37 = tpu.memref_squeeze %dma_start3A_36 : memref<1x80x128xi32, #tpu.memory_space<hbm>> -> memref<80x128xi32, #tpu.memory_space<hbm>>
      tpu.enqueue_dma source(%dma_start3A_37 : memref<80x128xi32, #tpu.memory_space<hbm>>) target(%arg8 : memref<80x128xi32, #tpu.memory_space<vmem>>) target_semaphore(%run_scoped3A : memref<!tpu.dma_semaphore, #tpu.memory_space<semaphore_mem>>)
      %dma_wait3A = arith.constant 0 : i32
      %dma_wait3A_38 = arith.constant 0 : i32
      %dma_wait3A_39 = tpu.memref_slice %arg5[%arg1, %dma_wait3A, %dma_wait3A_38] : memref<16x80x128xi32, #tpu.memory_space<hbm>> -> memref<1x80x128xi32, #tpu.memory_space<hbm>>
      %dma_wait3A_40 = tpu.memref_squeeze %dma_wait3A_39 : memref<1x80x128xi32, #tpu.memory_space<hbm>> -> memref<80x128xi32, #tpu.memory_space<hbm>>
      %dma_wait3A_41 = arith.constant 0 : i32
      %dma_wait3A_42 = arith.constant 0 : i32
      %dma_wait3A_43 = tpu.memref_slice %arg5[%arg1, %dma_wait3A_41, %dma_wait3A_42] : memref<16x80x128xi32, #tpu.memory_space<hbm>> -> memref<1x80x128xi32, #tpu.memory_space<hbm>>
      %dma_wait3A_44 = tpu.memref_squeeze %dma_wait3A_43 : memref<1x80x128xi32, #tpu.memory_space<hbm>> -> memref<80x128xi32, #tpu.memory_space<hbm>>
      tpu.wait_dma2 semaphore(%run_scoped3A : memref<!tpu.dma_semaphore, #tpu.memory_space<semaphore_mem>>) src(%dma_wait3A_44 : memref<80x128xi32, #tpu.memory_space<hbm>>) dst(%arg8 : memref<80x128xi32, #tpu.memory_space<vmem>>)
      tpu.yield
    }) : () -> ()
    %add3A = arith.constant 0 : i32
    %add3A_1 = arith.addi %add3A, %arg0 : i32
    "tpu.region"() ({
      %run_scoped3A = tpu.sem_alloc : memref<!tpu.dma_semaphore, #tpu.memory_space<semaphore_mem>>
      %dma_start3A_30 = arith.constant 0 : i32
      %dma_start3A_31 = tpu.memref_slice %arg11[%mul3A_0, %dma_start3A_30] : memref<10240x64xf32, #tpu.memory_space<vmem_shared>> -> memref<640x64xf32, #tpu.memory_space<vmem_shared>>
      %dma_start3A_32 = arith.constant 0 : i32
      %dma_start3A_33 = arith.constant 0 : i32
      %dma_start3A_34 = tpu.memref_slice %arg2[%add3A_1, %dma_start3A_32, %dma_start3A_33] : memref<2x10240x64xf32, #tpu.memory_space<hbm>> -> memref<1x10240x64xf32, #tpu.memory_space<hbm>>
      %dma_start3A_35 = tpu.memref_squeeze %dma_start3A_34 : memref<1x10240x64xf32, #tpu.memory_space<hbm>> -> memref<10240x64xf32, #tpu.memory_space<hbm>>
      %dma_start3A_36 = arith.constant 0 : i32
      %dma_start3A_37 = tpu.memref_slice %dma_start3A_35[%mul3A_0, %dma_start3A_36] : memref<10240x64xf32, #tpu.memory_space<hbm>> -> memref<640x64xf32, #tpu.memory_space<hbm>>
      tpu.enqueue_dma source(%dma_start3A_37 : memref<640x64xf32, #tpu.memory_space<hbm>>) target(%dma_start3A_31 : memref<640x64xf32, #tpu.memory_space<vmem_shared>>) target_semaphore(%run_scoped3A : memref<!tpu.dma_semaphore, #tpu.memory_space<semaphore_mem>>)
      %dma_wait3A = arith.constant 0 : i32
      %dma_wait3A_38 = tpu.memref_slice %arg11[%mul3A_0, %dma_wait3A] : memref<10240x64xf32, #tpu.memory_space<vmem_shared>> -> memref<640x64xf32, #tpu.memory_space<vmem_shared>>
      %dma_wait3A_39 = arith.constant 0 : i32
      %dma_wait3A_40 = arith.constant 0 : i32
      %dma_wait3A_41 = tpu.memref_slice %arg2[%add3A_1, %dma_wait3A_39, %dma_wait3A_40] : memref<2x10240x64xf32, #tpu.memory_space<hbm>> -> memref<1x10240x64xf32, #tpu.memory_space<hbm>>
      %dma_wait3A_42 = tpu.memref_squeeze %dma_wait3A_41 : memref<1x10240x64xf32, #tpu.memory_space<hbm>> -> memref<10240x64xf32, #tpu.memory_space<hbm>>
      %dma_wait3A_43 = arith.constant 0 : i32
      %dma_wait3A_44 = tpu.memref_slice %dma_wait3A_42[%mul3A_0, %dma_wait3A_43] : memref<10240x64xf32, #tpu.memory_space<hbm>> -> memref<640x64xf32, #tpu.memory_space<hbm>>
      tpu.wait_dma2 semaphore(%run_scoped3A : memref<!tpu.dma_semaphore, #tpu.memory_space<semaphore_mem>>) src(%dma_wait3A_44 : memref<640x64xf32, #tpu.memory_space<hbm>>) dst(%dma_wait3A_38 : memref<640x64xf32, #tpu.memory_space<vmem_shared>>)
      tpu.yield
    }) : () -> ()
    %dma_start3A = arith.constant 0 : i32
    %dma_start3A_2 = arith.constant 0 : i32
    %dma_start3A_3 = tpu.memref_slice %arg7[%dma_start3A, %dma_start3A_2] : memref<80x128xi32, #tpu.memory_space<vmem>> -> memref<1x128xi32, #tpu.memory_space<vmem>>
    %dma_start3A_4 = tpu.memref_squeeze %dma_start3A_3 : memref<1x128xi32, #tpu.memory_space<vmem>> -> memref<128xi32, #tpu.memory_space<vmem>>
    %dma_start3A_5 = arith.constant 0 : i32
    %dma_start3A_6 = arith.constant 0 : i32
    %dma_start3A_7 = tpu.memref_slice %arg2[%add3A_1, %dma_start3A_5, %dma_start3A_6] : memref<2x10240x64xf32, #tpu.memory_space<hbm>> -> memref<1x10240x64xf32, #tpu.memory_space<hbm>>
    %dma_start3A_8 = tpu.memref_squeeze %dma_start3A_7 : memref<1x10240x64xf32, #tpu.memory_space<hbm>> -> memref<10240x64xf32, #tpu.memory_space<hbm>>
    %dma_start3A_9 = arith.constant 0 : i32
    %dma_start3A_10 = arith.constant 0 : i32
    %dma_start3A_11 = tpu.memref_slice %dma_start3A_8[%dma_start3A_9, %dma_start3A_10] : memref<10240x64xf32, #tpu.memory_space<hbm>> -> memref<10240x64xf32, #tpu.memory_space<hbm>>
    tpu.enqueue_indirect_dma source(%dma_start3A_11 : memref<10240x64xf32, #tpu.memory_space<hbm>>) target(%arg9 : memref<128x64xf32, #tpu.memory_space<vmem>>) offsets(%dma_start3A_4 : memref<128xi32, #tpu.memory_space<vmem>>) semaphore(%arg12 : memref<!tpu.dma_semaphore, #tpu.memory_space<semaphore_mem>>)
    %dma_start3A_12 = arith.constant 1 : i32
    %dma_start3A_13 = arith.constant 0 : i32
    %dma_start3A_14 = tpu.memref_slice %arg7[%dma_start3A_12, %dma_start3A_13] : memref<80x128xi32, #tpu.memory_space<vmem>> -> memref<1x128xi32, #tpu.memory_space<vmem>>
    %dma_start3A_15 = tpu.memref_squeeze %dma_start3A_14 : memref<1x128xi32, #tpu.memory_space<vmem>> -> memref<128xi32, #tpu.memory_space<vmem>>
    %dma_start3A_16 = arith.constant 0 : i32
    %dma_start3A_17 = arith.constant 0 : i32
    %dma_start3A_18 = tpu.memref_slice %arg2[%add3A_1, %dma_start3A_16, %dma_start3A_17] : memref<2x10240x64xf32, #tpu.memory_space<hbm>> -> memref<1x10240x64xf32, #tpu.memory_space<hbm>>
    %dma_start3A_19 = tpu.memref_squeeze %dma_start3A_18 : memref<1x10240x64xf32, #tpu.memory_space<hbm>> -> memref<10240x64xf32, #tpu.memory_space<hbm>>
    %dma_start3A_20 = arith.constant 0 : i32
    %dma_start3A_21 = arith.constant 0 : i32
    %dma_start3A_22 = tpu.memref_slice %dma_start3A_19[%dma_start3A_20, %dma_start3A_21] : memref<10240x64xf32, #tpu.memory_space<hbm>> -> memref<10240x64xf32, #tpu.memory_space<hbm>>
    tpu.enqueue_indirect_dma source(%dma_start3A_22 : memref<10240x64xf32, #tpu.memory_space<hbm>>) target(%arg10 : memref<128x64xf32, #tpu.memory_space<vmem>>) offsets(%dma_start3A_15 : memref<128xi32, #tpu.memory_space<vmem>>) semaphore(%arg13 : memref<!tpu.dma_semaphore, #tpu.memory_space<semaphore_mem>>)
    %barrier3A = arith.constant 0 : index
    tpu.barrier barrier_id(%barrier3A)
    %scan3A = arith.constant 0 : i32
    %scan3A_23 = arith.constant 0 : i32
    %scan3A_24 = arith.constant 40 : i32
    %scan3A_25 = arith.addi %scan3A_23, %scan3A_24 : i32
    %scan3A_26 = arith.constant 1 : i32
    scf.for %scan3A_30 = %scan3A_23 to %scan3A_25 step %scan3A_26  : i32 {
      %mul3A_31 = arith.constant 2 : i32
      %mul3A_32 = arith.muli %mul3A_31, %scan3A_30 : i32
      %add3A_33 = arith.constant 0 : i32
      %add3A_34 = arith.addi %mul3A_32, %add3A_33 : i32
      %dma_wait3A = arith.constant 0 : i32
      %dma_wait3A_35 = tpu.memref_slice %arg7[%add3A_34, %dma_wait3A] : memref<80x128xi32, #tpu.memory_space<vmem>> -> memref<1x128xi32, #tpu.memory_space<vmem>>
      %dma_wait3A_36 = tpu.memref_squeeze %dma_wait3A_35 : memref<1x128xi32, #tpu.memory_space<vmem>> -> memref<128xi32, #tpu.memory_space<vmem>>
      %dma_wait3A_37 = arith.constant 0 : i32
      %dma_wait3A_38 = arith.constant 0 : i32
      %dma_wait3A_39 = tpu.memref_slice %arg2[%add3A_1, %dma_wait3A_37, %dma_wait3A_38] : memref<2x10240x64xf32, #tpu.memory_space<hbm>> -> memref<1x10240x64xf32, #tpu.memory_space<hbm>>
      %dma_wait3A_40 = tpu.memref_squeeze %dma_wait3A_39 : memref<1x10240x64xf32, #tpu.memory_space<hbm>> -> memref<10240x64xf32, #tpu.memory_space<hbm>>
      %dma_wait3A_41 = arith.constant 0 : i32
      %dma_wait3A_42 = arith.constant 0 : i32
      %dma_wait3A_43 = tpu.memref_slice %dma_wait3A_40[%dma_wait3A_41, %dma_wait3A_42] : memref<10240x64xf32, #tpu.memory_space<hbm>> -> memref<10240x64xf32, #tpu.memory_space<hbm>>
      tpu.wait_indirect_dma semaphore(%arg12 : memref<!tpu.dma_semaphore, #tpu.memory_space<semaphore_mem>>) src(%dma_wait3A_43 : memref<10240x64xf32, #tpu.memory_space<hbm>>) dst(%arg9 : memref<128x64xf32, #tpu.memory_space<vmem>>)
      "tpu.region"() ({
        %run_scoped3A = tpu.sem_alloc : memref<!tpu.dma_semaphore, #tpu.memory_space<semaphore_mem>>
        %dma_start3A_67 = arith.constant 0 : i32
        %dma_start3A_68 = tpu.memref_slice %arg8[%add3A_34, %dma_start3A_67] : memref<80x128xi32, #tpu.memory_space<vmem>> -> memref<1x128xi32, #tpu.memory_space<vmem>>
        %dma_start3A_69 = tpu.memref_squeeze %dma_start3A_68 : memref<1x128xi32, #tpu.memory_space<vmem>> -> memref<128xi32, #tpu.memory_space<vmem>>
        %dma_start3A_70 = arith.constant 0 : i32
        %dma_start3A_71 = arith.constant 0 : i32
        %dma_start3A_72 = tpu.memref_slice %arg11[%dma_start3A_70, %dma_start3A_71] : memref<10240x64xf32, #tpu.memory_space<vmem_shared>> -> memref<10240x64xf32, #tpu.memory_space<vmem_shared>>
        tpu.enqueue_indirect_dma source(%arg9 : memref<128x64xf32, #tpu.memory_space<vmem>>) target(%dma_start3A_72 : memref<10240x64xf32, #tpu.memory_space<vmem_shared>>) offsets(%dma_start3A_69 : memref<128xi32, #tpu.memory_space<vmem>>) semaphore(%run_scoped3A : memref<!tpu.dma_semaphore, #tpu.memory_space<semaphore_mem>>) {add = true}
        %dma_wait3A_73 = arith.constant 0 : i32
        %dma_wait3A_74 = tpu.memref_slice %arg8[%add3A_34, %dma_wait3A_73] : memref<80x128xi32, #tpu.memory_space<vmem>> -> memref<1x128xi32, #tpu.memory_space<vmem>>
        %dma_wait3A_75 = tpu.memref_squeeze %dma_wait3A_74 : memref<1x128xi32, #tpu.memory_space<vmem>> -> memref<128xi32, #tpu.memory_space<vmem>>
        %dma_wait3A_76 = arith.constant 0 : i32
        %dma_wait3A_77 = arith.constant 0 : i32
        %dma_wait3A_78 = tpu.memref_slice %arg11[%dma_wait3A_76, %dma_wait3A_77] : memref<10240x64xf32, #tpu.memory_space<vmem_shared>> -> memref<10240x64xf32, #tpu.memory_space<vmem_shared>>
        tpu.wait_indirect_dma semaphore(%run_scoped3A : memref<!tpu.dma_semaphore, #tpu.memory_space<semaphore_mem>>) src(%arg9 : memref<128x64xf32, #tpu.memory_space<vmem>>) dst(%dma_wait3A_78 : memref<10240x64xf32, #tpu.memory_space<vmem_shared>>)
        tpu.yield
      }) : () -> ()
      %add3A_44 = arith.constant 2 : i32
      %add3A_45 = arith.addi %add3A_34, %add3A_44 : i32
      %lt3A = arith.constant 80 : i32
      %lt3A_46 = arith.cmpi slt, %add3A_45, %lt3A : i32
      %convert_element_type3A = arith.extui %lt3A_46 : i1 to i32
      %cond3A = arith.constant 0 : i32
      %cond3A_47 = arith.cmpi ne, %convert_element_type3A, %cond3A : i32
      scf.if %cond3A_47 {
        %add3A_67 = arith.constant 2 : i32
        %add3A_68 = arith.addi %add3A_34, %add3A_67 : i32
        %dma_start3A_69 = arith.constant 0 : i32
        %dma_start3A_70 = tpu.memref_slice %arg7[%add3A_68, %dma_start3A_69] : memref<80x128xi32, #tpu.memory_space<vmem>> -> memref<1x128xi32, #tpu.memory_space<vmem>>
        %dma_start3A_71 = tpu.memref_squeeze %dma_start3A_70 : memref<1x128xi32, #tpu.memory_space<vmem>> -> memref<128xi32, #tpu.memory_space<vmem>>
        %dma_start3A_72 = arith.constant 0 : i32
        %dma_start3A_73 = arith.constant 0 : i32
        %dma_start3A_74 = tpu.memref_slice %arg2[%add3A_1, %dma_start3A_72, %dma_start3A_73] : memref<2x10240x64xf32, #tpu.memory_space<hbm>> -> memref<1x10240x64xf32, #tpu.memory_space<hbm>>
        %dma_start3A_75 = tpu.memref_squeeze %dma_start3A_74 : memref<1x10240x64xf32, #tpu.memory_space<hbm>> -> memref<10240x64xf32, #tpu.memory_space<hbm>>
        %dma_start3A_76 = arith.constant 0 : i32
        %dma_start3A_77 = arith.constant 0 : i32
        %dma_start3A_78 = tpu.memref_slice %dma_start3A_75[%dma_start3A_76, %dma_start3A_77] : memref<10240x64xf32, #tpu.memory_space<hbm>> -> memref<10240x64xf32, #tpu.memory_space<hbm>>
        tpu.enqueue_indirect_dma source(%dma_start3A_78 : memref<10240x64xf32, #tpu.memory_space<hbm>>) target(%arg9 : memref<128x64xf32, #tpu.memory_space<vmem>>) offsets(%dma_start3A_71 : memref<128xi32, #tpu.memory_space<vmem>>) semaphore(%arg12 : memref<!tpu.dma_semaphore, #tpu.memory_space<semaphore_mem>>)
      } else {
      }
      %add3A_48 = arith.constant 1 : i32
      %add3A_49 = arith.addi %mul3A_32, %add3A_48 : i32
      %dma_wait3A_50 = arith.constant 0 : i32
      %dma_wait3A_51 = tpu.memref_slice %arg7[%add3A_49, %dma_wait3A_50] : memref<80x128xi32, #tpu.memory_space<vmem>> -> memref<1x128xi32, #tpu.memory_space<vmem>>
      %dma_wait3A_52 = tpu.memref_squeeze %dma_wait3A_51 : memref<1x128xi32, #tpu.memory_space<vmem>> -> memref<128xi32, #tpu.memory_space<vmem>>
      %dma_wait3A_53 = arith.constant 0 : i32
      %dma_wait3A_54 = arith.constant 0 : i32
      %dma_wait3A_55 = tpu.memref_slice %arg2[%add3A_1, %dma_wait3A_53, %dma_wait3A_54] : memref<2x10240x64xf32, #tpu.memory_space<hbm>> -> memref<1x10240x64xf32, #tpu.memory_space<hbm>>
      %dma_wait3A_56 = tpu.memref_squeeze %dma_wait3A_55 : memref<1x10240x64xf32, #tpu.memory_space<hbm>> -> memref<10240x64xf32, #tpu.memory_space<hbm>>
      %dma_wait3A_57 = arith.constant 0 : i32
      %dma_wait3A_58 = arith.constant 0 : i32
      %dma_wait3A_59 = tpu.memref_slice %dma_wait3A_56[%dma_wait3A_57, %dma_wait3A_58] : memref<10240x64xf32, #tpu.memory_space<hbm>> -> memref<10240x64xf32, #tpu.memory_space<hbm>>
      tpu.wait_indirect_dma semaphore(%arg13 : memref<!tpu.dma_semaphore, #tpu.memory_space<semaphore_mem>>) src(%dma_wait3A_59 : memref<10240x64xf32, #tpu.memory_space<hbm>>) dst(%arg10 : memref<128x64xf32, #tpu.memory_space<vmem>>)
      "tpu.region"() ({
        %run_scoped3A = tpu.sem_alloc : memref<!tpu.dma_semaphore, #tpu.memory_space<semaphore_mem>>
        %dma_start3A_67 = arith.constant 0 : i32
        %dma_start3A_68 = tpu.memref_slice %arg8[%add3A_49, %dma_start3A_67] : memref<80x128xi32, #tpu.memory_space<vmem>> -> memref<1x128xi32, #tpu.memory_space<vmem>>
        %dma_start3A_69 = tpu.memref_squeeze %dma_start3A_68 : memref<1x128xi32, #tpu.memory_space<vmem>> -> memref<128xi32, #tpu.memory_space<vmem>>
        %dma_start3A_70 = arith.constant 0 : i32
        %dma_start3A_71 = arith.constant 0 : i32
        %dma_start3A_72 = tpu.memref_slice %arg11[%dma_start3A_70, %dma_start3A_71] : memref<10240x64xf32, #tpu.memory_space<vmem_shared>> -> memref<10240x64xf32, #tpu.memory_space<vmem_shared>>
        tpu.enqueue_indirect_dma source(%arg10 : memref<128x64xf32, #tpu.memory_space<vmem>>) target(%dma_start3A_72 : memref<10240x64xf32, #tpu.memory_space<vmem_shared>>) offsets(%dma_start3A_69 : memref<128xi32, #tpu.memory_space<vmem>>) semaphore(%run_scoped3A : memref<!tpu.dma_semaphore, #tpu.memory_space<semaphore_mem>>) {add = true}
        %dma_wait3A_73 = arith.constant 0 : i32
        %dma_wait3A_74 = tpu.memref_slice %arg8[%add3A_49, %dma_wait3A_73] : memref<80x128xi32, #tpu.memory_space<vmem>> -> memref<1x128xi32, #tpu.memory_space<vmem>>
        %dma_wait3A_75 = tpu.memref_squeeze %dma_wait3A_74 : memref<1x128xi32, #tpu.memory_space<vmem>> -> memref<128xi32, #tpu.memory_space<vmem>>
        %dma_wait3A_76 = arith.constant 0 : i32
        %dma_wait3A_77 = arith.constant 0 : i32
        %dma_wait3A_78 = tpu.memref_slice %arg11[%dma_wait3A_76, %dma_wait3A_77] : memref<10240x64xf32, #tpu.memory_space<vmem_shared>> -> memref<10240x64xf32, #tpu.memory_space<vmem_shared>>
        tpu.wait_indirect_dma semaphore(%run_scoped3A : memref<!tpu.dma_semaphore, #tpu.memory_space<semaphore_mem>>) src(%arg10 : memref<128x64xf32, #tpu.memory_space<vmem>>) dst(%dma_wait3A_78 : memref<10240x64xf32, #tpu.memory_space<vmem_shared>>)
        tpu.yield
      }) : () -> ()
      %add3A_60 = arith.constant 2 : i32
      %add3A_61 = arith.addi %add3A_49, %add3A_60 : i32
      %lt3A_62 = arith.constant 80 : i32
      %lt3A_63 = arith.cmpi slt, %add3A_61, %lt3A_62 : i32
      %convert_element_type3A_64 = arith.extui %lt3A_63 : i1 to i32
      %cond3A_65 = arith.constant 0 : i32
      %cond3A_66 = arith.cmpi ne, %convert_element_type3A_64, %cond3A_65 : i32
      scf.if %cond3A_66 {
        %add3A_67 = arith.constant 2 : i32
        %add3A_68 = arith.addi %add3A_49, %add3A_67 : i32
        %dma_start3A_69 = arith.constant 0 : i32
        %dma_start3A_70 = tpu.memref_slice %arg7[%add3A_68, %dma_start3A_69] : memref<80x128xi32, #tpu.memory_space<vmem>> -> memref<1x128xi32, #tpu.memory_space<vmem>>
        %dma_start3A_71 = tpu.memref_squeeze %dma_start3A_70 : memref<1x128xi32, #tpu.memory_space<vmem>> -> memref<128xi32, #tpu.memory_space<vmem>>
        %dma_start3A_72 = arith.constant 0 : i32
        %dma_start3A_73 = arith.constant 0 : i32
        %dma_start3A_74 = tpu.memref_slice %arg2[%add3A_1, %dma_start3A_72, %dma_start3A_73] : memref<2x10240x64xf32, #tpu.memory_space<hbm>> -> memref<1x10240x64xf32, #tpu.memory_space<hbm>>
        %dma_start3A_75 = tpu.memref_squeeze %dma_start3A_74 : memref<1x10240x64xf32, #tpu.memory_space<hbm>> -> memref<10240x64xf32, #tpu.memory_space<hbm>>
        %dma_start3A_76 = arith.constant 0 : i32
        %dma_start3A_77 = arith.constant 0 : i32
        %dma_start3A_78 = tpu.memref_slice %dma_start3A_75[%dma_start3A_76, %dma_start3A_77] : memref<10240x64xf32, #tpu.memory_space<hbm>> -> memref<10240x64xf32, #tpu.memory_space<hbm>>
        tpu.enqueue_indirect_dma source(%dma_start3A_78 : memref<10240x64xf32, #tpu.memory_space<hbm>>) target(%arg10 : memref<128x64xf32, #tpu.memory_space<vmem>>) offsets(%dma_start3A_71 : memref<128xi32, #tpu.memory_space<vmem>>) semaphore(%arg13 : memref<!tpu.dma_semaphore, #tpu.memory_space<semaphore_mem>>)
      } else {
      }
    }
    %scan3A_27 = arith.constant 40 : i32
    %barrier3A_28 = arith.constant 0 : index
    tpu.barrier barrier_id(%barrier3A_28)
    "tpu.region"() ({
      %run_scoped3A = tpu.sem_alloc : memref<!tpu.dma_semaphore, #tpu.memory_space<semaphore_mem>>
      %dma_start3A_30 = arith.constant 0 : i32
      %dma_start3A_31 = arith.constant 0 : i32
      %dma_start3A_32 = tpu.memref_slice %arg6[%add3A_1, %dma_start3A_30, %dma_start3A_31] : memref<2x10240x64xf32, #tpu.memory_space<hbm>> -> memref<1x10240x64xf32, #tpu.memory_space<hbm>>
      %dma_start3A_33 = tpu.memref_squeeze %dma_start3A_32 : memref<1x10240x64xf32, #tpu.memory_space<hbm>> -> memref<10240x64xf32, #tpu.memory_space<hbm>>
      %dma_start3A_34 = arith.constant 0 : i32
      %dma_start3A_35 = tpu.memref_slice %dma_start3A_33[%mul3A_0, %dma_start3A_34] : memref<10240x64xf32, #tpu.memory_space<hbm>> -> memref<640x64xf32, #tpu.memory_space<hbm>>
      %dma_start3A_36 = arith.constant 0 : i32
      %dma_start3A_37 = tpu.memref_slice %arg11[%mul3A_0, %dma_start3A_36] : memref<10240x64xf32, #tpu.memory_space<vmem_shared>> -> memref<640x64xf32, #tpu.memory_space<vmem_shared>>
      tpu.enqueue_dma source(%dma_start3A_37 : memref<640x64xf32, #tpu.memory_space<vmem_shared>>) target(%dma_start3A_35 : memref<640x64xf32, #tpu.memory_space<hbm>>) target_semaphore(%run_scoped3A : memref<!tpu.dma_semaphore, #tpu.memory_space<semaphore_mem>>)
      %dma_wait3A = arith.constant 0 : i32
      %dma_wait3A_38 = arith.constant 0 : i32
      %dma_wait3A_39 = tpu.memref_slice %arg6[%add3A_1, %dma_wait3A, %dma_wait3A_38] : memref<2x10240x64xf32, #tpu.memory_space<hbm>> -> memref<1x10240x64xf32, #tpu.memory_space<hbm>>
      %dma_wait3A_40 = tpu.memref_squeeze %dma_wait3A_39 : memref<1x10240x64xf32, #tpu.memory_space<hbm>> -> memref<10240x64xf32, #tpu.memory_space<hbm>>
      %dma_wait3A_41 = arith.constant 0 : i32
      %dma_wait3A_42 = tpu.memref_slice %dma_wait3A_40[%mul3A_0, %dma_wait3A_41] : memref<10240x64xf32, #tpu.memory_space<hbm>> -> memref<640x64xf32, #tpu.memory_space<hbm>>
      %dma_wait3A_43 = arith.constant 0 : i32
      %dma_wait3A_44 = tpu.memref_slice %arg11[%mul3A_0, %dma_wait3A_43] : memref<10240x64xf32, #tpu.memory_space<vmem_shared>> -> memref<640x64xf32, #tpu.memory_space<vmem_shared>>
      tpu.wait_dma2 semaphore(%run_scoped3A : memref<!tpu.dma_semaphore, #tpu.memory_space<semaphore_mem>>) src(%dma_wait3A_44 : memref<640x64xf32, #tpu.memory_space<vmem_shared>>) dst(%dma_wait3A_42 : memref<640x64xf32, #tpu.memory_space<hbm>>)
      tpu.yield
    }) : () -> ()
    %barrier3A_29 = arith.constant 0 : index
    tpu.barrier barrier_id(%barrier3A_29)
    return
  }
}

#map = affine_map<(d0, d1) -> (0, 0, 0)>
#map1 = affine_map<(d0, d1) -> (0, 0)>
module attributes {stable_mosaic.version = 14 : i64} {
  func.func @agg(%arg0: i32, %arg1: i32, %arg2: memref<2x10240x32xf32, #tpu.memory_space<hbm>>, %arg3: memref<10240x16xf32, #tpu.memory_space<hbm>>, %arg4: memref<16x80x128xi32, #tpu.memory_space<hbm>>, %arg5: memref<16x80x128xi32, #tpu.memory_space<hbm>>, %arg6: memref<2x10240x32xf32, #tpu.memory_space<hbm>>, %arg7: memref<80x128xi32, #tpu.memory_space<vmem>>, %arg8: memref<80x128xi32, #tpu.memory_space<vmem>>, %arg9: memref<128x32xf32, #tpu.memory_space<vmem>>, %arg10: memref<128x32xf32, #tpu.memory_space<vmem>>, %arg11: memref<10240x32xf32, #tpu.memory_space<vmem_shared>>, %arg12: memref<!tpu.dma_semaphore, #tpu.memory_space<semaphore_mem>>, %arg13: memref<!tpu.dma_semaphore, #tpu.memory_space<semaphore_mem>>) attributes {dimension_semantics = [#tpu.dimension_semantics<core_parallel>, #tpu.dimension_semantics<subcore_parallel>], iteration_bounds = array<i64: 2, 16>, scalar_prefetch = 0 : i64, scratch_operands = 7 : i64, tpu.core_type = #tpu.core_type<sc_vector_subcore>, window_params = [{transform_indices = #map}, {transform_indices = #map1}, {transform_indices = #map}, {transform_indices = #map}, {transform_indices = #map}]} {
    %mul3A = arith.constant 640 : i32
    %mul3A_0 = arith.muli %arg1, %mul3A : i32
    "tpu.region"() ({
      %run_scoped3A = tpu.sem_alloc : memref<!tpu.dma_semaphore, #tpu.memory_space<semaphore_mem>>
      %dma_start3A_30 = arith.constant 0 : i32
      %dma_start3A_31 = arith.constant 0 : i32
      %dma_start3A_32 = tpu.memref_slice %arg4[%arg1, %dma_start3A_30, %dma_start3A_31] : memref<16x80x128xi32, #tpu.memory_space<hbm>> -> memref<1x80x128xi32, #tpu.memory_space<hbm>>
      %dma_start3A_33 = tpu.memref_squeeze %dma_start3A_32 : memref<1x80x128xi32, #tpu.memory_space<hbm>> -> memref<80x128xi32, #tpu.memory_space<hbm>>
      %dma_start3A_34 = arith.constant 0 : i32
      %dma_start3A_35 = arith.constant 0 : i32
      %dma_start3A_36 = tpu.memref_slice %arg4[%arg1, %dma_start3A_34, %dma_start3A_35] : memref<16x80x128xi32, #tpu.memory_space<hbm>> -> memref<1x80x128xi32, #tpu.memory_space<hbm>>
      %dma_start3A_37 = tpu.memref_squeeze %dma_start3A_36 : memref<1x80x128xi32, #tpu.memory_space<hbm>> -> memref<80x128xi32, #tpu.memory_space<hbm>>
      tpu.enqueue_dma source(%dma_start3A_37 : memref<80x128xi32, #tpu.memory_space<hbm>>) target(%arg7 : memref<80x128xi32, #tpu.memory_space<vmem>>) target_semaphore(%run_scoped3A : memref<!tpu.dma_semaphore, #tpu.memory_space<semaphore_mem>>)
      %dma_wait3A = arith.constant 0 : i32
      %dma_wait3A_38 = arith.constant 0 : i32
      %dma_wait3A_39 = tpu.memref_slice %arg4[%arg1, %dma_wait3A, %dma_wait3A_38] : memref<16x80x128xi32, #tpu.memory_space<hbm>> -> memref<1x80x128xi32, #tpu.memory_space<hbm>>
      %dma_wait3A_40 = tpu.memref_squeeze %dma_wait3A_39 : memref<1x80x128xi32, #tpu.memory_space<hbm>> -> memref<80x128xi32, #tpu.memory_space<hbm>>
      %dma_wait3A_41 = arith.constant 0 : i32
      %dma_wait3A_42 = arith.constant 0 : i32
      %dma_wait3A_43 = tpu.memref_slice %arg4[%arg1, %dma_wait3A_41, %dma_wait3A_42] : memref<16x80x128xi32, #tpu.memory_space<hbm>> -> memref<1x80x128xi32, #tpu.memory_space<hbm>>
      %dma_wait3A_44 = tpu.memref_squeeze %dma_wait3A_43 : memref<1x80x128xi32, #tpu.memory_space<hbm>> -> memref<80x128xi32, #tpu.memory_space<hbm>>
      tpu.wait_dma2 semaphore(%run_scoped3A : memref<!tpu.dma_semaphore, #tpu.memory_space<semaphore_mem>>) src(%dma_wait3A_44 : memref<80x128xi32, #tpu.memory_space<hbm>>) dst(%arg7 : memref<80x128xi32, #tpu.memory_space<vmem>>)
      tpu.yield
    }) : () -> ()
    "tpu.region"() ({
      %run_scoped3A = tpu.sem_alloc : memref<!tpu.dma_semaphore, #tpu.memory_space<semaphore_mem>>
      %dma_start3A_30 = arith.constant 0 : i32
      %dma_start3A_31 = arith.constant 0 : i32
      %dma_start3A_32 = tpu.memref_slice %arg5[%arg1, %dma_start3A_30, %dma_start3A_31] : memref<16x80x128xi32, #tpu.memory_space<hbm>> -> memref<1x80x128xi32, #tpu.memory_space<hbm>>
      %dma_start3A_33 = tpu.memref_squeeze %dma_start3A_32 : memref<1x80x128xi32, #tpu.memory_space<hbm>> -> memref<80x128xi32, #tpu.memory_space<hbm>>
      %dma_start3A_34 = arith.constant 0 : i32
      %dma_start3A_35 = arith.constant 0 : i32
      %dma_start3A_36 = tpu.memref_slice %arg5[%arg1, %dma_start3A_34, %dma_start3A_35] : memref<16x80x128xi32, #tpu.memory_space<hbm>> -> memref<1x80x128xi32, #tpu.memory_space<hbm>>
      %dma_start3A_37 = tpu.memref_squeeze %dma_start3A_36 : memref<1x80x128xi32, #tpu.memory_space<hbm>> -> memref<80x128xi32, #tpu.memory_space<hbm>>
      tpu.enqueue_dma source(%dma_start3A_37 : memref<80x128xi32, #tpu.memory_space<hbm>>) target(%arg8 : memref<80x128xi32, #tpu.memory_space<vmem>>) target_semaphore(%run_scoped3A : memref<!tpu.dma_semaphore, #tpu.memory_space<semaphore_mem>>)
      %dma_wait3A = arith.constant 0 : i32
      %dma_wait3A_38 = arith.constant 0 : i32
      %dma_wait3A_39 = tpu.memref_slice %arg5[%arg1, %dma_wait3A, %dma_wait3A_38] : memref<16x80x128xi32, #tpu.memory_space<hbm>> -> memref<1x80x128xi32, #tpu.memory_space<hbm>>
      %dma_wait3A_40 = tpu.memref_squeeze %dma_wait3A_39 : memref<1x80x128xi32, #tpu.memory_space<hbm>> -> memref<80x128xi32, #tpu.memory_space<hbm>>
      %dma_wait3A_41 = arith.constant 0 : i32
      %dma_wait3A_42 = arith.constant 0 : i32
      %dma_wait3A_43 = tpu.memref_slice %arg5[%arg1, %dma_wait3A_41, %dma_wait3A_42] : memref<16x80x128xi32, #tpu.memory_space<hbm>> -> memref<1x80x128xi32, #tpu.memory_space<hbm>>
      %dma_wait3A_44 = tpu.memref_squeeze %dma_wait3A_43 : memref<1x80x128xi32, #tpu.memory_space<hbm>> -> memref<80x128xi32, #tpu.memory_space<hbm>>
      tpu.wait_dma2 semaphore(%run_scoped3A : memref<!tpu.dma_semaphore, #tpu.memory_space<semaphore_mem>>) src(%dma_wait3A_44 : memref<80x128xi32, #tpu.memory_space<hbm>>) dst(%arg8 : memref<80x128xi32, #tpu.memory_space<vmem>>)
      tpu.yield
    }) : () -> ()
    %add3A = arith.constant 0 : i32
    %add3A_1 = arith.addi %add3A, %arg0 : i32
    "tpu.region"() ({
      %run_scoped3A = tpu.sem_alloc : memref<!tpu.dma_semaphore, #tpu.memory_space<semaphore_mem>>
      %dma_start3A_30 = arith.constant 0 : i32
      %dma_start3A_31 = tpu.memref_slice %arg11[%mul3A_0, %dma_start3A_30] : memref<10240x32xf32, #tpu.memory_space<vmem_shared>> -> memref<640x32xf32, #tpu.memory_space<vmem_shared>>
      %dma_start3A_32 = arith.constant 0 : i32
      %dma_start3A_33 = arith.constant 0 : i32
      %dma_start3A_34 = tpu.memref_slice %arg2[%add3A_1, %dma_start3A_32, %dma_start3A_33] : memref<2x10240x32xf32, #tpu.memory_space<hbm>> -> memref<1x10240x32xf32, #tpu.memory_space<hbm>>
      %dma_start3A_35 = tpu.memref_squeeze %dma_start3A_34 : memref<1x10240x32xf32, #tpu.memory_space<hbm>> -> memref<10240x32xf32, #tpu.memory_space<hbm>>
      %dma_start3A_36 = arith.constant 0 : i32
      %dma_start3A_37 = tpu.memref_slice %dma_start3A_35[%mul3A_0, %dma_start3A_36] : memref<10240x32xf32, #tpu.memory_space<hbm>> -> memref<640x32xf32, #tpu.memory_space<hbm>>
      tpu.enqueue_dma source(%dma_start3A_37 : memref<640x32xf32, #tpu.memory_space<hbm>>) target(%dma_start3A_31 : memref<640x32xf32, #tpu.memory_space<vmem_shared>>) target_semaphore(%run_scoped3A : memref<!tpu.dma_semaphore, #tpu.memory_space<semaphore_mem>>)
      %dma_wait3A = arith.constant 0 : i32
      %dma_wait3A_38 = tpu.memref_slice %arg11[%mul3A_0, %dma_wait3A] : memref<10240x32xf32, #tpu.memory_space<vmem_shared>> -> memref<640x32xf32, #tpu.memory_space<vmem_shared>>
      %dma_wait3A_39 = arith.constant 0 : i32
      %dma_wait3A_40 = arith.constant 0 : i32
      %dma_wait3A_41 = tpu.memref_slice %arg2[%add3A_1, %dma_wait3A_39, %dma_wait3A_40] : memref<2x10240x32xf32, #tpu.memory_space<hbm>> -> memref<1x10240x32xf32, #tpu.memory_space<hbm>>
      %dma_wait3A_42 = tpu.memref_squeeze %dma_wait3A_41 : memref<1x10240x32xf32, #tpu.memory_space<hbm>> -> memref<10240x32xf32, #tpu.memory_space<hbm>>
      %dma_wait3A_43 = arith.constant 0 : i32
      %dma_wait3A_44 = tpu.memref_slice %dma_wait3A_42[%mul3A_0, %dma_wait3A_43] : memref<10240x32xf32, #tpu.memory_space<hbm>> -> memref<640x32xf32, #tpu.memory_space<hbm>>
      tpu.wait_dma2 semaphore(%run_scoped3A : memref<!tpu.dma_semaphore, #tpu.memory_space<semaphore_mem>>) src(%dma_wait3A_44 : memref<640x32xf32, #tpu.memory_space<hbm>>) dst(%dma_wait3A_38 : memref<640x32xf32, #tpu.memory_space<vmem_shared>>)
      tpu.yield
    }) : () -> ()
    %dma_start3A = arith.constant 0 : i32
    %dma_start3A_2 = arith.constant 0 : i32
    %dma_start3A_3 = tpu.memref_slice %arg7[%dma_start3A, %dma_start3A_2] : memref<80x128xi32, #tpu.memory_space<vmem>> -> memref<1x128xi32, #tpu.memory_space<vmem>>
    %dma_start3A_4 = tpu.memref_squeeze %dma_start3A_3 : memref<1x128xi32, #tpu.memory_space<vmem>> -> memref<128xi32, #tpu.memory_space<vmem>>
    %dma_start3A_5 = arith.constant 0 : i32
    %dma_start3A_6 = arith.constant 0 : i32
    %dma_start3A_7 = tpu.memref_slice %arg2[%add3A_1, %dma_start3A_5, %dma_start3A_6] : memref<2x10240x32xf32, #tpu.memory_space<hbm>> -> memref<1x10240x32xf32, #tpu.memory_space<hbm>>
    %dma_start3A_8 = tpu.memref_squeeze %dma_start3A_7 : memref<1x10240x32xf32, #tpu.memory_space<hbm>> -> memref<10240x32xf32, #tpu.memory_space<hbm>>
    %dma_start3A_9 = arith.constant 0 : i32
    %dma_start3A_10 = arith.constant 0 : i32
    %dma_start3A_11 = tpu.memref_slice %dma_start3A_8[%dma_start3A_9, %dma_start3A_10] : memref<10240x32xf32, #tpu.memory_space<hbm>> -> memref<10240x32xf32, #tpu.memory_space<hbm>>
    tpu.enqueue_indirect_dma source(%dma_start3A_11 : memref<10240x32xf32, #tpu.memory_space<hbm>>) target(%arg9 : memref<128x32xf32, #tpu.memory_space<vmem>>) offsets(%dma_start3A_4 : memref<128xi32, #tpu.memory_space<vmem>>) semaphore(%arg12 : memref<!tpu.dma_semaphore, #tpu.memory_space<semaphore_mem>>)
    %dma_start3A_12 = arith.constant 1 : i32
    %dma_start3A_13 = arith.constant 0 : i32
    %dma_start3A_14 = tpu.memref_slice %arg7[%dma_start3A_12, %dma_start3A_13] : memref<80x128xi32, #tpu.memory_space<vmem>> -> memref<1x128xi32, #tpu.memory_space<vmem>>
    %dma_start3A_15 = tpu.memref_squeeze %dma_start3A_14 : memref<1x128xi32, #tpu.memory_space<vmem>> -> memref<128xi32, #tpu.memory_space<vmem>>
    %dma_start3A_16 = arith.constant 0 : i32
    %dma_start3A_17 = arith.constant 0 : i32
    %dma_start3A_18 = tpu.memref_slice %arg2[%add3A_1, %dma_start3A_16, %dma_start3A_17] : memref<2x10240x32xf32, #tpu.memory_space<hbm>> -> memref<1x10240x32xf32, #tpu.memory_space<hbm>>
    %dma_start3A_19 = tpu.memref_squeeze %dma_start3A_18 : memref<1x10240x32xf32, #tpu.memory_space<hbm>> -> memref<10240x32xf32, #tpu.memory_space<hbm>>
    %dma_start3A_20 = arith.constant 0 : i32
    %dma_start3A_21 = arith.constant 0 : i32
    %dma_start3A_22 = tpu.memref_slice %dma_start3A_19[%dma_start3A_20, %dma_start3A_21] : memref<10240x32xf32, #tpu.memory_space<hbm>> -> memref<10240x32xf32, #tpu.memory_space<hbm>>
    tpu.enqueue_indirect_dma source(%dma_start3A_22 : memref<10240x32xf32, #tpu.memory_space<hbm>>) target(%arg10 : memref<128x32xf32, #tpu.memory_space<vmem>>) offsets(%dma_start3A_15 : memref<128xi32, #tpu.memory_space<vmem>>) semaphore(%arg13 : memref<!tpu.dma_semaphore, #tpu.memory_space<semaphore_mem>>)
    %barrier3A = arith.constant 0 : index
    tpu.barrier barrier_id(%barrier3A)
    %scan3A = arith.constant 0 : i32
    %scan3A_23 = arith.constant 0 : i32
    %scan3A_24 = arith.constant 40 : i32
    %scan3A_25 = arith.addi %scan3A_23, %scan3A_24 : i32
    %scan3A_26 = arith.constant 1 : i32
    scf.for %scan3A_30 = %scan3A_23 to %scan3A_25 step %scan3A_26  : i32 {
      %mul3A_31 = arith.constant 2 : i32
      %mul3A_32 = arith.muli %mul3A_31, %scan3A_30 : i32
      %add3A_33 = arith.constant 0 : i32
      %add3A_34 = arith.addi %mul3A_32, %add3A_33 : i32
      %dma_wait3A = arith.constant 0 : i32
      %dma_wait3A_35 = tpu.memref_slice %arg7[%add3A_34, %dma_wait3A] : memref<80x128xi32, #tpu.memory_space<vmem>> -> memref<1x128xi32, #tpu.memory_space<vmem>>
      %dma_wait3A_36 = tpu.memref_squeeze %dma_wait3A_35 : memref<1x128xi32, #tpu.memory_space<vmem>> -> memref<128xi32, #tpu.memory_space<vmem>>
      %dma_wait3A_37 = arith.constant 0 : i32
      %dma_wait3A_38 = arith.constant 0 : i32
      %dma_wait3A_39 = tpu.memref_slice %arg2[%add3A_1, %dma_wait3A_37, %dma_wait3A_38] : memref<2x10240x32xf32, #tpu.memory_space<hbm>> -> memref<1x10240x32xf32, #tpu.memory_space<hbm>>
      %dma_wait3A_40 = tpu.memref_squeeze %dma_wait3A_39 : memref<1x10240x32xf32, #tpu.memory_space<hbm>> -> memref<10240x32xf32, #tpu.memory_space<hbm>>
      %dma_wait3A_41 = arith.constant 0 : i32
      %dma_wait3A_42 = arith.constant 0 : i32
      %dma_wait3A_43 = tpu.memref_slice %dma_wait3A_40[%dma_wait3A_41, %dma_wait3A_42] : memref<10240x32xf32, #tpu.memory_space<hbm>> -> memref<10240x32xf32, #tpu.memory_space<hbm>>
      tpu.wait_indirect_dma semaphore(%arg12 : memref<!tpu.dma_semaphore, #tpu.memory_space<semaphore_mem>>) src(%dma_wait3A_43 : memref<10240x32xf32, #tpu.memory_space<hbm>>) dst(%arg9 : memref<128x32xf32, #tpu.memory_space<vmem>>)
      "tpu.region"() ({
        %run_scoped3A = tpu.sem_alloc : memref<!tpu.dma_semaphore, #tpu.memory_space<semaphore_mem>>
        %dma_start3A_67 = arith.constant 0 : i32
        %dma_start3A_68 = tpu.memref_slice %arg8[%add3A_34, %dma_start3A_67] : memref<80x128xi32, #tpu.memory_space<vmem>> -> memref<1x128xi32, #tpu.memory_space<vmem>>
        %dma_start3A_69 = tpu.memref_squeeze %dma_start3A_68 : memref<1x128xi32, #tpu.memory_space<vmem>> -> memref<128xi32, #tpu.memory_space<vmem>>
        %dma_start3A_70 = arith.constant 0 : i32
        %dma_start3A_71 = arith.constant 0 : i32
        %dma_start3A_72 = tpu.memref_slice %arg11[%dma_start3A_70, %dma_start3A_71] : memref<10240x32xf32, #tpu.memory_space<vmem_shared>> -> memref<10240x32xf32, #tpu.memory_space<vmem_shared>>
        tpu.enqueue_indirect_dma source(%arg9 : memref<128x32xf32, #tpu.memory_space<vmem>>) target(%dma_start3A_72 : memref<10240x32xf32, #tpu.memory_space<vmem_shared>>) offsets(%dma_start3A_69 : memref<128xi32, #tpu.memory_space<vmem>>) semaphore(%run_scoped3A : memref<!tpu.dma_semaphore, #tpu.memory_space<semaphore_mem>>) {add = true}
        %dma_wait3A_73 = arith.constant 0 : i32
        %dma_wait3A_74 = tpu.memref_slice %arg8[%add3A_34, %dma_wait3A_73] : memref<80x128xi32, #tpu.memory_space<vmem>> -> memref<1x128xi32, #tpu.memory_space<vmem>>
        %dma_wait3A_75 = tpu.memref_squeeze %dma_wait3A_74 : memref<1x128xi32, #tpu.memory_space<vmem>> -> memref<128xi32, #tpu.memory_space<vmem>>
        %dma_wait3A_76 = arith.constant 0 : i32
        %dma_wait3A_77 = arith.constant 0 : i32
        %dma_wait3A_78 = tpu.memref_slice %arg11[%dma_wait3A_76, %dma_wait3A_77] : memref<10240x32xf32, #tpu.memory_space<vmem_shared>> -> memref<10240x32xf32, #tpu.memory_space<vmem_shared>>
        tpu.wait_indirect_dma semaphore(%run_scoped3A : memref<!tpu.dma_semaphore, #tpu.memory_space<semaphore_mem>>) src(%arg9 : memref<128x32xf32, #tpu.memory_space<vmem>>) dst(%dma_wait3A_78 : memref<10240x32xf32, #tpu.memory_space<vmem_shared>>)
        tpu.yield
      }) : () -> ()
      %add3A_44 = arith.constant 2 : i32
      %add3A_45 = arith.addi %add3A_34, %add3A_44 : i32
      %lt3A = arith.constant 80 : i32
      %lt3A_46 = arith.cmpi slt, %add3A_45, %lt3A : i32
      %convert_element_type3A = arith.extui %lt3A_46 : i1 to i32
      %cond3A = arith.constant 0 : i32
      %cond3A_47 = arith.cmpi ne, %convert_element_type3A, %cond3A : i32
      scf.if %cond3A_47 {
        %add3A_67 = arith.constant 2 : i32
        %add3A_68 = arith.addi %add3A_34, %add3A_67 : i32
        %dma_start3A_69 = arith.constant 0 : i32
        %dma_start3A_70 = tpu.memref_slice %arg7[%add3A_68, %dma_start3A_69] : memref<80x128xi32, #tpu.memory_space<vmem>> -> memref<1x128xi32, #tpu.memory_space<vmem>>
        %dma_start3A_71 = tpu.memref_squeeze %dma_start3A_70 : memref<1x128xi32, #tpu.memory_space<vmem>> -> memref<128xi32, #tpu.memory_space<vmem>>
        %dma_start3A_72 = arith.constant 0 : i32
        %dma_start3A_73 = arith.constant 0 : i32
        %dma_start3A_74 = tpu.memref_slice %arg2[%add3A_1, %dma_start3A_72, %dma_start3A_73] : memref<2x10240x32xf32, #tpu.memory_space<hbm>> -> memref<1x10240x32xf32, #tpu.memory_space<hbm>>
        %dma_start3A_75 = tpu.memref_squeeze %dma_start3A_74 : memref<1x10240x32xf32, #tpu.memory_space<hbm>> -> memref<10240x32xf32, #tpu.memory_space<hbm>>
        %dma_start3A_76 = arith.constant 0 : i32
        %dma_start3A_77 = arith.constant 0 : i32
        %dma_start3A_78 = tpu.memref_slice %dma_start3A_75[%dma_start3A_76, %dma_start3A_77] : memref<10240x32xf32, #tpu.memory_space<hbm>> -> memref<10240x32xf32, #tpu.memory_space<hbm>>
        tpu.enqueue_indirect_dma source(%dma_start3A_78 : memref<10240x32xf32, #tpu.memory_space<hbm>>) target(%arg9 : memref<128x32xf32, #tpu.memory_space<vmem>>) offsets(%dma_start3A_71 : memref<128xi32, #tpu.memory_space<vmem>>) semaphore(%arg12 : memref<!tpu.dma_semaphore, #tpu.memory_space<semaphore_mem>>)
      } else {
      }
      %add3A_48 = arith.constant 1 : i32
      %add3A_49 = arith.addi %mul3A_32, %add3A_48 : i32
      %dma_wait3A_50 = arith.constant 0 : i32
      %dma_wait3A_51 = tpu.memref_slice %arg7[%add3A_49, %dma_wait3A_50] : memref<80x128xi32, #tpu.memory_space<vmem>> -> memref<1x128xi32, #tpu.memory_space<vmem>>
      %dma_wait3A_52 = tpu.memref_squeeze %dma_wait3A_51 : memref<1x128xi32, #tpu.memory_space<vmem>> -> memref<128xi32, #tpu.memory_space<vmem>>
      %dma_wait3A_53 = arith.constant 0 : i32
      %dma_wait3A_54 = arith.constant 0 : i32
      %dma_wait3A_55 = tpu.memref_slice %arg2[%add3A_1, %dma_wait3A_53, %dma_wait3A_54] : memref<2x10240x32xf32, #tpu.memory_space<hbm>> -> memref<1x10240x32xf32, #tpu.memory_space<hbm>>
      %dma_wait3A_56 = tpu.memref_squeeze %dma_wait3A_55 : memref<1x10240x32xf32, #tpu.memory_space<hbm>> -> memref<10240x32xf32, #tpu.memory_space<hbm>>
      %dma_wait3A_57 = arith.constant 0 : i32
      %dma_wait3A_58 = arith.constant 0 : i32
      %dma_wait3A_59 = tpu.memref_slice %dma_wait3A_56[%dma_wait3A_57, %dma_wait3A_58] : memref<10240x32xf32, #tpu.memory_space<hbm>> -> memref<10240x32xf32, #tpu.memory_space<hbm>>
      tpu.wait_indirect_dma semaphore(%arg13 : memref<!tpu.dma_semaphore, #tpu.memory_space<semaphore_mem>>) src(%dma_wait3A_59 : memref<10240x32xf32, #tpu.memory_space<hbm>>) dst(%arg10 : memref<128x32xf32, #tpu.memory_space<vmem>>)
      "tpu.region"() ({
        %run_scoped3A = tpu.sem_alloc : memref<!tpu.dma_semaphore, #tpu.memory_space<semaphore_mem>>
        %dma_start3A_67 = arith.constant 0 : i32
        %dma_start3A_68 = tpu.memref_slice %arg8[%add3A_49, %dma_start3A_67] : memref<80x128xi32, #tpu.memory_space<vmem>> -> memref<1x128xi32, #tpu.memory_space<vmem>>
        %dma_start3A_69 = tpu.memref_squeeze %dma_start3A_68 : memref<1x128xi32, #tpu.memory_space<vmem>> -> memref<128xi32, #tpu.memory_space<vmem>>
        %dma_start3A_70 = arith.constant 0 : i32
        %dma_start3A_71 = arith.constant 0 : i32
        %dma_start3A_72 = tpu.memref_slice %arg11[%dma_start3A_70, %dma_start3A_71] : memref<10240x32xf32, #tpu.memory_space<vmem_shared>> -> memref<10240x32xf32, #tpu.memory_space<vmem_shared>>
        tpu.enqueue_indirect_dma source(%arg10 : memref<128x32xf32, #tpu.memory_space<vmem>>) target(%dma_start3A_72 : memref<10240x32xf32, #tpu.memory_space<vmem_shared>>) offsets(%dma_start3A_69 : memref<128xi32, #tpu.memory_space<vmem>>) semaphore(%run_scoped3A : memref<!tpu.dma_semaphore, #tpu.memory_space<semaphore_mem>>) {add = true}
        %dma_wait3A_73 = arith.constant 0 : i32
        %dma_wait3A_74 = tpu.memref_slice %arg8[%add3A_49, %dma_wait3A_73] : memref<80x128xi32, #tpu.memory_space<vmem>> -> memref<1x128xi32, #tpu.memory_space<vmem>>
        %dma_wait3A_75 = tpu.memref_squeeze %dma_wait3A_74 : memref<1x128xi32, #tpu.memory_space<vmem>> -> memref<128xi32, #tpu.memory_space<vmem>>
        %dma_wait3A_76 = arith.constant 0 : i32
        %dma_wait3A_77 = arith.constant 0 : i32
        %dma_wait3A_78 = tpu.memref_slice %arg11[%dma_wait3A_76, %dma_wait3A_77] : memref<10240x32xf32, #tpu.memory_space<vmem_shared>> -> memref<10240x32xf32, #tpu.memory_space<vmem_shared>>
        tpu.wait_indirect_dma semaphore(%run_scoped3A : memref<!tpu.dma_semaphore, #tpu.memory_space<semaphore_mem>>) src(%arg10 : memref<128x32xf32, #tpu.memory_space<vmem>>) dst(%dma_wait3A_78 : memref<10240x32xf32, #tpu.memory_space<vmem_shared>>)
        tpu.yield
      }) : () -> ()
      %add3A_60 = arith.constant 2 : i32
      %add3A_61 = arith.addi %add3A_49, %add3A_60 : i32
      %lt3A_62 = arith.constant 80 : i32
      %lt3A_63 = arith.cmpi slt, %add3A_61, %lt3A_62 : i32
      %convert_element_type3A_64 = arith.extui %lt3A_63 : i1 to i32
      %cond3A_65 = arith.constant 0 : i32
      %cond3A_66 = arith.cmpi ne, %convert_element_type3A_64, %cond3A_65 : i32
      scf.if %cond3A_66 {
        %add3A_67 = arith.constant 2 : i32
        %add3A_68 = arith.addi %add3A_49, %add3A_67 : i32
        %dma_start3A_69 = arith.constant 0 : i32
        %dma_start3A_70 = tpu.memref_slice %arg7[%add3A_68, %dma_start3A_69] : memref<80x128xi32, #tpu.memory_space<vmem>> -> memref<1x128xi32, #tpu.memory_space<vmem>>
        %dma_start3A_71 = tpu.memref_squeeze %dma_start3A_70 : memref<1x128xi32, #tpu.memory_space<vmem>> -> memref<128xi32, #tpu.memory_space<vmem>>
        %dma_start3A_72 = arith.constant 0 : i32
        %dma_start3A_73 = arith.constant 0 : i32
        %dma_start3A_74 = tpu.memref_slice %arg2[%add3A_1, %dma_start3A_72, %dma_start3A_73] : memref<2x10240x32xf32, #tpu.memory_space<hbm>> -> memref<1x10240x32xf32, #tpu.memory_space<hbm>>
        %dma_start3A_75 = tpu.memref_squeeze %dma_start3A_74 : memref<1x10240x32xf32, #tpu.memory_space<hbm>> -> memref<10240x32xf32, #tpu.memory_space<hbm>>
        %dma_start3A_76 = arith.constant 0 : i32
        %dma_start3A_77 = arith.constant 0 : i32
        %dma_start3A_78 = tpu.memref_slice %dma_start3A_75[%dma_start3A_76, %dma_start3A_77] : memref<10240x32xf32, #tpu.memory_space<hbm>> -> memref<10240x32xf32, #tpu.memory_space<hbm>>
        tpu.enqueue_indirect_dma source(%dma_start3A_78 : memref<10240x32xf32, #tpu.memory_space<hbm>>) target(%arg10 : memref<128x32xf32, #tpu.memory_space<vmem>>) offsets(%dma_start3A_71 : memref<128xi32, #tpu.memory_space<vmem>>) semaphore(%arg13 : memref<!tpu.dma_semaphore, #tpu.memory_space<semaphore_mem>>)
      } else {
      }
    }
    %scan3A_27 = arith.constant 40 : i32
    %barrier3A_28 = arith.constant 0 : index
    tpu.barrier barrier_id(%barrier3A_28)
    "tpu.region"() ({
      %run_scoped3A = tpu.sem_alloc : memref<!tpu.dma_semaphore, #tpu.memory_space<semaphore_mem>>
      %dma_start3A_30 = arith.constant 0 : i32
      %dma_start3A_31 = arith.constant 0 : i32
      %dma_start3A_32 = tpu.memref_slice %arg6[%add3A_1, %dma_start3A_30, %dma_start3A_31] : memref<2x10240x32xf32, #tpu.memory_space<hbm>> -> memref<1x10240x32xf32, #tpu.memory_space<hbm>>
      %dma_start3A_33 = tpu.memref_squeeze %dma_start3A_32 : memref<1x10240x32xf32, #tpu.memory_space<hbm>> -> memref<10240x32xf32, #tpu.memory_space<hbm>>
      %dma_start3A_34 = arith.constant 0 : i32
      %dma_start3A_35 = tpu.memref_slice %dma_start3A_33[%mul3A_0, %dma_start3A_34] : memref<10240x32xf32, #tpu.memory_space<hbm>> -> memref<640x32xf32, #tpu.memory_space<hbm>>
      %dma_start3A_36 = arith.constant 0 : i32
      %dma_start3A_37 = tpu.memref_slice %arg11[%mul3A_0, %dma_start3A_36] : memref<10240x32xf32, #tpu.memory_space<vmem_shared>> -> memref<640x32xf32, #tpu.memory_space<vmem_shared>>
      tpu.enqueue_dma source(%dma_start3A_37 : memref<640x32xf32, #tpu.memory_space<vmem_shared>>) target(%dma_start3A_35 : memref<640x32xf32, #tpu.memory_space<hbm>>) target_semaphore(%run_scoped3A : memref<!tpu.dma_semaphore, #tpu.memory_space<semaphore_mem>>)
      %dma_wait3A = arith.constant 0 : i32
      %dma_wait3A_38 = arith.constant 0 : i32
      %dma_wait3A_39 = tpu.memref_slice %arg6[%add3A_1, %dma_wait3A, %dma_wait3A_38] : memref<2x10240x32xf32, #tpu.memory_space<hbm>> -> memref<1x10240x32xf32, #tpu.memory_space<hbm>>
      %dma_wait3A_40 = tpu.memref_squeeze %dma_wait3A_39 : memref<1x10240x32xf32, #tpu.memory_space<hbm>> -> memref<10240x32xf32, #tpu.memory_space<hbm>>
      %dma_wait3A_41 = arith.constant 0 : i32
      %dma_wait3A_42 = tpu.memref_slice %dma_wait3A_40[%mul3A_0, %dma_wait3A_41] : memref<10240x32xf32, #tpu.memory_space<hbm>> -> memref<640x32xf32, #tpu.memory_space<hbm>>
      %dma_wait3A_43 = arith.constant 0 : i32
      %dma_wait3A_44 = tpu.memref_slice %arg11[%mul3A_0, %dma_wait3A_43] : memref<10240x32xf32, #tpu.memory_space<vmem_shared>> -> memref<640x32xf32, #tpu.memory_space<vmem_shared>>
      tpu.wait_dma2 semaphore(%run_scoped3A : memref<!tpu.dma_semaphore, #tpu.memory_space<semaphore_mem>>) src(%dma_wait3A_44 : memref<640x32xf32, #tpu.memory_space<vmem_shared>>) dst(%dma_wait3A_42 : memref<640x32xf32, #tpu.memory_space<hbm>>)
      tpu.yield
    }) : () -> ()
    %barrier3A_29 = arith.constant 0 : index
    tpu.barrier barrier_id(%barrier3A_29)
    return
  }
}

#map = affine_map<(d0, d1) -> (0, 0, 0)>
#map1 = affine_map<(d0, d1) -> (0, 0)>
module attributes {stable_mosaic.version = 14 : i64} {
  func.func @agg(%arg0: i32, %arg1: i32, %arg2: memref<2x10240x128xf32, #tpu.memory_space<hbm>>, %arg3: memref<10240x16xf32, #tpu.memory_space<hbm>>, %arg4: memref<16x128x80xi32, #tpu.memory_space<hbm>>, %arg5: memref<16x128x80xi32, #tpu.memory_space<hbm>>, %arg6: memref<2x10240x128xf32, #tpu.memory_space<hbm>>, %arg7: memref<128x80xi32, #tpu.memory_space<vmem>>, %arg8: memref<128x80xi32, #tpu.memory_space<vmem>>, %arg9: memref<80x128xf32, #tpu.memory_space<vmem>>, %arg10: memref<80x128xf32, #tpu.memory_space<vmem>>, %arg11: memref<10240x128xf32, #tpu.memory_space<vmem_shared>>, %arg12: memref<!tpu.dma_semaphore, #tpu.memory_space<semaphore_mem>>, %arg13: memref<!tpu.dma_semaphore, #tpu.memory_space<semaphore_mem>>) attributes {dimension_semantics = [#tpu.dimension_semantics<core_parallel>, #tpu.dimension_semantics<subcore_parallel>], iteration_bounds = array<i64: 2, 16>, scalar_prefetch = 0 : i64, scratch_operands = 7 : i64, tpu.core_type = #tpu.core_type<sc_vector_subcore>, window_params = [{transform_indices = #map}, {transform_indices = #map1}, {transform_indices = #map}, {transform_indices = #map}, {transform_indices = #map}]} {
    %mul3A = arith.constant 640 : i32
    %mul3A_0 = arith.muli %arg1, %mul3A : i32
    "tpu.region"() ({
      %run_scoped3A = tpu.sem_alloc : memref<!tpu.dma_semaphore, #tpu.memory_space<semaphore_mem>>
      %dma_start3A_30 = arith.constant 0 : i32
      %dma_start3A_31 = arith.constant 0 : i32
      %dma_start3A_32 = tpu.memref_slice %arg4[%arg1, %dma_start3A_30, %dma_start3A_31] : memref<16x128x80xi32, #tpu.memory_space<hbm>> -> memref<1x128x80xi32, #tpu.memory_space<hbm>>
      %dma_start3A_33 = tpu.memref_squeeze %dma_start3A_32 : memref<1x128x80xi32, #tpu.memory_space<hbm>> -> memref<128x80xi32, #tpu.memory_space<hbm>>
      %dma_start3A_34 = arith.constant 0 : i32
      %dma_start3A_35 = arith.constant 0 : i32
      %dma_start3A_36 = tpu.memref_slice %arg4[%arg1, %dma_start3A_34, %dma_start3A_35] : memref<16x128x80xi32, #tpu.memory_space<hbm>> -> memref<1x128x80xi32, #tpu.memory_space<hbm>>
      %dma_start3A_37 = tpu.memref_squeeze %dma_start3A_36 : memref<1x128x80xi32, #tpu.memory_space<hbm>> -> memref<128x80xi32, #tpu.memory_space<hbm>>
      tpu.enqueue_dma source(%dma_start3A_37 : memref<128x80xi32, #tpu.memory_space<hbm>>) target(%arg7 : memref<128x80xi32, #tpu.memory_space<vmem>>) target_semaphore(%run_scoped3A : memref<!tpu.dma_semaphore, #tpu.memory_space<semaphore_mem>>)
      %dma_wait3A = arith.constant 0 : i32
      %dma_wait3A_38 = arith.constant 0 : i32
      %dma_wait3A_39 = tpu.memref_slice %arg4[%arg1, %dma_wait3A, %dma_wait3A_38] : memref<16x128x80xi32, #tpu.memory_space<hbm>> -> memref<1x128x80xi32, #tpu.memory_space<hbm>>
      %dma_wait3A_40 = tpu.memref_squeeze %dma_wait3A_39 : memref<1x128x80xi32, #tpu.memory_space<hbm>> -> memref<128x80xi32, #tpu.memory_space<hbm>>
      %dma_wait3A_41 = arith.constant 0 : i32
      %dma_wait3A_42 = arith.constant 0 : i32
      %dma_wait3A_43 = tpu.memref_slice %arg4[%arg1, %dma_wait3A_41, %dma_wait3A_42] : memref<16x128x80xi32, #tpu.memory_space<hbm>> -> memref<1x128x80xi32, #tpu.memory_space<hbm>>
      %dma_wait3A_44 = tpu.memref_squeeze %dma_wait3A_43 : memref<1x128x80xi32, #tpu.memory_space<hbm>> -> memref<128x80xi32, #tpu.memory_space<hbm>>
      tpu.wait_dma2 semaphore(%run_scoped3A : memref<!tpu.dma_semaphore, #tpu.memory_space<semaphore_mem>>) src(%dma_wait3A_44 : memref<128x80xi32, #tpu.memory_space<hbm>>) dst(%arg7 : memref<128x80xi32, #tpu.memory_space<vmem>>)
      tpu.yield
    }) : () -> ()
    "tpu.region"() ({
      %run_scoped3A = tpu.sem_alloc : memref<!tpu.dma_semaphore, #tpu.memory_space<semaphore_mem>>
      %dma_start3A_30 = arith.constant 0 : i32
      %dma_start3A_31 = arith.constant 0 : i32
      %dma_start3A_32 = tpu.memref_slice %arg5[%arg1, %dma_start3A_30, %dma_start3A_31] : memref<16x128x80xi32, #tpu.memory_space<hbm>> -> memref<1x128x80xi32, #tpu.memory_space<hbm>>
      %dma_start3A_33 = tpu.memref_squeeze %dma_start3A_32 : memref<1x128x80xi32, #tpu.memory_space<hbm>> -> memref<128x80xi32, #tpu.memory_space<hbm>>
      %dma_start3A_34 = arith.constant 0 : i32
      %dma_start3A_35 = arith.constant 0 : i32
      %dma_start3A_36 = tpu.memref_slice %arg5[%arg1, %dma_start3A_34, %dma_start3A_35] : memref<16x128x80xi32, #tpu.memory_space<hbm>> -> memref<1x128x80xi32, #tpu.memory_space<hbm>>
      %dma_start3A_37 = tpu.memref_squeeze %dma_start3A_36 : memref<1x128x80xi32, #tpu.memory_space<hbm>> -> memref<128x80xi32, #tpu.memory_space<hbm>>
      tpu.enqueue_dma source(%dma_start3A_37 : memref<128x80xi32, #tpu.memory_space<hbm>>) target(%arg8 : memref<128x80xi32, #tpu.memory_space<vmem>>) target_semaphore(%run_scoped3A : memref<!tpu.dma_semaphore, #tpu.memory_space<semaphore_mem>>)
      %dma_wait3A = arith.constant 0 : i32
      %dma_wait3A_38 = arith.constant 0 : i32
      %dma_wait3A_39 = tpu.memref_slice %arg5[%arg1, %dma_wait3A, %dma_wait3A_38] : memref<16x128x80xi32, #tpu.memory_space<hbm>> -> memref<1x128x80xi32, #tpu.memory_space<hbm>>
      %dma_wait3A_40 = tpu.memref_squeeze %dma_wait3A_39 : memref<1x128x80xi32, #tpu.memory_space<hbm>> -> memref<128x80xi32, #tpu.memory_space<hbm>>
      %dma_wait3A_41 = arith.constant 0 : i32
      %dma_wait3A_42 = arith.constant 0 : i32
      %dma_wait3A_43 = tpu.memref_slice %arg5[%arg1, %dma_wait3A_41, %dma_wait3A_42] : memref<16x128x80xi32, #tpu.memory_space<hbm>> -> memref<1x128x80xi32, #tpu.memory_space<hbm>>
      %dma_wait3A_44 = tpu.memref_squeeze %dma_wait3A_43 : memref<1x128x80xi32, #tpu.memory_space<hbm>> -> memref<128x80xi32, #tpu.memory_space<hbm>>
      tpu.wait_dma2 semaphore(%run_scoped3A : memref<!tpu.dma_semaphore, #tpu.memory_space<semaphore_mem>>) src(%dma_wait3A_44 : memref<128x80xi32, #tpu.memory_space<hbm>>) dst(%arg8 : memref<128x80xi32, #tpu.memory_space<vmem>>)
      tpu.yield
    }) : () -> ()
    %add3A = arith.constant 0 : i32
    %add3A_1 = arith.addi %add3A, %arg0 : i32
    "tpu.region"() ({
      %run_scoped3A = tpu.sem_alloc : memref<!tpu.dma_semaphore, #tpu.memory_space<semaphore_mem>>
      %dma_start3A_30 = arith.constant 0 : i32
      %dma_start3A_31 = tpu.memref_slice %arg11[%mul3A_0, %dma_start3A_30] : memref<10240x128xf32, #tpu.memory_space<vmem_shared>> -> memref<640x128xf32, #tpu.memory_space<vmem_shared>>
      %dma_start3A_32 = arith.constant 0 : i32
      %dma_start3A_33 = arith.constant 0 : i32
      %dma_start3A_34 = tpu.memref_slice %arg2[%add3A_1, %dma_start3A_32, %dma_start3A_33] : memref<2x10240x128xf32, #tpu.memory_space<hbm>> -> memref<1x10240x128xf32, #tpu.memory_space<hbm>>
      %dma_start3A_35 = tpu.memref_squeeze %dma_start3A_34 : memref<1x10240x128xf32, #tpu.memory_space<hbm>> -> memref<10240x128xf32, #tpu.memory_space<hbm>>
      %dma_start3A_36 = arith.constant 0 : i32
      %dma_start3A_37 = tpu.memref_slice %dma_start3A_35[%mul3A_0, %dma_start3A_36] : memref<10240x128xf32, #tpu.memory_space<hbm>> -> memref<640x128xf32, #tpu.memory_space<hbm>>
      tpu.enqueue_dma source(%dma_start3A_37 : memref<640x128xf32, #tpu.memory_space<hbm>>) target(%dma_start3A_31 : memref<640x128xf32, #tpu.memory_space<vmem_shared>>) target_semaphore(%run_scoped3A : memref<!tpu.dma_semaphore, #tpu.memory_space<semaphore_mem>>)
      %dma_wait3A = arith.constant 0 : i32
      %dma_wait3A_38 = tpu.memref_slice %arg11[%mul3A_0, %dma_wait3A] : memref<10240x128xf32, #tpu.memory_space<vmem_shared>> -> memref<640x128xf32, #tpu.memory_space<vmem_shared>>
      %dma_wait3A_39 = arith.constant 0 : i32
      %dma_wait3A_40 = arith.constant 0 : i32
      %dma_wait3A_41 = tpu.memref_slice %arg2[%add3A_1, %dma_wait3A_39, %dma_wait3A_40] : memref<2x10240x128xf32, #tpu.memory_space<hbm>> -> memref<1x10240x128xf32, #tpu.memory_space<hbm>>
      %dma_wait3A_42 = tpu.memref_squeeze %dma_wait3A_41 : memref<1x10240x128xf32, #tpu.memory_space<hbm>> -> memref<10240x128xf32, #tpu.memory_space<hbm>>
      %dma_wait3A_43 = arith.constant 0 : i32
      %dma_wait3A_44 = tpu.memref_slice %dma_wait3A_42[%mul3A_0, %dma_wait3A_43] : memref<10240x128xf32, #tpu.memory_space<hbm>> -> memref<640x128xf32, #tpu.memory_space<hbm>>
      tpu.wait_dma2 semaphore(%run_scoped3A : memref<!tpu.dma_semaphore, #tpu.memory_space<semaphore_mem>>) src(%dma_wait3A_44 : memref<640x128xf32, #tpu.memory_space<hbm>>) dst(%dma_wait3A_38 : memref<640x128xf32, #tpu.memory_space<vmem_shared>>)
      tpu.yield
    }) : () -> ()
    %dma_start3A = arith.constant 0 : i32
    %dma_start3A_2 = arith.constant 0 : i32
    %dma_start3A_3 = tpu.memref_slice %arg7[%dma_start3A, %dma_start3A_2] : memref<128x80xi32, #tpu.memory_space<vmem>> -> memref<1x80xi32, #tpu.memory_space<vmem>>
    %dma_start3A_4 = tpu.memref_squeeze %dma_start3A_3 : memref<1x80xi32, #tpu.memory_space<vmem>> -> memref<80xi32, #tpu.memory_space<vmem>>
    %dma_start3A_5 = arith.constant 0 : i32
    %dma_start3A_6 = arith.constant 0 : i32
    %dma_start3A_7 = tpu.memref_slice %arg2[%add3A_1, %dma_start3A_5, %dma_start3A_6] : memref<2x10240x128xf32, #tpu.memory_space<hbm>> -> memref<1x10240x128xf32, #tpu.memory_space<hbm>>
    %dma_start3A_8 = tpu.memref_squeeze %dma_start3A_7 : memref<1x10240x128xf32, #tpu.memory_space<hbm>> -> memref<10240x128xf32, #tpu.memory_space<hbm>>
    %dma_start3A_9 = arith.constant 0 : i32
    %dma_start3A_10 = arith.constant 0 : i32
    %dma_start3A_11 = tpu.memref_slice %dma_start3A_8[%dma_start3A_9, %dma_start3A_10] : memref<10240x128xf32, #tpu.memory_space<hbm>> -> memref<10240x128xf32, #tpu.memory_space<hbm>>
    tpu.enqueue_indirect_dma source(%dma_start3A_11 : memref<10240x128xf32, #tpu.memory_space<hbm>>) target(%arg9 : memref<80x128xf32, #tpu.memory_space<vmem>>) offsets(%dma_start3A_4 : memref<80xi32, #tpu.memory_space<vmem>>) semaphore(%arg12 : memref<!tpu.dma_semaphore, #tpu.memory_space<semaphore_mem>>)
    %dma_start3A_12 = arith.constant 1 : i32
    %dma_start3A_13 = arith.constant 0 : i32
    %dma_start3A_14 = tpu.memref_slice %arg7[%dma_start3A_12, %dma_start3A_13] : memref<128x80xi32, #tpu.memory_space<vmem>> -> memref<1x80xi32, #tpu.memory_space<vmem>>
    %dma_start3A_15 = tpu.memref_squeeze %dma_start3A_14 : memref<1x80xi32, #tpu.memory_space<vmem>> -> memref<80xi32, #tpu.memory_space<vmem>>
    %dma_start3A_16 = arith.constant 0 : i32
    %dma_start3A_17 = arith.constant 0 : i32
    %dma_start3A_18 = tpu.memref_slice %arg2[%add3A_1, %dma_start3A_16, %dma_start3A_17] : memref<2x10240x128xf32, #tpu.memory_space<hbm>> -> memref<1x10240x128xf32, #tpu.memory_space<hbm>>
    %dma_start3A_19 = tpu.memref_squeeze %dma_start3A_18 : memref<1x10240x128xf32, #tpu.memory_space<hbm>> -> memref<10240x128xf32, #tpu.memory_space<hbm>>
    %dma_start3A_20 = arith.constant 0 : i32
    %dma_start3A_21 = arith.constant 0 : i32
    %dma_start3A_22 = tpu.memref_slice %dma_start3A_19[%dma_start3A_20, %dma_start3A_21] : memref<10240x128xf32, #tpu.memory_space<hbm>> -> memref<10240x128xf32, #tpu.memory_space<hbm>>
    tpu.enqueue_indirect_dma source(%dma_start3A_22 : memref<10240x128xf32, #tpu.memory_space<hbm>>) target(%arg10 : memref<80x128xf32, #tpu.memory_space<vmem>>) offsets(%dma_start3A_15 : memref<80xi32, #tpu.memory_space<vmem>>) semaphore(%arg13 : memref<!tpu.dma_semaphore, #tpu.memory_space<semaphore_mem>>)
    %barrier3A = arith.constant 0 : index
    tpu.barrier barrier_id(%barrier3A)
    %scan3A = arith.constant 0 : i32
    %scan3A_23 = arith.constant 0 : i32
    %scan3A_24 = arith.constant 64 : i32
    %scan3A_25 = arith.addi %scan3A_23, %scan3A_24 : i32
    %scan3A_26 = arith.constant 1 : i32
    scf.for %scan3A_30 = %scan3A_23 to %scan3A_25 step %scan3A_26  : i32 {
      %mul3A_31 = arith.constant 2 : i32
      %mul3A_32 = arith.muli %mul3A_31, %scan3A_30 : i32
      %add3A_33 = arith.constant 0 : i32
      %add3A_34 = arith.addi %mul3A_32, %add3A_33 : i32
      %dma_wait3A = arith.constant 0 : i32
      %dma_wait3A_35 = tpu.memref_slice %arg7[%add3A_34, %dma_wait3A] : memref<128x80xi32, #tpu.memory_space<vmem>> -> memref<1x80xi32, #tpu.memory_space<vmem>>
      %dma_wait3A_36 = tpu.memref_squeeze %dma_wait3A_35 : memref<1x80xi32, #tpu.memory_space<vmem>> -> memref<80xi32, #tpu.memory_space<vmem>>
      %dma_wait3A_37 = arith.constant 0 : i32
      %dma_wait3A_38 = arith.constant 0 : i32
      %dma_wait3A_39 = tpu.memref_slice %arg2[%add3A_1, %dma_wait3A_37, %dma_wait3A_38] : memref<2x10240x128xf32, #tpu.memory_space<hbm>> -> memref<1x10240x128xf32, #tpu.memory_space<hbm>>
      %dma_wait3A_40 = tpu.memref_squeeze %dma_wait3A_39 : memref<1x10240x128xf32, #tpu.memory_space<hbm>> -> memref<10240x128xf32, #tpu.memory_space<hbm>>
      %dma_wait3A_41 = arith.constant 0 : i32
      %dma_wait3A_42 = arith.constant 0 : i32
      %dma_wait3A_43 = tpu.memref_slice %dma_wait3A_40[%dma_wait3A_41, %dma_wait3A_42] : memref<10240x128xf32, #tpu.memory_space<hbm>> -> memref<10240x128xf32, #tpu.memory_space<hbm>>
      tpu.wait_indirect_dma semaphore(%arg12 : memref<!tpu.dma_semaphore, #tpu.memory_space<semaphore_mem>>) src(%dma_wait3A_43 : memref<10240x128xf32, #tpu.memory_space<hbm>>) dst(%arg9 : memref<80x128xf32, #tpu.memory_space<vmem>>)
      "tpu.region"() ({
        %run_scoped3A = tpu.sem_alloc : memref<!tpu.dma_semaphore, #tpu.memory_space<semaphore_mem>>
        %dma_start3A_67 = arith.constant 0 : i32
        %dma_start3A_68 = tpu.memref_slice %arg8[%add3A_34, %dma_start3A_67] : memref<128x80xi32, #tpu.memory_space<vmem>> -> memref<1x80xi32, #tpu.memory_space<vmem>>
        %dma_start3A_69 = tpu.memref_squeeze %dma_start3A_68 : memref<1x80xi32, #tpu.memory_space<vmem>> -> memref<80xi32, #tpu.memory_space<vmem>>
        %dma_start3A_70 = arith.constant 0 : i32
        %dma_start3A_71 = arith.constant 0 : i32
        %dma_start3A_72 = tpu.memref_slice %arg11[%dma_start3A_70, %dma_start3A_71] : memref<10240x128xf32, #tpu.memory_space<vmem_shared>> -> memref<10240x128xf32, #tpu.memory_space<vmem_shared>>
        tpu.enqueue_indirect_dma source(%arg9 : memref<80x128xf32, #tpu.memory_space<vmem>>) target(%dma_start3A_72 : memref<10240x128xf32, #tpu.memory_space<vmem_shared>>) offsets(%dma_start3A_69 : memref<80xi32, #tpu.memory_space<vmem>>) semaphore(%run_scoped3A : memref<!tpu.dma_semaphore, #tpu.memory_space<semaphore_mem>>) {add = true}
        %dma_wait3A_73 = arith.constant 0 : i32
        %dma_wait3A_74 = tpu.memref_slice %arg8[%add3A_34, %dma_wait3A_73] : memref<128x80xi32, #tpu.memory_space<vmem>> -> memref<1x80xi32, #tpu.memory_space<vmem>>
        %dma_wait3A_75 = tpu.memref_squeeze %dma_wait3A_74 : memref<1x80xi32, #tpu.memory_space<vmem>> -> memref<80xi32, #tpu.memory_space<vmem>>
        %dma_wait3A_76 = arith.constant 0 : i32
        %dma_wait3A_77 = arith.constant 0 : i32
        %dma_wait3A_78 = tpu.memref_slice %arg11[%dma_wait3A_76, %dma_wait3A_77] : memref<10240x128xf32, #tpu.memory_space<vmem_shared>> -> memref<10240x128xf32, #tpu.memory_space<vmem_shared>>
        tpu.wait_indirect_dma semaphore(%run_scoped3A : memref<!tpu.dma_semaphore, #tpu.memory_space<semaphore_mem>>) src(%arg9 : memref<80x128xf32, #tpu.memory_space<vmem>>) dst(%dma_wait3A_78 : memref<10240x128xf32, #tpu.memory_space<vmem_shared>>)
        tpu.yield
      }) : () -> ()
      %add3A_44 = arith.constant 2 : i32
      %add3A_45 = arith.addi %add3A_34, %add3A_44 : i32
      %lt3A = arith.constant 128 : i32
      %lt3A_46 = arith.cmpi slt, %add3A_45, %lt3A : i32
      %convert_element_type3A = arith.extui %lt3A_46 : i1 to i32
      %cond3A = arith.constant 0 : i32
      %cond3A_47 = arith.cmpi ne, %convert_element_type3A, %cond3A : i32
      scf.if %cond3A_47 {
        %add3A_67 = arith.constant 2 : i32
        %add3A_68 = arith.addi %add3A_34, %add3A_67 : i32
        %dma_start3A_69 = arith.constant 0 : i32
        %dma_start3A_70 = tpu.memref_slice %arg7[%add3A_68, %dma_start3A_69] : memref<128x80xi32, #tpu.memory_space<vmem>> -> memref<1x80xi32, #tpu.memory_space<vmem>>
        %dma_start3A_71 = tpu.memref_squeeze %dma_start3A_70 : memref<1x80xi32, #tpu.memory_space<vmem>> -> memref<80xi32, #tpu.memory_space<vmem>>
        %dma_start3A_72 = arith.constant 0 : i32
        %dma_start3A_73 = arith.constant 0 : i32
        %dma_start3A_74 = tpu.memref_slice %arg2[%add3A_1, %dma_start3A_72, %dma_start3A_73] : memref<2x10240x128xf32, #tpu.memory_space<hbm>> -> memref<1x10240x128xf32, #tpu.memory_space<hbm>>
        %dma_start3A_75 = tpu.memref_squeeze %dma_start3A_74 : memref<1x10240x128xf32, #tpu.memory_space<hbm>> -> memref<10240x128xf32, #tpu.memory_space<hbm>>
        %dma_start3A_76 = arith.constant 0 : i32
        %dma_start3A_77 = arith.constant 0 : i32
        %dma_start3A_78 = tpu.memref_slice %dma_start3A_75[%dma_start3A_76, %dma_start3A_77] : memref<10240x128xf32, #tpu.memory_space<hbm>> -> memref<10240x128xf32, #tpu.memory_space<hbm>>
        tpu.enqueue_indirect_dma source(%dma_start3A_78 : memref<10240x128xf32, #tpu.memory_space<hbm>>) target(%arg9 : memref<80x128xf32, #tpu.memory_space<vmem>>) offsets(%dma_start3A_71 : memref<80xi32, #tpu.memory_space<vmem>>) semaphore(%arg12 : memref<!tpu.dma_semaphore, #tpu.memory_space<semaphore_mem>>)
      } else {
      }
      %add3A_48 = arith.constant 1 : i32
      %add3A_49 = arith.addi %mul3A_32, %add3A_48 : i32
      %dma_wait3A_50 = arith.constant 0 : i32
      %dma_wait3A_51 = tpu.memref_slice %arg7[%add3A_49, %dma_wait3A_50] : memref<128x80xi32, #tpu.memory_space<vmem>> -> memref<1x80xi32, #tpu.memory_space<vmem>>
      %dma_wait3A_52 = tpu.memref_squeeze %dma_wait3A_51 : memref<1x80xi32, #tpu.memory_space<vmem>> -> memref<80xi32, #tpu.memory_space<vmem>>
      %dma_wait3A_53 = arith.constant 0 : i32
      %dma_wait3A_54 = arith.constant 0 : i32
      %dma_wait3A_55 = tpu.memref_slice %arg2[%add3A_1, %dma_wait3A_53, %dma_wait3A_54] : memref<2x10240x128xf32, #tpu.memory_space<hbm>> -> memref<1x10240x128xf32, #tpu.memory_space<hbm>>
      %dma_wait3A_56 = tpu.memref_squeeze %dma_wait3A_55 : memref<1x10240x128xf32, #tpu.memory_space<hbm>> -> memref<10240x128xf32, #tpu.memory_space<hbm>>
      %dma_wait3A_57 = arith.constant 0 : i32
      %dma_wait3A_58 = arith.constant 0 : i32
      %dma_wait3A_59 = tpu.memref_slice %dma_wait3A_56[%dma_wait3A_57, %dma_wait3A_58] : memref<10240x128xf32, #tpu.memory_space<hbm>> -> memref<10240x128xf32, #tpu.memory_space<hbm>>
      tpu.wait_indirect_dma semaphore(%arg13 : memref<!tpu.dma_semaphore, #tpu.memory_space<semaphore_mem>>) src(%dma_wait3A_59 : memref<10240x128xf32, #tpu.memory_space<hbm>>) dst(%arg10 : memref<80x128xf32, #tpu.memory_space<vmem>>)
      "tpu.region"() ({
        %run_scoped3A = tpu.sem_alloc : memref<!tpu.dma_semaphore, #tpu.memory_space<semaphore_mem>>
        %dma_start3A_67 = arith.constant 0 : i32
        %dma_start3A_68 = tpu.memref_slice %arg8[%add3A_49, %dma_start3A_67] : memref<128x80xi32, #tpu.memory_space<vmem>> -> memref<1x80xi32, #tpu.memory_space<vmem>>
        %dma_start3A_69 = tpu.memref_squeeze %dma_start3A_68 : memref<1x80xi32, #tpu.memory_space<vmem>> -> memref<80xi32, #tpu.memory_space<vmem>>
        %dma_start3A_70 = arith.constant 0 : i32
        %dma_start3A_71 = arith.constant 0 : i32
        %dma_start3A_72 = tpu.memref_slice %arg11[%dma_start3A_70, %dma_start3A_71] : memref<10240x128xf32, #tpu.memory_space<vmem_shared>> -> memref<10240x128xf32, #tpu.memory_space<vmem_shared>>
        tpu.enqueue_indirect_dma source(%arg10 : memref<80x128xf32, #tpu.memory_space<vmem>>) target(%dma_start3A_72 : memref<10240x128xf32, #tpu.memory_space<vmem_shared>>) offsets(%dma_start3A_69 : memref<80xi32, #tpu.memory_space<vmem>>) semaphore(%run_scoped3A : memref<!tpu.dma_semaphore, #tpu.memory_space<semaphore_mem>>) {add = true}
        %dma_wait3A_73 = arith.constant 0 : i32
        %dma_wait3A_74 = tpu.memref_slice %arg8[%add3A_49, %dma_wait3A_73] : memref<128x80xi32, #tpu.memory_space<vmem>> -> memref<1x80xi32, #tpu.memory_space<vmem>>
        %dma_wait3A_75 = tpu.memref_squeeze %dma_wait3A_74 : memref<1x80xi32, #tpu.memory_space<vmem>> -> memref<80xi32, #tpu.memory_space<vmem>>
        %dma_wait3A_76 = arith.constant 0 : i32
        %dma_wait3A_77 = arith.constant 0 : i32
        %dma_wait3A_78 = tpu.memref_slice %arg11[%dma_wait3A_76, %dma_wait3A_77] : memref<10240x128xf32, #tpu.memory_space<vmem_shared>> -> memref<10240x128xf32, #tpu.memory_space<vmem_shared>>
        tpu.wait_indirect_dma semaphore(%run_scoped3A : memref<!tpu.dma_semaphore, #tpu.memory_space<semaphore_mem>>) src(%arg10 : memref<80x128xf32, #tpu.memory_space<vmem>>) dst(%dma_wait3A_78 : memref<10240x128xf32, #tpu.memory_space<vmem_shared>>)
        tpu.yield
      }) : () -> ()
      %add3A_60 = arith.constant 2 : i32
      %add3A_61 = arith.addi %add3A_49, %add3A_60 : i32
      %lt3A_62 = arith.constant 128 : i32
      %lt3A_63 = arith.cmpi slt, %add3A_61, %lt3A_62 : i32
      %convert_element_type3A_64 = arith.extui %lt3A_63 : i1 to i32
      %cond3A_65 = arith.constant 0 : i32
      %cond3A_66 = arith.cmpi ne, %convert_element_type3A_64, %cond3A_65 : i32
      scf.if %cond3A_66 {
        %add3A_67 = arith.constant 2 : i32
        %add3A_68 = arith.addi %add3A_49, %add3A_67 : i32
        %dma_start3A_69 = arith.constant 0 : i32
        %dma_start3A_70 = tpu.memref_slice %arg7[%add3A_68, %dma_start3A_69] : memref<128x80xi32, #tpu.memory_space<vmem>> -> memref<1x80xi32, #tpu.memory_space<vmem>>
        %dma_start3A_71 = tpu.memref_squeeze %dma_start3A_70 : memref<1x80xi32, #tpu.memory_space<vmem>> -> memref<80xi32, #tpu.memory_space<vmem>>
        %dma_start3A_72 = arith.constant 0 : i32
        %dma_start3A_73 = arith.constant 0 : i32
        %dma_start3A_74 = tpu.memref_slice %arg2[%add3A_1, %dma_start3A_72, %dma_start3A_73] : memref<2x10240x128xf32, #tpu.memory_space<hbm>> -> memref<1x10240x128xf32, #tpu.memory_space<hbm>>
        %dma_start3A_75 = tpu.memref_squeeze %dma_start3A_74 : memref<1x10240x128xf32, #tpu.memory_space<hbm>> -> memref<10240x128xf32, #tpu.memory_space<hbm>>
        %dma_start3A_76 = arith.constant 0 : i32
        %dma_start3A_77 = arith.constant 0 : i32
        %dma_start3A_78 = tpu.memref_slice %dma_start3A_75[%dma_start3A_76, %dma_start3A_77] : memref<10240x128xf32, #tpu.memory_space<hbm>> -> memref<10240x128xf32, #tpu.memory_space<hbm>>
        tpu.enqueue_indirect_dma source(%dma_start3A_78 : memref<10240x128xf32, #tpu.memory_space<hbm>>) target(%arg10 : memref<80x128xf32, #tpu.memory_space<vmem>>) offsets(%dma_start3A_71 : memref<80xi32, #tpu.memory_space<vmem>>) semaphore(%arg13 : memref<!tpu.dma_semaphore, #tpu.memory_space<semaphore_mem>>)
      } else {
      }
    }
    %scan3A_27 = arith.constant 64 : i32
    %barrier3A_28 = arith.constant 0 : index
    tpu.barrier barrier_id(%barrier3A_28)
    "tpu.region"() ({
      %run_scoped3A = tpu.sem_alloc : memref<!tpu.dma_semaphore, #tpu.memory_space<semaphore_mem>>
      %dma_start3A_30 = arith.constant 0 : i32
      %dma_start3A_31 = arith.constant 0 : i32
      %dma_start3A_32 = tpu.memref_slice %arg6[%add3A_1, %dma_start3A_30, %dma_start3A_31] : memref<2x10240x128xf32, #tpu.memory_space<hbm>> -> memref<1x10240x128xf32, #tpu.memory_space<hbm>>
      %dma_start3A_33 = tpu.memref_squeeze %dma_start3A_32 : memref<1x10240x128xf32, #tpu.memory_space<hbm>> -> memref<10240x128xf32, #tpu.memory_space<hbm>>
      %dma_start3A_34 = arith.constant 0 : i32
      %dma_start3A_35 = tpu.memref_slice %dma_start3A_33[%mul3A_0, %dma_start3A_34] : memref<10240x128xf32, #tpu.memory_space<hbm>> -> memref<640x128xf32, #tpu.memory_space<hbm>>
      %dma_start3A_36 = arith.constant 0 : i32
      %dma_start3A_37 = tpu.memref_slice %arg11[%mul3A_0, %dma_start3A_36] : memref<10240x128xf32, #tpu.memory_space<vmem_shared>> -> memref<640x128xf32, #tpu.memory_space<vmem_shared>>
      tpu.enqueue_dma source(%dma_start3A_37 : memref<640x128xf32, #tpu.memory_space<vmem_shared>>) target(%dma_start3A_35 : memref<640x128xf32, #tpu.memory_space<hbm>>) target_semaphore(%run_scoped3A : memref<!tpu.dma_semaphore, #tpu.memory_space<semaphore_mem>>)
      %dma_wait3A = arith.constant 0 : i32
      %dma_wait3A_38 = arith.constant 0 : i32
      %dma_wait3A_39 = tpu.memref_slice %arg6[%add3A_1, %dma_wait3A, %dma_wait3A_38] : memref<2x10240x128xf32, #tpu.memory_space<hbm>> -> memref<1x10240x128xf32, #tpu.memory_space<hbm>>
      %dma_wait3A_40 = tpu.memref_squeeze %dma_wait3A_39 : memref<1x10240x128xf32, #tpu.memory_space<hbm>> -> memref<10240x128xf32, #tpu.memory_space<hbm>>
      %dma_wait3A_41 = arith.constant 0 : i32
      %dma_wait3A_42 = tpu.memref_slice %dma_wait3A_40[%mul3A_0, %dma_wait3A_41] : memref<10240x128xf32, #tpu.memory_space<hbm>> -> memref<640x128xf32, #tpu.memory_space<hbm>>
      %dma_wait3A_43 = arith.constant 0 : i32
      %dma_wait3A_44 = tpu.memref_slice %arg11[%mul3A_0, %dma_wait3A_43] : memref<10240x128xf32, #tpu.memory_space<vmem_shared>> -> memref<640x128xf32, #tpu.memory_space<vmem_shared>>
      tpu.wait_dma2 semaphore(%run_scoped3A : memref<!tpu.dma_semaphore, #tpu.memory_space<semaphore_mem>>) src(%dma_wait3A_44 : memref<640x128xf32, #tpu.memory_space<vmem_shared>>) dst(%dma_wait3A_42 : memref<640x128xf32, #tpu.memory_space<hbm>>)
      tpu.yield
    }) : () -> ()
    %barrier3A_29 = arith.constant 0 : index
    tpu.barrier barrier_id(%barrier3A_29)
    return
  }
}

#map = affine_map<(d0, d1) -> (0, 0, 0)>
#map1 = affine_map<(d0, d1) -> (0, 0)>
module attributes {stable_mosaic.version = 14 : i64} {
  func.func @agg(%arg0: i32, %arg1: i32, %arg2: memref<4x10240x128xf32, #tpu.memory_space<hbm>>, %arg3: memref<10240x16xf32, #tpu.memory_space<hbm>>, %arg4: memref<16x128x80xi32, #tpu.memory_space<hbm>>, %arg5: memref<16x128x80xi32, #tpu.memory_space<hbm>>, %arg6: memref<4x10240x128xf32, #tpu.memory_space<hbm>>, %arg7: memref<128x80xi32, #tpu.memory_space<vmem>>, %arg8: memref<128x80xi32, #tpu.memory_space<vmem>>, %arg9: memref<80x128xf32, #tpu.memory_space<vmem>>, %arg10: memref<80x128xf32, #tpu.memory_space<vmem>>, %arg11: memref<10240x128xf32, #tpu.memory_space<vmem_shared>>, %arg12: memref<!tpu.dma_semaphore, #tpu.memory_space<semaphore_mem>>, %arg13: memref<!tpu.dma_semaphore, #tpu.memory_space<semaphore_mem>>) attributes {dimension_semantics = [#tpu.dimension_semantics<core_parallel>, #tpu.dimension_semantics<subcore_parallel>], iteration_bounds = array<i64: 2, 16>, scalar_prefetch = 0 : i64, scratch_operands = 7 : i64, tpu.core_type = #tpu.core_type<sc_vector_subcore>, window_params = [{transform_indices = #map}, {transform_indices = #map1}, {transform_indices = #map}, {transform_indices = #map}, {transform_indices = #map}]} {
    %mul3A = arith.constant 640 : i32
    %mul3A_0 = arith.muli %arg1, %mul3A : i32
    "tpu.region"() ({
      %run_scoped3A = tpu.sem_alloc : memref<!tpu.dma_semaphore, #tpu.memory_space<semaphore_mem>>
      %dma_start3A_63 = arith.constant 0 : i32
      %dma_start3A_64 = arith.constant 0 : i32
      %dma_start3A_65 = tpu.memref_slice %arg4[%arg1, %dma_start3A_63, %dma_start3A_64] : memref<16x128x80xi32, #tpu.memory_space<hbm>> -> memref<1x128x80xi32, #tpu.memory_space<hbm>>
      %dma_start3A_66 = tpu.memref_squeeze %dma_start3A_65 : memref<1x128x80xi32, #tpu.memory_space<hbm>> -> memref<128x80xi32, #tpu.memory_space<hbm>>
      %dma_start3A_67 = arith.constant 0 : i32
      %dma_start3A_68 = arith.constant 0 : i32
      %dma_start3A_69 = tpu.memref_slice %arg4[%arg1, %dma_start3A_67, %dma_start3A_68] : memref<16x128x80xi32, #tpu.memory_space<hbm>> -> memref<1x128x80xi32, #tpu.memory_space<hbm>>
      %dma_start3A_70 = tpu.memref_squeeze %dma_start3A_69 : memref<1x128x80xi32, #tpu.memory_space<hbm>> -> memref<128x80xi32, #tpu.memory_space<hbm>>
      tpu.enqueue_dma source(%dma_start3A_70 : memref<128x80xi32, #tpu.memory_space<hbm>>) target(%arg7 : memref<128x80xi32, #tpu.memory_space<vmem>>) target_semaphore(%run_scoped3A : memref<!tpu.dma_semaphore, #tpu.memory_space<semaphore_mem>>)
      %dma_wait3A = arith.constant 0 : i32
      %dma_wait3A_71 = arith.constant 0 : i32
      %dma_wait3A_72 = tpu.memref_slice %arg4[%arg1, %dma_wait3A, %dma_wait3A_71] : memref<16x128x80xi32, #tpu.memory_space<hbm>> -> memref<1x128x80xi32, #tpu.memory_space<hbm>>
      %dma_wait3A_73 = tpu.memref_squeeze %dma_wait3A_72 : memref<1x128x80xi32, #tpu.memory_space<hbm>> -> memref<128x80xi32, #tpu.memory_space<hbm>>
      %dma_wait3A_74 = arith.constant 0 : i32
      %dma_wait3A_75 = arith.constant 0 : i32
      %dma_wait3A_76 = tpu.memref_slice %arg4[%arg1, %dma_wait3A_74, %dma_wait3A_75] : memref<16x128x80xi32, #tpu.memory_space<hbm>> -> memref<1x128x80xi32, #tpu.memory_space<hbm>>
      %dma_wait3A_77 = tpu.memref_squeeze %dma_wait3A_76 : memref<1x128x80xi32, #tpu.memory_space<hbm>> -> memref<128x80xi32, #tpu.memory_space<hbm>>
      tpu.wait_dma2 semaphore(%run_scoped3A : memref<!tpu.dma_semaphore, #tpu.memory_space<semaphore_mem>>) src(%dma_wait3A_77 : memref<128x80xi32, #tpu.memory_space<hbm>>) dst(%arg7 : memref<128x80xi32, #tpu.memory_space<vmem>>)
      tpu.yield
    }) : () -> ()
    "tpu.region"() ({
      %run_scoped3A = tpu.sem_alloc : memref<!tpu.dma_semaphore, #tpu.memory_space<semaphore_mem>>
      %dma_start3A_63 = arith.constant 0 : i32
      %dma_start3A_64 = arith.constant 0 : i32
      %dma_start3A_65 = tpu.memref_slice %arg5[%arg1, %dma_start3A_63, %dma_start3A_64] : memref<16x128x80xi32, #tpu.memory_space<hbm>> -> memref<1x128x80xi32, #tpu.memory_space<hbm>>
      %dma_start3A_66 = tpu.memref_squeeze %dma_start3A_65 : memref<1x128x80xi32, #tpu.memory_space<hbm>> -> memref<128x80xi32, #tpu.memory_space<hbm>>
      %dma_start3A_67 = arith.constant 0 : i32
      %dma_start3A_68 = arith.constant 0 : i32
      %dma_start3A_69 = tpu.memref_slice %arg5[%arg1, %dma_start3A_67, %dma_start3A_68] : memref<16x128x80xi32, #tpu.memory_space<hbm>> -> memref<1x128x80xi32, #tpu.memory_space<hbm>>
      %dma_start3A_70 = tpu.memref_squeeze %dma_start3A_69 : memref<1x128x80xi32, #tpu.memory_space<hbm>> -> memref<128x80xi32, #tpu.memory_space<hbm>>
      tpu.enqueue_dma source(%dma_start3A_70 : memref<128x80xi32, #tpu.memory_space<hbm>>) target(%arg8 : memref<128x80xi32, #tpu.memory_space<vmem>>) target_semaphore(%run_scoped3A : memref<!tpu.dma_semaphore, #tpu.memory_space<semaphore_mem>>)
      %dma_wait3A = arith.constant 0 : i32
      %dma_wait3A_71 = arith.constant 0 : i32
      %dma_wait3A_72 = tpu.memref_slice %arg5[%arg1, %dma_wait3A, %dma_wait3A_71] : memref<16x128x80xi32, #tpu.memory_space<hbm>> -> memref<1x128x80xi32, #tpu.memory_space<hbm>>
      %dma_wait3A_73 = tpu.memref_squeeze %dma_wait3A_72 : memref<1x128x80xi32, #tpu.memory_space<hbm>> -> memref<128x80xi32, #tpu.memory_space<hbm>>
      %dma_wait3A_74 = arith.constant 0 : i32
      %dma_wait3A_75 = arith.constant 0 : i32
      %dma_wait3A_76 = tpu.memref_slice %arg5[%arg1, %dma_wait3A_74, %dma_wait3A_75] : memref<16x128x80xi32, #tpu.memory_space<hbm>> -> memref<1x128x80xi32, #tpu.memory_space<hbm>>
      %dma_wait3A_77 = tpu.memref_squeeze %dma_wait3A_76 : memref<1x128x80xi32, #tpu.memory_space<hbm>> -> memref<128x80xi32, #tpu.memory_space<hbm>>
      tpu.wait_dma2 semaphore(%run_scoped3A : memref<!tpu.dma_semaphore, #tpu.memory_space<semaphore_mem>>) src(%dma_wait3A_77 : memref<128x80xi32, #tpu.memory_space<hbm>>) dst(%arg8 : memref<128x80xi32, #tpu.memory_space<vmem>>)
      tpu.yield
    }) : () -> ()
    %add3A = arith.constant 0 : i32
    %add3A_1 = arith.addi %add3A, %arg0 : i32
    "tpu.region"() ({
      %run_scoped3A = tpu.sem_alloc : memref<!tpu.dma_semaphore, #tpu.memory_space<semaphore_mem>>
      %dma_start3A_63 = arith.constant 0 : i32
      %dma_start3A_64 = tpu.memref_slice %arg11[%mul3A_0, %dma_start3A_63] : memref<10240x128xf32, #tpu.memory_space<vmem_shared>> -> memref<640x128xf32, #tpu.memory_space<vmem_shared>>
      %dma_start3A_65 = arith.constant 0 : i32
      %dma_start3A_66 = arith.constant 0 : i32
      %dma_start3A_67 = tpu.memref_slice %arg2[%add3A_1, %dma_start3A_65, %dma_start3A_66] : memref<4x10240x128xf32, #tpu.memory_space<hbm>> -> memref<1x10240x128xf32, #tpu.memory_space<hbm>>
      %dma_start3A_68 = tpu.memref_squeeze %dma_start3A_67 : memref<1x10240x128xf32, #tpu.memory_space<hbm>> -> memref<10240x128xf32, #tpu.memory_space<hbm>>
      %dma_start3A_69 = arith.constant 0 : i32
      %dma_start3A_70 = tpu.memref_slice %dma_start3A_68[%mul3A_0, %dma_start3A_69] : memref<10240x128xf32, #tpu.memory_space<hbm>> -> memref<640x128xf32, #tpu.memory_space<hbm>>
      tpu.enqueue_dma source(%dma_start3A_70 : memref<640x128xf32, #tpu.memory_space<hbm>>) target(%dma_start3A_64 : memref<640x128xf32, #tpu.memory_space<vmem_shared>>) target_semaphore(%run_scoped3A : memref<!tpu.dma_semaphore, #tpu.memory_space<semaphore_mem>>)
      %dma_wait3A = arith.constant 0 : i32
      %dma_wait3A_71 = tpu.memref_slice %arg11[%mul3A_0, %dma_wait3A] : memref<10240x128xf32, #tpu.memory_space<vmem_shared>> -> memref<640x128xf32, #tpu.memory_space<vmem_shared>>
      %dma_wait3A_72 = arith.constant 0 : i32
      %dma_wait3A_73 = arith.constant 0 : i32
      %dma_wait3A_74 = tpu.memref_slice %arg2[%add3A_1, %dma_wait3A_72, %dma_wait3A_73] : memref<4x10240x128xf32, #tpu.memory_space<hbm>> -> memref<1x10240x128xf32, #tpu.memory_space<hbm>>
      %dma_wait3A_75 = tpu.memref_squeeze %dma_wait3A_74 : memref<1x10240x128xf32, #tpu.memory_space<hbm>> -> memref<10240x128xf32, #tpu.memory_space<hbm>>
      %dma_wait3A_76 = arith.constant 0 : i32
      %dma_wait3A_77 = tpu.memref_slice %dma_wait3A_75[%mul3A_0, %dma_wait3A_76] : memref<10240x128xf32, #tpu.memory_space<hbm>> -> memref<640x128xf32, #tpu.memory_space<hbm>>
      tpu.wait_dma2 semaphore(%run_scoped3A : memref<!tpu.dma_semaphore, #tpu.memory_space<semaphore_mem>>) src(%dma_wait3A_77 : memref<640x128xf32, #tpu.memory_space<hbm>>) dst(%dma_wait3A_71 : memref<640x128xf32, #tpu.memory_space<vmem_shared>>)
      tpu.yield
    }) : () -> ()
    %dma_start3A = arith.constant 0 : i32
    %dma_start3A_2 = arith.constant 0 : i32
    %dma_start3A_3 = tpu.memref_slice %arg7[%dma_start3A, %dma_start3A_2] : memref<128x80xi32, #tpu.memory_space<vmem>> -> memref<1x80xi32, #tpu.memory_space<vmem>>
    %dma_start3A_4 = tpu.memref_squeeze %dma_start3A_3 : memref<1x80xi32, #tpu.memory_space<vmem>> -> memref<80xi32, #tpu.memory_space<vmem>>
    %dma_start3A_5 = arith.constant 0 : i32
    %dma_start3A_6 = arith.constant 0 : i32
    %dma_start3A_7 = tpu.memref_slice %arg2[%add3A_1, %dma_start3A_5, %dma_start3A_6] : memref<4x10240x128xf32, #tpu.memory_space<hbm>> -> memref<1x10240x128xf32, #tpu.memory_space<hbm>>
    %dma_start3A_8 = tpu.memref_squeeze %dma_start3A_7 : memref<1x10240x128xf32, #tpu.memory_space<hbm>> -> memref<10240x128xf32, #tpu.memory_space<hbm>>
    %dma_start3A_9 = arith.constant 0 : i32
    %dma_start3A_10 = arith.constant 0 : i32
    %dma_start3A_11 = tpu.memref_slice %dma_start3A_8[%dma_start3A_9, %dma_start3A_10] : memref<10240x128xf32, #tpu.memory_space<hbm>> -> memref<10240x128xf32, #tpu.memory_space<hbm>>
    tpu.enqueue_indirect_dma source(%dma_start3A_11 : memref<10240x128xf32, #tpu.memory_space<hbm>>) target(%arg9 : memref<80x128xf32, #tpu.memory_space<vmem>>) offsets(%dma_start3A_4 : memref<80xi32, #tpu.memory_space<vmem>>) semaphore(%arg12 : memref<!tpu.dma_semaphore, #tpu.memory_space<semaphore_mem>>)
    %dma_start3A_12 = arith.constant 1 : i32
    %dma_start3A_13 = arith.constant 0 : i32
    %dma_start3A_14 = tpu.memref_slice %arg7[%dma_start3A_12, %dma_start3A_13] : memref<128x80xi32, #tpu.memory_space<vmem>> -> memref<1x80xi32, #tpu.memory_space<vmem>>
    %dma_start3A_15 = tpu.memref_squeeze %dma_start3A_14 : memref<1x80xi32, #tpu.memory_space<vmem>> -> memref<80xi32, #tpu.memory_space<vmem>>
    %dma_start3A_16 = arith.constant 0 : i32
    %dma_start3A_17 = arith.constant 0 : i32
    %dma_start3A_18 = tpu.memref_slice %arg2[%add3A_1, %dma_start3A_16, %dma_start3A_17] : memref<4x10240x128xf32, #tpu.memory_space<hbm>> -> memref<1x10240x128xf32, #tpu.memory_space<hbm>>
    %dma_start3A_19 = tpu.memref_squeeze %dma_start3A_18 : memref<1x10240x128xf32, #tpu.memory_space<hbm>> -> memref<10240x128xf32, #tpu.memory_space<hbm>>
    %dma_start3A_20 = arith.constant 0 : i32
    %dma_start3A_21 = arith.constant 0 : i32
    %dma_start3A_22 = tpu.memref_slice %dma_start3A_19[%dma_start3A_20, %dma_start3A_21] : memref<10240x128xf32, #tpu.memory_space<hbm>> -> memref<10240x128xf32, #tpu.memory_space<hbm>>
    tpu.enqueue_indirect_dma source(%dma_start3A_22 : memref<10240x128xf32, #tpu.memory_space<hbm>>) target(%arg10 : memref<80x128xf32, #tpu.memory_space<vmem>>) offsets(%dma_start3A_15 : memref<80xi32, #tpu.memory_space<vmem>>) semaphore(%arg13 : memref<!tpu.dma_semaphore, #tpu.memory_space<semaphore_mem>>)
    %barrier3A = arith.constant 0 : index
    tpu.barrier barrier_id(%barrier3A)
    %scan3A = arith.constant 0 : i32
    %scan3A_23 = arith.constant 0 : i32
    %scan3A_24 = arith.constant 64 : i32
    %scan3A_25 = arith.addi %scan3A_23, %scan3A_24 : i32
    %scan3A_26 = arith.constant 1 : i32
    scf.for %scan3A_63 = %scan3A_23 to %scan3A_25 step %scan3A_26  : i32 {
      %mul3A_64 = arith.constant 2 : i32
      %mul3A_65 = arith.muli %mul3A_64, %scan3A_63 : i32
      %add3A_66 = arith.constant 0 : i32
      %add3A_67 = arith.addi %mul3A_65, %add3A_66 : i32
      %dma_wait3A = arith.constant 0 : i32
      %dma_wait3A_68 = tpu.memref_slice %arg7[%add3A_67, %dma_wait3A] : memref<128x80xi32, #tpu.memory_space<vmem>> -> memref<1x80xi32, #tpu.memory_space<vmem>>
      %dma_wait3A_69 = tpu.memref_squeeze %dma_wait3A_68 : memref<1x80xi32, #tpu.memory_space<vmem>> -> memref<80xi32, #tpu.memory_space<vmem>>
      %dma_wait3A_70 = arith.constant 0 : i32
      %dma_wait3A_71 = arith.constant 0 : i32
      %dma_wait3A_72 = tpu.memref_slice %arg2[%add3A_1, %dma_wait3A_70, %dma_wait3A_71] : memref<4x10240x128xf32, #tpu.memory_space<hbm>> -> memref<1x10240x128xf32, #tpu.memory_space<hbm>>
      %dma_wait3A_73 = tpu.memref_squeeze %dma_wait3A_72 : memref<1x10240x128xf32, #tpu.memory_space<hbm>> -> memref<10240x128xf32, #tpu.memory_space<hbm>>
      %dma_wait3A_74 = arith.constant 0 : i32
      %dma_wait3A_75 = arith.constant 0 : i32
      %dma_wait3A_76 = tpu.memref_slice %dma_wait3A_73[%dma_wait3A_74, %dma_wait3A_75] : memref<10240x128xf32, #tpu.memory_space<hbm>> -> memref<10240x128xf32, #tpu.memory_space<hbm>>
      tpu.wait_indirect_dma semaphore(%arg12 : memref<!tpu.dma_semaphore, #tpu.memory_space<semaphore_mem>>) src(%dma_wait3A_76 : memref<10240x128xf32, #tpu.memory_space<hbm>>) dst(%arg9 : memref<80x128xf32, #tpu.memory_space<vmem>>)
      "tpu.region"() ({
        %run_scoped3A = tpu.sem_alloc : memref<!tpu.dma_semaphore, #tpu.memory_space<semaphore_mem>>
        %dma_start3A_100 = arith.constant 0 : i32
        %dma_start3A_101 = tpu.memref_slice %arg8[%add3A_67, %dma_start3A_100] : memref<128x80xi32, #tpu.memory_space<vmem>> -> memref<1x80xi32, #tpu.memory_space<vmem>>
        %dma_start3A_102 = tpu.memref_squeeze %dma_start3A_101 : memref<1x80xi32, #tpu.memory_space<vmem>> -> memref<80xi32, #tpu.memory_space<vmem>>
        %dma_start3A_103 = arith.constant 0 : i32
        %dma_start3A_104 = arith.constant 0 : i32
        %dma_start3A_105 = tpu.memref_slice %arg11[%dma_start3A_103, %dma_start3A_104] : memref<10240x128xf32, #tpu.memory_space<vmem_shared>> -> memref<10240x128xf32, #tpu.memory_space<vmem_shared>>
        tpu.enqueue_indirect_dma source(%arg9 : memref<80x128xf32, #tpu.memory_space<vmem>>) target(%dma_start3A_105 : memref<10240x128xf32, #tpu.memory_space<vmem_shared>>) offsets(%dma_start3A_102 : memref<80xi32, #tpu.memory_space<vmem>>) semaphore(%run_scoped3A : memref<!tpu.dma_semaphore, #tpu.memory_space<semaphore_mem>>) {add = true}
        %dma_wait3A_106 = arith.constant 0 : i32
        %dma_wait3A_107 = tpu.memref_slice %arg8[%add3A_67, %dma_wait3A_106] : memref<128x80xi32, #tpu.memory_space<vmem>> -> memref<1x80xi32, #tpu.memory_space<vmem>>
        %dma_wait3A_108 = tpu.memref_squeeze %dma_wait3A_107 : memref<1x80xi32, #tpu.memory_space<vmem>> -> memref<80xi32, #tpu.memory_space<vmem>>
        %dma_wait3A_109 = arith.constant 0 : i32
        %dma_wait3A_110 = arith.constant 0 : i32
        %dma_wait3A_111 = tpu.memref_slice %arg11[%dma_wait3A_109, %dma_wait3A_110] : memref<10240x128xf32, #tpu.memory_space<vmem_shared>> -> memref<10240x128xf32, #tpu.memory_space<vmem_shared>>
        tpu.wait_indirect_dma semaphore(%run_scoped3A : memref<!tpu.dma_semaphore, #tpu.memory_space<semaphore_mem>>) src(%arg9 : memref<80x128xf32, #tpu.memory_space<vmem>>) dst(%dma_wait3A_111 : memref<10240x128xf32, #tpu.memory_space<vmem_shared>>)
        tpu.yield
      }) : () -> ()
      %add3A_77 = arith.constant 2 : i32
      %add3A_78 = arith.addi %add3A_67, %add3A_77 : i32
      %lt3A = arith.constant 128 : i32
      %lt3A_79 = arith.cmpi slt, %add3A_78, %lt3A : i32
      %convert_element_type3A = arith.extui %lt3A_79 : i1 to i32
      %cond3A = arith.constant 0 : i32
      %cond3A_80 = arith.cmpi ne, %convert_element_type3A, %cond3A : i32
      scf.if %cond3A_80 {
        %add3A_100 = arith.constant 2 : i32
        %add3A_101 = arith.addi %add3A_67, %add3A_100 : i32
        %dma_start3A_102 = arith.constant 0 : i32
        %dma_start3A_103 = tpu.memref_slice %arg7[%add3A_101, %dma_start3A_102] : memref<128x80xi32, #tpu.memory_space<vmem>> -> memref<1x80xi32, #tpu.memory_space<vmem>>
        %dma_start3A_104 = tpu.memref_squeeze %dma_start3A_103 : memref<1x80xi32, #tpu.memory_space<vmem>> -> memref<80xi32, #tpu.memory_space<vmem>>
        %dma_start3A_105 = arith.constant 0 : i32
        %dma_start3A_106 = arith.constant 0 : i32
        %dma_start3A_107 = tpu.memref_slice %arg2[%add3A_1, %dma_start3A_105, %dma_start3A_106] : memref<4x10240x128xf32, #tpu.memory_space<hbm>> -> memref<1x10240x128xf32, #tpu.memory_space<hbm>>
        %dma_start3A_108 = tpu.memref_squeeze %dma_start3A_107 : memref<1x10240x128xf32, #tpu.memory_space<hbm>> -> memref<10240x128xf32, #tpu.memory_space<hbm>>
        %dma_start3A_109 = arith.constant 0 : i32
        %dma_start3A_110 = arith.constant 0 : i32
        %dma_start3A_111 = tpu.memref_slice %dma_start3A_108[%dma_start3A_109, %dma_start3A_110] : memref<10240x128xf32, #tpu.memory_space<hbm>> -> memref<10240x128xf32, #tpu.memory_space<hbm>>
        tpu.enqueue_indirect_dma source(%dma_start3A_111 : memref<10240x128xf32, #tpu.memory_space<hbm>>) target(%arg9 : memref<80x128xf32, #tpu.memory_space<vmem>>) offsets(%dma_start3A_104 : memref<80xi32, #tpu.memory_space<vmem>>) semaphore(%arg12 : memref<!tpu.dma_semaphore, #tpu.memory_space<semaphore_mem>>)
      } else {
      }
      %add3A_81 = arith.constant 1 : i32
      %add3A_82 = arith.addi %mul3A_65, %add3A_81 : i32
      %dma_wait3A_83 = arith.constant 0 : i32
      %dma_wait3A_84 = tpu.memref_slice %arg7[%add3A_82, %dma_wait3A_83] : memref<128x80xi32, #tpu.memory_space<vmem>> -> memref<1x80xi32, #tpu.memory_space<vmem>>
      %dma_wait3A_85 = tpu.memref_squeeze %dma_wait3A_84 : memref<1x80xi32, #tpu.memory_space<vmem>> -> memref<80xi32, #tpu.memory_space<vmem>>
      %dma_wait3A_86 = arith.constant 0 : i32
      %dma_wait3A_87 = arith.constant 0 : i32
      %dma_wait3A_88 = tpu.memref_slice %arg2[%add3A_1, %dma_wait3A_86, %dma_wait3A_87] : memref<4x10240x128xf32, #tpu.memory_space<hbm>> -> memref<1x10240x128xf32, #tpu.memory_space<hbm>>
      %dma_wait3A_89 = tpu.memref_squeeze %dma_wait3A_88 : memref<1x10240x128xf32, #tpu.memory_space<hbm>> -> memref<10240x128xf32, #tpu.memory_space<hbm>>
      %dma_wait3A_90 = arith.constant 0 : i32
      %dma_wait3A_91 = arith.constant 0 : i32
      %dma_wait3A_92 = tpu.memref_slice %dma_wait3A_89[%dma_wait3A_90, %dma_wait3A_91] : memref<10240x128xf32, #tpu.memory_space<hbm>> -> memref<10240x128xf32, #tpu.memory_space<hbm>>
      tpu.wait_indirect_dma semaphore(%arg13 : memref<!tpu.dma_semaphore, #tpu.memory_space<semaphore_mem>>) src(%dma_wait3A_92 : memref<10240x128xf32, #tpu.memory_space<hbm>>) dst(%arg10 : memref<80x128xf32, #tpu.memory_space<vmem>>)
      "tpu.region"() ({
        %run_scoped3A = tpu.sem_alloc : memref<!tpu.dma_semaphore, #tpu.memory_space<semaphore_mem>>
        %dma_start3A_100 = arith.constant 0 : i32
        %dma_start3A_101 = tpu.memref_slice %arg8[%add3A_82, %dma_start3A_100] : memref<128x80xi32, #tpu.memory_space<vmem>> -> memref<1x80xi32, #tpu.memory_space<vmem>>
        %dma_start3A_102 = tpu.memref_squeeze %dma_start3A_101 : memref<1x80xi32, #tpu.memory_space<vmem>> -> memref<80xi32, #tpu.memory_space<vmem>>
        %dma_start3A_103 = arith.constant 0 : i32
        %dma_start3A_104 = arith.constant 0 : i32
        %dma_start3A_105 = tpu.memref_slice %arg11[%dma_start3A_103, %dma_start3A_104] : memref<10240x128xf32, #tpu.memory_space<vmem_shared>> -> memref<10240x128xf32, #tpu.memory_space<vmem_shared>>
        tpu.enqueue_indirect_dma source(%arg10 : memref<80x128xf32, #tpu.memory_space<vmem>>) target(%dma_start3A_105 : memref<10240x128xf32, #tpu.memory_space<vmem_shared>>) offsets(%dma_start3A_102 : memref<80xi32, #tpu.memory_space<vmem>>) semaphore(%run_scoped3A : memref<!tpu.dma_semaphore, #tpu.memory_space<semaphore_mem>>) {add = true}
        %dma_wait3A_106 = arith.constant 0 : i32
        %dma_wait3A_107 = tpu.memref_slice %arg8[%add3A_82, %dma_wait3A_106] : memref<128x80xi32, #tpu.memory_space<vmem>> -> memref<1x80xi32, #tpu.memory_space<vmem>>
        %dma_wait3A_108 = tpu.memref_squeeze %dma_wait3A_107 : memref<1x80xi32, #tpu.memory_space<vmem>> -> memref<80xi32, #tpu.memory_space<vmem>>
        %dma_wait3A_109 = arith.constant 0 : i32
        %dma_wait3A_110 = arith.constant 0 : i32
        %dma_wait3A_111 = tpu.memref_slice %arg11[%dma_wait3A_109, %dma_wait3A_110] : memref<10240x128xf32, #tpu.memory_space<vmem_shared>> -> memref<10240x128xf32, #tpu.memory_space<vmem_shared>>
        tpu.wait_indirect_dma semaphore(%run_scoped3A : memref<!tpu.dma_semaphore, #tpu.memory_space<semaphore_mem>>) src(%arg10 : memref<80x128xf32, #tpu.memory_space<vmem>>) dst(%dma_wait3A_111 : memref<10240x128xf32, #tpu.memory_space<vmem_shared>>)
        tpu.yield
      }) : () -> ()
      %add3A_93 = arith.constant 2 : i32
      %add3A_94 = arith.addi %add3A_82, %add3A_93 : i32
      %lt3A_95 = arith.constant 128 : i32
      %lt3A_96 = arith.cmpi slt, %add3A_94, %lt3A_95 : i32
      %convert_element_type3A_97 = arith.extui %lt3A_96 : i1 to i32
      %cond3A_98 = arith.constant 0 : i32
      %cond3A_99 = arith.cmpi ne, %convert_element_type3A_97, %cond3A_98 : i32
      scf.if %cond3A_99 {
        %add3A_100 = arith.constant 2 : i32
        %add3A_101 = arith.addi %add3A_82, %add3A_100 : i32
        %dma_start3A_102 = arith.constant 0 : i32
        %dma_start3A_103 = tpu.memref_slice %arg7[%add3A_101, %dma_start3A_102] : memref<128x80xi32, #tpu.memory_space<vmem>> -> memref<1x80xi32, #tpu.memory_space<vmem>>
        %dma_start3A_104 = tpu.memref_squeeze %dma_start3A_103 : memref<1x80xi32, #tpu.memory_space<vmem>> -> memref<80xi32, #tpu.memory_space<vmem>>
        %dma_start3A_105 = arith.constant 0 : i32
        %dma_start3A_106 = arith.constant 0 : i32
        %dma_start3A_107 = tpu.memref_slice %arg2[%add3A_1, %dma_start3A_105, %dma_start3A_106] : memref<4x10240x128xf32, #tpu.memory_space<hbm>> -> memref<1x10240x128xf32, #tpu.memory_space<hbm>>
        %dma_start3A_108 = tpu.memref_squeeze %dma_start3A_107 : memref<1x10240x128xf32, #tpu.memory_space<hbm>> -> memref<10240x128xf32, #tpu.memory_space<hbm>>
        %dma_start3A_109 = arith.constant 0 : i32
        %dma_start3A_110 = arith.constant 0 : i32
        %dma_start3A_111 = tpu.memref_slice %dma_start3A_108[%dma_start3A_109, %dma_start3A_110] : memref<10240x128xf32, #tpu.memory_space<hbm>> -> memref<10240x128xf32, #tpu.memory_space<hbm>>
        tpu.enqueue_indirect_dma source(%dma_start3A_111 : memref<10240x128xf32, #tpu.memory_space<hbm>>) target(%arg10 : memref<80x128xf32, #tpu.memory_space<vmem>>) offsets(%dma_start3A_104 : memref<80xi32, #tpu.memory_space<vmem>>) semaphore(%arg13 : memref<!tpu.dma_semaphore, #tpu.memory_space<semaphore_mem>>)
      } else {
      }
    }
    %scan3A_27 = arith.constant 64 : i32
    %barrier3A_28 = arith.constant 0 : index
    tpu.barrier barrier_id(%barrier3A_28)
    "tpu.region"() ({
      %run_scoped3A = tpu.sem_alloc : memref<!tpu.dma_semaphore, #tpu.memory_space<semaphore_mem>>
      %dma_start3A_63 = arith.constant 0 : i32
      %dma_start3A_64 = arith.constant 0 : i32
      %dma_start3A_65 = tpu.memref_slice %arg6[%add3A_1, %dma_start3A_63, %dma_start3A_64] : memref<4x10240x128xf32, #tpu.memory_space<hbm>> -> memref<1x10240x128xf32, #tpu.memory_space<hbm>>
      %dma_start3A_66 = tpu.memref_squeeze %dma_start3A_65 : memref<1x10240x128xf32, #tpu.memory_space<hbm>> -> memref<10240x128xf32, #tpu.memory_space<hbm>>
      %dma_start3A_67 = arith.constant 0 : i32
      %dma_start3A_68 = tpu.memref_slice %dma_start3A_66[%mul3A_0, %dma_start3A_67] : memref<10240x128xf32, #tpu.memory_space<hbm>> -> memref<640x128xf32, #tpu.memory_space<hbm>>
      %dma_start3A_69 = arith.constant 0 : i32
      %dma_start3A_70 = tpu.memref_slice %arg11[%mul3A_0, %dma_start3A_69] : memref<10240x128xf32, #tpu.memory_space<vmem_shared>> -> memref<640x128xf32, #tpu.memory_space<vmem_shared>>
      tpu.enqueue_dma source(%dma_start3A_70 : memref<640x128xf32, #tpu.memory_space<vmem_shared>>) target(%dma_start3A_68 : memref<640x128xf32, #tpu.memory_space<hbm>>) target_semaphore(%run_scoped3A : memref<!tpu.dma_semaphore, #tpu.memory_space<semaphore_mem>>)
      %dma_wait3A = arith.constant 0 : i32
      %dma_wait3A_71 = arith.constant 0 : i32
      %dma_wait3A_72 = tpu.memref_slice %arg6[%add3A_1, %dma_wait3A, %dma_wait3A_71] : memref<4x10240x128xf32, #tpu.memory_space<hbm>> -> memref<1x10240x128xf32, #tpu.memory_space<hbm>>
      %dma_wait3A_73 = tpu.memref_squeeze %dma_wait3A_72 : memref<1x10240x128xf32, #tpu.memory_space<hbm>> -> memref<10240x128xf32, #tpu.memory_space<hbm>>
      %dma_wait3A_74 = arith.constant 0 : i32
      %dma_wait3A_75 = tpu.memref_slice %dma_wait3A_73[%mul3A_0, %dma_wait3A_74] : memref<10240x128xf32, #tpu.memory_space<hbm>> -> memref<640x128xf32, #tpu.memory_space<hbm>>
      %dma_wait3A_76 = arith.constant 0 : i32
      %dma_wait3A_77 = tpu.memref_slice %arg11[%mul3A_0, %dma_wait3A_76] : memref<10240x128xf32, #tpu.memory_space<vmem_shared>> -> memref<640x128xf32, #tpu.memory_space<vmem_shared>>
      tpu.wait_dma2 semaphore(%run_scoped3A : memref<!tpu.dma_semaphore, #tpu.memory_space<semaphore_mem>>) src(%dma_wait3A_77 : memref<640x128xf32, #tpu.memory_space<vmem_shared>>) dst(%dma_wait3A_75 : memref<640x128xf32, #tpu.memory_space<hbm>>)
      tpu.yield
    }) : () -> ()
    %barrier3A_29 = arith.constant 0 : index
    tpu.barrier barrier_id(%barrier3A_29)
    %add3A_30 = arith.constant 2 : i32
    %add3A_31 = arith.addi %add3A_30, %arg0 : i32
    "tpu.region"() ({
      %run_scoped3A = tpu.sem_alloc : memref<!tpu.dma_semaphore, #tpu.memory_space<semaphore_mem>>
      %dma_start3A_63 = arith.constant 0 : i32
      %dma_start3A_64 = tpu.memref_slice %arg11[%mul3A_0, %dma_start3A_63] : memref<10240x128xf32, #tpu.memory_space<vmem_shared>> -> memref<640x128xf32, #tpu.memory_space<vmem_shared>>
      %dma_start3A_65 = arith.constant 0 : i32
      %dma_start3A_66 = arith.constant 0 : i32
      %dma_start3A_67 = tpu.memref_slice %arg2[%add3A_31, %dma_start3A_65, %dma_start3A_66] : memref<4x10240x128xf32, #tpu.memory_space<hbm>> -> memref<1x10240x128xf32, #tpu.memory_space<hbm>>
      %dma_start3A_68 = tpu.memref_squeeze %dma_start3A_67 : memref<1x10240x128xf32, #tpu.memory_space<hbm>> -> memref<10240x128xf32, #tpu.memory_space<hbm>>
      %dma_start3A_69 = arith.constant 0 : i32
      %dma_start3A_70 = tpu.memref_slice %dma_start3A_68[%mul3A_0, %dma_start3A_69] : memref<10240x128xf32, #tpu.memory_space<hbm>> -> memref<640x128xf32, #tpu.memory_space<hbm>>
      tpu.enqueue_dma source(%dma_start3A_70 : memref<640x128xf32, #tpu.memory_space<hbm>>) target(%dma_start3A_64 : memref<640x128xf32, #tpu.memory_space<vmem_shared>>) target_semaphore(%run_scoped3A : memref<!tpu.dma_semaphore, #tpu.memory_space<semaphore_mem>>)
      %dma_wait3A = arith.constant 0 : i32
      %dma_wait3A_71 = tpu.memref_slice %arg11[%mul3A_0, %dma_wait3A] : memref<10240x128xf32, #tpu.memory_space<vmem_shared>> -> memref<640x128xf32, #tpu.memory_space<vmem_shared>>
      %dma_wait3A_72 = arith.constant 0 : i32
      %dma_wait3A_73 = arith.constant 0 : i32
      %dma_wait3A_74 = tpu.memref_slice %arg2[%add3A_31, %dma_wait3A_72, %dma_wait3A_73] : memref<4x10240x128xf32, #tpu.memory_space<hbm>> -> memref<1x10240x128xf32, #tpu.memory_space<hbm>>
      %dma_wait3A_75 = tpu.memref_squeeze %dma_wait3A_74 : memref<1x10240x128xf32, #tpu.memory_space<hbm>> -> memref<10240x128xf32, #tpu.memory_space<hbm>>
      %dma_wait3A_76 = arith.constant 0 : i32
      %dma_wait3A_77 = tpu.memref_slice %dma_wait3A_75[%mul3A_0, %dma_wait3A_76] : memref<10240x128xf32, #tpu.memory_space<hbm>> -> memref<640x128xf32, #tpu.memory_space<hbm>>
      tpu.wait_dma2 semaphore(%run_scoped3A : memref<!tpu.dma_semaphore, #tpu.memory_space<semaphore_mem>>) src(%dma_wait3A_77 : memref<640x128xf32, #tpu.memory_space<hbm>>) dst(%dma_wait3A_71 : memref<640x128xf32, #tpu.memory_space<vmem_shared>>)
      tpu.yield
    }) : () -> ()
    %dma_start3A_32 = arith.constant 0 : i32
    %dma_start3A_33 = arith.constant 0 : i32
    %dma_start3A_34 = tpu.memref_slice %arg7[%dma_start3A_32, %dma_start3A_33] : memref<128x80xi32, #tpu.memory_space<vmem>> -> memref<1x80xi32, #tpu.memory_space<vmem>>
    %dma_start3A_35 = tpu.memref_squeeze %dma_start3A_34 : memref<1x80xi32, #tpu.memory_space<vmem>> -> memref<80xi32, #tpu.memory_space<vmem>>
    %dma_start3A_36 = arith.constant 0 : i32
    %dma_start3A_37 = arith.constant 0 : i32
    %dma_start3A_38 = tpu.memref_slice %arg2[%add3A_31, %dma_start3A_36, %dma_start3A_37] : memref<4x10240x128xf32, #tpu.memory_space<hbm>> -> memref<1x10240x128xf32, #tpu.memory_space<hbm>>
    %dma_start3A_39 = tpu.memref_squeeze %dma_start3A_38 : memref<1x10240x128xf32, #tpu.memory_space<hbm>> -> memref<10240x128xf32, #tpu.memory_space<hbm>>
    %dma_start3A_40 = arith.constant 0 : i32
    %dma_start3A_41 = arith.constant 0 : i32
    %dma_start3A_42 = tpu.memref_slice %dma_start3A_39[%dma_start3A_40, %dma_start3A_41] : memref<10240x128xf32, #tpu.memory_space<hbm>> -> memref<10240x128xf32, #tpu.memory_space<hbm>>
    tpu.enqueue_indirect_dma source(%dma_start3A_42 : memref<10240x128xf32, #tpu.memory_space<hbm>>) target(%arg9 : memref<80x128xf32, #tpu.memory_space<vmem>>) offsets(%dma_start3A_35 : memref<80xi32, #tpu.memory_space<vmem>>) semaphore(%arg12 : memref<!tpu.dma_semaphore, #tpu.memory_space<semaphore_mem>>)
    %dma_start3A_43 = arith.constant 1 : i32
    %dma_start3A_44 = arith.constant 0 : i32
    %dma_start3A_45 = tpu.memref_slice %arg7[%dma_start3A_43, %dma_start3A_44] : memref<128x80xi32, #tpu.memory_space<vmem>> -> memref<1x80xi32, #tpu.memory_space<vmem>>
    %dma_start3A_46 = tpu.memref_squeeze %dma_start3A_45 : memref<1x80xi32, #tpu.memory_space<vmem>> -> memref<80xi32, #tpu.memory_space<vmem>>
    %dma_start3A_47 = arith.constant 0 : i32
    %dma_start3A_48 = arith.constant 0 : i32
    %dma_start3A_49 = tpu.memref_slice %arg2[%add3A_31, %dma_start3A_47, %dma_start3A_48] : memref<4x10240x128xf32, #tpu.memory_space<hbm>> -> memref<1x10240x128xf32, #tpu.memory_space<hbm>>
    %dma_start3A_50 = tpu.memref_squeeze %dma_start3A_49 : memref<1x10240x128xf32, #tpu.memory_space<hbm>> -> memref<10240x128xf32, #tpu.memory_space<hbm>>
    %dma_start3A_51 = arith.constant 0 : i32
    %dma_start3A_52 = arith.constant 0 : i32
    %dma_start3A_53 = tpu.memref_slice %dma_start3A_50[%dma_start3A_51, %dma_start3A_52] : memref<10240x128xf32, #tpu.memory_space<hbm>> -> memref<10240x128xf32, #tpu.memory_space<hbm>>
    tpu.enqueue_indirect_dma source(%dma_start3A_53 : memref<10240x128xf32, #tpu.memory_space<hbm>>) target(%arg10 : memref<80x128xf32, #tpu.memory_space<vmem>>) offsets(%dma_start3A_46 : memref<80xi32, #tpu.memory_space<vmem>>) semaphore(%arg13 : memref<!tpu.dma_semaphore, #tpu.memory_space<semaphore_mem>>)
    %barrier3A_54 = arith.constant 0 : index
    tpu.barrier barrier_id(%barrier3A_54)
    %scan3A_55 = arith.constant 0 : i32
    %scan3A_56 = arith.constant 0 : i32
    %scan3A_57 = arith.constant 64 : i32
    %scan3A_58 = arith.addi %scan3A_56, %scan3A_57 : i32
    %scan3A_59 = arith.constant 1 : i32
    scf.for %scan3A_63 = %scan3A_56 to %scan3A_58 step %scan3A_59  : i32 {
      %mul3A_64 = arith.constant 2 : i32
      %mul3A_65 = arith.muli %mul3A_64, %scan3A_63 : i32
      %add3A_66 = arith.constant 0 : i32
      %add3A_67 = arith.addi %mul3A_65, %add3A_66 : i32
      %dma_wait3A = arith.constant 0 : i32
      %dma_wait3A_68 = tpu.memref_slice %arg7[%add3A_67, %dma_wait3A] : memref<128x80xi32, #tpu.memory_space<vmem>> -> memref<1x80xi32, #tpu.memory_space<vmem>>
      %dma_wait3A_69 = tpu.memref_squeeze %dma_wait3A_68 : memref<1x80xi32, #tpu.memory_space<vmem>> -> memref<80xi32, #tpu.memory_space<vmem>>
      %dma_wait3A_70 = arith.constant 0 : i32
      %dma_wait3A_71 = arith.constant 0 : i32
      %dma_wait3A_72 = tpu.memref_slice %arg2[%add3A_31, %dma_wait3A_70, %dma_wait3A_71] : memref<4x10240x128xf32, #tpu.memory_space<hbm>> -> memref<1x10240x128xf32, #tpu.memory_space<hbm>>
      %dma_wait3A_73 = tpu.memref_squeeze %dma_wait3A_72 : memref<1x10240x128xf32, #tpu.memory_space<hbm>> -> memref<10240x128xf32, #tpu.memory_space<hbm>>
      %dma_wait3A_74 = arith.constant 0 : i32
      %dma_wait3A_75 = arith.constant 0 : i32
      %dma_wait3A_76 = tpu.memref_slice %dma_wait3A_73[%dma_wait3A_74, %dma_wait3A_75] : memref<10240x128xf32, #tpu.memory_space<hbm>> -> memref<10240x128xf32, #tpu.memory_space<hbm>>
      tpu.wait_indirect_dma semaphore(%arg12 : memref<!tpu.dma_semaphore, #tpu.memory_space<semaphore_mem>>) src(%dma_wait3A_76 : memref<10240x128xf32, #tpu.memory_space<hbm>>) dst(%arg9 : memref<80x128xf32, #tpu.memory_space<vmem>>)
      "tpu.region"() ({
        %run_scoped3A = tpu.sem_alloc : memref<!tpu.dma_semaphore, #tpu.memory_space<semaphore_mem>>
        %dma_start3A_100 = arith.constant 0 : i32
        %dma_start3A_101 = tpu.memref_slice %arg8[%add3A_67, %dma_start3A_100] : memref<128x80xi32, #tpu.memory_space<vmem>> -> memref<1x80xi32, #tpu.memory_space<vmem>>
        %dma_start3A_102 = tpu.memref_squeeze %dma_start3A_101 : memref<1x80xi32, #tpu.memory_space<vmem>> -> memref<80xi32, #tpu.memory_space<vmem>>
        %dma_start3A_103 = arith.constant 0 : i32
        %dma_start3A_104 = arith.constant 0 : i32
        %dma_start3A_105 = tpu.memref_slice %arg11[%dma_start3A_103, %dma_start3A_104] : memref<10240x128xf32, #tpu.memory_space<vmem_shared>> -> memref<10240x128xf32, #tpu.memory_space<vmem_shared>>
        tpu.enqueue_indirect_dma source(%arg9 : memref<80x128xf32, #tpu.memory_space<vmem>>) target(%dma_start3A_105 : memref<10240x128xf32, #tpu.memory_space<vmem_shared>>) offsets(%dma_start3A_102 : memref<80xi32, #tpu.memory_space<vmem>>) semaphore(%run_scoped3A : memref<!tpu.dma_semaphore, #tpu.memory_space<semaphore_mem>>) {add = true}
        %dma_wait3A_106 = arith.constant 0 : i32
        %dma_wait3A_107 = tpu.memref_slice %arg8[%add3A_67, %dma_wait3A_106] : memref<128x80xi32, #tpu.memory_space<vmem>> -> memref<1x80xi32, #tpu.memory_space<vmem>>
        %dma_wait3A_108 = tpu.memref_squeeze %dma_wait3A_107 : memref<1x80xi32, #tpu.memory_space<vmem>> -> memref<80xi32, #tpu.memory_space<vmem>>
        %dma_wait3A_109 = arith.constant 0 : i32
        %dma_wait3A_110 = arith.constant 0 : i32
        %dma_wait3A_111 = tpu.memref_slice %arg11[%dma_wait3A_109, %dma_wait3A_110] : memref<10240x128xf32, #tpu.memory_space<vmem_shared>> -> memref<10240x128xf32, #tpu.memory_space<vmem_shared>>
        tpu.wait_indirect_dma semaphore(%run_scoped3A : memref<!tpu.dma_semaphore, #tpu.memory_space<semaphore_mem>>) src(%arg9 : memref<80x128xf32, #tpu.memory_space<vmem>>) dst(%dma_wait3A_111 : memref<10240x128xf32, #tpu.memory_space<vmem_shared>>)
        tpu.yield
      }) : () -> ()
      %add3A_77 = arith.constant 2 : i32
      %add3A_78 = arith.addi %add3A_67, %add3A_77 : i32
      %lt3A = arith.constant 128 : i32
      %lt3A_79 = arith.cmpi slt, %add3A_78, %lt3A : i32
      %convert_element_type3A = arith.extui %lt3A_79 : i1 to i32
      %cond3A = arith.constant 0 : i32
      %cond3A_80 = arith.cmpi ne, %convert_element_type3A, %cond3A : i32
      scf.if %cond3A_80 {
        %add3A_100 = arith.constant 2 : i32
        %add3A_101 = arith.addi %add3A_67, %add3A_100 : i32
        %dma_start3A_102 = arith.constant 0 : i32
        %dma_start3A_103 = tpu.memref_slice %arg7[%add3A_101, %dma_start3A_102] : memref<128x80xi32, #tpu.memory_space<vmem>> -> memref<1x80xi32, #tpu.memory_space<vmem>>
        %dma_start3A_104 = tpu.memref_squeeze %dma_start3A_103 : memref<1x80xi32, #tpu.memory_space<vmem>> -> memref<80xi32, #tpu.memory_space<vmem>>
        %dma_start3A_105 = arith.constant 0 : i32
        %dma_start3A_106 = arith.constant 0 : i32
        %dma_start3A_107 = tpu.memref_slice %arg2[%add3A_31, %dma_start3A_105, %dma_start3A_106] : memref<4x10240x128xf32, #tpu.memory_space<hbm>> -> memref<1x10240x128xf32, #tpu.memory_space<hbm>>
        %dma_start3A_108 = tpu.memref_squeeze %dma_start3A_107 : memref<1x10240x128xf32, #tpu.memory_space<hbm>> -> memref<10240x128xf32, #tpu.memory_space<hbm>>
        %dma_start3A_109 = arith.constant 0 : i32
        %dma_start3A_110 = arith.constant 0 : i32
        %dma_start3A_111 = tpu.memref_slice %dma_start3A_108[%dma_start3A_109, %dma_start3A_110] : memref<10240x128xf32, #tpu.memory_space<hbm>> -> memref<10240x128xf32, #tpu.memory_space<hbm>>
        tpu.enqueue_indirect_dma source(%dma_start3A_111 : memref<10240x128xf32, #tpu.memory_space<hbm>>) target(%arg9 : memref<80x128xf32, #tpu.memory_space<vmem>>) offsets(%dma_start3A_104 : memref<80xi32, #tpu.memory_space<vmem>>) semaphore(%arg12 : memref<!tpu.dma_semaphore, #tpu.memory_space<semaphore_mem>>)
      } else {
      }
      %add3A_81 = arith.constant 1 : i32
      %add3A_82 = arith.addi %mul3A_65, %add3A_81 : i32
      %dma_wait3A_83 = arith.constant 0 : i32
      %dma_wait3A_84 = tpu.memref_slice %arg7[%add3A_82, %dma_wait3A_83] : memref<128x80xi32, #tpu.memory_space<vmem>> -> memref<1x80xi32, #tpu.memory_space<vmem>>
      %dma_wait3A_85 = tpu.memref_squeeze %dma_wait3A_84 : memref<1x80xi32, #tpu.memory_space<vmem>> -> memref<80xi32, #tpu.memory_space<vmem>>
      %dma_wait3A_86 = arith.constant 0 : i32
      %dma_wait3A_87 = arith.constant 0 : i32
      %dma_wait3A_88 = tpu.memref_slice %arg2[%add3A_31, %dma_wait3A_86, %dma_wait3A_87] : memref<4x10240x128xf32, #tpu.memory_space<hbm>> -> memref<1x10240x128xf32, #tpu.memory_space<hbm>>
      %dma_wait3A_89 = tpu.memref_squeeze %dma_wait3A_88 : memref<1x10240x128xf32, #tpu.memory_space<hbm>> -> memref<10240x128xf32, #tpu.memory_space<hbm>>
      %dma_wait3A_90 = arith.constant 0 : i32
      %dma_wait3A_91 = arith.constant 0 : i32
      %dma_wait3A_92 = tpu.memref_slice %dma_wait3A_89[%dma_wait3A_90, %dma_wait3A_91] : memref<10240x128xf32, #tpu.memory_space<hbm>> -> memref<10240x128xf32, #tpu.memory_space<hbm>>
      tpu.wait_indirect_dma semaphore(%arg13 : memref<!tpu.dma_semaphore, #tpu.memory_space<semaphore_mem>>) src(%dma_wait3A_92 : memref<10240x128xf32, #tpu.memory_space<hbm>>) dst(%arg10 : memref<80x128xf32, #tpu.memory_space<vmem>>)
      "tpu.region"() ({
        %run_scoped3A = tpu.sem_alloc : memref<!tpu.dma_semaphore, #tpu.memory_space<semaphore_mem>>
        %dma_start3A_100 = arith.constant 0 : i32
        %dma_start3A_101 = tpu.memref_slice %arg8[%add3A_82, %dma_start3A_100] : memref<128x80xi32, #tpu.memory_space<vmem>> -> memref<1x80xi32, #tpu.memory_space<vmem>>
        %dma_start3A_102 = tpu.memref_squeeze %dma_start3A_101 : memref<1x80xi32, #tpu.memory_space<vmem>> -> memref<80xi32, #tpu.memory_space<vmem>>
        %dma_start3A_103 = arith.constant 0 : i32
        %dma_start3A_104 = arith.constant 0 : i32
        %dma_start3A_105 = tpu.memref_slice %arg11[%dma_start3A_103, %dma_start3A_104] : memref<10240x128xf32, #tpu.memory_space<vmem_shared>> -> memref<10240x128xf32, #tpu.memory_space<vmem_shared>>
        tpu.enqueue_indirect_dma source(%arg10 : memref<80x128xf32, #tpu.memory_space<vmem>>) target(%dma_start3A_105 : memref<10240x128xf32, #tpu.memory_space<vmem_shared>>) offsets(%dma_start3A_102 : memref<80xi32, #tpu.memory_space<vmem>>) semaphore(%run_scoped3A : memref<!tpu.dma_semaphore, #tpu.memory_space<semaphore_mem>>) {add = true}
        %dma_wait3A_106 = arith.constant 0 : i32
        %dma_wait3A_107 = tpu.memref_slice %arg8[%add3A_82, %dma_wait3A_106] : memref<128x80xi32, #tpu.memory_space<vmem>> -> memref<1x80xi32, #tpu.memory_space<vmem>>
        %dma_wait3A_108 = tpu.memref_squeeze %dma_wait3A_107 : memref<1x80xi32, #tpu.memory_space<vmem>> -> memref<80xi32, #tpu.memory_space<vmem>>
        %dma_wait3A_109 = arith.constant 0 : i32
        %dma_wait3A_110 = arith.constant 0 : i32
        %dma_wait3A_111 = tpu.memref_slice %arg11[%dma_wait3A_109, %dma_wait3A_110] : memref<10240x128xf32, #tpu.memory_space<vmem_shared>> -> memref<10240x128xf32, #tpu.memory_space<vmem_shared>>
        tpu.wait_indirect_dma semaphore(%run_scoped3A : memref<!tpu.dma_semaphore, #tpu.memory_space<semaphore_mem>>) src(%arg10 : memref<80x128xf32, #tpu.memory_space<vmem>>) dst(%dma_wait3A_111 : memref<10240x128xf32, #tpu.memory_space<vmem_shared>>)
        tpu.yield
      }) : () -> ()
      %add3A_93 = arith.constant 2 : i32
      %add3A_94 = arith.addi %add3A_82, %add3A_93 : i32
      %lt3A_95 = arith.constant 128 : i32
      %lt3A_96 = arith.cmpi slt, %add3A_94, %lt3A_95 : i32
      %convert_element_type3A_97 = arith.extui %lt3A_96 : i1 to i32
      %cond3A_98 = arith.constant 0 : i32
      %cond3A_99 = arith.cmpi ne, %convert_element_type3A_97, %cond3A_98 : i32
      scf.if %cond3A_99 {
        %add3A_100 = arith.constant 2 : i32
        %add3A_101 = arith.addi %add3A_82, %add3A_100 : i32
        %dma_start3A_102 = arith.constant 0 : i32
        %dma_start3A_103 = tpu.memref_slice %arg7[%add3A_101, %dma_start3A_102] : memref<128x80xi32, #tpu.memory_space<vmem>> -> memref<1x80xi32, #tpu.memory_space<vmem>>
        %dma_start3A_104 = tpu.memref_squeeze %dma_start3A_103 : memref<1x80xi32, #tpu.memory_space<vmem>> -> memref<80xi32, #tpu.memory_space<vmem>>
        %dma_start3A_105 = arith.constant 0 : i32
        %dma_start3A_106 = arith.constant 0 : i32
        %dma_start3A_107 = tpu.memref_slice %arg2[%add3A_31, %dma_start3A_105, %dma_start3A_106] : memref<4x10240x128xf32, #tpu.memory_space<hbm>> -> memref<1x10240x128xf32, #tpu.memory_space<hbm>>
        %dma_start3A_108 = tpu.memref_squeeze %dma_start3A_107 : memref<1x10240x128xf32, #tpu.memory_space<hbm>> -> memref<10240x128xf32, #tpu.memory_space<hbm>>
        %dma_start3A_109 = arith.constant 0 : i32
        %dma_start3A_110 = arith.constant 0 : i32
        %dma_start3A_111 = tpu.memref_slice %dma_start3A_108[%dma_start3A_109, %dma_start3A_110] : memref<10240x128xf32, #tpu.memory_space<hbm>> -> memref<10240x128xf32, #tpu.memory_space<hbm>>
        tpu.enqueue_indirect_dma source(%dma_start3A_111 : memref<10240x128xf32, #tpu.memory_space<hbm>>) target(%arg10 : memref<80x128xf32, #tpu.memory_space<vmem>>) offsets(%dma_start3A_104 : memref<80xi32, #tpu.memory_space<vmem>>) semaphore(%arg13 : memref<!tpu.dma_semaphore, #tpu.memory_space<semaphore_mem>>)
      } else {
      }
    }
    %scan3A_60 = arith.constant 64 : i32
    %barrier3A_61 = arith.constant 0 : index
    tpu.barrier barrier_id(%barrier3A_61)
    "tpu.region"() ({
      %run_scoped3A = tpu.sem_alloc : memref<!tpu.dma_semaphore, #tpu.memory_space<semaphore_mem>>
      %dma_start3A_63 = arith.constant 0 : i32
      %dma_start3A_64 = arith.constant 0 : i32
      %dma_start3A_65 = tpu.memref_slice %arg6[%add3A_31, %dma_start3A_63, %dma_start3A_64] : memref<4x10240x128xf32, #tpu.memory_space<hbm>> -> memref<1x10240x128xf32, #tpu.memory_space<hbm>>
      %dma_start3A_66 = tpu.memref_squeeze %dma_start3A_65 : memref<1x10240x128xf32, #tpu.memory_space<hbm>> -> memref<10240x128xf32, #tpu.memory_space<hbm>>
      %dma_start3A_67 = arith.constant 0 : i32
      %dma_start3A_68 = tpu.memref_slice %dma_start3A_66[%mul3A_0, %dma_start3A_67] : memref<10240x128xf32, #tpu.memory_space<hbm>> -> memref<640x128xf32, #tpu.memory_space<hbm>>
      %dma_start3A_69 = arith.constant 0 : i32
      %dma_start3A_70 = tpu.memref_slice %arg11[%mul3A_0, %dma_start3A_69] : memref<10240x128xf32, #tpu.memory_space<vmem_shared>> -> memref<640x128xf32, #tpu.memory_space<vmem_shared>>
      tpu.enqueue_dma source(%dma_start3A_70 : memref<640x128xf32, #tpu.memory_space<vmem_shared>>) target(%dma_start3A_68 : memref<640x128xf32, #tpu.memory_space<hbm>>) target_semaphore(%run_scoped3A : memref<!tpu.dma_semaphore, #tpu.memory_space<semaphore_mem>>)
      %dma_wait3A = arith.constant 0 : i32
      %dma_wait3A_71 = arith.constant 0 : i32
      %dma_wait3A_72 = tpu.memref_slice %arg6[%add3A_31, %dma_wait3A, %dma_wait3A_71] : memref<4x10240x128xf32, #tpu.memory_space<hbm>> -> memref<1x10240x128xf32, #tpu.memory_space<hbm>>
      %dma_wait3A_73 = tpu.memref_squeeze %dma_wait3A_72 : memref<1x10240x128xf32, #tpu.memory_space<hbm>> -> memref<10240x128xf32, #tpu.memory_space<hbm>>
      %dma_wait3A_74 = arith.constant 0 : i32
      %dma_wait3A_75 = tpu.memref_slice %dma_wait3A_73[%mul3A_0, %dma_wait3A_74] : memref<10240x128xf32, #tpu.memory_space<hbm>> -> memref<640x128xf32, #tpu.memory_space<hbm>>
      %dma_wait3A_76 = arith.constant 0 : i32
      %dma_wait3A_77 = tpu.memref_slice %arg11[%mul3A_0, %dma_wait3A_76] : memref<10240x128xf32, #tpu.memory_space<vmem_shared>> -> memref<640x128xf32, #tpu.memory_space<vmem_shared>>
      tpu.wait_dma2 semaphore(%run_scoped3A : memref<!tpu.dma_semaphore, #tpu.memory_space<semaphore_mem>>) src(%dma_wait3A_77 : memref<640x128xf32, #tpu.memory_space<vmem_shared>>) dst(%dma_wait3A_75 : memref<640x128xf32, #tpu.memory_space<hbm>>)
      tpu.yield
    }) : () -> ()
    %barrier3A_62 = arith.constant 0 : index
    tpu.barrier barrier_id(%barrier3A_62)
    return
  }
}

module attributes {stable_mosaic.version = 14 : i64} {
  func.func @_prep_kernel(%arg0: i32, %arg1: memref<1024x16xf32, #tpu.memory_space<vmem>>, %arg2: memref<1024x16xf32, #tpu.memory_space<vmem>>, %arg3: memref<1024x1xf32, #tpu.memory_space<vmem>>, %arg4: memref<1x1024x16xf32, #tpu.memory_space<vmem>>) attributes {dimension_semantics = [#tpu.dimension_semantics<arbitrary>], iteration_bounds = array<i64: 10>, scalar_prefetch = 0 : i64, scratch_operands = 0 : i64, tpu.core_type = #tpu.core_type<tc>, window_params = [{transform_indices = @transform_0, window_bounds = array<i64: 1024, 16>}, {transform_indices = @transform_1, window_bounds = array<i64: 1024, 16>}, {transform_indices = @transform_2, window_bounds = array<i64: 1024, 1>}, {transform_indices = @transform_3, window_bounds = array<i64: 1, 1024, 16>}]} {
    %mul3A = arith.constant 1024 : i32
    %mul3A_0 = arith.muli %arg0, %mul3A : i32
    %iota3A = tpu.iota {dimensions = array<i32: 0>} : vector<1024x1xi32>
    %add3A = vector.broadcast %mul3A_0 : i32 to vector<1024x1xi32>
    %add3A_1 = arith.addi %add3A, %iota3A : vector<1024x1xi32>
    %get3A = arith.constant 0 : index
    %get3A_2 = arith.constant 0 : index
    %get3A_3 = vector.load %arg1[%get3A, %get3A_2] : memref<1024x16xf32, #tpu.memory_space<vmem>>, vector<1024x1xf32>
    %add3A_4 = arith.constant 1.000000e+00 : f32
    %add3A_5 = vector.broadcast %add3A_4 : f32 to vector<1024x1xf32>
    %add3A_6 = arith.addf %get3A_3, %add3A_5 : vector<1024x1xf32>
    %rsqrt3A = math.rsqrt %add3A_6 : vector<1024x1xf32>
    %lt3A = arith.constant 10000 : i32
    %lt3A_7 = vector.broadcast %lt3A : i32 to vector<1024x1xi32>
    %lt3A_8 = arith.cmpi slt, %add3A_1, %lt3A_7 : vector<1024x1xi32>
    %jit3A = arith.constant 0.000000e+00 : f32
    %broadcast_in_dim3A = vector.broadcast %jit3A : f32 to vector<1024x1xf32>
    %select_n3A = arith.select %lt3A_8, %rsqrt3A, %broadcast_in_dim3A : vector<1024x1xi1>, vector<1024x1xf32>
    %swap3A = arith.constant 0 : index
    %swap3A_9 = arith.constant 0 : index
    %swap3A_10 = vector.load %arg3[%swap3A, %swap3A_9] : memref<1024x1xf32, #tpu.memory_space<vmem>>, vector<1024x1xf32>
    tpu.vector_store %arg3[%swap3A, %swap3A_9], %select_n3A {strides = array<i32>} : memref<1024x1xf32, #tpu.memory_space<vmem>>, vector<1024x1xf32>,
    %get3A_11 = arith.constant 0 : index
    %get3A_12 = arith.constant 0 : index
    %get3A_13 = vector.load %arg2[%get3A_11, %get3A_12] : memref<1024x16xf32, #tpu.memory_space<vmem>>, vector<1024x16xf32>
    %mul3A_14 = vector.broadcast %select_n3A : vector<1024x1xf32> to vector<1024x16xf32>
    %mul3A_15 = arith.mulf %get3A_13, %mul3A_14 : vector<1024x16xf32>
    %swap3A_16 = arith.constant 0 : index
    %swap3A_17 = arith.constant 0 : index
    %swap3A_18 = arith.constant 0 : index
    %swap3A_19 = vector.load %arg4[%swap3A_16, %swap3A_17, %swap3A_18] : memref<1x1024x16xf32, #tpu.memory_space<vmem>>, vector<1x1024x16xf32>
    %swap3A_20 = vector.shape_cast %swap3A_19 : vector<1x1024x16xf32> to vector<1024x16xf32>
    %swap3A_21 = vector.shape_cast %mul3A_15 : vector<1024x16xf32> to vector<1x1024x16xf32>
    tpu.vector_store %arg4[%swap3A_16, %swap3A_17, %swap3A_18], %swap3A_21 {strides = array<i32>} : memref<1x1024x16xf32, #tpu.memory_space<vmem>>, vector<1x1024x16xf32>,
    return
  }
  func.func @transform_0(%arg0: i32) -> (i32, i32) {
    %c0_i32 = arith.constant 0 : i32
    %c0_i32_0 = arith.constant 0 : i32
    return %arg0, %c0_i32 : i32, i32
  }
  func.func @transform_1(%arg0: i32) -> (i32, i32) {
    %c0_i32 = arith.constant 0 : i32
    %c0_i32_0 = arith.constant 0 : i32
    return %arg0, %c0_i32 : i32, i32
  }
  func.func @transform_2(%arg0: i32) -> (i32, i32) {
    %c0_i32 = arith.constant 0 : i32
    %c0_i32_0 = arith.constant 0 : i32
    return %arg0, %c0_i32 : i32, i32
  }
  func.func @transform_3(%arg0: i32) -> (i32, i32, i32) {
    %c0_i32 = arith.constant 0 : i32
    %c0_i32_0 = arith.constant 0 : i32
    %c0_i32_1 = arith.constant 0 : i32
    return %c0_i32, %arg0, %c0_i32_0 : i32, i32, i32
  }
}

module attributes {stable_mosaic.version = 14 : i64} {
  func.func @kern(%arg0: i32, %arg1: memref<2x1024x16xf32, #tpu.memory_space<vmem>>, %arg2: memref<1024x1xf32, #tpu.memory_space<vmem>>, %arg3: memref<1x16x64xf32, #tpu.memory_space<vmem>>, %arg4: memref<1x64xf32, #tpu.memory_space<vmem>>, %arg5: memref<2x1024x32xf32, #tpu.memory_space<vmem>>) attributes {dimension_semantics = [#tpu.dimension_semantics<arbitrary>], iteration_bounds = array<i64: 10>, scalar_prefetch = 0 : i64, scratch_operands = 0 : i64, tpu.core_type = #tpu.core_type<tc>, window_params = [{transform_indices = @transform_0, window_bounds = array<i64: 2, 1024, 16>}, {transform_indices = @transform_1, window_bounds = array<i64: 1024, 1>}, {pipeline_mode = #tpu.pipeline_mode<synchronous>, transform_indices = @transform_2, window_bounds = array<i64: 1, 16, 64>}, {pipeline_mode = #tpu.pipeline_mode<synchronous>, transform_indices = @transform_3, window_bounds = array<i64: 1, 64>}, {transform_indices = @transform_4, window_bounds = array<i64: 2, 1024, 32>}]} {
    %get3A = arith.constant 0 : index
    %get3A_0 = arith.constant 0 : index
    %get3A_1 = vector.load %arg2[%get3A, %get3A_0] : memref<1024x1xf32, #tpu.memory_space<vmem>>, vector<1024x1xf32>
    %get3A_2 = arith.constant 0 : index
    %get3A_3 = arith.constant 0 : index
    %get3A_4 = arith.constant 0 : index
    %get3A_5 = vector.load %arg1[%get3A_2, %get3A_3, %get3A_4] : memref<2x1024x16xf32, #tpu.memory_space<vmem>>, vector<1x1024x16xf32>
    %get3A_6 = vector.shape_cast %get3A_5 : vector<1x1024x16xf32> to vector<1024x16xf32>
    %get3A_7 = arith.constant 1 : index
    %get3A_8 = arith.constant 0 : index
    %get3A_9 = arith.constant 0 : index
    %get3A_10 = vector.load %arg1[%get3A_7, %get3A_8, %get3A_9] : memref<2x1024x16xf32, #tpu.memory_space<vmem>>, vector<1x1024x16xf32>
    %get3A_11 = vector.shape_cast %get3A_10 : vector<1x1024x16xf32> to vector<1024x16xf32>
    %add3A = arith.addf %get3A_6, %get3A_11 : vector<1024x16xf32>
    %mul3A = vector.broadcast %get3A_1 : vector<1024x1xf32> to vector<1024x16xf32>
    %mul3A_12 = arith.mulf %add3A, %mul3A : vector<1024x16xf32>
    %get3A_13 = arith.constant 0 : index
    %get3A_14 = arith.constant 0 : index
    %get3A_15 = arith.constant 0 : index
    %get3A_16 = vector.load %arg3[%get3A_13, %get3A_14, %get3A_15] : memref<1x16x64xf32, #tpu.memory_space<vmem>>, vector<1x16x64xf32>
    %get3A_17 = vector.shape_cast %get3A_16 : vector<1x16x64xf32> to vector<16x64xf32>
    %dot_general3A = arith.constant dense<0.000000e+00> : vector<1024x64xf32>
    %dot_general3A_18 = tpu.matmul %mul3A_12, %get3A_17, %dot_general3A {dimension_numbers = #tpu.dot_dimension_numbers<[1], [0], [0], [1], [0, 0, 1, 1], [], []>, transpose_lhs_hint = false} : vector<1024x16xf32>, vector<16x64xf32>, vector<1024x64xf32> -> vector<1024x64xf32>
    %get3A_19 = arith.constant 0 : index
    %get3A_20 = arith.constant 0 : index
    %get3A_21 = vector.load %arg4[%get3A_19, %get3A_20] : memref<1x64xf32, #tpu.memory_space<vmem>>, vector<1x64xf32>
    %add3A_22 = vector.broadcast %get3A_21 : vector<1x64xf32> to vector<1024x64xf32>
    %add3A_23 = arith.addf %dot_general3A_18, %add3A_22 : vector<1024x64xf32>
    %ge3A = arith.constant 0.000000e+00 : f32
    %ge3A_24 = vector.broadcast %ge3A : f32 to vector<1024x64xf32>
    %ge3A_25 = arith.cmpf oge, %add3A_23, %ge3A_24 : vector<1024x64xf32>
    %mul3A_26 = arith.constant 0.00999999977 : f32
    %mul3A_27 = vector.broadcast %mul3A_26 : f32 to vector<1024x64xf32>
    %mul3A_28 = arith.mulf %mul3A_27, %add3A_23 : vector<1024x64xf32>
    %select_n3A = arith.select %ge3A_25, %add3A_23, %mul3A_28 : vector<1024x64xi1>, vector<1024x64xf32>
    %mul3A_29 = vector.broadcast %get3A_1 : vector<1024x1xf32> to vector<1024x64xf32>
    %mul3A_30 = arith.mulf %select_n3A, %mul3A_29 : vector<1024x64xf32>
    %slice3A = vector.extract_strided_slice %mul3A_30 {offsets = [0, 0], sizes = [1024, 32], strides = [1, 1]} : vector<1024x64xf32> to vector<1024x32xf32>
    %swap3A = arith.constant 0 : index
    %swap3A_31 = arith.constant 0 : index
    %swap3A_32 = arith.constant 0 : index
    %swap3A_33 = vector.load %arg5[%swap3A, %swap3A_31, %swap3A_32] : memref<2x1024x32xf32, #tpu.memory_space<vmem>>, vector<1x1024x32xf32>
    %swap3A_34 = vector.shape_cast %swap3A_33 : vector<1x1024x32xf32> to vector<1024x32xf32>
    %swap3A_35 = vector.shape_cast %slice3A : vector<1024x32xf32> to vector<1x1024x32xf32>
    tpu.vector_store %arg5[%swap3A, %swap3A_31, %swap3A_32], %swap3A_35 {strides = array<i32>} : memref<2x1024x32xf32, #tpu.memory_space<vmem>>, vector<1x1024x32xf32>,
    %slice3A_36 = vector.extract_strided_slice %mul3A_30 {offsets = [0, 32], sizes = [1024, 32], strides = [1, 1]} : vector<1024x64xf32> to vector<1024x32xf32>
    %swap3A_37 = arith.constant 1 : index
    %swap3A_38 = arith.constant 0 : index
    %swap3A_39 = arith.constant 0 : index
    %swap3A_40 = vector.load %arg5[%swap3A_37, %swap3A_38, %swap3A_39] : memref<2x1024x32xf32, #tpu.memory_space<vmem>>, vector<1x1024x32xf32>
    %swap3A_41 = vector.shape_cast %swap3A_40 : vector<1x1024x32xf32> to vector<1024x32xf32>
    %swap3A_42 = vector.shape_cast %slice3A_36 : vector<1024x32xf32> to vector<1x1024x32xf32>
    tpu.vector_store %arg5[%swap3A_37, %swap3A_38, %swap3A_39], %swap3A_42 {strides = array<i32>} : memref<2x1024x32xf32, #tpu.memory_space<vmem>>, vector<1x1024x32xf32>,
    return
  }
  func.func @transform_0(%arg0: i32) -> (i32, i32, i32) {
    %c0_i32 = arith.constant 0 : i32
    %c0_i32_0 = arith.constant 0 : i32
    %c0_i32_1 = arith.constant 0 : i32
    return %c0_i32, %arg0, %c0_i32_0 : i32, i32, i32
  }
  func.func @transform_1(%arg0: i32) -> (i32, i32) {
    %c0_i32 = arith.constant 0 : i32
    %c0_i32_0 = arith.constant 0 : i32
    return %arg0, %c0_i32 : i32, i32
  }
  func.func @transform_2(%arg0: i32) -> (i32, i32, i32) {
    %c0_i32 = arith.constant 0 : i32
    %c0_i32_0 = arith.constant 0 : i32
    %c0_i32_1 = arith.constant 0 : i32
    %c0_i32_2 = arith.constant 0 : i32
    return %c0_i32, %c0_i32_0, %c0_i32_1 : i32, i32, i32
  }
  func.func @transform_3(%arg0: i32) -> (i32, i32) {
    %c0_i32 = arith.constant 0 : i32
    %c0_i32_0 = arith.constant 0 : i32
    %c0_i32_1 = arith.constant 0 : i32
    return %c0_i32, %c0_i32_0 : i32, i32
  }
  func.func @transform_4(%arg0: i32) -> (i32, i32, i32) {
    %c0_i32 = arith.constant 0 : i32
    %c0_i32_0 = arith.constant 0 : i32
    %c0_i32_1 = arith.constant 0 : i32
    return %c0_i32, %arg0, %c0_i32_0 : i32, i32, i32
  }
}

module attributes {stable_mosaic.version = 14 : i64} {
  func.func @kern(%arg0: i32, %arg1: memref<2x1024x32xf32, #tpu.memory_space<vmem>>, %arg2: memref<1024x1xf32, #tpu.memory_space<vmem>>, %arg3: memref<2x32x128xf32, #tpu.memory_space<vmem>>, %arg4: memref<1x128xf32, #tpu.memory_space<vmem>>, %arg5: memref<2x1024x64xf32, #tpu.memory_space<vmem>>) attributes {dimension_semantics = [#tpu.dimension_semantics<arbitrary>], iteration_bounds = array<i64: 10>, scalar_prefetch = 0 : i64, scratch_operands = 0 : i64, tpu.core_type = #tpu.core_type<tc>, window_params = [{transform_indices = @transform_0, window_bounds = array<i64: 2, 1024, 32>}, {transform_indices = @transform_1, window_bounds = array<i64: 1024, 1>}, {pipeline_mode = #tpu.pipeline_mode<synchronous>, transform_indices = @transform_2, window_bounds = array<i64: 2, 32, 128>}, {pipeline_mode = #tpu.pipeline_mode<synchronous>, transform_indices = @transform_3, window_bounds = array<i64: 1, 128>}, {transform_indices = @transform_4, window_bounds = array<i64: 2, 1024, 64>}]} {
    %get3A = arith.constant 0 : index
    %get3A_0 = arith.constant 0 : index
    %get3A_1 = vector.load %arg2[%get3A, %get3A_0] : memref<1024x1xf32, #tpu.memory_space<vmem>>, vector<1024x1xf32>
    %broadcast_in_dim3A = arith.constant 0.000000e+00 : f32
    %broadcast_in_dim3A_2 = vector.broadcast %broadcast_in_dim3A : f32 to vector<1024x128xf32>
    %get3A_3 = arith.constant 0 : index
    %get3A_4 = arith.constant 0 : index
    %get3A_5 = arith.constant 0 : index
    %get3A_6 = vector.load %arg1[%get3A_3, %get3A_4, %get3A_5] : memref<2x1024x32xf32, #tpu.memory_space<vmem>>, vector<1x1024x32xf32>
    %get3A_7 = vector.shape_cast %get3A_6 : vector<1x1024x32xf32> to vector<1024x32xf32>
    %mul3A = vector.broadcast %get3A_1 : vector<1024x1xf32> to vector<1024x32xf32>
    %mul3A_8 = arith.mulf %get3A_7, %mul3A : vector<1024x32xf32>
    %get3A_9 = arith.constant 0 : index
    %get3A_10 = arith.constant 0 : index
    %get3A_11 = arith.constant 0 : index
    %get3A_12 = vector.load %arg3[%get3A_9, %get3A_10, %get3A_11] : memref<2x32x128xf32, #tpu.memory_space<vmem>>, vector<1x32x128xf32>
    %get3A_13 = vector.shape_cast %get3A_12 : vector<1x32x128xf32> to vector<32x128xf32>
    %dot_general3A = arith.constant dense<0.000000e+00> : vector<1024x128xf32>
    %dot_general3A_14 = tpu.matmul %mul3A_8, %get3A_13, %dot_general3A {dimension_numbers = #tpu.dot_dimension_numbers<[1], [0], [0], [1], [0, 0, 1, 1], [], []>, transpose_lhs_hint = false} : vector<1024x32xf32>, vector<32x128xf32>, vector<1024x128xf32> -> vector<1024x128xf32>
    %add3A = arith.addf %broadcast_in_dim3A_2, %dot_general3A_14 : vector<1024x128xf32>
    %get3A_15 = arith.constant 1 : index
    %get3A_16 = arith.constant 0 : index
    %get3A_17 = arith.constant 0 : index
    %get3A_18 = vector.load %arg1[%get3A_15, %get3A_16, %get3A_17] : memref<2x1024x32xf32, #tpu.memory_space<vmem>>, vector<1x1024x32xf32>
    %get3A_19 = vector.shape_cast %get3A_18 : vector<1x1024x32xf32> to vector<1024x32xf32>
    %mul3A_20 = vector.broadcast %get3A_1 : vector<1024x1xf32> to vector<1024x32xf32>
    %mul3A_21 = arith.mulf %get3A_19, %mul3A_20 : vector<1024x32xf32>
    %get3A_22 = arith.constant 1 : index
    %get3A_23 = arith.constant 0 : index
    %get3A_24 = arith.constant 0 : index
    %get3A_25 = vector.load %arg3[%get3A_22, %get3A_23, %get3A_24] : memref<2x32x128xf32, #tpu.memory_space<vmem>>, vector<1x32x128xf32>
    %get3A_26 = vector.shape_cast %get3A_25 : vector<1x32x128xf32> to vector<32x128xf32>
    %dot_general3A_27 = arith.constant dense<0.000000e+00> : vector<1024x128xf32>
    %dot_general3A_28 = tpu.matmul %mul3A_21, %get3A_26, %dot_general3A_27 {dimension_numbers = #tpu.dot_dimension_numbers<[1], [0], [0], [1], [0, 0, 1, 1], [], []>, transpose_lhs_hint = false} : vector<1024x32xf32>, vector<32x128xf32>, vector<1024x128xf32> -> vector<1024x128xf32>
    %add3A_29 = arith.addf %add3A, %dot_general3A_28 : vector<1024x128xf32>
    %get3A_30 = arith.constant 0 : index
    %get3A_31 = arith.constant 0 : index
    %get3A_32 = vector.load %arg4[%get3A_30, %get3A_31] : memref<1x128xf32, #tpu.memory_space<vmem>>, vector<1x128xf32>
    %add3A_33 = vector.broadcast %get3A_32 : vector<1x128xf32> to vector<1024x128xf32>
    %add3A_34 = arith.addf %add3A_29, %add3A_33 : vector<1024x128xf32>
    %ge3A = arith.constant 0.000000e+00 : f32
    %ge3A_35 = vector.broadcast %ge3A : f32 to vector<1024x128xf32>
    %ge3A_36 = arith.cmpf oge, %add3A_34, %ge3A_35 : vector<1024x128xf32>
    %mul3A_37 = arith.constant 0.00999999977 : f32
    %mul3A_38 = vector.broadcast %mul3A_37 : f32 to vector<1024x128xf32>
    %mul3A_39 = arith.mulf %mul3A_38, %add3A_34 : vector<1024x128xf32>
    %select_n3A = arith.select %ge3A_36, %add3A_34, %mul3A_39 : vector<1024x128xi1>, vector<1024x128xf32>
    %mul3A_40 = vector.broadcast %get3A_1 : vector<1024x1xf32> to vector<1024x128xf32>
    %mul3A_41 = arith.mulf %select_n3A, %mul3A_40 : vector<1024x128xf32>
    %slice3A = vector.extract_strided_slice %mul3A_41 {offsets = [0, 0], sizes = [1024, 64], strides = [1, 1]} : vector<1024x128xf32> to vector<1024x64xf32>
    %swap3A = arith.constant 0 : index
    %swap3A_42 = arith.constant 0 : index
    %swap3A_43 = arith.constant 0 : index
    %swap3A_44 = vector.load %arg5[%swap3A, %swap3A_42, %swap3A_43] : memref<2x1024x64xf32, #tpu.memory_space<vmem>>, vector<1x1024x64xf32>
    %swap3A_45 = vector.shape_cast %swap3A_44 : vector<1x1024x64xf32> to vector<1024x64xf32>
    %swap3A_46 = vector.shape_cast %slice3A : vector<1024x64xf32> to vector<1x1024x64xf32>
    tpu.vector_store %arg5[%swap3A, %swap3A_42, %swap3A_43], %swap3A_46 {strides = array<i32>} : memref<2x1024x64xf32, #tpu.memory_space<vmem>>, vector<1x1024x64xf32>,
    %slice3A_47 = vector.extract_strided_slice %mul3A_41 {offsets = [0, 64], sizes = [1024, 64], strides = [1, 1]} : vector<1024x128xf32> to vector<1024x64xf32>
    %swap3A_48 = arith.constant 1 : index
    %swap3A_49 = arith.constant 0 : index
    %swap3A_50 = arith.constant 0 : index
    %swap3A_51 = vector.load %arg5[%swap3A_48, %swap3A_49, %swap3A_50] : memref<2x1024x64xf32, #tpu.memory_space<vmem>>, vector<1x1024x64xf32>
    %swap3A_52 = vector.shape_cast %swap3A_51 : vector<1x1024x64xf32> to vector<1024x64xf32>
    %swap3A_53 = vector.shape_cast %slice3A_47 : vector<1024x64xf32> to vector<1x1024x64xf32>
    tpu.vector_store %arg5[%swap3A_48, %swap3A_49, %swap3A_50], %swap3A_53 {strides = array<i32>} : memref<2x1024x64xf32, #tpu.memory_space<vmem>>, vector<1x1024x64xf32>,
    return
  }
  func.func @transform_0(%arg0: i32) -> (i32, i32, i32) {
    %c0_i32 = arith.constant 0 : i32
    %c0_i32_0 = arith.constant 0 : i32
    %c0_i32_1 = arith.constant 0 : i32
    return %c0_i32, %arg0, %c0_i32_0 : i32, i32, i32
  }
  func.func @transform_1(%arg0: i32) -> (i32, i32) {
    %c0_i32 = arith.constant 0 : i32
    %c0_i32_0 = arith.constant 0 : i32
    return %arg0, %c0_i32 : i32, i32
  }
  func.func @transform_2(%arg0: i32) -> (i32, i32, i32) {
    %c0_i32 = arith.constant 0 : i32
    %c0_i32_0 = arith.constant 0 : i32
    %c0_i32_1 = arith.constant 0 : i32
    %c0_i32_2 = arith.constant 0 : i32
    return %c0_i32, %c0_i32_0, %c0_i32_1 : i32, i32, i32
  }
  func.func @transform_3(%arg0: i32) -> (i32, i32) {
    %c0_i32 = arith.constant 0 : i32
    %c0_i32_0 = arith.constant 0 : i32
    %c0_i32_1 = arith.constant 0 : i32
    return %c0_i32, %c0_i32_0 : i32, i32
  }
  func.func @transform_4(%arg0: i32) -> (i32, i32, i32) {
    %c0_i32 = arith.constant 0 : i32
    %c0_i32_0 = arith.constant 0 : i32
    %c0_i32_1 = arith.constant 0 : i32
    return %c0_i32, %arg0, %c0_i32_0 : i32, i32, i32
  }
}

module attributes {stable_mosaic.version = 14 : i64} {
  func.func @kern(%arg0: i32, %arg1: memref<2x1024x64xf32, #tpu.memory_space<vmem>>, %arg2: memref<1024x1xf32, #tpu.memory_space<vmem>>, %arg3: memref<2x64x256xf32, #tpu.memory_space<vmem>>, %arg4: memref<1x256xf32, #tpu.memory_space<vmem>>, %arg5: memref<2x1024x128xf32, #tpu.memory_space<vmem>>) attributes {dimension_semantics = [#tpu.dimension_semantics<arbitrary>], iteration_bounds = array<i64: 10>, scalar_prefetch = 0 : i64, scratch_operands = 0 : i64, tpu.core_type = #tpu.core_type<tc>, window_params = [{transform_indices = @transform_0, window_bounds = array<i64: 2, 1024, 64>}, {transform_indices = @transform_1, window_bounds = array<i64: 1024, 1>}, {pipeline_mode = #tpu.pipeline_mode<synchronous>, transform_indices = @transform_2, window_bounds = array<i64: 2, 64, 256>}, {pipeline_mode = #tpu.pipeline_mode<synchronous>, transform_indices = @transform_3, window_bounds = array<i64: 1, 256>}, {transform_indices = @transform_4, window_bounds = array<i64: 2, 1024, 128>}]} {
    %get3A = arith.constant 0 : index
    %get3A_0 = arith.constant 0 : index
    %get3A_1 = vector.load %arg2[%get3A, %get3A_0] : memref<1024x1xf32, #tpu.memory_space<vmem>>, vector<1024x1xf32>
    %broadcast_in_dim3A = arith.constant 0.000000e+00 : f32
    %broadcast_in_dim3A_2 = vector.broadcast %broadcast_in_dim3A : f32 to vector<1024x256xf32>
    %get3A_3 = arith.constant 0 : index
    %get3A_4 = arith.constant 0 : index
    %get3A_5 = arith.constant 0 : index
    %get3A_6 = vector.load %arg1[%get3A_3, %get3A_4, %get3A_5] : memref<2x1024x64xf32, #tpu.memory_space<vmem>>, vector<1x1024x64xf32>
    %get3A_7 = vector.shape_cast %get3A_6 : vector<1x1024x64xf32> to vector<1024x64xf32>
    %mul3A = vector.broadcast %get3A_1 : vector<1024x1xf32> to vector<1024x64xf32>
    %mul3A_8 = arith.mulf %get3A_7, %mul3A : vector<1024x64xf32>
    %get3A_9 = arith.constant 0 : index
    %get3A_10 = arith.constant 0 : index
    %get3A_11 = arith.constant 0 : index
    %get3A_12 = vector.load %arg3[%get3A_9, %get3A_10, %get3A_11] : memref<2x64x256xf32, #tpu.memory_space<vmem>>, vector<1x64x256xf32>
    %get3A_13 = vector.shape_cast %get3A_12 : vector<1x64x256xf32> to vector<64x256xf32>
    %dot_general3A = arith.constant dense<0.000000e+00> : vector<1024x256xf32>
    %dot_general3A_14 = tpu.matmul %mul3A_8, %get3A_13, %dot_general3A {dimension_numbers = #tpu.dot_dimension_numbers<[1], [0], [0], [1], [0, 0, 1, 1], [], []>, transpose_lhs_hint = false} : vector<1024x64xf32>, vector<64x256xf32>, vector<1024x256xf32> -> vector<1024x256xf32>
    %add3A = arith.addf %broadcast_in_dim3A_2, %dot_general3A_14 : vector<1024x256xf32>
    %get3A_15 = arith.constant 1 : index
    %get3A_16 = arith.constant 0 : index
    %get3A_17 = arith.constant 0 : index
    %get3A_18 = vector.load %arg1[%get3A_15, %get3A_16, %get3A_17] : memref<2x1024x64xf32, #tpu.memory_space<vmem>>, vector<1x1024x64xf32>
    %get3A_19 = vector.shape_cast %get3A_18 : vector<1x1024x64xf32> to vector<1024x64xf32>
    %mul3A_20 = vector.broadcast %get3A_1 : vector<1024x1xf32> to vector<1024x64xf32>
    %mul3A_21 = arith.mulf %get3A_19, %mul3A_20 : vector<1024x64xf32>
    %get3A_22 = arith.constant 1 : index
    %get3A_23 = arith.constant 0 : index
    %get3A_24 = arith.constant 0 : index
    %get3A_25 = vector.load %arg3[%get3A_22, %get3A_23, %get3A_24] : memref<2x64x256xf32, #tpu.memory_space<vmem>>, vector<1x64x256xf32>
    %get3A_26 = vector.shape_cast %get3A_25 : vector<1x64x256xf32> to vector<64x256xf32>
    %dot_general3A_27 = arith.constant dense<0.000000e+00> : vector<1024x256xf32>
    %dot_general3A_28 = tpu.matmul %mul3A_21, %get3A_26, %dot_general3A_27 {dimension_numbers = #tpu.dot_dimension_numbers<[1], [0], [0], [1], [0, 0, 1, 1], [], []>, transpose_lhs_hint = false} : vector<1024x64xf32>, vector<64x256xf32>, vector<1024x256xf32> -> vector<1024x256xf32>
    %add3A_29 = arith.addf %add3A, %dot_general3A_28 : vector<1024x256xf32>
    %get3A_30 = arith.constant 0 : index
    %get3A_31 = arith.constant 0 : index
    %get3A_32 = vector.load %arg4[%get3A_30, %get3A_31] : memref<1x256xf32, #tpu.memory_space<vmem>>, vector<1x256xf32>
    %add3A_33 = vector.broadcast %get3A_32 : vector<1x256xf32> to vector<1024x256xf32>
    %add3A_34 = arith.addf %add3A_29, %add3A_33 : vector<1024x256xf32>
    %ge3A = arith.constant 0.000000e+00 : f32
    %ge3A_35 = vector.broadcast %ge3A : f32 to vector<1024x256xf32>
    %ge3A_36 = arith.cmpf oge, %add3A_34, %ge3A_35 : vector<1024x256xf32>
    %mul3A_37 = arith.constant 0.00999999977 : f32
    %mul3A_38 = vector.broadcast %mul3A_37 : f32 to vector<1024x256xf32>
    %mul3A_39 = arith.mulf %mul3A_38, %add3A_34 : vector<1024x256xf32>
    %select_n3A = arith.select %ge3A_36, %add3A_34, %mul3A_39 : vector<1024x256xi1>, vector<1024x256xf32>
    %mul3A_40 = vector.broadcast %get3A_1 : vector<1024x1xf32> to vector<1024x256xf32>
    %mul3A_41 = arith.mulf %select_n3A, %mul3A_40 : vector<1024x256xf32>
    %slice3A = vector.extract_strided_slice %mul3A_41 {offsets = [0, 0], sizes = [1024, 128], strides = [1, 1]} : vector<1024x256xf32> to vector<1024x128xf32>
    %swap3A = arith.constant 0 : index
    %swap3A_42 = arith.constant 0 : index
    %swap3A_43 = arith.constant 0 : index
    %swap3A_44 = vector.load %arg5[%swap3A, %swap3A_42, %swap3A_43] : memref<2x1024x128xf32, #tpu.memory_space<vmem>>, vector<1x1024x128xf32>
    %swap3A_45 = vector.shape_cast %swap3A_44 : vector<1x1024x128xf32> to vector<1024x128xf32>
    %swap3A_46 = vector.shape_cast %slice3A : vector<1024x128xf32> to vector<1x1024x128xf32>
    tpu.vector_store %arg5[%swap3A, %swap3A_42, %swap3A_43], %swap3A_46 {strides = array<i32>} : memref<2x1024x128xf32, #tpu.memory_space<vmem>>, vector<1x1024x128xf32>,
    %slice3A_47 = vector.extract_strided_slice %mul3A_41 {offsets = [0, 128], sizes = [1024, 128], strides = [1, 1]} : vector<1024x256xf32> to vector<1024x128xf32>
    %swap3A_48 = arith.constant 1 : index
    %swap3A_49 = arith.constant 0 : index
    %swap3A_50 = arith.constant 0 : index
    %swap3A_51 = vector.load %arg5[%swap3A_48, %swap3A_49, %swap3A_50] : memref<2x1024x128xf32, #tpu.memory_space<vmem>>, vector<1x1024x128xf32>
    %swap3A_52 = vector.shape_cast %swap3A_51 : vector<1x1024x128xf32> to vector<1024x128xf32>
    %swap3A_53 = vector.shape_cast %slice3A_47 : vector<1024x128xf32> to vector<1x1024x128xf32>
    tpu.vector_store %arg5[%swap3A_48, %swap3A_49, %swap3A_50], %swap3A_53 {strides = array<i32>} : memref<2x1024x128xf32, #tpu.memory_space<vmem>>, vector<1x1024x128xf32>,
    return
  }
  func.func @transform_0(%arg0: i32) -> (i32, i32, i32) {
    %c0_i32 = arith.constant 0 : i32
    %c0_i32_0 = arith.constant 0 : i32
    %c0_i32_1 = arith.constant 0 : i32
    return %c0_i32, %arg0, %c0_i32_0 : i32, i32, i32
  }
  func.func @transform_1(%arg0: i32) -> (i32, i32) {
    %c0_i32 = arith.constant 0 : i32
    %c0_i32_0 = arith.constant 0 : i32
    return %arg0, %c0_i32 : i32, i32
  }
  func.func @transform_2(%arg0: i32) -> (i32, i32, i32) {
    %c0_i32 = arith.constant 0 : i32
    %c0_i32_0 = arith.constant 0 : i32
    %c0_i32_1 = arith.constant 0 : i32
    %c0_i32_2 = arith.constant 0 : i32
    return %c0_i32, %c0_i32_0, %c0_i32_1 : i32, i32, i32
  }
  func.func @transform_3(%arg0: i32) -> (i32, i32) {
    %c0_i32 = arith.constant 0 : i32
    %c0_i32_0 = arith.constant 0 : i32
    %c0_i32_1 = arith.constant 0 : i32
    return %c0_i32, %c0_i32_0 : i32, i32
  }
  func.func @transform_4(%arg0: i32) -> (i32, i32, i32) {
    %c0_i32 = arith.constant 0 : i32
    %c0_i32_0 = arith.constant 0 : i32
    %c0_i32_1 = arith.constant 0 : i32
    return %c0_i32, %arg0, %c0_i32_0 : i32, i32, i32
  }
}

module attributes {stable_mosaic.version = 14 : i64} {
  func.func @kern(%arg0: i32, %arg1: memref<2x1024x128xf32, #tpu.memory_space<vmem>>, %arg2: memref<1024x1xf32, #tpu.memory_space<vmem>>, %arg3: memref<2x128x512xf32, #tpu.memory_space<vmem>>, %arg4: memref<1x512xf32, #tpu.memory_space<vmem>>, %arg5: memref<4x1024x128xf32, #tpu.memory_space<vmem>>) attributes {dimension_semantics = [#tpu.dimension_semantics<arbitrary>], iteration_bounds = array<i64: 10>, scalar_prefetch = 0 : i64, scratch_operands = 0 : i64, tpu.core_type = #tpu.core_type<tc>, window_params = [{transform_indices = @transform_0, window_bounds = array<i64: 2, 1024, 128>}, {transform_indices = @transform_1, window_bounds = array<i64: 1024, 1>}, {pipeline_mode = #tpu.pipeline_mode<synchronous>, transform_indices = @transform_2, window_bounds = array<i64: 2, 128, 512>}, {pipeline_mode = #tpu.pipeline_mode<synchronous>, transform_indices = @transform_3, window_bounds = array<i64: 1, 512>}, {transform_indices = @transform_4, window_bounds = array<i64: 4, 1024, 128>}]} {
    %get3A = arith.constant 0 : index
    %get3A_0 = arith.constant 0 : index
    %get3A_1 = vector.load %arg2[%get3A, %get3A_0] : memref<1024x1xf32, #tpu.memory_space<vmem>>, vector<1024x1xf32>
    %broadcast_in_dim3A = arith.constant 0.000000e+00 : f32
    %broadcast_in_dim3A_2 = vector.broadcast %broadcast_in_dim3A : f32 to vector<1024x512xf32>
    %get3A_3 = arith.constant 0 : index
    %get3A_4 = arith.constant 0 : index
    %get3A_5 = arith.constant 0 : index
    %get3A_6 = vector.load %arg1[%get3A_3, %get3A_4, %get3A_5] : memref<2x1024x128xf32, #tpu.memory_space<vmem>>, vector<1x1024x128xf32>
    %get3A_7 = vector.shape_cast %get3A_6 : vector<1x1024x128xf32> to vector<1024x128xf32>
    %mul3A = vector.broadcast %get3A_1 : vector<1024x1xf32> to vector<1024x128xf32>
    %mul3A_8 = arith.mulf %get3A_7, %mul3A : vector<1024x128xf32>
    %get3A_9 = arith.constant 0 : index
    %get3A_10 = arith.constant 0 : index
    %get3A_11 = arith.constant 0 : index
    %get3A_12 = vector.load %arg3[%get3A_9, %get3A_10, %get3A_11] : memref<2x128x512xf32, #tpu.memory_space<vmem>>, vector<1x128x512xf32>
    %get3A_13 = vector.shape_cast %get3A_12 : vector<1x128x512xf32> to vector<128x512xf32>
    %dot_general3A = arith.constant dense<0.000000e+00> : vector<1024x512xf32>
    %dot_general3A_14 = tpu.matmul %mul3A_8, %get3A_13, %dot_general3A {dimension_numbers = #tpu.dot_dimension_numbers<[1], [0], [0], [1], [0, 0, 1, 1], [], []>, transpose_lhs_hint = false} : vector<1024x128xf32>, vector<128x512xf32>, vector<1024x512xf32> -> vector<1024x512xf32>
    %add3A = arith.addf %broadcast_in_dim3A_2, %dot_general3A_14 : vector<1024x512xf32>
    %get3A_15 = arith.constant 1 : index
    %get3A_16 = arith.constant 0 : index
    %get3A_17 = arith.constant 0 : index
    %get3A_18 = vector.load %arg1[%get3A_15, %get3A_16, %get3A_17] : memref<2x1024x128xf32, #tpu.memory_space<vmem>>, vector<1x1024x128xf32>
    %get3A_19 = vector.shape_cast %get3A_18 : vector<1x1024x128xf32> to vector<1024x128xf32>
    %mul3A_20 = vector.broadcast %get3A_1 : vector<1024x1xf32> to vector<1024x128xf32>
    %mul3A_21 = arith.mulf %get3A_19, %mul3A_20 : vector<1024x128xf32>
    %get3A_22 = arith.constant 1 : index
    %get3A_23 = arith.constant 0 : index
    %get3A_24 = arith.constant 0 : index
    %get3A_25 = vector.load %arg3[%get3A_22, %get3A_23, %get3A_24] : memref<2x128x512xf32, #tpu.memory_space<vmem>>, vector<1x128x512xf32>
    %get3A_26 = vector.shape_cast %get3A_25 : vector<1x128x512xf32> to vector<128x512xf32>
    %dot_general3A_27 = arith.constant dense<0.000000e+00> : vector<1024x512xf32>
    %dot_general3A_28 = tpu.matmul %mul3A_21, %get3A_26, %dot_general3A_27 {dimension_numbers = #tpu.dot_dimension_numbers<[1], [0], [0], [1], [0, 0, 1, 1], [], []>, transpose_lhs_hint = false} : vector<1024x128xf32>, vector<128x512xf32>, vector<1024x512xf32> -> vector<1024x512xf32>
    %add3A_29 = arith.addf %add3A, %dot_general3A_28 : vector<1024x512xf32>
    %get3A_30 = arith.constant 0 : index
    %get3A_31 = arith.constant 0 : index
    %get3A_32 = vector.load %arg4[%get3A_30, %get3A_31] : memref<1x512xf32, #tpu.memory_space<vmem>>, vector<1x512xf32>
    %add3A_33 = vector.broadcast %get3A_32 : vector<1x512xf32> to vector<1024x512xf32>
    %add3A_34 = arith.addf %add3A_29, %add3A_33 : vector<1024x512xf32>
    %ge3A = arith.constant 0.000000e+00 : f32
    %ge3A_35 = vector.broadcast %ge3A : f32 to vector<1024x512xf32>
    %ge3A_36 = arith.cmpf oge, %add3A_34, %ge3A_35 : vector<1024x512xf32>
    %mul3A_37 = arith.constant 0.00999999977 : f32
    %mul3A_38 = vector.broadcast %mul3A_37 : f32 to vector<1024x512xf32>
    %mul3A_39 = arith.mulf %mul3A_38, %add3A_34 : vector<1024x512xf32>
    %select_n3A = arith.select %ge3A_36, %add3A_34, %mul3A_39 : vector<1024x512xi1>, vector<1024x512xf32>
    %mul3A_40 = vector.broadcast %get3A_1 : vector<1024x1xf32> to vector<1024x512xf32>
    %mul3A_41 = arith.mulf %select_n3A, %mul3A_40 : vector<1024x512xf32>
    %slice3A = vector.extract_strided_slice %mul3A_41 {offsets = [0, 0], sizes = [1024, 128], strides = [1, 1]} : vector<1024x512xf32> to vector<1024x128xf32>
    %swap3A = arith.constant 0 : index
    %swap3A_42 = arith.constant 0 : index
    %swap3A_43 = arith.constant 0 : index
    %swap3A_44 = vector.load %arg5[%swap3A, %swap3A_42, %swap3A_43] : memref<4x1024x128xf32, #tpu.memory_space<vmem>>, vector<1x1024x128xf32>
    %swap3A_45 = vector.shape_cast %swap3A_44 : vector<1x1024x128xf32> to vector<1024x128xf32>
    %swap3A_46 = vector.shape_cast %slice3A : vector<1024x128xf32> to vector<1x1024x128xf32>
    tpu.vector_store %arg5[%swap3A, %swap3A_42, %swap3A_43], %swap3A_46 {strides = array<i32>} : memref<4x1024x128xf32, #tpu.memory_space<vmem>>, vector<1x1024x128xf32>,
    %slice3A_47 = vector.extract_strided_slice %mul3A_41 {offsets = [0, 128], sizes = [1024, 128], strides = [1, 1]} : vector<1024x512xf32> to vector<1024x128xf32>
    %swap3A_48 = arith.constant 1 : index
    %swap3A_49 = arith.constant 0 : index
    %swap3A_50 = arith.constant 0 : index
    %swap3A_51 = vector.load %arg5[%swap3A_48, %swap3A_49, %swap3A_50] : memref<4x1024x128xf32, #tpu.memory_space<vmem>>, vector<1x1024x128xf32>
    %swap3A_52 = vector.shape_cast %swap3A_51 : vector<1x1024x128xf32> to vector<1024x128xf32>
    %swap3A_53 = vector.shape_cast %slice3A_47 : vector<1024x128xf32> to vector<1x1024x128xf32>
    tpu.vector_store %arg5[%swap3A_48, %swap3A_49, %swap3A_50], %swap3A_53 {strides = array<i32>} : memref<4x1024x128xf32, #tpu.memory_space<vmem>>, vector<1x1024x128xf32>,
    %slice3A_54 = vector.extract_strided_slice %mul3A_41 {offsets = [0, 256], sizes = [1024, 128], strides = [1, 1]} : vector<1024x512xf32> to vector<1024x128xf32>
    %swap3A_55 = arith.constant 2 : index
    %swap3A_56 = arith.constant 0 : index
    %swap3A_57 = arith.constant 0 : index
    %swap3A_58 = vector.load %arg5[%swap3A_55, %swap3A_56, %swap3A_57] : memref<4x1024x128xf32, #tpu.memory_space<vmem>>, vector<1x1024x128xf32>
    %swap3A_59 = vector.shape_cast %swap3A_58 : vector<1x1024x128xf32> to vector<1024x128xf32>
    %swap3A_60 = vector.shape_cast %slice3A_54 : vector<1024x128xf32> to vector<1x1024x128xf32>
    tpu.vector_store %arg5[%swap3A_55, %swap3A_56, %swap3A_57], %swap3A_60 {strides = array<i32>} : memref<4x1024x128xf32, #tpu.memory_space<vmem>>, vector<1x1024x128xf32>,
    %slice3A_61 = vector.extract_strided_slice %mul3A_41 {offsets = [0, 384], sizes = [1024, 128], strides = [1, 1]} : vector<1024x512xf32> to vector<1024x128xf32>
    %swap3A_62 = arith.constant 3 : index
    %swap3A_63 = arith.constant 0 : index
    %swap3A_64 = arith.constant 0 : index
    %swap3A_65 = vector.load %arg5[%swap3A_62, %swap3A_63, %swap3A_64] : memref<4x1024x128xf32, #tpu.memory_space<vmem>>, vector<1x1024x128xf32>
    %swap3A_66 = vector.shape_cast %swap3A_65 : vector<1x1024x128xf32> to vector<1024x128xf32>
    %swap3A_67 = vector.shape_cast %slice3A_61 : vector<1024x128xf32> to vector<1x1024x128xf32>
    tpu.vector_store %arg5[%swap3A_62, %swap3A_63, %swap3A_64], %swap3A_67 {strides = array<i32>} : memref<4x1024x128xf32, #tpu.memory_space<vmem>>, vector<1x1024x128xf32>,
    return
  }
  func.func @transform_0(%arg0: i32) -> (i32, i32, i32) {
    %c0_i32 = arith.constant 0 : i32
    %c0_i32_0 = arith.constant 0 : i32
    %c0_i32_1 = arith.constant 0 : i32
    return %c0_i32, %arg0, %c0_i32_0 : i32, i32, i32
  }
  func.func @transform_1(%arg0: i32) -> (i32, i32) {
    %c0_i32 = arith.constant 0 : i32
    %c0_i32_0 = arith.constant 0 : i32
    return %arg0, %c0_i32 : i32, i32
  }
  func.func @transform_2(%arg0: i32) -> (i32, i32, i32) {
    %c0_i32 = arith.constant 0 : i32
    %c0_i32_0 = arith.constant 0 : i32
    %c0_i32_1 = arith.constant 0 : i32
    %c0_i32_2 = arith.constant 0 : i32
    return %c0_i32, %c0_i32_0, %c0_i32_1 : i32, i32, i32
  }
  func.func @transform_3(%arg0: i32) -> (i32, i32) {
    %c0_i32 = arith.constant 0 : i32
    %c0_i32_0 = arith.constant 0 : i32
    %c0_i32_1 = arith.constant 0 : i32
    return %c0_i32, %c0_i32_0 : i32, i32
  }
  func.func @transform_4(%arg0: i32) -> (i32, i32, i32) {
    %c0_i32 = arith.constant 0 : i32
    %c0_i32_0 = arith.constant 0 : i32
    %c0_i32_1 = arith.constant 0 : i32
    return %c0_i32, %arg0, %c0_i32_0 : i32, i32, i32
  }
}

module attributes {stable_mosaic.version = 14 : i64} {
  func.func @_final_kernel(%arg0: i32, %arg1: memref<4x1024x128xf32, #tpu.memory_space<vmem>>, %arg2: memref<1024x1xf32, #tpu.memory_space<vmem>>, %arg3: memref<4x128x1024xf32, #tpu.memory_space<vmem>>, %arg4: memref<1x1024xf32, #tpu.memory_space<vmem>>, %arg5: memref<1024x1024xf32, #tpu.memory_space<vmem>>, %arg6: memref<1x1024xf32, #tpu.memory_space<vmem>>, %arg7: memref<1x1024xf32, #tpu.memory_space<vmem>>, %arg8: memref<1x1024xf32, #tpu.memory_space<vmem>>) attributes {dimension_semantics = [#tpu.dimension_semantics<arbitrary>], iteration_bounds = array<i64: 10>, scalar_prefetch = 0 : i64, scratch_operands = 1 : i64, tpu.core_type = #tpu.core_type<tc>, window_params = [{transform_indices = @transform_0, window_bounds = array<i64: 4, 1024, 128>}, {transform_indices = @transform_1, window_bounds = array<i64: 1024, 1>}, {pipeline_mode = #tpu.pipeline_mode<synchronous>, transform_indices = @transform_2, window_bounds = array<i64: 4, 128, 1024>}, {pipeline_mode = #tpu.pipeline_mode<synchronous>, transform_indices = @transform_3, window_bounds = array<i64: 1, 1024>}, {pipeline_mode = #tpu.pipeline_mode<synchronous>, transform_indices = @transform_4, window_bounds = array<i64: 1024, 1024>}, {pipeline_mode = #tpu.pipeline_mode<synchronous>, transform_indices = @transform_5, window_bounds = array<i64: 1, 1024>}, {pipeline_mode = #tpu.pipeline_mode<synchronous>, transform_indices = @transform_6, window_bounds = array<i64: 1, 1024>}]} {
    %get3A = arith.constant 0 : index
    %get3A_0 = arith.constant 0 : index
    %get3A_1 = vector.load %arg2[%get3A, %get3A_0] : memref<1024x1xf32, #tpu.memory_space<vmem>>, vector<1024x1xf32>
    %broadcast_in_dim3A = arith.constant 0.000000e+00 : f32
    %broadcast_in_dim3A_2 = vector.broadcast %broadcast_in_dim3A : f32 to vector<1024x1024xf32>
    %get3A_3 = arith.constant 0 : index
    %get3A_4 = arith.constant 0 : index
    %get3A_5 = arith.constant 0 : index
    %get3A_6 = vector.load %arg1[%get3A_3, %get3A_4, %get3A_5] : memref<4x1024x128xf32, #tpu.memory_space<vmem>>, vector<1x1024x128xf32>
    %get3A_7 = vector.shape_cast %get3A_6 : vector<1x1024x128xf32> to vector<1024x128xf32>
    %mul3A = vector.broadcast %get3A_1 : vector<1024x1xf32> to vector<1024x128xf32>
    %mul3A_8 = arith.mulf %get3A_7, %mul3A : vector<1024x128xf32>
    %get3A_9 = arith.constant 0 : index
    %get3A_10 = arith.constant 0 : index
    %get3A_11 = arith.constant 0 : index
    %get3A_12 = vector.load %arg3[%get3A_9, %get3A_10, %get3A_11] : memref<4x128x1024xf32, #tpu.memory_space<vmem>>, vector<1x128x1024xf32>
    %get3A_13 = vector.shape_cast %get3A_12 : vector<1x128x1024xf32> to vector<128x1024xf32>
    %dot_general3A = arith.constant dense<0.000000e+00> : vector<1024x1024xf32>
    %dot_general3A_14 = tpu.matmul %mul3A_8, %get3A_13, %dot_general3A {dimension_numbers = #tpu.dot_dimension_numbers<[1], [0], [0], [1], [0, 0, 1, 1], [], []>, transpose_lhs_hint = false} : vector<1024x128xf32>, vector<128x1024xf32>, vector<1024x1024xf32> -> vector<1024x1024xf32>
    %add3A = arith.addf %broadcast_in_dim3A_2, %dot_general3A_14 : vector<1024x1024xf32>
    %get3A_15 = arith.constant 1 : index
    %get3A_16 = arith.constant 0 : index
    %get3A_17 = arith.constant 0 : index
    %get3A_18 = vector.load %arg1[%get3A_15, %get3A_16, %get3A_17] : memref<4x1024x128xf32, #tpu.memory_space<vmem>>, vector<1x1024x128xf32>
    %get3A_19 = vector.shape_cast %get3A_18 : vector<1x1024x128xf32> to vector<1024x128xf32>
    %mul3A_20 = vector.broadcast %get3A_1 : vector<1024x1xf32> to vector<1024x128xf32>
    %mul3A_21 = arith.mulf %get3A_19, %mul3A_20 : vector<1024x128xf32>
    %get3A_22 = arith.constant 1 : index
    %get3A_23 = arith.constant 0 : index
    %get3A_24 = arith.constant 0 : index
    %get3A_25 = vector.load %arg3[%get3A_22, %get3A_23, %get3A_24] : memref<4x128x1024xf32, #tpu.memory_space<vmem>>, vector<1x128x1024xf32>
    %get3A_26 = vector.shape_cast %get3A_25 : vector<1x128x1024xf32> to vector<128x1024xf32>
    %dot_general3A_27 = arith.constant dense<0.000000e+00> : vector<1024x1024xf32>
    %dot_general3A_28 = tpu.matmul %mul3A_21, %get3A_26, %dot_general3A_27 {dimension_numbers = #tpu.dot_dimension_numbers<[1], [0], [0], [1], [0, 0, 1, 1], [], []>, transpose_lhs_hint = false} : vector<1024x128xf32>, vector<128x1024xf32>, vector<1024x1024xf32> -> vector<1024x1024xf32>
    %add3A_29 = arith.addf %add3A, %dot_general3A_28 : vector<1024x1024xf32>
    %get3A_30 = arith.constant 2 : index
    %get3A_31 = arith.constant 0 : index
    %get3A_32 = arith.constant 0 : index
    %get3A_33 = vector.load %arg1[%get3A_30, %get3A_31, %get3A_32] : memref<4x1024x128xf32, #tpu.memory_space<vmem>>, vector<1x1024x128xf32>
    %get3A_34 = vector.shape_cast %get3A_33 : vector<1x1024x128xf32> to vector<1024x128xf32>
    %mul3A_35 = vector.broadcast %get3A_1 : vector<1024x1xf32> to vector<1024x128xf32>
    %mul3A_36 = arith.mulf %get3A_34, %mul3A_35 : vector<1024x128xf32>
    %get3A_37 = arith.constant 2 : index
    %get3A_38 = arith.constant 0 : index
    %get3A_39 = arith.constant 0 : index
    %get3A_40 = vector.load %arg3[%get3A_37, %get3A_38, %get3A_39] : memref<4x128x1024xf32, #tpu.memory_space<vmem>>, vector<1x128x1024xf32>
    %get3A_41 = vector.shape_cast %get3A_40 : vector<1x128x1024xf32> to vector<128x1024xf32>
    %dot_general3A_42 = arith.constant dense<0.000000e+00> : vector<1024x1024xf32>
    %dot_general3A_43 = tpu.matmul %mul3A_36, %get3A_41, %dot_general3A_42 {dimension_numbers = #tpu.dot_dimension_numbers<[1], [0], [0], [1], [0, 0, 1, 1], [], []>, transpose_lhs_hint = false} : vector<1024x128xf32>, vector<128x1024xf32>, vector<1024x1024xf32> -> vector<1024x1024xf32>
    %add3A_44 = arith.addf %add3A_29, %dot_general3A_43 : vector<1024x1024xf32>
    %get3A_45 = arith.constant 3 : index
    %get3A_46 = arith.constant 0 : index
    %get3A_47 = arith.constant 0 : index
    %get3A_48 = vector.load %arg1[%get3A_45, %get3A_46, %get3A_47] : memref<4x1024x128xf32, #tpu.memory_space<vmem>>, vector<1x1024x128xf32>
    %get3A_49 = vector.shape_cast %get3A_48 : vector<1x1024x128xf32> to vector<1024x128xf32>
    %mul3A_50 = vector.broadcast %get3A_1 : vector<1024x1xf32> to vector<1024x128xf32>
    %mul3A_51 = arith.mulf %get3A_49, %mul3A_50 : vector<1024x128xf32>
    %get3A_52 = arith.constant 3 : index
    %get3A_53 = arith.constant 0 : index
    %get3A_54 = arith.constant 0 : index
    %get3A_55 = vector.load %arg3[%get3A_52, %get3A_53, %get3A_54] : memref<4x128x1024xf32, #tpu.memory_space<vmem>>, vector<1x128x1024xf32>
    %get3A_56 = vector.shape_cast %get3A_55 : vector<1x128x1024xf32> to vector<128x1024xf32>
    %dot_general3A_57 = arith.constant dense<0.000000e+00> : vector<1024x1024xf32>
    %dot_general3A_58 = tpu.matmul %mul3A_51, %get3A_56, %dot_general3A_57 {dimension_numbers = #tpu.dot_dimension_numbers<[1], [0], [0], [1], [0, 0, 1, 1], [], []>, transpose_lhs_hint = false} : vector<1024x128xf32>, vector<128x1024xf32>, vector<1024x1024xf32> -> vector<1024x1024xf32>
    %add3A_59 = arith.addf %add3A_44, %dot_general3A_58 : vector<1024x1024xf32>
    %get3A_60 = arith.constant 0 : index
    %get3A_61 = arith.constant 0 : index
    %get3A_62 = vector.load %arg4[%get3A_60, %get3A_61] : memref<1x1024xf32, #tpu.memory_space<vmem>>, vector<1x1024xf32>
    %add3A_63 = vector.broadcast %get3A_62 : vector<1x1024xf32> to vector<1024x1024xf32>
    %add3A_64 = arith.addf %add3A_59, %add3A_63 : vector<1024x1024xf32>
    %ge3A = arith.constant 0.000000e+00 : f32
    %ge3A_65 = vector.broadcast %ge3A : f32 to vector<1024x1024xf32>
    %ge3A_66 = arith.cmpf oge, %add3A_64, %ge3A_65 : vector<1024x1024xf32>
    %mul3A_67 = arith.constant 0.00999999977 : f32
    %mul3A_68 = vector.broadcast %mul3A_67 : f32 to vector<1024x1024xf32>
    %mul3A_69 = arith.mulf %mul3A_68, %add3A_64 : vector<1024x1024xf32>
    %select_n3A = arith.select %ge3A_66, %add3A_64, %mul3A_69 : vector<1024x1024xi1>, vector<1024x1024xf32>
    %mul3A_70 = arith.constant 1024 : i32
    %mul3A_71 = arith.muli %arg0, %mul3A_70 : i32
    %iota3A = tpu.iota {dimensions = array<i32: 0>} : vector<1024x1xi32>
    %add3A_72 = vector.broadcast %mul3A_71 : i32 to vector<1024x1xi32>
    %add3A_73 = arith.addi %add3A_72, %iota3A : vector<1024x1xi32>
    %lt3A = arith.constant 10000 : i32
    %lt3A_74 = vector.broadcast %lt3A : i32 to vector<1024x1xi32>
    %lt3A_75 = arith.cmpi slt, %add3A_73, %lt3A_74 : vector<1024x1xi32>
    %jit3A = arith.constant 0xFF800000 : f32
    %broadcast_in_dim3A_76 = vector.shape_cast %lt3A_75 : vector<1024x1xi1> to vector<1024x1xi1>
    %broadcast_in_dim3A_77 = vector.broadcast %broadcast_in_dim3A_76 : vector<1024x1xi1> to vector<1024x1024xi1>
    %broadcast_in_dim3A_78 = vector.broadcast %jit3A : f32 to vector<1024x1024xf32>
    %select_n3A_79 = arith.select %broadcast_in_dim3A_77, %select_n3A, %broadcast_in_dim3A_78 : vector<1024x1024xi1>, vector<1024x1024xf32>
    %reduce_max3A = arith.constant dense<0xFF800000> : vector<1024xf32>
    %reduce_max3A_80 = vector.multi_reduction <maximumf>, %select_n3A_79, %reduce_max3A [0] : vector<1024x1024xf32> to vector<1024xf32>
    %broadcast_in_dim3A_81 = vector.shape_cast %reduce_max3A_80 : vector<1024xf32> to vector<1x1024xf32>
    %eq3A = arith.constant 0 : i32
    %eq3A_82 = arith.cmpi eq, %arg0, %eq3A : i32
    %convert_element_type3A = arith.extui %eq3A_82 : i1 to i32
    %cond3A = arith.constant 0 : i32
    %cond3A_83 = arith.cmpi ne, %convert_element_type3A, %cond3A : i32
    scf.if %cond3A_83 {
      %swap3A = arith.constant 0 : index
      %swap3A_93 = arith.constant 0 : index
      %swap3A_94 = vector.load %arg8[%swap3A, %swap3A_93] : memref<1x1024xf32, #tpu.memory_space<vmem>>, vector<1x1024xf32>
      tpu.vector_store %arg8[%swap3A, %swap3A_93], %broadcast_in_dim3A_81 {strides = array<i32>} : memref<1x1024xf32, #tpu.memory_space<vmem>>, vector<1x1024xf32>,
    } else {
    }
    %gt3A = arith.constant 0 : i32
    %gt3A_84 = arith.cmpi sgt, %arg0, %gt3A : i32
    %convert_element_type3A_85 = arith.extui %gt3A_84 : i1 to i32
    %cond3A_86 = arith.constant 0 : i32
    %cond3A_87 = arith.cmpi ne, %convert_element_type3A_85, %cond3A_86 : i32
    scf.if %cond3A_87 {
      %get3A_93 = arith.constant 0 : index
      %get3A_94 = arith.constant 0 : index
      %get3A_95 = vector.load %arg8[%get3A_93, %get3A_94] : memref<1x1024xf32, #tpu.memory_space<vmem>>, vector<1x1024xf32>
      %max3A = arith.maximumf %get3A_95, %broadcast_in_dim3A_81 : vector<1x1024xf32>
      %swap3A = arith.constant 0 : index
      %swap3A_96 = arith.constant 0 : index
      %swap3A_97 = vector.load %arg8[%swap3A, %swap3A_96] : memref<1x1024xf32, #tpu.memory_space<vmem>>, vector<1x1024xf32>
      tpu.vector_store %arg8[%swap3A, %swap3A_96], %max3A {strides = array<i32>} : memref<1x1024xf32, #tpu.memory_space<vmem>>, vector<1x1024xf32>,
    } else {
    }
    %eq3A_88 = arith.constant 9 : i32
    %eq3A_89 = arith.cmpi eq, %arg0, %eq3A_88 : i32
    %convert_element_type3A_90 = arith.extui %eq3A_89 : i1 to i32
    %cond3A_91 = arith.constant 0 : i32
    %cond3A_92 = arith.cmpi ne, %convert_element_type3A_90, %cond3A_91 : i32
    scf.if %cond3A_92 {
      %get3A_93 = arith.constant 0 : index
      %get3A_94 = arith.constant 0 : index
      %get3A_95 = vector.load %arg8[%get3A_93, %get3A_94] : memref<1x1024xf32, #tpu.memory_space<vmem>>, vector<1x1024xf32>
      %get3A_96 = arith.constant 0 : index
      %get3A_97 = arith.constant 0 : index
      %get3A_98 = vector.load %arg5[%get3A_96, %get3A_97] : memref<1024x1024xf32, #tpu.memory_space<vmem>>, vector<1024x1024xf32>
      %dot_general3A_99 = arith.constant dense<0.000000e+00> : vector<1x1024xf32>
      %dot_general3A_100 = tpu.matmul %get3A_95, %get3A_98, %dot_general3A_99 {dimension_numbers = #tpu.dot_dimension_numbers<[1], [1], [0], [0], [0, 0, 1, 0], [], []>, transpose_lhs_hint = false} : vector<1x1024xf32>, vector<1024x1024xf32>, vector<1x1024xf32> -> vector<1x1024xf32>
      %get3A_101 = arith.constant 0 : index
      %get3A_102 = arith.constant 0 : index
      %get3A_103 = vector.load %arg6[%get3A_101, %get3A_102] : memref<1x1024xf32, #tpu.memory_space<vmem>>, vector<1x1024xf32>
      %add3A_104 = arith.addf %dot_general3A_100, %get3A_103 : vector<1x1024xf32>
      %swap3A = arith.constant 0 : index
      %swap3A_105 = arith.constant 0 : index
      %swap3A_106 = vector.load %arg7[%swap3A, %swap3A_105] : memref<1x1024xf32, #tpu.memory_space<vmem>>, vector<1x1024xf32>
      tpu.vector_store %arg7[%swap3A, %swap3A_105], %add3A_104 {strides = array<i32>} : memref<1x1024xf32, #tpu.memory_space<vmem>>, vector<1x1024xf32>,
    } else {
    }
    return
  }
  func.func @transform_0(%arg0: i32) -> (i32, i32, i32) {
    %c0_i32 = arith.constant 0 : i32
    %c0_i32_0 = arith.constant 0 : i32
    %c0_i32_1 = arith.constant 0 : i32
    return %c0_i32, %arg0, %c0_i32_0 : i32, i32, i32
  }
  func.func @transform_1(%arg0: i32) -> (i32, i32) {
    %c0_i32 = arith.constant 0 : i32
    %c0_i32_0 = arith.constant 0 : i32
    return %arg0, %c0_i32 : i32, i32
  }
  func.func @transform_2(%arg0: i32) -> (i32, i32, i32) {
    %c0_i32 = arith.constant 0 : i32
    %c0_i32_0 = arith.constant 0 : i32
    %c0_i32_1 = arith.constant 0 : i32
    %c0_i32_2 = arith.constant 0 : i32
    return %c0_i32, %c0_i32_0, %c0_i32_1 : i32, i32, i32
  }
  func.func @transform_3(%arg0: i32) -> (i32, i32) {
    %c0_i32 = arith.constant 0 : i32
    %c0_i32_0 = arith.constant 0 : i32
    %c0_i32_1 = arith.constant 0 : i32
    return %c0_i32, %c0_i32_0 : i32, i32
  }
  func.func @transform_4(%arg0: i32) -> (i32, i32) {
    %c0_i32 = arith.constant 0 : i32
    %c0_i32_0 = arith.constant 0 : i32
    %c0_i32_1 = arith.constant 0 : i32
    return %c0_i32, %c0_i32_0 : i32, i32
  }
  func.func @transform_5(%arg0: i32) -> (i32, i32) {
    %c0_i32 = arith.constant 0 : i32
    %c0_i32_0 = arith.constant 0 : i32
    %c0_i32_1 = arith.constant 0 : i32
    return %c0_i32, %c0_i32_0 : i32, i32
  }
  func.func @transform_6(%arg0: i32) -> (i32, i32) {
    %c0_i32 = arith.constant 0 : i32
    %c0_i32_0 = arith.constant 0 : i32
    %c0_i32_1 = arith.constant 0 : i32
    return %c0_i32, %c0_i32_0 : i32, i32
  }
}

</mosaic_0001>

<sc_bundles>
// kernel: kernel.14.cloned.1.call-start
scs
__scs_entry_jumppad:
0x0: {  	(pc) =	sbr.rel $0x88, $3  }
0x1: {  	(tag) =	ssettag $0x0;
	lr =	simm.s32 $0x1  }
0x2: {  	[smem:$0x3F93] =	sst lr;
	_ =	strace $0xD0000000  }
0x3: {  	_ = 	snop  }
0x4: {  	_ = 	snop  }
0x5: {  	_ = 	snop  }
0x6: {  	_ = 	snop  }
0x7: {  	_ = 	snop  }
__scs_overlays_trampoline_lowered:
0x8: {  	[smem:$0x3FA2] =	sst s0  }
0x9: {  	[smem:$0x3FA3] =	sst s1  }
0xa: {  	[smem:$0x3FA4] =	sst s2  }
0xb: {  	[smem:$0x3FA5] =	sst s3  }
0xc: {  	[smem:$0x3FA6] =	sst s4  }
0xd: {  	[smem:$0x3FA7] =	sst s5  }
0xe: {  	[smem:$0x3FA8] =	sst s6  }
0xf: {  	[smem:$0x3FA9] =	sst s7  }
0x10: {  	[smem:$0x3FAA] =	sst s8  }
0x11: {  	[smem:$0x3FAB] =	sst s9;
	s0 =	simm.s32 @!p0 $0x0  }
0x12: {  	s1 =	sld [smem:$0x3F91];
	s0 =	simm.s32 @p0 $0x1  }
0x13: {  	[smem:$0x3FAC] =	sst s0;
	s0 =	simm.s32 @!p1 $0x0  }
0x14: {  	s2 =	sld [smem:$0x3F90];
	s0 =	simm.s32 @p1 $0x1  }
0x15: {  	[smem:$0x3FAD] =	sst s0;
	s0 =	simm.s32 @!p2 $0x0  }
0x16: {  	s3 =	sld [smem:$0x3FDB];
	s0 =	simm.s32 @p2 $0x1  }
0x17: {  	s4 =	simm.s32 $0x1BF5;
	[smem:$0x3FAF] =	sst s0  }
0x18: {  	s0 =	sld [smem:$0x3F92];
	_ =	swait.ge [sflag:s4], $0x0  }
0x19: {  	s7 =	sld [smem:$0x3F93]  }
0x1a: {  	s8 =	sadd.s32 $0xFFFFE003, lr  }
0x1b: {  	s9 =	sadd.s32 $0xFFFFFEF7, lr;
	s5 =	simm.s32 $0xFFFFFFFF;
	p2 =	slt.u32 s8, $0xFFFFF086  }
0x1c: {  	p1 =	slt.u32 s9, $0xF7A;
	s5 =	simm.s32 @!p2 $0x0  }
0x1d: {  	s5 =	simm.s32 @p1 $0x1;
	p0 =	seq.s32 s7, s2  }
0x1e: {  	s7 =	smul.u32 @!p0 $0xF7A, s2;
	p2 =	seq.s32 @!p0 s5, $0x0  }
0x1f: {  	s9 =	smul.u32 $0xF7A, s1;
	s8 =	simm.s32 @!p0 $0x1BF5;
	p2 =	por !p2, p0  }
0x20: {  	[sflag:s8] =	ssyncset.s32 @!p0 $0xFFFFF086;
	s6 =	sadd.s32 @!p0 s3, s7;
	s7 =	simm.s32 @!p0 $0x108  }
0x21: {  	s3 =	sadd.s32 s3, s9;
	s6 =	sadd.s32 @!p0 $0x88, s6;
	s7 =	simm.s32 @p2 $0x1082  }
0x22: {  	[simem:s7], [sflag:s8] =	dma.local @!p0 [hbm:s6], $0xF7A  }
0x23: {  	s9 =	sor.u32 $0xD0000000, s2;
	s6 =	simm.s32 $0x108;
	_ =	swait.ge @!p0 [sflag:s8], $0x0  }
0x24: {  	s3 =	sadd.s32 $0x88, s3;
	s6 =	simm.s32 @!p1 $0x1082;
	[sflag:s4] =	ssyncset.s32 $0xFFFFF086  }
0x25: {  	[simem:s6], [sflag:s4] =	dma.local [hbm:s3], $0xF7A  }
0x26: {  	[smem:$0x3F93] =	sst s1;
	(tag) =	ssettag s2;
	_ =	strace s9  }
0x27: {  	s1 =	sld [smem:$0x3FA3]  }
0x28: {  	s2 =	sld [smem:$0x3FA4]  }
0x29: {  	s4 =	sld [smem:$0x3FA6]  }
0x2a: {  	p0 =	seq.s32 s5, $0x0;
	s5 =	sld [smem:$0x3FA7]  }
0x2b: {  	s6 =	sld [smem:$0x3FA8]  }
0x2c: {  	s7 =	sld [smem:$0x3FA9]  }
0x2d: {  	s3 =	simm.s32 $0x108;
	s8 =	sld [smem:$0x3FAA]  }
0x2e: {  	s3 =	simm.s32 @!p0 $0x1082;
	s9 =	sld [smem:$0x3FAB]  }
0x2f: {  	lr =	sadd.s32 s0, s3;
	s0 =	sld [smem:$0x3FA2]  }
0x30: {  	s3 =	sld [smem:$0x3FA5]  }
0x31: {  	[smem:$0x3FAE] =	sst s10  }
0x32: {  	s10 =	sld [smem:$0x3FAC];
	_ =	sdelay $0x3  }
0x33: {  	p0 =	seq.s32 s10, $0x1;
	s10 =	sld [smem:$0x3FAE];
	_ =	sdelay $0x3  }
0x34: {  	[smem:$0x3FAE] =	sst s10  }
0x35: {  	s10 =	sld [smem:$0x3FAD];
	_ =	sdelay $0x3  }
0x36: {  	p1 =	seq.s32 s10, $0x1;
	s10 =	sld [smem:$0x3FAE];
	_ =	sdelay $0x3  }
0x37: {  	[smem:$0x3FAE] =	sst s10  }
0x38: {  	s10 =	sld [smem:$0x3FAF]  }
0x39: {  	_ = 	snop;
	(pc) =	sbr.ind lr, $3  }
0x3a: {  	_ = 	snop  }
0x3b: {  	_ = 	snop  }
0x3c: {  	p2 =	seq.s32 s10, $0x1;
	s10 =	sld [smem:$0x3FAE]  }
0x3d: {  	_ =	shalt  }
0x3e: {  	_ =	shalt  }
0x3f: {  	_ =	shalt  }
0x40: {  	_ =	shalt  }
0x41: {  	_ =	shalt  }
0x42: {  	_ =	shalt  }
0x43: {  	_ =	shalt  }
0x44: {  	_ =	shalt  }
0x45: {  	_ =	shalt  }
0x46: {  	_ =	shalt  }
0x47: {  	_ =	shalt  }
0x48: {  	_ =	shalt  }
0x49: {  	_ =	shalt  }
0x4a: {  	_ =	shalt  }
0x4b: {  	_ =	shalt  }
0x4c: {  	_ =	shalt  }
0x4d: {  	_ =	shalt  }
0x4e: {  	_ =	shalt  }
0x4f: {  	_ =	shalt  }
0x50: {  	_ =	shalt  }
0x51: {  	_ =	shalt  }
0x52: {  	_ =	shalt  }
0x53: {  	_ =	shalt  }
0x54: {  	_ =	shalt  }
0x55: {  	_ =	shalt  }
0x56: {  	_ =	shalt  }
0x57: {  	_ =	shalt  }
0x58: {  	_ =	shalt  }
0x59: {  	_ =	shalt  }
0x5a: {  	_ =	shalt  }
0x5b: {  	_ =	shalt  }
0x5c: {  	_ =	shalt  }
0x5d: {  	_ =	shalt  }
0x5e: {  	_ =	shalt  }
0x5f: {  	_ =	shalt  }
0x60: {  	_ =	shalt  }
0x61: {  	_ =	shalt  }
0x62: {  	_ =	shalt  }
0x63: {  	_ =	shalt  }
0x64: {  	_ =	shalt  }
0x65: {  	_ =	shalt  }
0x66: {  	_ =	shalt  }
0x67: {  	_ =	shalt  }
0x68: {  	_ =	shalt  }
0x69: {  	_ =	shalt  }
0x6a: {  	_ =	shalt  }
0x6b: {  	_ =	shalt  }
0x6c: {  	_ =	shalt  }
0x6d: {  	_ =	shalt  }
0x6e: {  	_ =	shalt  }
0x6f: {  	_ =	shalt  }
0x70: {  	_ =	shalt  }
0x71: {  	_ =	shalt  }
0x72: {  	_ =	shalt  }
0x73: {  	_ =	shalt  }
0x74: {  	_ =	shalt  }
0x75: {  	_ =	shalt  }
0x76: {  	_ =	shalt  }
0x77: {  	_ =	shalt  }
0x78: {  	_ =	shalt  }
0x79: {  	_ =	shalt  }
0x7a: {  	_ =	shalt  }
0x7b: {  	_ =	shalt  }
0x7c: {  	_ =	shalt  }
0x7d: {  	_ =	shalt  }
0x7e: {  	_ =	shalt  }
0x7f: {  	_ =	shalt  }
0x80: {  	_ =	shalt  }
0x81: {  	_ =	shalt  }
0x82: {  	_ =	shalt  }
0x83: {  	_ =	shalt  }
0x84: {  	_ =	shalt  }
0x85: {  	_ =	shalt  }
0x86: {  	_ =	shalt  }
0x87: {  	_ =	shalt  }
.Lfunc_end0:
.L_simem_size_0:
called_computation_lowered:
.L_overlay_start_0:
0x88: {  	s2 =	sld [smem:$0x3FD9]  }
0x89: {  	s3 =	sld [smem:$0x3FFE];
	_ =	sdelay $0x1  }
0x8a: {  	s1 =	srdreg.scid  }
0x8b: {  	s0 =	sand.u32 $0x1, s1  }
0x8c: {  	s16 =	sshll.u32 s0, $0xA;
	s2 =	sadd.s32 s3, s2  }
0x8d: {  	s2 =	sadd.s32 s2, s16  }
0x8e: {  	[smem:$0x3FBA] =	sst s2  }
0x8f: {  	_ = 	snop  }
0x90: {  	(tm) =	ssettm $0x1  }
0x91: {  	s17 =	sld [smem:$0x3FFB];
	_ =	sdelay $0x3  }
0x92: {  	_ =	strace s17  }
0x93: {  	s2 =	sld [smem:$0x3FFC];
	_ =	sdelay $0x3  }
0x94: {  	_ =	strace s2  }
0x95: {  	s2 =	sld [smem:$0x3FFD];
	_ =	sdelay $0x3  }
0x96: {  	_ =	strace s2  }
0x97: {  	_ =	strace $0x8FFFFFFF  }
0x98: {  	s18 =	sld [smem:$0x3FDB];
	_ =	sdelay $0x1  }
0x99: {  	s19 =	simm.s32 $_scs_section_size  }
0x9a: {  	s4 =	simm.s32 $_size__tile_overlayer_lowered;
	s5 =	simm.s32 $_tile_overlayer_lowered  }
0x9b: {  	s22 =	simm.s32 $0x1BFF;
	s21 =	sshll.u32 s5, $0x1;
	s2 =	sadd.s32 s19, s18  }
0x9c: {  	s6 =	simm.s32 $0x0;
	s20 =	sshll.u32 s4, $0x1;
	s4 =	sadd.s32 s21, s2  }
0x9d: {  	[timem:s6], [sflag:s22] =	dma.local [hbm:s4], s20  }
0x9e: {  	_ =	swait.ge [sflag:s22], s20  }
0x9f: {  	s3 =	ssub.s32 $0x0, s20;
	[sflag:s22] =	ssyncset.done $0x0  }
0xa0: {  	[sflag:s22] =	ssyncadd.s32 s3;
	_ =	sdelay $0x1  }
0xa1: {  	s23 =	simm.s32 $0x1B8B  }
0xa2: {  	_ =	swait.ge [sflag:s23], $0x1  }
0xa3: {  	[sflag:s23] =	ssyncset.done $0x0  }
0xa4: {  	s25 =	simm.s32 $0x1B8E;
	s24 =	sld [smem:$0x3FFE];
	[sflag:s23] =	ssyncadd.s32 $0xFFFFFFFF  }
0xa5: {  	s26 =	simm.s32 $execute0_lowered;
	[smem:$0x3FD2] =	sst s25  }
0xa6: {  	s4 =	sshll.u32 s26, $0x1;
	_ =	strace $0x80000046;
	[dreg:$0x1] =	wrdreg $0xFFFFFFFF  }
0xa7: {  	s28 =	simm.s32 $_size_execute0_lowered;
	s2 =	sadd.s32 s2, s4;
	[dreg:$0x0] =	wrdreg $0x0  }
0xa8: {  	s4 =	sshll.u32 s28, $0x1;
	[dreg:$0x2] =	wrdreg s2  }
0xa9: {  	[dreg:$0x3] =	wrdreg s4  }
0xaa: {  	[dreg:$0x4] =	wrdreg $0xC0  }
0xab: {  	_ =	task [dreg:s6], $0x5FFFF  }
0xac: {  	[dreg:$0x1] =	wrdreg $0xFFFFFFFF  }
0xad: {  	[dreg:$0x0] =	wrdreg $0x60  }
0xae: {  	[dreg:$0x2] =	wrdreg s24  }
0xaf: {  	[dreg:$0x3] =	wrdreg $0x30000  }
0xb0: {  	[dreg:$0x4] =	wrdreg $0x9  }
0xb1: {  	_ =	task.clear_ibuf [dreg:s6], $0x5FFFF;
	_ =	strace $0x90000046  }
0xb2: {  	s29 =	simm.s32 $0x9;
	_ =	strace $0x80000048  }
0xb3: {  	_ =	swait.ge [sflag:s29], $0x1  }
0xb4: {  	[sflag:s29] =	ssyncadd.s32 $0xFFFFFFFF  }
0xb5: {  	_ =	strace $0x90000048  }
0xb6: {  	_ =	sfence  }
0xb7: {  	s30 =	sld [smem:$0x0];
	_ =	sdelay $0x2  }
0xb8: {  	s31 =	sshll.u32 s1, $0xD;
	s1 =	sshrl.u32 s1, $0x2  }
0xb9: {  	s3 =	sand.u32 $0x4000, s31;
	s1 =	sadd.s32 s1, s30  }
0xba: {  	s0 =	sor.u32 s3, s0;
	s1 =	sshll.u32 s1, $0x11  }
0xbb: {  	s0 =	sor.u32 s1, s0  }
0xbc: {  	s0 =	sadd.s32 $0x8F2B, s0  }
0xbd: {  	[sflag:s0] =	ssyncadd.remote.s32 $0x1  }
0xbe: {  	_ =	sfence.sel $0xFFFF  }
0xbf: {  	[dreg:$0x0] =	wrdreg $0xFFFFFFFF;
	(pc) =	sbr.abs _section_cstart, $3  }
0xc0: {  	[dreg:$0x1] =	wrdreg $0xFFFFFFFF  }
0xc1: {  	_ =	task.clear_ibuf [dreg:s6], $0x2FFFF;
	_ =	strace $0x9FFFFFFF  }
0xc2: {  	(tm) =	ssettm $0x7FFFFFFF  }
0xc3: {  	_ =	shalt  }
tec
execute0_lowered:
.L_overlay_start_1:
0x0: {  	(tag) =	ssettag $0x1  }
0x1: {  	s1 =	srdreg.scid  }
0x2: {  	s1 =	sand.u32 $0x1, s1  }
0x3: {  	p0 =	seq.s32 s1, $0x1  }
.Ltmp0:
0x4: {  	_ = 	snop;
	(pc) =	sbr.rel @p0 .LBB2_4-.Ltmp0, $4  }
0x5: {  	s4 =	rddreg [dreg:$0x0]  }
0x6: {  	s2 =	rddreg [dreg:$0x1];
	s6 =	simm.s32 $0x0  }
0x7: {  	[smem:$0x7FF] =	sst s6  }
0x8: {  	s0 =	rddreg [dreg:$0x2];
	_ =	strace $0x80000047;
	s1 =	stileid.u32  }
0x9: {  	s3 =	smul.u32 $0x500, s1  }
0xa: {  	s5 =	sadd.s32 $0x8200, s4  }
0xb: {  	s3 =	sadd.s32 s5, s3  }
0xc: {  	[tilespmem:s6], [sflag:$0x1] =	stream.linear.gather [hbm4b:s3+s6], $0x2800, $0x38;
	[tilespmem:$0x5800] =	vst v63  }
0xd: {  	s3 =	simm.s32 $0x1  }
0xe: {  	_ =	swait.ge [sflag:s3], $0x2800  }
0xf: {  	s7 =	sadd.s32 $0xD400, s4;
	s8 =	sadd.s32 $0xD200, s4;
	[sflag:s3] =	ssyncset.done $0x0  }
0x10: {  	s9 =	smul.u32 $0x2800, s1;
	s5 =	simm.s32 $0x2800;
	[sflag:s3] =	ssyncadd.s32 $0xFFFFD800  }
0x11: {  	[tilespmem:s5], [sflag:$0x1] =	stream.linear.gather [hbm4b:s8+s6], $0x800, $0x38;
	[tilespmem:$0x5800] =	vst v63  }
0x12: {  	s29 =	sshll.u32 s1, $0x6;
	s10 =	sshrl.u32 s9, $0x3;
	_ =	swait.ge [sflag:s3], $0x800  }
0x13: {  	s26 =	sadd.s32 s9, s2;
	s28 =	sadd.s32 s7, s10;
	[sflag:s3] =	ssyncset.done $0x0  }
0x14: {  	s7 =	sshrl.u32 s26, $0x3;
	s6 =	sor.u32 $0x1C01, s29;
	[sflag:s3] =	ssyncadd.s32 $0xFFFFF800  }
0x15: {  	[spmem:s7], [sflag:s6] =	dma.local [hbm:s28], $0x500  }
0x16: {  	_ =	swait.ge [sflag:s3], $0x500  }
0x17: {  	[sflag:s3] =	ssyncset.done $0x0  }
0x18: {  	[sflag:s3] =	ssyncadd.s32 $0xFFFFFB00  }
0x19: {  	s30 =	simm.s32 $0x0;
	s8 =	simm.s32 $0x80;
	[bflag:$0x0] =	sbarrier.arrive $0xFFFF  }
0x1a: {  	[spmem:s2] =	stream.indirect.scatter.add.f32 [tilespmem:s5], [sflag:$0x1], $0x10, s30, s8, $0xb8;
	[tilespmem:$0x5800] =	vst v63  }
0x1b: {  	s31 =	sadd.s32 s10, s4;
	_ =	swait.ge [sflag:s3], $0x800  }
0x1c: {  	s9 =	simm.s32 $0x200;
	s4 =	sadd.s32 $0x12400, s31;
	[sflag:s3] =	ssyncset.done $0x0  }
.LBB2_2:
0x1d: {  	s10 =	sshra.s32 s9, $0x2;
	[sflag:s3] =	ssyncadd.s32 $0xFFFFF800;
	p0 =	sne.s32 s9, $0x9E00  }
0x1e: {  	[spmem:s2] =	stream.indirect.scatter.add.f32 [tilespmem:s5], [sflag:$0x1], $0x10, s10, s8, $0xb8;
	[tilespmem:$0x5800] =	vst v63  }
.Ltmp1:
0x1f: {  	_ = 	snop;
	(pc) =	sbr.rel @p0 .LBB2_2-.Ltmp1, $4  }
0x20: {  	_ = 	snop  }
0x21: {  	s9 =	sadd.s32 $0x200, s9  }
0x22: {  	_ =	swait.ge [sflag:s3], $0x800  }
0x23: {  	[sflag:s3] =	ssyncset.done $0x0  }
0x24: {  	[sflag:s3] =	ssyncadd.s32 $0xFFFFF800  }
0x25: {  	s2 =	simm.s32 $0x1;
	[bflag:$0x0] =	sbarrier.arrive $0xFFFF  }
0x26: {  	[hbm:s4], [sflag:s6] =	dma.local [spmem:s7], $0x500  }
0x27: {  	_ =	swait.ge [sflag:s2], $0x500  }
0x28: {  	[sflag:s2] =	ssyncset.done $0x0  }
0x29: {  	[sflag:s2] =	ssyncadd.s32 $0xFFFFFB00  }
.LBB2_4:
0x2a: {  	_ =	sfence.sel $0x180000  }
0x2b: {  	[bflag:$0x0] =	sbarrier.arrive $0xFFFF  }
0x2c: {  	p0 =	sne.s32 s1, $0x0;
	_ =	strace $0x90000047  }
0x2d: {  	s0 =	sadd.s32 @!p0 $0x100000, s0;
	[bflag:$0x2] =	sbarrier.arrive $0xFFFF  }
0x2e: {  	[sflag:s0] =	ssyncadd.tile.s32 @!p0 $0x1;
	_ =	shalt  }
.Lfunc_end2:
_tile_overlayer_lowered:
.L_overlay_start_2:
0x2f: {  	(tag) =	ssettag $0x2  }
0x30: {  	s0 =	rddreg [dreg:$0x0];
	s2 =	stileid.u32  }
0x31: {  	s1 =	rddreg [dreg:$0x1];
	p0 =	sne.s32 s2, $0x0  }
0x32: {  	s3 =	rddreg [dreg:$0x2];
	[bflag:$0x3] =	sbarrier.arrive $0xFFFF;
	s2 =	simm.s32 @!p0 $0x1C01  }
0x33: {  	[timem:s3], [sflag:s2] =	dma.local @!p0 [hbm:s0], s1  }
0x34: {  	s0 =	simm.s32 @!p0 $0x1  }
0x35: {  	_ =	swait.ge @!p0 [sflag:s0], s1  }
0x36: {  	s1 =	ssub.s32 @!p0 $0x0, s1;
	[sflag:s0] =	ssyncset.done @!p0 $0x0  }
0x37: {  	[sflag:s0] =	ssyncadd.s32 @!p0 s1  }
0x38: {  	[bflag:$0x3] =	sbarrier.arrive $0xFFFF  }
0x39: {  	_ =	shalt  }

// kernel: kernel.17.cloned.1.call-start
scs
__scs_entry_jumppad:
0x0: {  	(pc) =	sbr.rel $0x88, $3  }
0x1: {  	(tag) =	ssettag $0x0;
	lr =	simm.s32 $0x1  }
0x2: {  	[smem:$0x3F93] =	sst lr;
	_ =	strace $0xD0000000  }
0x3: {  	_ = 	snop  }
0x4: {  	_ = 	snop  }
0x5: {  	_ = 	snop  }
0x6: {  	_ = 	snop  }
0x7: {  	_ = 	snop  }
__scs_overlays_trampoline_lowered:
0x8: {  	[smem:$0x3FA2] =	sst s0  }
0x9: {  	[smem:$0x3FA3] =	sst s1  }
0xa: {  	[smem:$0x3FA4] =	sst s2  }
0xb: {  	[smem:$0x3FA5] =	sst s3  }
0xc: {  	[smem:$0x3FA6] =	sst s4  }
0xd: {  	[smem:$0x3FA7] =	sst s5  }
0xe: {  	[smem:$0x3FA8] =	sst s6  }
0xf: {  	[smem:$0x3FA9] =	sst s7  }
0x10: {  	[smem:$0x3FAA] =	sst s8  }
0x11: {  	[smem:$0x3FAB] =	sst s9;
	s0 =	simm.s32 @!p0 $0x0  }
0x12: {  	s1 =	sld [smem:$0x3F91];
	s0 =	simm.s32 @p0 $0x1  }
0x13: {  	[smem:$0x3FAC] =	sst s0;
	s0 =	simm.s32 @!p1 $0x0  }
0x14: {  	s2 =	sld [smem:$0x3F90];
	s0 =	simm.s32 @p1 $0x1  }
0x15: {  	[smem:$0x3FAD] =	sst s0;
	s0 =	simm.s32 @!p2 $0x0  }
0x16: {  	s3 =	sld [smem:$0x3FDB];
	s0 =	simm.s32 @p2 $0x1  }
0x17: {  	s4 =	simm.s32 $0x1BF5;
	[smem:$0x3FAF] =	sst s0  }
0x18: {  	s0 =	sld [smem:$0x3F92];
	_ =	swait.ge [sflag:s4], $0x0  }
0x19: {  	s7 =	sld [smem:$0x3F93]  }
0x1a: {  	s8 =	sadd.s32 $0xFFFFE003, lr  }
0x1b: {  	s9 =	sadd.s32 $0xFFFFFEF7, lr;
	s5 =	simm.s32 $0xFFFFFFFF;
	p2 =	slt.u32 s8, $0xFFFFF086  }
0x1c: {  	p1 =	slt.u32 s9, $0xF7A;
	s5 =	simm.s32 @!p2 $0x0  }
0x1d: {  	s5 =	simm.s32 @p1 $0x1;
	p0 =	seq.s32 s7, s2  }
0x1e: {  	s7 =	smul.u32 @!p0 $0xF7A, s2;
	p2 =	seq.s32 @!p0 s5, $0x0  }
0x1f: {  	s9 =	smul.u32 $0xF7A, s1;
	s8 =	simm.s32 @!p0 $0x1BF5;
	p2 =	por !p2, p0  }
0x20: {  	[sflag:s8] =	ssyncset.s32 @!p0 $0xFFFFF086;
	s6 =	sadd.s32 @!p0 s3, s7;
	s7 =	simm.s32 @!p0 $0x108  }
0x21: {  	s3 =	sadd.s32 s3, s9;
	s6 =	sadd.s32 @!p0 $0x88, s6;
	s7 =	simm.s32 @p2 $0x1082  }
0x22: {  	[simem:s7], [sflag:s8] =	dma.local @!p0 [hbm:s6], $0xF7A  }
0x23: {  	s9 =	sor.u32 $0xD0000000, s2;
	s6 =	simm.s32 $0x108;
	_ =	swait.ge @!p0 [sflag:s8], $0x0  }
0x24: {  	s3 =	sadd.s32 $0x88, s3;
	s6 =	simm.s32 @!p1 $0x1082;
	[sflag:s4] =	ssyncset.s32 $0xFFFFF086  }
0x25: {  	[simem:s6], [sflag:s4] =	dma.local [hbm:s3], $0xF7A  }
0x26: {  	[smem:$0x3F93] =	sst s1;
	(tag) =	ssettag s2;
	_ =	strace s9  }
0x27: {  	s1 =	sld [smem:$0x3FA3]  }
0x28: {  	s2 =	sld [smem:$0x3FA4]  }
0x29: {  	s4 =	sld [smem:$0x3FA6]  }
0x2a: {  	p0 =	seq.s32 s5, $0x0;
	s5 =	sld [smem:$0x3FA7]  }
0x2b: {  	s6 =	sld [smem:$0x3FA8]  }
0x2c: {  	s7 =	sld [smem:$0x3FA9]  }
0x2d: {  	s3 =	simm.s32 $0x108;
	s8 =	sld [smem:$0x3FAA]  }
0x2e: {  	s3 =	simm.s32 @!p0 $0x1082;
	s9 =	sld [smem:$0x3FAB]  }
0x2f: {  	lr =	sadd.s32 s0, s3;
	s0 =	sld [smem:$0x3FA2]  }
0x30: {  	s3 =	sld [smem:$0x3FA5]  }
0x31: {  	[smem:$0x3FAE] =	sst s10  }
0x32: {  	s10 =	sld [smem:$0x3FAC];
	_ =	sdelay $0x3  }
0x33: {  	p0 =	seq.s32 s10, $0x1;
	s10 =	sld [smem:$0x3FAE];
	_ =	sdelay $0x3  }
0x34: {  	[smem:$0x3FAE] =	sst s10  }
0x35: {  	s10 =	sld [smem:$0x3FAD];
	_ =	sdelay $0x3  }
0x36: {  	p1 =	seq.s32 s10, $0x1;
	s10 =	sld [smem:$0x3FAE];
	_ =	sdelay $0x3  }
0x37: {  	[smem:$0x3FAE] =	sst s10  }
0x38: {  	s10 =	sld [smem:$0x3FAF]  }
0x39: {  	_ = 	snop;
	(pc) =	sbr.ind lr, $3  }
0x3a: {  	_ = 	snop  }
0x3b: {  	_ = 	snop  }
0x3c: {  	p2 =	seq.s32 s10, $0x1;
	s10 =	sld [smem:$0x3FAE]  }
0x3d: {  	_ =	shalt  }
0x3e: {  	_ =	shalt  }
0x3f: {  	_ =	shalt  }
0x40: {  	_ =	shalt  }
0x41: {  	_ =	shalt  }
0x42: {  	_ =	shalt  }
0x43: {  	_ =	shalt  }
0x44: {  	_ =	shalt  }
0x45: {  	_ =	shalt  }
0x46: {  	_ =	shalt  }
0x47: {  	_ =	shalt  }
0x48: {  	_ =	shalt  }
0x49: {  	_ =	shalt  }
0x4a: {  	_ =	shalt  }
0x4b: {  	_ =	shalt  }
0x4c: {  	_ =	shalt  }
0x4d: {  	_ =	shalt  }
0x4e: {  	_ =	shalt  }
0x4f: {  	_ =	shalt  }
0x50: {  	_ =	shalt  }
0x51: {  	_ =	shalt  }
0x52: {  	_ =	shalt  }
0x53: {  	_ =	shalt  }
0x54: {  	_ =	shalt  }
0x55: {  	_ =	shalt  }
0x56: {  	_ =	shalt  }
0x57: {  	_ =	shalt  }
0x58: {  	_ =	shalt  }
0x59: {  	_ =	shalt  }
0x5a: {  	_ =	shalt  }
0x5b: {  	_ =	shalt  }
0x5c: {  	_ =	shalt  }
0x5d: {  	_ =	shalt  }
0x5e: {  	_ =	shalt  }
0x5f: {  	_ =	shalt  }
0x60: {  	_ =	shalt  }
0x61: {  	_ =	shalt  }
0x62: {  	_ =	shalt  }
0x63: {  	_ =	shalt  }
0x64: {  	_ =	shalt  }
0x65: {  	_ =	shalt  }
0x66: {  	_ =	shalt  }
0x67: {  	_ =	shalt  }
0x68: {  	_ =	shalt  }
0x69: {  	_ =	shalt  }
0x6a: {  	_ =	shalt  }
0x6b: {  	_ =	shalt  }
0x6c: {  	_ =	shalt  }
0x6d: {  	_ =	shalt  }
0x6e: {  	_ =	shalt  }
0x6f: {  	_ =	shalt  }
0x70: {  	_ =	shalt  }
0x71: {  	_ =	shalt  }
0x72: {  	_ =	shalt  }
0x73: {  	_ =	shalt  }
0x74: {  	_ =	shalt  }
0x75: {  	_ =	shalt  }
0x76: {  	_ =	shalt  }
0x77: {  	_ =	shalt  }
0x78: {  	_ =	shalt  }
0x79: {  	_ =	shalt  }
0x7a: {  	_ =	shalt  }
0x7b: {  	_ =	shalt  }
0x7c: {  	_ =	shalt  }
0x7d: {  	_ =	shalt  }
0x7e: {  	_ =	shalt  }
0x7f: {  	_ =	shalt  }
0x80: {  	_ =	shalt  }
0x81: {  	_ =	shalt  }
0x82: {  	_ =	shalt  }
0x83: {  	_ =	shalt  }
0x84: {  	_ =	shalt  }
0x85: {  	_ =	shalt  }
0x86: {  	_ =	shalt  }
0x87: {  	_ =	shalt  }
.Lfunc_end0:
.L_simem_size_0:
called_computation.1_lowered:
.L_overlay_start_0:
0x88: {  	s2 =	sld [smem:$0x3FD9]  }
0x89: {  	s3 =	sld [smem:$0x3FFE];
	_ =	sdelay $0x1  }
0x8a: {  	s1 =	srdreg.scid  }
0x8b: {  	s0 =	sand.u32 $0x1, s1  }
0x8c: {  	s16 =	sshll.u32 s0, $0xA;
	s2 =	sadd.s32 s3, s2  }
0x8d: {  	s2 =	sadd.s32 s2, s16  }
0x8e: {  	[smem:$0x3FBA] =	sst s2  }
0x8f: {  	_ = 	snop  }
0x90: {  	(tm) =	ssettm $0x1  }
0x91: {  	s17 =	sld [smem:$0x3FFB];
	_ =	sdelay $0x3  }
0x92: {  	_ =	strace s17  }
0x93: {  	s2 =	sld [smem:$0x3FFC];
	_ =	sdelay $0x3  }
0x94: {  	_ =	strace s2  }
0x95: {  	s2 =	sld [smem:$0x3FFD];
	_ =	sdelay $0x3  }
0x96: {  	_ =	strace s2  }
0x97: {  	_ =	strace $0x8FFFFFFF  }
0x98: {  	s18 =	sld [smem:$0x3FDB];
	_ =	sdelay $0x1  }
0x99: {  	s19 =	simm.s32 $_scs_section_size  }
0x9a: {  	s4 =	simm.s32 $_size__tile_overlayer_lowered;
	s5 =	simm.s32 $_tile_overlayer_lowered  }
0x9b: {  	s22 =	simm.s32 $0x1BFF;
	s21 =	sshll.u32 s5, $0x1;
	s2 =	sadd.s32 s19, s18  }
0x9c: {  	s6 =	simm.s32 $0x0;
	s20 =	sshll.u32 s4, $0x1;
	s4 =	sadd.s32 s21, s2  }
0x9d: {  	[timem:s6], [sflag:s22] =	dma.local [hbm:s4], s20  }
0x9e: {  	_ =	swait.ge [sflag:s22], s20  }
0x9f: {  	s3 =	ssub.s32 $0x0, s20;
	[sflag:s22] =	ssyncset.done $0x0  }
0xa0: {  	[sflag:s22] =	ssyncadd.s32 s3;
	_ =	sdelay $0x1  }
0xa1: {  	s23 =	simm.s32 $0x1B8B  }
0xa2: {  	_ =	swait.ge [sflag:s23], $0x1  }
0xa3: {  	[sflag:s23] =	ssyncset.done $0x0  }
0xa4: {  	s25 =	simm.s32 $0x1B8E;
	s24 =	sld [smem:$0x3FFE];
	[sflag:s23] =	ssyncadd.s32 $0xFFFFFFFF  }
0xa5: {  	s26 =	simm.s32 $execute0_lowered;
	[smem:$0x3FD2] =	sst s25  }
0xa6: {  	s4 =	sshll.u32 s26, $0x1;
	_ =	strace $0x80000049;
	[dreg:$0x1] =	wrdreg $0xFFFFFFFF  }
0xa7: {  	s28 =	simm.s32 $_size_execute0_lowered;
	s2 =	sadd.s32 s2, s4;
	[dreg:$0x0] =	wrdreg $0x0  }
0xa8: {  	s4 =	sshll.u32 s28, $0x1;
	[dreg:$0x2] =	wrdreg s2  }
0xa9: {  	[dreg:$0x3] =	wrdreg s4  }
0xaa: {  	[dreg:$0x4] =	wrdreg $0xC0  }
0xab: {  	_ =	task [dreg:s6], $0x5FFFF  }
0xac: {  	[dreg:$0x1] =	wrdreg $0xFFFFFFFF  }
0xad: {  	[dreg:$0x0] =	wrdreg $0x60  }
0xae: {  	[dreg:$0x2] =	wrdreg s24  }
0xaf: {  	[dreg:$0x3] =	wrdreg $0x60000  }
0xb0: {  	[dreg:$0x4] =	wrdreg $0x9  }
0xb1: {  	_ =	task.clear_ibuf [dreg:s6], $0x5FFFF;
	_ =	strace $0x90000049  }
0xb2: {  	s29 =	simm.s32 $0x9;
	_ =	strace $0x8000004B  }
0xb3: {  	_ =	swait.ge [sflag:s29], $0x1  }
0xb4: {  	[sflag:s29] =	ssyncadd.s32 $0xFFFFFFFF  }
0xb5: {  	_ =	strace $0x9000004B  }
0xb6: {  	_ =	sfence  }
0xb7: {  	s30 =	sld [smem:$0x0];
	_ =	sdelay $0x2  }
0xb8: {  	s31 =	sshll.u32 s1, $0xD;
	s1 =	sshrl.u32 s1, $0x2  }
0xb9: {  	s3 =	sand.u32 $0x4000, s31;
	s1 =	sadd.s32 s1, s30  }
0xba: {  	s0 =	sor.u32 s3, s0;
	s1 =	sshll.u32 s1, $0x11  }
0xbb: {  	s0 =	sor.u32 s1, s0  }
0xbc: {  	s0 =	sadd.s32 $0x8F2B, s0  }
0xbd: {  	[sflag:s0] =	ssyncadd.remote.s32 $0x1  }
0xbe: {  	_ =	sfence.sel $0xFFFF  }
0xbf: {  	[dreg:$0x0] =	wrdreg $0xFFFFFFFF;
	(pc) =	sbr.abs _section_cstart, $3  }
0xc0: {  	[dreg:$0x1] =	wrdreg $0xFFFFFFFF  }
0xc1: {  	_ =	task.clear_ibuf [dreg:s6], $0x2FFFF;
	_ =	strace $0x9FFFFFFF  }
0xc2: {  	(tm) =	ssettm $0x7FFFFFFF  }
0xc3: {  	_ =	shalt  }
tec
execute0_lowered:
.L_overlay_start_1:
0x0: {  	(tag) =	ssettag $0x1  }
0x1: {  	s5 =	rddreg [dreg:$0x0]  }
0x2: {  	s2 =	rddreg [dreg:$0x1];
	s3 =	simm.s32 $0x0;
	s1 =	stileid.u32  }
0x3: {  	s4 =	srdreg.scid;
	s15 =	simm.s32 $0x2800;
	s18 =	simm.s32 $0x80  }
0x4: {  	s19 =	simm.s32 $0x5000;
	s20 =	simm.s32 $0x5800;
	s21 =	simm.s32 $0x1  }
0x5: {  	s22 =	simm.s32 $0x2;
	[smem:$0x7FF] =	sst s3;
	s6 =	smul.u32 $0x500, s1  }
0x6: {  	s8 =	sand.u32 $0x1, s4;
	s4 =	sadd.s32 $0x12400, s5;
	s14 =	smul.u32 $0x2800, s1  }
0x7: {  	s11 =	sadd.s32 $0xD400, s5;
	s16 =	sshll.u32 s1, $0x6;
	s9 =	smul.u32 $0x5000, s8  }
0x8: {  	_ =	strace $0x8000004A;
	s7 =	ssub.s32 $0x2, s8;
	s13 =	smul.u32 $0x28, s8  }
0x9: {  	p0 =	seq.s32 s8, $0x1;
	s16 =	sor.u32 $0x1C03, s16;
	s6 =	sadd.s32 s6, s5  }
0xa: {  	s10 =	sshrl.u32 s7, $0x1;
	s17 =	sadd.s32 s14, s2;
	s23 =	sshrl.u32 s14, $0x3  }
0xb: {  	s14 =	smov.u32 s4;
	s12 =	sadd.s32 s9, s5;
	s10 =	ssub.s32 s7, s10  }
0xc: {  	s5 =	sadd.s32 $0x3200, s6;
	s6 =	sadd.s32 $0x8200, s6;
	s7 =	sadd.s32 $0x28, s13  }
0xd: {  	s8 =	sshrl.u32 s9, $0x2;
	s14 =	smov.u32 @p0 s11;
	s17 =	sshrl.u32 s17, $0x3  }
0xe: {  	s9 =	sor.u32 $0x80, s8;
	s24 =	sadd.s32 $0x17400, s12;
	s10 =	smax.u32 s10, $0x1  }
0xf: {  	s11 =	sadd.s32 s14, s23;
	s12 =	sor.u32 $0x3, s13;
	s13 =	sadd.s32 $0x2800, s8  }
0x10: {  	s14 =	simm.s32 $0x3;
	s23 =	sadd.s32 s23, s24;
	s24 =	simm.s32 $0x0  }
.LBB2_1:
0x11: {  	[tilespmem:s3], [sflag:$0x3] =	stream.linear.gather [hbm4b:s5+s3], $0x2800, $0x38;
	[tilespmem:$0x8800] =	vst v63  }
0x12: {  	_ =	swait.ge [sflag:s14], $0x2800  }
0x13: {  	[sflag:s14] =	ssyncset.done $0x0  }
0x14: {  	[sflag:s14] =	ssyncadd.s32 $0xFFFFD800  }
0x15: {  	[tilespmem:s15], [sflag:$0x3] =	stream.linear.gather [hbm4b:s6+s3], $0x2800, $0x38;
	[tilespmem:$0x8800] =	vst v63  }
0x16: {  	_ =	swait.ge [sflag:s14], $0x2800  }
0x17: {  	[sflag:s14] =	ssyncset.done $0x0  }
0x18: {  	[sflag:s14] =	ssyncadd.s32 $0xFFFFD800  }
0x19: {  	[spmem:s17], [sflag:s16] =	dma.local [hbm:s11], $0x500  }
0x1a: {  	_ =	swait.ge [sflag:s14], $0x500  }
0x1b: {  	[sflag:s14] =	ssyncset.done $0x0  }
0x1c: {  	[sflag:s14] =	ssyncadd.s32 $0xFFFFFB00  }
0x1d: {  	[tilespmem:s19], [sflag:$0x1] =	stream.indirect.gather [hbm4b:s4+s18], $0x10, s8, s18, $0xb8;
	[tilespmem:$0x8800] =	vst v63  }
0x1e: {  	_ = 	snop  }
0x1f: {  	[tilespmem:s20], [sflag:$0x2] =	stream.indirect.gather [hbm4b:s4+s18], $0x10, s9, s18, $0xb8;
	[tilespmem:$0x8800] =	vst v63  }
0x20: {  	[bflag:$0x0] =	sbarrier.arrive $0xFFFF  }
0x21: {  	_ =	swait.ge [sflag:s21], $0x800  }
0x22: {  	[sflag:s21] =	ssyncset.done $0x0  }
0x23: {  	s26 =	sadd.s32 $0x0, s13;
	s25 =	sadd.s32 $0xFFFFFFFF, s12;
	[sflag:s21] =	ssyncadd.s32 $0xFFFFF800  }
0x24: {  	[spmem:s2] =	stream.indirect.scatter.add.f32 [tilespmem:s19], [sflag:$0x3], $0x10, s26, s18, $0xb8;
	[tilespmem:$0x8800] =	vst v63  }
0x25: {  	p0 =	sge.u32 s25, s7;
	_ =	swait.ge [sflag:s14], $0x800  }
0x26: {  	s25 =	simm.s32 @!p0 $0x5000;
	s28 =	sadd.s32 @!p0 $0x0, s8;
	[sflag:s14] =	ssyncset.done $0x0  }
0x27: {  	s29 =	simm.s32 @!p0 $0x80;
	s28 =	sadd.s32 @!p0 $0x100, s28;
	[sflag:s14] =	ssyncadd.s32 $0xFFFFF800  }
0x28: {  	[tilespmem:s25], [sflag:$0x1] =	stream.indirect.gather @!p0 [hbm4b:s4+s29], $0x10, s28, s29, $0xb8;
	[tilespmem:$0x8800] =	vst v63  }
0x29: {  	_ =	swait.ge [sflag:s22], $0x800  }
0x2a: {  	p1 =	sge.u32 s12, s7;
	[sflag:s22] =	ssyncset.done $0x0  }
0x2b: {  	s30 =	sadd.s32 @!p1 $0x0, s8;
	s26 =	sadd.s32 $0x80, s26;
	[sflag:s22] =	ssyncadd.s32 $0xFFFFF800  }
0x2c: {  	[spmem:s2] =	stream.indirect.scatter.add.f32 [tilespmem:s20], [sflag:$0x3], $0x10, s26, s18, $0xb8;
	[tilespmem:$0x8800] =	vst v63  }
0x2d: {  	s25 =	simm.s32 $0x400;
	s28 =	simm.s32 @!p1 $0x5800;
	_ =	swait.ge [sflag:s14], $0x800  }
0x2e: {  	s29 =	simm.s32 @!p1 $0x80;
	s26 =	sadd.s32 $0x2, s12;
	[sflag:s14] =	ssyncset.done $0x0  }
.LBB2_2:
0x2f: {  	[sflag:s14] =	ssyncadd.s32 $0xFFFFF800  }
0x30: {  	s30 =	sadd.s32 @!p1 $0x180, s30;
	s31 =	smov.u32 s25;
	s25 =	sadd.s32 $0x400, s25  }
0x31: {  	[tilespmem:s28], [sflag:$0x2] =	stream.indirect.gather @!p1 [hbm4b:s4+s29], $0x10, s30, s29, $0xb8;
	[tilespmem:$0x8800] =	vst v63  }
0x32: {  	s28 =	sshra.s32 s31, $0x2;
	p0 =	sne.s32 s25, $0x4C00;
	_ =	swait.ge [sflag:s21], $0x800  }
0x33: {  	s29 =	sadd.s32 $0xFFFFFFFF, s26;
	s28 =	sadd.s32 s28, s13;
	[sflag:s21] =	ssyncset.done $0x0  }
0x34: {  	p1 =	sge.u32 s29, s7;
	[sflag:s21] =	ssyncadd.s32 $0xFFFFF800  }
0x35: {  	[spmem:s2] =	stream.indirect.scatter.add.f32 [tilespmem:s19], [sflag:$0x3], $0x10, s28, s18, $0xb8;
	[tilespmem:$0x8800] =	vst v63  }
0x36: {  	s29 =	sshra.s32 @!p1 s31, $0x2;
	s30 =	simm.s32 @!p1 $0x5000;
	_ =	swait.ge [sflag:s14], $0x800  }
0x37: {  	s0 =	simm.s32 @!p1 $0x80;
	s29 =	sadd.s32 @!p1 s29, s8;
	[sflag:s14] =	ssyncset.done $0x0  }
0x38: {  	s29 =	sadd.s32 @!p1 $0x100, s29;
	[sflag:s14] =	ssyncadd.s32 $0xFFFFF800  }
0x39: {  	[tilespmem:s30], [sflag:$0x1] =	stream.indirect.gather @!p1 [hbm4b:s4+s0], $0x10, s29, s0, $0xb8;
	[tilespmem:$0x8800] =	vst v63  }
0x3a: {  	_ =	swait.ge [sflag:s22], $0x800  }
.Ltmp0:
0x3b: {  	s0 =	sadd.s32 $0x80, s28;
	[sflag:s22] =	ssyncset.done $0x0;
	(pc) =	sbr.rel @p0 .LBB2_2-.Ltmp0, $4  }
0x3c: {  	p1 =	sge.u32 s26, s7;
	s26 =	sadd.s32 $0x2, s26;
	[sflag:s22] =	ssyncadd.s32 $0xFFFFF800  }
0x3d: {  	[spmem:s2] =	stream.indirect.scatter.add.f32 [tilespmem:s20], [sflag:$0x3], $0x10, s0, s18, $0xb8;
	[tilespmem:$0x8800] =	vst v63  }
0x3e: {  	s28 =	simm.s32 @!p1 $0x5800;
	s0 =	sshra.s32 @!p1 s31, $0x2;
	_ =	swait.ge [sflag:s14], $0x800  }
0x3f: {  	s29 =	simm.s32 @!p1 $0x80;
	s30 =	sadd.s32 @!p1 s0, s8;
	[sflag:s14] =	ssyncset.done $0x0  }
0x40: {  	[sflag:s14] =	ssyncadd.s32 $0xFFFFF800;
	s0 =	sadd.s32 @!p1 $0x180, s30  }
0x41: {  	[tilespmem:s28], [sflag:$0x2] =	stream.indirect.gather @!p1 [hbm4b:s4+s29], $0x10, s0, s29, $0xb8;
	[tilespmem:$0x8800] =	vst v63  }
0x42: {  	_ =	swait.ge [sflag:s21], $0x800  }
0x43: {  	s30 =	sshra.s32 s25, $0x2;
	s31 =	sadd.s32 $0xFFFFFFFF, s26;
	[sflag:s21] =	ssyncset.done $0x0  }
0x44: {  	s0 =	sadd.s32 s30, s13;
	p0 =	sge.u32 s31, s7;
	[sflag:s21] =	ssyncadd.s32 $0xFFFFF800  }
0x45: {  	[spmem:s2] =	stream.indirect.scatter.add.f32 [tilespmem:s19], [sflag:$0x3], $0x10, s0, s18, $0xb8;
	[tilespmem:$0x8800] =	vst v63  }
0x46: {  	s28 =	sshra.s32 @!p0 s25, $0x2;
	_ =	swait.ge [sflag:s14], $0x800  }
0x47: {  	s29 =	simm.s32 @!p0 $0x80;
	s28 =	sadd.s32 @!p0 s28, s8;
	[sflag:s14] =	ssyncset.done $0x0  }
0x48: {  	s30 =	simm.s32 @!p0 $0x5000;
	s28 =	sadd.s32 @!p0 $0x100, s28;
	[sflag:s14] =	ssyncadd.s32 $0xFFFFF800  }
0x49: {  	[tilespmem:s30], [sflag:$0x1] =	stream.indirect.gather @!p0 [hbm4b:s4+s29], $0x10, s28, s29, $0xb8;
	[tilespmem:$0x8800] =	vst v63  }
0x4a: {  	_ =	swait.ge [sflag:s22], $0x800  }
0x4b: {  	[sflag:s22] =	ssyncset.done $0x0  }
0x4c: {  	s0 =	sadd.s32 $0x80, s0;
	p0 =	sge.u32 s26, s7;
	[sflag:s22] =	ssyncadd.s32 $0xFFFFF800  }
0x4d: {  	[spmem:s2] =	stream.indirect.scatter.add.f32 [tilespmem:s20], [sflag:$0x3], $0x10, s0, s18, $0xb8;
	[tilespmem:$0x8800] =	vst v63  }
0x4e: {  	s24 =	sadd.s32 $0x1, s24;
	s0 =	sshra.s32 @!p0 s25, $0x2;
	_ =	swait.ge [sflag:s14], $0x800  }
0x4f: {  	s26 =	simm.s32 @!p0 $0x5800;
	s0 =	sadd.s32 @!p0 s0, s8;
	[sflag:s14] =	ssyncset.done $0x0  }
0x50: {  	s25 =	simm.s32 @!p0 $0x80;
	s0 =	sadd.s32 @!p0 $0x180, s0;
	[sflag:s14] =	ssyncadd.s32 $0xFFFFF800  }
0x51: {  	[tilespmem:s26], [sflag:$0x2] =	stream.indirect.gather @!p0 [hbm4b:s4+s25], $0x10, s0, s25, $0xb8;
	[tilespmem:$0x8800] =	vst v63  }
0x52: {  	p0 =	sne.s32 s24, s10;
	[bflag:$0x0] =	sbarrier.arrive $0xFFFF  }
0x53: {  	[hbm:s23], [sflag:s16] =	dma.local [spmem:s17], $0x500  }
.Ltmp1:
0x54: {  	_ =	swait.ge [sflag:s14], $0x500;
	(pc) =	sbr.rel @p0 .LBB2_1-.Ltmp1, $3  }
0x55: {  	[sflag:s14] =	ssyncset.done $0x0  }
0x56: {  	[sflag:s14] =	ssyncadd.s32 $0xFFFFFB00  }
0x57: {  	[bflag:$0x0] =	sbarrier.arrive $0xFFFF;
	_ =	sdelay $0x1  }
0x58: {  	_ =	sfence.sel $0x180000  }
0x59: {  	[bflag:$0x0] =	sbarrier.arrive $0xFFFF  }
0x5a: {  	_ =	strace $0x9000004A  }
0x5b: {  	[bflag:$0x2] =	sbarrier.arrive $0xFFFF  }
0x5c: {  	p0 =	sne.s32 s1, $0x0;
	s0 =	rddreg [dreg:$0x2]  }
0x5d: {  	s0 =	sadd.s32 @!p0 $0x100000, s0  }
0x5e: {  	[sflag:s0] =	ssyncadd.tile.s32 @!p0 $0x1;
	_ =	shalt  }
.Lfunc_end2:
_tile_overlayer_lowered:
.L_overlay_start_2:
0x5f: {  	(tag) =	ssettag $0x2  }
0x60: {  	s0 =	rddreg [dreg:$0x0];
	s2 =	stileid.u32  }
0x61: {  	s1 =	rddreg [dreg:$0x1];
	p0 =	sne.s32 s2, $0x0  }
0x62: {  	s3 =	rddreg [dreg:$0x2];
	[bflag:$0x3] =	sbarrier.arrive $0xFFFF;
	s2 =	simm.s32 @!p0 $0x1C03  }
0x63: {  	[timem:s3], [sflag:s2] =	dma.local @!p0 [hbm:s0], s1  }
0x64: {  	s0 =	simm.s32 @!p0 $0x3  }
0x65: {  	_ =	swait.ge @!p0 [sflag:s0], s1  }
0x66: {  	s1 =	ssub.s32 @!p0 $0x0, s1;
	[sflag:s0] =	ssyncset.done @!p0 $0x0  }
0x67: {  	[sflag:s0] =	ssyncadd.s32 @!p0 s1  }
0x68: {  	[bflag:$0x3] =	sbarrier.arrive $0xFFFF  }
0x69: {  	_ =	shalt  }

// kernel: kernel.20.cloned.1.call-start
scs
__scs_entry_jumppad:
0x0: {  	(pc) =	sbr.rel $0x88, $3  }
0x1: {  	(tag) =	ssettag $0x0;
	lr =	simm.s32 $0x1  }
0x2: {  	[smem:$0x3F93] =	sst lr;
	_ =	strace $0xD0000000  }
0x3: {  	_ = 	snop  }
0x4: {  	_ = 	snop  }
0x5: {  	_ = 	snop  }
0x6: {  	_ = 	snop  }
0x7: {  	_ = 	snop  }
__scs_overlays_trampoline_lowered:
0x8: {  	[smem:$0x3FA2] =	sst s0  }
0x9: {  	[smem:$0x3FA3] =	sst s1  }
0xa: {  	[smem:$0x3FA4] =	sst s2  }
0xb: {  	[smem:$0x3FA5] =	sst s3  }
0xc: {  	[smem:$0x3FA6] =	sst s4  }
0xd: {  	[smem:$0x3FA7] =	sst s5  }
0xe: {  	[smem:$0x3FA8] =	sst s6  }
0xf: {  	[smem:$0x3FA9] =	sst s7  }
0x10: {  	[smem:$0x3FAA] =	sst s8  }
0x11: {  	[smem:$0x3FAB] =	sst s9;
	s0 =	simm.s32 @!p0 $0x0  }
0x12: {  	s1 =	sld [smem:$0x3F91];
	s0 =	simm.s32 @p0 $0x1  }
0x13: {  	[smem:$0x3FAC] =	sst s0;
	s0 =	simm.s32 @!p1 $0x0  }
0x14: {  	s2 =	sld [smem:$0x3F90];
	s0 =	simm.s32 @p1 $0x1  }
0x15: {  	[smem:$0x3FAD] =	sst s0;
	s0 =	simm.s32 @!p2 $0x0  }
0x16: {  	s3 =	sld [smem:$0x3FDB];
	s0 =	simm.s32 @p2 $0x1  }
0x17: {  	s4 =	simm.s32 $0x1BF5;
	[smem:$0x3FAF] =	sst s0  }
0x18: {  	s0 =	sld [smem:$0x3F92];
	_ =	swait.ge [sflag:s4], $0x0  }
0x19: {  	s7 =	sld [smem:$0x3F93]  }
0x1a: {  	s8 =	sadd.s32 $0xFFFFE003, lr  }
0x1b: {  	s9 =	sadd.s32 $0xFFFFFEF7, lr;
	s5 =	simm.s32 $0xFFFFFFFF;
	p2 =	slt.u32 s8, $0xFFFFF086  }
0x1c: {  	p1 =	slt.u32 s9, $0xF7A;
	s5 =	simm.s32 @!p2 $0x0  }
0x1d: {  	s5 =	simm.s32 @p1 $0x1;
	p0 =	seq.s32 s7, s2  }
0x1e: {  	s7 =	smul.u32 @!p0 $0xF7A, s2;
	p2 =	seq.s32 @!p0 s5, $0x0  }
0x1f: {  	s9 =	smul.u32 $0xF7A, s1;
	s8 =	simm.s32 @!p0 $0x1BF5;
	p2 =	por !p2, p0  }
0x20: {  	[sflag:s8] =	ssyncset.s32 @!p0 $0xFFFFF086;
	s6 =	sadd.s32 @!p0 s3, s7;
	s7 =	simm.s32 @!p0 $0x108  }
0x21: {  	s3 =	sadd.s32 s3, s9;
	s6 =	sadd.s32 @!p0 $0x88, s6;
	s7 =	simm.s32 @p2 $0x1082  }
0x22: {  	[simem:s7], [sflag:s8] =	dma.local @!p0 [hbm:s6], $0xF7A  }
0x23: {  	s9 =	sor.u32 $0xD0000000, s2;
	s6 =	simm.s32 $0x108;
	_ =	swait.ge @!p0 [sflag:s8], $0x0  }
0x24: {  	s3 =	sadd.s32 $0x88, s3;
	s6 =	simm.s32 @!p1 $0x1082;
	[sflag:s4] =	ssyncset.s32 $0xFFFFF086  }
0x25: {  	[simem:s6], [sflag:s4] =	dma.local [hbm:s3], $0xF7A  }
0x26: {  	[smem:$0x3F93] =	sst s1;
	(tag) =	ssettag s2;
	_ =	strace s9  }
0x27: {  	s1 =	sld [smem:$0x3FA3]  }
0x28: {  	s2 =	sld [smem:$0x3FA4]  }
0x29: {  	s4 =	sld [smem:$0x3FA6]  }
0x2a: {  	p0 =	seq.s32 s5, $0x0;
	s5 =	sld [smem:$0x3FA7]  }
0x2b: {  	s6 =	sld [smem:$0x3FA8]  }
0x2c: {  	s7 =	sld [smem:$0x3FA9]  }
0x2d: {  	s3 =	simm.s32 $0x108;
	s8 =	sld [smem:$0x3FAA]  }
0x2e: {  	s3 =	simm.s32 @!p0 $0x1082;
	s9 =	sld [smem:$0x3FAB]  }
0x2f: {  	lr =	sadd.s32 s0, s3;
	s0 =	sld [smem:$0x3FA2]  }
0x30: {  	s3 =	sld [smem:$0x3FA5]  }
0x31: {  	[smem:$0x3FAE] =	sst s10  }
0x32: {  	s10 =	sld [smem:$0x3FAC];
	_ =	sdelay $0x3  }
0x33: {  	p0 =	seq.s32 s10, $0x1;
	s10 =	sld [smem:$0x3FAE];
	_ =	sdelay $0x3  }
0x34: {  	[smem:$0x3FAE] =	sst s10  }
0x35: {  	s10 =	sld [smem:$0x3FAD];
	_ =	sdelay $0x3  }
0x36: {  	p1 =	seq.s32 s10, $0x1;
	s10 =	sld [smem:$0x3FAE];
	_ =	sdelay $0x3  }
0x37: {  	[smem:$0x3FAE] =	sst s10  }
0x38: {  	s10 =	sld [smem:$0x3FAF]  }
0x39: {  	_ = 	snop;
	(pc) =	sbr.ind lr, $3  }
0x3a: {  	_ = 	snop  }
0x3b: {  	_ = 	snop  }
0x3c: {  	p2 =	seq.s32 s10, $0x1;
	s10 =	sld [smem:$0x3FAE]  }
0x3d: {  	_ =	shalt  }
0x3e: {  	_ =	shalt  }
0x3f: {  	_ =	shalt  }
0x40: {  	_ =	shalt  }
0x41: {  	_ =	shalt  }
0x42: {  	_ =	shalt  }
0x43: {  	_ =	shalt  }
0x44: {  	_ =	shalt  }
0x45: {  	_ =	shalt  }
0x46: {  	_ =	shalt  }
0x47: {  	_ =	shalt  }
0x48: {  	_ =	shalt  }
0x49: {  	_ =	shalt  }
0x4a: {  	_ =	shalt  }
0x4b: {  	_ =	shalt  }
0x4c: {  	_ =	shalt  }
0x4d: {  	_ =	shalt  }
0x4e: {  	_ =	shalt  }
0x4f: {  	_ =	shalt  }
0x50: {  	_ =	shalt  }
0x51: {  	_ =	shalt  }
0x52: {  	_ =	shalt  }
0x53: {  	_ =	shalt  }
0x54: {  	_ =	shalt  }
0x55: {  	_ =	shalt  }
0x56: {  	_ =	shalt  }
0x57: {  	_ =	shalt  }
0x58: {  	_ =	shalt  }
0x59: {  	_ =	shalt  }
0x5a: {  	_ =	shalt  }
0x5b: {  	_ =	shalt  }
0x5c: {  	_ =	shalt  }
0x5d: {  	_ =	shalt  }
0x5e: {  	_ =	shalt  }
0x5f: {  	_ =	shalt  }
0x60: {  	_ =	shalt  }
0x61: {  	_ =	shalt  }
0x62: {  	_ =	shalt  }
0x63: {  	_ =	shalt  }
0x64: {  	_ =	shalt  }
0x65: {  	_ =	shalt  }
0x66: {  	_ =	shalt  }
0x67: {  	_ =	shalt  }
0x68: {  	_ =	shalt  }
0x69: {  	_ =	shalt  }
0x6a: {  	_ =	shalt  }
0x6b: {  	_ =	shalt  }
0x6c: {  	_ =	shalt  }
0x6d: {  	_ =	shalt  }
0x6e: {  	_ =	shalt  }
0x6f: {  	_ =	shalt  }
0x70: {  	_ =	shalt  }
0x71: {  	_ =	shalt  }
0x72: {  	_ =	shalt  }
0x73: {  	_ =	shalt  }
0x74: {  	_ =	shalt  }
0x75: {  	_ =	shalt  }
0x76: {  	_ =	shalt  }
0x77: {  	_ =	shalt  }
0x78: {  	_ =	shalt  }
0x79: {  	_ =	shalt  }
0x7a: {  	_ =	shalt  }
0x7b: {  	_ =	shalt  }
0x7c: {  	_ =	shalt  }
0x7d: {  	_ =	shalt  }
0x7e: {  	_ =	shalt  }
0x7f: {  	_ =	shalt  }
0x80: {  	_ =	shalt  }
0x81: {  	_ =	shalt  }
0x82: {  	_ =	shalt  }
0x83: {  	_ =	shalt  }
0x84: {  	_ =	shalt  }
0x85: {  	_ =	shalt  }
0x86: {  	_ =	shalt  }
0x87: {  	_ =	shalt  }
.Lfunc_end0:
.L_simem_size_0:
called_computation.2_lowered:
.L_overlay_start_0:
0x88: {  	s2 =	sld [smem:$0x3FD9]  }
0x89: {  	s3 =	sld [smem:$0x3FFE];
	_ =	sdelay $0x1  }
0x8a: {  	s1 =	srdreg.scid  }
0x8b: {  	s0 =	sand.u32 $0x1, s1  }
0x8c: {  	s16 =	sshll.u32 s0, $0xA;
	s2 =	sadd.s32 s3, s2  }
0x8d: {  	s2 =	sadd.s32 s2, s16  }
0x8e: {  	[smem:$0x3FBA] =	sst s2  }
0x8f: {  	_ = 	snop  }
0x90: {  	(tm) =	ssettm $0x1  }
0x91: {  	s17 =	sld [smem:$0x3FFB];
	_ =	sdelay $0x3  }
0x92: {  	_ =	strace s17  }
0x93: {  	s2 =	sld [smem:$0x3FFC];
	_ =	sdelay $0x3  }
0x94: {  	_ =	strace s2  }
0x95: {  	s2 =	sld [smem:$0x3FFD];
	_ =	sdelay $0x3  }
0x96: {  	_ =	strace s2  }
0x97: {  	_ =	strace $0x8FFFFFFF  }
0x98: {  	s18 =	sld [smem:$0x3FDB];
	_ =	sdelay $0x1  }
0x99: {  	s19 =	simm.s32 $_scs_section_size  }
0x9a: {  	s4 =	simm.s32 $_size__tile_overlayer_lowered;
	s5 =	simm.s32 $_tile_overlayer_lowered  }
0x9b: {  	s22 =	simm.s32 $0x1BFF;
	s21 =	sshll.u32 s5, $0x1;
	s2 =	sadd.s32 s19, s18  }
0x9c: {  	s6 =	simm.s32 $0x0;
	s20 =	sshll.u32 s4, $0x1;
	s4 =	sadd.s32 s21, s2  }
0x9d: {  	[timem:s6], [sflag:s22] =	dma.local [hbm:s4], s20  }
0x9e: {  	_ =	swait.ge [sflag:s22], s20  }
0x9f: {  	s3 =	ssub.s32 $0x0, s20;
	[sflag:s22] =	ssyncset.done $0x0  }
0xa0: {  	[sflag:s22] =	ssyncadd.s32 s3;
	_ =	sdelay $0x1  }
0xa1: {  	s23 =	simm.s32 $0x1B8B  }
0xa2: {  	_ =	swait.ge [sflag:s23], $0x1  }
0xa3: {  	[sflag:s23] =	ssyncset.done $0x0  }
0xa4: {  	s25 =	simm.s32 $0x1B8E;
	s24 =	sld [smem:$0x3FFE];
	[sflag:s23] =	ssyncadd.s32 $0xFFFFFFFF  }
0xa5: {  	s26 =	simm.s32 $execute0_lowered;
	[smem:$0x3FD2] =	sst s25  }
0xa6: {  	s4 =	sshll.u32 s26, $0x1;
	_ =	strace $0x8000004C;
	[dreg:$0x1] =	wrdreg $0xFFFFFFFF  }
0xa7: {  	s28 =	simm.s32 $_size_execute0_lowered;
	s2 =	sadd.s32 s2, s4;
	[dreg:$0x0] =	wrdreg $0x0  }
0xa8: {  	s4 =	sshll.u32 s28, $0x1;
	[dreg:$0x2] =	wrdreg s2  }
0xa9: {  	[dreg:$0x3] =	wrdreg s4  }
0xaa: {  	[dreg:$0x4] =	wrdreg $0xC0  }
0xab: {  	_ =	task [dreg:s6], $0x5FFFF  }
0xac: {  	[dreg:$0x1] =	wrdreg $0xFFFFFFFF  }
0xad: {  	[dreg:$0x0] =	wrdreg $0x60  }
0xae: {  	[dreg:$0x2] =	wrdreg s24  }
0xaf: {  	[dreg:$0x3] =	wrdreg $0x70000  }
0xb0: {  	[dreg:$0x4] =	wrdreg $0x9  }
0xb1: {  	_ =	task.clear_ibuf [dreg:s6], $0x5FFFF;
	_ =	strace $0x9000004C  }
0xb2: {  	s29 =	simm.s32 $0x9;
	_ =	strace $0x8000004E  }
0xb3: {  	_ =	swait.ge [sflag:s29], $0x1  }
0xb4: {  	[sflag:s29] =	ssyncadd.s32 $0xFFFFFFFF  }
0xb5: {  	_ =	strace $0x9000004E  }
0xb6: {  	_ =	sfence  }
0xb7: {  	s30 =	sld [smem:$0x0];
	_ =	sdelay $0x2  }
0xb8: {  	s31 =	sshll.u32 s1, $0xD;
	s1 =	sshrl.u32 s1, $0x2  }
0xb9: {  	s3 =	sand.u32 $0x4000, s31;
	s1 =	sadd.s32 s1, s30  }
0xba: {  	s0 =	sor.u32 s3, s0;
	s1 =	sshll.u32 s1, $0x11  }
0xbb: {  	s0 =	sor.u32 s1, s0  }
0xbc: {  	s0 =	sadd.s32 $0x8F2B, s0  }
0xbd: {  	[sflag:s0] =	ssyncadd.remote.s32 $0x1  }
0xbe: {  	_ =	sfence.sel $0xFFFF  }
0xbf: {  	[dreg:$0x0] =	wrdreg $0xFFFFFFFF;
	(pc) =	sbr.abs _section_cstart, $3  }
0xc0: {  	[dreg:$0x1] =	wrdreg $0xFFFFFFFF  }
0xc1: {  	_ =	task.clear_ibuf [dreg:s6], $0x2FFFF;
	_ =	strace $0x9FFFFFFF  }
0xc2: {  	(tm) =	ssettm $0x7FFFFFFF  }
0xc3: {  	_ =	shalt  }
tec
execute0_lowered:
.L_overlay_start_1:
0x0: {  	(tag) =	ssettag $0x1  }
0x1: {  	s4 =	rddreg [dreg:$0x0]  }
0x2: {  	s2 =	rddreg [dreg:$0x1]  }
0x3: {  	s0 =	rddreg [dreg:$0x2]  }
0x4: {  	s3 =	simm.s32 $0x0;
	s1 =	stileid.u32;
	s5 =	srdreg.scid  }
0x5: {  	s13 =	simm.s32 $0x80;
	s14 =	simm.s32 $0x5000;
	s15 =	simm.s32 $0x6000  }
0x6: {  	s16 =	simm.s32 $0x1;
	s17 =	simm.s32 $0x2;
	s18 =	simm.s32 $0x4F00  }
0x7: {  	s19 =	simm.s32 $0x4F80;
	[smem:$0x7FF] =	sst s3;
	s6 =	smul.u32 $0x500, s1  }
0x8: {  	s5 =	sand.u32 $0x1, s5;
	s9 =	smul.u32 $0x5000, s1;
	s11 =	sshll.u32 s1, $0x6  }
0x9: {  	_ =	strace $0x8000004D;
	s7 =	smul.u32 $0xA000, s5;
	s5 =	ssub.s32 $0x2, s5  }
0xa: {  	s11 =	sor.u32 $0x1C03, s11;
	s6 =	sadd.s32 s6, s4;
	s8 =	sshrl.u32 s5, $0x1  }
0xb: {  	s12 =	sadd.s32 s9, s2;
	s20 =	sshrl.u32 s9, $0x3;
	s9 =	simm.s32 $0x2800  }
0xc: {  	s7 =	sadd.s32 s7, s4;
	s8 =	ssub.s32 s5, s8;
	s4 =	sadd.s32 $0x3200, s6  }
0xd: {  	s5 =	sadd.s32 $0x8200, s6;
	s12 =	sshrl.u32 s12, $0x3;
	s6 =	sadd.s32 $0x12400, s7  }
0xe: {  	s21 =	sadd.s32 $0x26400, s7;
	s7 =	smax.u32 s8, $0x1;
	s8 =	simm.s32 $0x3  }
0xf: {  	s10 =	sadd.s32 s20, s6;
	s20 =	sadd.s32 s20, s21;
	s21 =	simm.s32 $0x0  }
.LBB2_1:
0x10: {  	[tilespmem:s3], [sflag:$0x3] =	stream.linear.gather [hbm4b:s4+s3], $0x2800, $0x38;
	[tilespmem:$0xC000] =	vst v63  }
0x11: {  	_ =	swait.ge [sflag:s8], $0x2800  }
0x12: {  	[sflag:s8] =	ssyncset.done $0x0  }
0x13: {  	[sflag:s8] =	ssyncadd.s32 $0xFFFFD800  }
0x14: {  	[tilespmem:s9], [sflag:$0x3] =	stream.linear.gather [hbm4b:s5+s3], $0x2800, $0x38;
	[tilespmem:$0xC000] =	vst v63  }
0x15: {  	_ =	swait.ge [sflag:s8], $0x2800  }
0x16: {  	[sflag:s8] =	ssyncset.done $0x0  }
0x17: {  	[sflag:s8] =	ssyncadd.s32 $0xFFFFD800  }
0x18: {  	[spmem:s12], [sflag:s11] =	dma.local [hbm:s10], $0xA00  }
0x19: {  	_ =	swait.ge [sflag:s8], $0xA00  }
0x1a: {  	[sflag:s8] =	ssyncset.done $0x0  }
0x1b: {  	[sflag:s8] =	ssyncadd.s32 $0xFFFFF600  }
0x1c: {  	[tilespmem:s14], [sflag:$0x1] =	stream.indirect.gather [hbm4b:s6+s13], $0x20, s3, s13, $0xb8;
	[tilespmem:$0xC000] =	vst v63  }
0x1d: {  	_ = 	snop  }
0x1e: {  	[tilespmem:s15], [sflag:$0x2] =	stream.indirect.gather [hbm4b:s6+s13], $0x20, s13, s13, $0xb8;
	[tilespmem:$0xC000] =	vst v63  }
0x1f: {  	[bflag:$0x0] =	sbarrier.arrive $0xFFFF  }
0x20: {  	_ =	swait.ge [sflag:s16], $0x1000  }
0x21: {  	[sflag:s16] =	ssyncset.done $0x0  }
0x22: {  	s22 =	simm.s32 $0x2800;
	[sflag:s16] =	ssyncadd.s32 $0xFFFFF000  }
0x23: {  	[spmem:s2] =	stream.indirect.scatter.add.f32 [tilespmem:s14], [sflag:$0x3], $0x20, s22, s13, $0xb8;
	[tilespmem:$0xC000] =	vst v63  }
0x24: {  	_ =	swait.ge [sflag:s8], $0x1000  }
0x25: {  	[sflag:s8] =	ssyncset.done $0x0  }
0x26: {  	s30 =	simm.s32 $0x100;
	[sflag:s8] =	ssyncadd.s32 $0xFFFFF000  }
0x27: {  	[tilespmem:s14], [sflag:$0x1] =	stream.indirect.gather [hbm4b:s6+s13], $0x20, s30, s13, $0xb8;
	[tilespmem:$0xC000] =	vst v63  }
0x28: {  	_ =	swait.ge [sflag:s17], $0x1000  }
0x29: {  	[sflag:s17] =	ssyncset.done $0x0  }
0x2a: {  	s31 =	simm.s32 $0x2880;
	[sflag:s17] =	ssyncadd.s32 $0xFFFFF000  }
0x2b: {  	[spmem:s2] =	stream.indirect.scatter.add.f32 [tilespmem:s15], [sflag:$0x3], $0x20, s31, s13, $0xb8;
	[tilespmem:$0xC000] =	vst v63  }
0x2c: {  	_ =	swait.ge [sflag:s8], $0x1000  }
0x2d: {  	[sflag:s8] =	ssyncset.done $0x0  }
0x2e: {  	s23 =	simm.s32 $0x180;
	s22 =	simm.s32 $0x400;
	[sflag:s8] =	ssyncadd.s32 $0xFFFFF000  }
.LBB2_2:
0x2f: {  	[tilespmem:s15], [sflag:$0x2] =	stream.indirect.gather [hbm4b:s6+s13], $0x20, s23, s13, $0xb8;
	[tilespmem:$0xC000] =	vst v63  }
0x30: {  	s23 =	smov.u32 s22  }
0x31: {  	p0 =	sne.s32 s22, $0x9800;
	s22 =	sadd.s32 $0x400, s22;
	_ =	swait.ge [sflag:s16], $0x1000  }
0x32: {  	s23 =	sshra.s32 s23, $0x2;
	[sflag:s16] =	ssyncset.done $0x0  }
0x33: {  	s24 =	sadd.s32 $0x2800, s23;
	[sflag:s16] =	ssyncadd.s32 $0xFFFFF000  }
0x34: {  	[spmem:s2] =	stream.indirect.scatter.add.f32 [tilespmem:s14], [sflag:$0x3], $0x20, s24, s13, $0xb8;
	[tilespmem:$0xC000] =	vst v63  }
0x35: {  	_ =	swait.ge [sflag:s8], $0x1000  }
0x36: {  	[sflag:s8] =	ssyncset.done $0x0  }
0x37: {  	s24 =	sadd.s32 $0x100, s23;
	[sflag:s8] =	ssyncadd.s32 $0xFFFFF000  }
0x38: {  	[tilespmem:s14], [sflag:$0x1] =	stream.indirect.gather [hbm4b:s6+s13], $0x20, s24, s13, $0xb8;
	[tilespmem:$0xC000] =	vst v63  }
0x39: {  	_ =	swait.ge [sflag:s17], $0x1000  }
0x3a: {  	[sflag:s17] =	ssyncset.done $0x0  }
.Ltmp0:
0x3b: {  	s24 =	sadd.s32 $0x2880, s23;
	[sflag:s17] =	ssyncadd.s32 $0xFFFFF000;
	(pc) =	sbr.rel @p0 .LBB2_2-.Ltmp0, $4  }
0x3c: {  	[spmem:s2] =	stream.indirect.scatter.add.f32 [tilespmem:s15], [sflag:$0x3], $0x20, s24, s13, $0xb8;
	[tilespmem:$0xC000] =	vst v63  }
0x3d: {  	_ =	swait.ge [sflag:s8], $0x1000  }
0x3e: {  	[sflag:s8] =	ssyncset.done $0x0  }
0x3f: {  	s23 =	sadd.s32 $0x180, s23;
	[sflag:s8] =	ssyncadd.s32 $0xFFFFF000  }
0x40: {  	[tilespmem:s15], [sflag:$0x2] =	stream.indirect.gather [hbm4b:s6+s13], $0x20, s23, s13, $0xb8;
	[tilespmem:$0xC000] =	vst v63  }
0x41: {  	_ =	swait.ge [sflag:s16], $0x1000  }
0x42: {  	[sflag:s16] =	ssyncset.done $0x0  }
0x43: {  	[sflag:s16] =	ssyncadd.s32 $0xFFFFF000  }
0x44: {  	[spmem:s2] =	stream.indirect.scatter.add.f32 [tilespmem:s14], [sflag:$0x3], $0x20, s18, s13, $0xb8;
	[tilespmem:$0xC000] =	vst v63  }
0x45: {  	_ =	swait.ge [sflag:s8], $0x1000  }
0x46: {  	[sflag:s8] =	ssyncset.done $0x0  }
0x47: {  	[sflag:s8] =	ssyncadd.s32 $0xFFFFF000  }
0x48: {  	_ =	swait.ge [sflag:s17], $0x1000  }
0x49: {  	[sflag:s17] =	ssyncset.done $0x0  }
0x4a: {  	[sflag:s17] =	ssyncadd.s32 $0xFFFFF000  }
0x4b: {  	[spmem:s2] =	stream.indirect.scatter.add.f32 [tilespmem:s15], [sflag:$0x3], $0x20, s19, s13, $0xb8;
	[tilespmem:$0xC000] =	vst v63  }
0x4c: {  	_ =	swait.ge [sflag:s8], $0x1000  }
0x4d: {  	[sflag:s8] =	ssyncset.done $0x0  }
0x4e: {  	s21 =	sadd.s32 $0x1, s21;
	[sflag:s8] =	ssyncadd.s32 $0xFFFFF000  }
0x4f: {  	p0 =	sne.s32 s21, s7;
	[bflag:$0x0] =	sbarrier.arrive $0xFFFF  }
0x50: {  	[hbm:s20], [sflag:s11] =	dma.local [spmem:s12], $0xA00  }
.Ltmp1:
0x51: {  	_ =	swait.ge [sflag:s8], $0xA00;
	(pc) =	sbr.rel @p0 .LBB2_1-.Ltmp1, $3  }
0x52: {  	[sflag:s8] =	ssyncset.done $0x0  }
0x53: {  	[sflag:s8] =	ssyncadd.s32 $0xFFFFF600  }
0x54: {  	[bflag:$0x0] =	sbarrier.arrive $0xFFFF;
	_ =	sdelay $0x1  }
0x55: {  	_ =	sfence.sel $0x180000  }
0x56: {  	[bflag:$0x0] =	sbarrier.arrive $0xFFFF  }
0x57: {  	p0 =	sne.s32 s1, $0x0;
	_ =	strace $0x9000004D  }
0x58: {  	s0 =	sadd.s32 @!p0 $0x100000, s0;
	[bflag:$0x2] =	sbarrier.arrive $0xFFFF  }
0x59: {  	[sflag:s0] =	ssyncadd.tile.s32 @!p0 $0x1;
	_ =	shalt  }
.Lfunc_end2:
_tile_overlayer_lowered:
.L_overlay_start_2:
0x5a: {  	(tag) =	ssettag $0x2  }
0x5b: {  	s0 =	rddreg [dreg:$0x0];
	s2 =	stileid.u32  }
0x5c: {  	s1 =	rddreg [dreg:$0x1];
	p0 =	sne.s32 s2, $0x0  }
0x5d: {  	s3 =	rddreg [dreg:$0x2];
	[bflag:$0x3] =	sbarrier.arrive $0xFFFF;
	s2 =	simm.s32 @!p0 $0x1C03  }
0x5e: {  	[timem:s3], [sflag:s2] =	dma.local @!p0 [hbm:s0], s1  }
0x5f: {  	s0 =	simm.s32 @!p0 $0x3  }
0x60: {  	_ =	swait.ge @!p0 [sflag:s0], s1  }
0x61: {  	s1 =	ssub.s32 @!p0 $0x0, s1;
	[sflag:s0] =	ssyncset.done @!p0 $0x0  }
0x62: {  	[sflag:s0] =	ssyncadd.s32 @!p0 s1  }
0x63: {  	[bflag:$0x3] =	sbarrier.arrive $0xFFFF  }
0x64: {  	_ =	shalt  }

// kernel: kernel.23.cloned.1.call-start
scs
__scs_entry_jumppad:
0x0: {  	(pc) =	sbr.rel $0x88, $3  }
0x1: {  	(tag) =	ssettag $0x0;
	lr =	simm.s32 $0x1  }
0x2: {  	[smem:$0x3F93] =	sst lr;
	_ =	strace $0xD0000000  }
0x3: {  	_ = 	snop  }
0x4: {  	_ = 	snop  }
0x5: {  	_ = 	snop  }
0x6: {  	_ = 	snop  }
0x7: {  	_ = 	snop  }
__scs_overlays_trampoline_lowered:
0x8: {  	[smem:$0x3FA2] =	sst s0  }
0x9: {  	[smem:$0x3FA3] =	sst s1  }
0xa: {  	[smem:$0x3FA4] =	sst s2  }
0xb: {  	[smem:$0x3FA5] =	sst s3  }
0xc: {  	[smem:$0x3FA6] =	sst s4  }
0xd: {  	[smem:$0x3FA7] =	sst s5  }
0xe: {  	[smem:$0x3FA8] =	sst s6  }
0xf: {  	[smem:$0x3FA9] =	sst s7  }
0x10: {  	[smem:$0x3FAA] =	sst s8  }
0x11: {  	[smem:$0x3FAB] =	sst s9;
	s0 =	simm.s32 @!p0 $0x0  }
0x12: {  	s1 =	sld [smem:$0x3F91];
	s0 =	simm.s32 @p0 $0x1  }
0x13: {  	[smem:$0x3FAC] =	sst s0;
	s0 =	simm.s32 @!p1 $0x0  }
0x14: {  	s2 =	sld [smem:$0x3F90];
	s0 =	simm.s32 @p1 $0x1  }
0x15: {  	[smem:$0x3FAD] =	sst s0;
	s0 =	simm.s32 @!p2 $0x0  }
0x16: {  	s3 =	sld [smem:$0x3FDB];
	s0 =	simm.s32 @p2 $0x1  }
0x17: {  	s4 =	simm.s32 $0x1BF5;
	[smem:$0x3FAF] =	sst s0  }
0x18: {  	s0 =	sld [smem:$0x3F92];
	_ =	swait.ge [sflag:s4], $0x0  }
0x19: {  	s7 =	sld [smem:$0x3F93]  }
0x1a: {  	s8 =	sadd.s32 $0xFFFFE003, lr  }
0x1b: {  	s9 =	sadd.s32 $0xFFFFFEF7, lr;
	s5 =	simm.s32 $0xFFFFFFFF;
	p2 =	slt.u32 s8, $0xFFFFF086  }
0x1c: {  	p1 =	slt.u32 s9, $0xF7A;
	s5 =	simm.s32 @!p2 $0x0  }
0x1d: {  	s5 =	simm.s32 @p1 $0x1;
	p0 =	seq.s32 s7, s2  }
0x1e: {  	s7 =	smul.u32 @!p0 $0xF7A, s2;
	p2 =	seq.s32 @!p0 s5, $0x0  }
0x1f: {  	s9 =	smul.u32 $0xF7A, s1;
	s8 =	simm.s32 @!p0 $0x1BF5;
	p2 =	por !p2, p0  }
0x20: {  	[sflag:s8] =	ssyncset.s32 @!p0 $0xFFFFF086;
	s6 =	sadd.s32 @!p0 s3, s7;
	s7 =	simm.s32 @!p0 $0x108  }
0x21: {  	s3 =	sadd.s32 s3, s9;
	s6 =	sadd.s32 @!p0 $0x88, s6;
	s7 =	simm.s32 @p2 $0x1082  }
0x22: {  	[simem:s7], [sflag:s8] =	dma.local @!p0 [hbm:s6], $0xF7A  }
0x23: {  	s9 =	sor.u32 $0xD0000000, s2;
	s6 =	simm.s32 $0x108;
	_ =	swait.ge @!p0 [sflag:s8], $0x0  }
0x24: {  	s3 =	sadd.s32 $0x88, s3;
	s6 =	simm.s32 @!p1 $0x1082;
	[sflag:s4] =	ssyncset.s32 $0xFFFFF086  }
0x25: {  	[simem:s6], [sflag:s4] =	dma.local [hbm:s3], $0xF7A  }
0x26: {  	[smem:$0x3F93] =	sst s1;
	(tag) =	ssettag s2;
	_ =	strace s9  }
0x27: {  	s1 =	sld [smem:$0x3FA3]  }
0x28: {  	s2 =	sld [smem:$0x3FA4]  }
0x29: {  	s4 =	sld [smem:$0x3FA6]  }
0x2a: {  	p0 =	seq.s32 s5, $0x0;
	s5 =	sld [smem:$0x3FA7]  }
0x2b: {  	s6 =	sld [smem:$0x3FA8]  }
0x2c: {  	s7 =	sld [smem:$0x3FA9]  }
0x2d: {  	s3 =	simm.s32 $0x108;
	s8 =	sld [smem:$0x3FAA]  }
0x2e: {  	s3 =	simm.s32 @!p0 $0x1082;
	s9 =	sld [smem:$0x3FAB]  }
0x2f: {  	lr =	sadd.s32 s0, s3;
	s0 =	sld [smem:$0x3FA2]  }
0x30: {  	s3 =	sld [smem:$0x3FA5]  }
0x31: {  	[smem:$0x3FAE] =	sst s10  }
0x32: {  	s10 =	sld [smem:$0x3FAC];
	_ =	sdelay $0x3  }
0x33: {  	p0 =	seq.s32 s10, $0x1;
	s10 =	sld [smem:$0x3FAE];
	_ =	sdelay $0x3  }
0x34: {  	[smem:$0x3FAE] =	sst s10  }
0x35: {  	s10 =	sld [smem:$0x3FAD];
	_ =	sdelay $0x3  }
0x36: {  	p1 =	seq.s32 s10, $0x1;
	s10 =	sld [smem:$0x3FAE];
	_ =	sdelay $0x3  }
0x37: {  	[smem:$0x3FAE] =	sst s10  }
0x38: {  	s10 =	sld [smem:$0x3FAF]  }
0x39: {  	_ = 	snop;
	(pc) =	sbr.ind lr, $3  }
0x3a: {  	_ = 	snop  }
0x3b: {  	_ = 	snop  }
0x3c: {  	p2 =	seq.s32 s10, $0x1;
	s10 =	sld [smem:$0x3FAE]  }
0x3d: {  	_ =	shalt  }
0x3e: {  	_ =	shalt  }
0x3f: {  	_ =	shalt  }
0x40: {  	_ =	shalt  }
0x41: {  	_ =	shalt  }
0x42: {  	_ =	shalt  }
0x43: {  	_ =	shalt  }
0x44: {  	_ =	shalt  }
0x45: {  	_ =	shalt  }
0x46: {  	_ =	shalt  }
0x47: {  	_ =	shalt  }
0x48: {  	_ =	shalt  }
0x49: {  	_ =	shalt  }
0x4a: {  	_ =	shalt  }
0x4b: {  	_ =	shalt  }
0x4c: {  	_ =	shalt  }
0x4d: {  	_ =	shalt  }
0x4e: {  	_ =	shalt  }
0x4f: {  	_ =	shalt  }
0x50: {  	_ =	shalt  }
0x51: {  	_ =	shalt  }
0x52: {  	_ =	shalt  }
0x53: {  	_ =	shalt  }
0x54: {  	_ =	shalt  }
0x55: {  	_ =	shalt  }
0x56: {  	_ =	shalt  }
0x57: {  	_ =	shalt  }
0x58: {  	_ =	shalt  }
0x59: {  	_ =	shalt  }
0x5a: {  	_ =	shalt  }
0x5b: {  	_ =	shalt  }
0x5c: {  	_ =	shalt  }
0x5d: {  	_ =	shalt  }
0x5e: {  	_ =	shalt  }
0x5f: {  	_ =	shalt  }
0x60: {  	_ =	shalt  }
0x61: {  	_ =	shalt  }
0x62: {  	_ =	shalt  }
0x63: {  	_ =	shalt  }
0x64: {  	_ =	shalt  }
0x65: {  	_ =	shalt  }
0x66: {  	_ =	shalt  }
0x67: {  	_ =	shalt  }
0x68: {  	_ =	shalt  }
0x69: {  	_ =	shalt  }
0x6a: {  	_ =	shalt  }
0x6b: {  	_ =	shalt  }
0x6c: {  	_ =	shalt  }
0x6d: {  	_ =	shalt  }
0x6e: {  	_ =	shalt  }
0x6f: {  	_ =	shalt  }
0x70: {  	_ =	shalt  }
0x71: {  	_ =	shalt  }
0x72: {  	_ =	shalt  }
0x73: {  	_ =	shalt  }
0x74: {  	_ =	shalt  }
0x75: {  	_ =	shalt  }
0x76: {  	_ =	shalt  }
0x77: {  	_ =	shalt  }
0x78: {  	_ =	shalt  }
0x79: {  	_ =	shalt  }
0x7a: {  	_ =	shalt  }
0x7b: {  	_ =	shalt  }
0x7c: {  	_ =	shalt  }
0x7d: {  	_ =	shalt  }
0x7e: {  	_ =	shalt  }
0x7f: {  	_ =	shalt  }
0x80: {  	_ =	shalt  }
0x81: {  	_ =	shalt  }
0x82: {  	_ =	shalt  }
0x83: {  	_ =	shalt  }
0x84: {  	_ =	shalt  }
0x85: {  	_ =	shalt  }
0x86: {  	_ =	shalt  }
0x87: {  	_ =	shalt  }
.Lfunc_end0:
.L_simem_size_0:
called_computation.3_lowered:
.L_overlay_start_0:
0x88: {  	s2 =	sld [smem:$0x3FD9]  }
0x89: {  	s3 =	sld [smem:$0x3FFE];
	_ =	sdelay $0x1  }
0x8a: {  	s1 =	srdreg.scid  }
0x8b: {  	s0 =	sand.u32 $0x1, s1  }
0x8c: {  	s16 =	sshll.u32 s0, $0xA;
	s2 =	sadd.s32 s3, s2  }
0x8d: {  	s2 =	sadd.s32 s2, s16  }
0x8e: {  	[smem:$0x3FBA] =	sst s2  }
0x8f: {  	_ = 	snop  }
0x90: {  	(tm) =	ssettm $0x1  }
0x91: {  	s17 =	sld [smem:$0x3FFB];
	_ =	sdelay $0x3  }
0x92: {  	_ =	strace s17  }
0x93: {  	s2 =	sld [smem:$0x3FFC];
	_ =	sdelay $0x3  }
0x94: {  	_ =	strace s2  }
0x95: {  	s2 =	sld [smem:$0x3FFD];
	_ =	sdelay $0x3  }
0x96: {  	_ =	strace s2  }
0x97: {  	_ =	strace $0x8FFFFFFF  }
0x98: {  	s18 =	sld [smem:$0x3FDB];
	_ =	sdelay $0x1  }
0x99: {  	s19 =	simm.s32 $_scs_section_size  }
0x9a: {  	s4 =	simm.s32 $_size__tile_overlayer_lowered;
	s5 =	simm.s32 $_tile_overlayer_lowered  }
0x9b: {  	s22 =	simm.s32 $0x1BFF;
	s21 =	sshll.u32 s5, $0x1;
	s2 =	sadd.s32 s19, s18  }
0x9c: {  	s6 =	simm.s32 $0x0;
	s20 =	sshll.u32 s4, $0x1;
	s4 =	sadd.s32 s21, s2  }
0x9d: {  	[timem:s6], [sflag:s22] =	dma.local [hbm:s4], s20  }
0x9e: {  	_ =	swait.ge [sflag:s22], s20  }
0x9f: {  	s3 =	ssub.s32 $0x0, s20;
	[sflag:s22] =	ssyncset.done $0x0  }
0xa0: {  	[sflag:s22] =	ssyncadd.s32 s3;
	_ =	sdelay $0x1  }
0xa1: {  	s23 =	simm.s32 $0x1B8B  }
0xa2: {  	_ =	swait.ge [sflag:s23], $0x1  }
0xa3: {  	[sflag:s23] =	ssyncset.done $0x0  }
0xa4: {  	s25 =	simm.s32 $0x1B8E;
	s24 =	sld [smem:$0x3FFE];
	[sflag:s23] =	ssyncadd.s32 $0xFFFFFFFF  }
0xa5: {  	s26 =	simm.s32 $execute0_lowered;
	[smem:$0x3FD2] =	sst s25  }
0xa6: {  	s4 =	sshll.u32 s26, $0x1;
	_ =	strace $0x8000004F;
	[dreg:$0x1] =	wrdreg $0xFFFFFFFF  }
0xa7: {  	s28 =	simm.s32 $_size_execute0_lowered;
	s2 =	sadd.s32 s2, s4;
	[dreg:$0x0] =	wrdreg $0x0  }
0xa8: {  	s4 =	sshll.u32 s28, $0x1;
	[dreg:$0x2] =	wrdreg s2  }
0xa9: {  	[dreg:$0x3] =	wrdreg s4  }
0xaa: {  	[dreg:$0x4] =	wrdreg $0xC0  }
0xab: {  	_ =	task [dreg:s6], $0x5FFFF  }
0xac: {  	[dreg:$0x1] =	wrdreg $0xFFFFFFFF  }
0xad: {  	[dreg:$0x0] =	wrdreg $0x60  }
0xae: {  	[dreg:$0x2] =	wrdreg s24  }
0xaf: {  	[dreg:$0x3] =	wrdreg $0x90000  }
0xb0: {  	[dreg:$0x4] =	wrdreg $0x9  }
0xb1: {  	_ =	task.clear_ibuf [dreg:s6], $0x5FFFF;
	_ =	strace $0x9000004F  }
0xb2: {  	s29 =	simm.s32 $0x9;
	_ =	strace $0x80000051  }
0xb3: {  	_ =	swait.ge [sflag:s29], $0x1  }
0xb4: {  	[sflag:s29] =	ssyncadd.s32 $0xFFFFFFFF  }
0xb5: {  	_ =	strace $0x90000051  }
0xb6: {  	_ =	sfence  }
0xb7: {  	s30 =	sld [smem:$0x0];
	_ =	sdelay $0x2  }
0xb8: {  	s31 =	sshll.u32 s1, $0xD;
	s1 =	sshrl.u32 s1, $0x2  }
0xb9: {  	s3 =	sand.u32 $0x4000, s31;
	s1 =	sadd.s32 s1, s30  }
0xba: {  	s0 =	sor.u32 s3, s0;
	s1 =	sshll.u32 s1, $0x11  }
0xbb: {  	s0 =	sor.u32 s1, s0  }
0xbc: {  	s0 =	sadd.s32 $0x8F2B, s0  }
0xbd: {  	[sflag:s0] =	ssyncadd.remote.s32 $0x1  }
0xbe: {  	_ =	sfence.sel $0xFFFF  }
0xbf: {  	[dreg:$0x0] =	wrdreg $0xFFFFFFFF;
	(pc) =	sbr.abs _section_cstart, $3  }
0xc0: {  	[dreg:$0x1] =	wrdreg $0xFFFFFFFF  }
0xc1: {  	_ =	task.clear_ibuf [dreg:s6], $0x2FFFF;
	_ =	strace $0x9FFFFFFF  }
0xc2: {  	(tm) =	ssettm $0x7FFFFFFF  }
0xc3: {  	_ =	shalt  }
tec
execute0_lowered:
.L_overlay_start_1:
0x0: {  	(tag) =	ssettag $0x1  }
0x1: {  	s4 =	rddreg [dreg:$0x0]  }
0x2: {  	s2 =	rddreg [dreg:$0x1]  }
0x3: {  	s0 =	rddreg [dreg:$0x2]  }
0x4: {  	s3 =	simm.s32 $0x0;
	s1 =	stileid.u32;
	s5 =	srdreg.scid  }
0x5: {  	s13 =	simm.s32 $0x80;
	s14 =	simm.s32 $0x5000;
	s15 =	simm.s32 $0x7000  }
0x6: {  	s16 =	simm.s32 $0x1;
	s17 =	simm.s32 $0x2;
	s18 =	simm.s32 $0x4F00  }
0x7: {  	s19 =	simm.s32 $0x4F80;
	[smem:$0x7FF] =	sst s3;
	s6 =	smul.u32 $0x500, s1  }
0x8: {  	s5 =	sand.u32 $0x1, s5;
	s9 =	smul.u32 $0xA000, s1;
	s11 =	sshll.u32 s1, $0x6  }
0x9: {  	_ =	strace $0x80000050;
	s7 =	smul.u32 $0x14000, s5;
	s5 =	ssub.s32 $0x2, s5  }
0xa: {  	s11 =	sor.u32 $0x1C03, s11;
	s6 =	sadd.s32 s6, s4;
	s8 =	sshrl.u32 s5, $0x1  }
0xb: {  	s12 =	sadd.s32 s9, s2;
	s20 =	sshrl.u32 s9, $0x3;
	s9 =	simm.s32 $0x2800  }
0xc: {  	s7 =	sadd.s32 s7, s4;
	s8 =	ssub.s32 s5, s8;
	s4 =	sadd.s32 $0x3200, s6  }
0xd: {  	s5 =	sadd.s32 $0x8200, s6;
	s12 =	sshrl.u32 s12, $0x3;
	s6 =	sadd.s32 $0x12400, s7  }
0xe: {  	s21 =	sadd.s32 $0x3A400, s7;
	s7 =	smax.u32 s8, $0x1;
	s8 =	simm.s32 $0x3  }
0xf: {  	s10 =	sadd.s32 s20, s6;
	s20 =	sadd.s32 s20, s21;
	s21 =	simm.s32 $0x0  }
.LBB2_1:
0x10: {  	[tilespmem:s3], [sflag:$0x3] =	stream.linear.gather [hbm4b:s4+s3], $0x2800, $0x38;
	[tilespmem:$0x13000] =	vst v63  }
0x11: {  	_ =	swait.ge [sflag:s8], $0x2800  }
0x12: {  	[sflag:s8] =	ssyncset.done $0x0  }
0x13: {  	[sflag:s8] =	ssyncadd.s32 $0xFFFFD800  }
0x14: {  	[tilespmem:s9], [sflag:$0x3] =	stream.linear.gather [hbm4b:s5+s3], $0x2800, $0x38;
	[tilespmem:$0x13000] =	vst v63  }
0x15: {  	_ =	swait.ge [sflag:s8], $0x2800  }
0x16: {  	[sflag:s8] =	ssyncset.done $0x0  }
0x17: {  	[sflag:s8] =	ssyncadd.s32 $0xFFFFD800  }
0x18: {  	[spmem:s12], [sflag:s11] =	dma.local [hbm:s10], $0x1400  }
0x19: {  	_ =	swait.ge [sflag:s8], $0x1400  }
0x1a: {  	[sflag:s8] =	ssyncset.done $0x0  }
0x1b: {  	[sflag:s8] =	ssyncadd.s32 $0xFFFFEC00  }
0x1c: {  	[tilespmem:s14], [sflag:$0x1] =	stream.indirect.gather [hbm4b:s6+s13], $0x40, s3, s13, $0xb8;
	[tilespmem:$0x13000] =	vst v63  }
0x1d: {  	_ = 	snop  }
0x1e: {  	[tilespmem:s15], [sflag:$0x2] =	stream.indirect.gather [hbm4b:s6+s13], $0x40, s13, s13, $0xb8;
	[tilespmem:$0x13000] =	vst v63  }
0x1f: {  	[bflag:$0x0] =	sbarrier.arrive $0xFFFF  }
0x20: {  	_ =	swait.ge [sflag:s16], $0x2000  }
0x21: {  	[sflag:s16] =	ssyncset.done $0x0  }
0x22: {  	s22 =	simm.s32 $0x2800;
	[sflag:s16] =	ssyncadd.s32 $0xFFFFE000  }
0x23: {  	[spmem:s2] =	stream.indirect.scatter.add.f32 [tilespmem:s14], [sflag:$0x3], $0x40, s22, s13, $0xb8;
	[tilespmem:$0x13000] =	vst v63  }
0x24: {  	_ =	swait.ge [sflag:s8], $0x2000  }
0x25: {  	[sflag:s8] =	ssyncset.done $0x0  }
0x26: {  	s30 =	simm.s32 $0x100;
	[sflag:s8] =	ssyncadd.s32 $0xFFFFE000  }
0x27: {  	[tilespmem:s14], [sflag:$0x1] =	stream.indirect.gather [hbm4b:s6+s13], $0x40, s30, s13, $0xb8;
	[tilespmem:$0x13000] =	vst v63  }
0x28: {  	_ =	swait.ge [sflag:s17], $0x2000  }
0x29: {  	[sflag:s17] =	ssyncset.done $0x0  }
0x2a: {  	s31 =	simm.s32 $0x2880;
	[sflag:s17] =	ssyncadd.s32 $0xFFFFE000  }
0x2b: {  	[spmem:s2] =	stream.indirect.scatter.add.f32 [tilespmem:s15], [sflag:$0x3], $0x40, s31, s13, $0xb8;
	[tilespmem:$0x13000] =	vst v63  }
0x2c: {  	_ =	swait.ge [sflag:s8], $0x2000  }
0x2d: {  	[sflag:s8] =	ssyncset.done $0x0  }
0x2e: {  	s23 =	simm.s32 $0x180;
	s22 =	simm.s32 $0x400;
	[sflag:s8] =	ssyncadd.s32 $0xFFFFE000  }
.LBB2_2:
0x2f: {  	[tilespmem:s15], [sflag:$0x2] =	stream.indirect.gather [hbm4b:s6+s13], $0x40, s23, s13, $0xb8;
	[tilespmem:$0x13000] =	vst v63  }
0x30: {  	s23 =	smov.u32 s22  }
0x31: {  	p0 =	sne.s32 s22, $0x9800;
	s22 =	sadd.s32 $0x400, s22;
	_ =	swait.ge [sflag:s16], $0x2000  }
0x32: {  	s23 =	sshra.s32 s23, $0x2;
	[sflag:s16] =	ssyncset.done $0x0  }
0x33: {  	s24 =	sadd.s32 $0x2800, s23;
	[sflag:s16] =	ssyncadd.s32 $0xFFFFE000  }
0x34: {  	[spmem:s2] =	stream.indirect.scatter.add.f32 [tilespmem:s14], [sflag:$0x3], $0x40, s24, s13, $0xb8;
	[tilespmem:$0x13000] =	vst v63  }
0x35: {  	_ =	swait.ge [sflag:s8], $0x2000  }
0x36: {  	[sflag:s8] =	ssyncset.done $0x0  }
0x37: {  	s24 =	sadd.s32 $0x100, s23;
	[sflag:s8] =	ssyncadd.s32 $0xFFFFE000  }
0x38: {  	[tilespmem:s14], [sflag:$0x1] =	stream.indirect.gather [hbm4b:s6+s13], $0x40, s24, s13, $0xb8;
	[tilespmem:$0x13000] =	vst v63  }
0x39: {  	_ =	swait.ge [sflag:s17], $0x2000  }
0x3a: {  	[sflag:s17] =	ssyncset.done $0x0  }
.Ltmp0:
0x3b: {  	s24 =	sadd.s32 $0x2880, s23;
	[sflag:s17] =	ssyncadd.s32 $0xFFFFE000;
	(pc) =	sbr.rel @p0 .LBB2_2-.Ltmp0, $4  }
0x3c: {  	[spmem:s2] =	stream.indirect.scatter.add.f32 [tilespmem:s15], [sflag:$0x3], $0x40, s24, s13, $0xb8;
	[tilespmem:$0x13000] =	vst v63  }
0x3d: {  	_ =	swait.ge [sflag:s8], $0x2000  }
0x3e: {  	[sflag:s8] =	ssyncset.done $0x0  }
0x3f: {  	s23 =	sadd.s32 $0x180, s23;
	[sflag:s8] =	ssyncadd.s32 $0xFFFFE000  }
0x40: {  	[tilespmem:s15], [sflag:$0x2] =	stream.indirect.gather [hbm4b:s6+s13], $0x40, s23, s13, $0xb8;
	[tilespmem:$0x13000] =	vst v63  }
0x41: {  	_ =	swait.ge [sflag:s16], $0x2000  }
0x42: {  	[sflag:s16] =	ssyncset.done $0x0  }
0x43: {  	[sflag:s16] =	ssyncadd.s32 $0xFFFFE000  }
0x44: {  	[spmem:s2] =	stream.indirect.scatter.add.f32 [tilespmem:s14], [sflag:$0x3], $0x40, s18, s13, $0xb8;
	[tilespmem:$0x13000] =	vst v63  }
0x45: {  	_ =	swait.ge [sflag:s8], $0x2000  }
0x46: {  	[sflag:s8] =	ssyncset.done $0x0  }
0x47: {  	[sflag:s8] =	ssyncadd.s32 $0xFFFFE000  }
0x48: {  	_ =	swait.ge [sflag:s17], $0x2000  }
0x49: {  	[sflag:s17] =	ssyncset.done $0x0  }
0x4a: {  	[sflag:s17] =	ssyncadd.s32 $0xFFFFE000  }
0x4b: {  	[spmem:s2] =	stream.indirect.scatter.add.f32 [tilespmem:s15], [sflag:$0x3], $0x40, s19, s13, $0xb8;
	[tilespmem:$0x13000] =	vst v63  }
0x4c: {  	_ =	swait.ge [sflag:s8], $0x2000  }
0x4d: {  	[sflag:s8] =	ssyncset.done $0x0  }
0x4e: {  	s21 =	sadd.s32 $0x1, s21;
	[sflag:s8] =	ssyncadd.s32 $0xFFFFE000  }
0x4f: {  	p0 =	sne.s32 s21, s7;
	[bflag:$0x0] =	sbarrier.arrive $0xFFFF  }
0x50: {  	[hbm:s20], [sflag:s11] =	dma.local [spmem:s12], $0x1400  }
.Ltmp1:
0x51: {  	_ =	swait.ge [sflag:s8], $0x1400;
	(pc) =	sbr.rel @p0 .LBB2_1-.Ltmp1, $3  }
0x52: {  	[sflag:s8] =	ssyncset.done $0x0  }
0x53: {  	[sflag:s8] =	ssyncadd.s32 $0xFFFFEC00  }
0x54: {  	[bflag:$0x0] =	sbarrier.arrive $0xFFFF;
	_ =	sdelay $0x1  }
0x55: {  	_ =	sfence.sel $0x180000  }
0x56: {  	[bflag:$0x0] =	sbarrier.arrive $0xFFFF  }
0x57: {  	p0 =	sne.s32 s1, $0x0;
	_ =	strace $0x90000050  }
0x58: {  	s0 =	sadd.s32 @!p0 $0x100000, s0;
	[bflag:$0x2] =	sbarrier.arrive $0xFFFF  }
0x59: {  	[sflag:s0] =	ssyncadd.tile.s32 @!p0 $0x1;
	_ =	shalt  }
.Lfunc_end2:
_tile_overlayer_lowered:
.L_overlay_start_2:
0x5a: {  	(tag) =	ssettag $0x2  }
0x5b: {  	s0 =	rddreg [dreg:$0x0];
	s2 =	stileid.u32  }
0x5c: {  	s1 =	rddreg [dreg:$0x1];
	p0 =	sne.s32 s2, $0x0  }
0x5d: {  	s3 =	rddreg [dreg:$0x2];
	[bflag:$0x3] =	sbarrier.arrive $0xFFFF;
	s2 =	simm.s32 @!p0 $0x1C03  }
0x5e: {  	[timem:s3], [sflag:s2] =	dma.local @!p0 [hbm:s0], s1  }
0x5f: {  	s0 =	simm.s32 @!p0 $0x3  }
0x60: {  	_ =	swait.ge @!p0 [sflag:s0], s1  }
0x61: {  	s1 =	ssub.s32 @!p0 $0x0, s1;
	[sflag:s0] =	ssyncset.done @!p0 $0x0  }
0x62: {  	[sflag:s0] =	ssyncadd.s32 @!p0 s1  }
0x63: {  	[bflag:$0x3] =	sbarrier.arrive $0xFFFF  }
0x64: {  	_ =	shalt  }

// kernel: kernel.26.cloned.1.call-start
scs
__scs_entry_jumppad:
0x0: {  	(pc) =	sbr.rel $0x88, $3  }
0x1: {  	(tag) =	ssettag $0x0;
	lr =	simm.s32 $0x1  }
0x2: {  	[smem:$0x3F93] =	sst lr;
	_ =	strace $0xD0000000  }
0x3: {  	_ = 	snop  }
0x4: {  	_ = 	snop  }
0x5: {  	_ = 	snop  }
0x6: {  	_ = 	snop  }
0x7: {  	_ = 	snop  }
__scs_overlays_trampoline_lowered:
0x8: {  	[smem:$0x3FA2] =	sst s0  }
0x9: {  	[smem:$0x3FA3] =	sst s1  }
0xa: {  	[smem:$0x3FA4] =	sst s2  }
0xb: {  	[smem:$0x3FA5] =	sst s3  }
0xc: {  	[smem:$0x3FA6] =	sst s4  }
0xd: {  	[smem:$0x3FA7] =	sst s5  }
0xe: {  	[smem:$0x3FA8] =	sst s6  }
0xf: {  	[smem:$0x3FA9] =	sst s7  }
0x10: {  	[smem:$0x3FAA] =	sst s8  }
0x11: {  	[smem:$0x3FAB] =	sst s9;
	s0 =	simm.s32 @!p0 $0x0  }
0x12: {  	s1 =	sld [smem:$0x3F91];
	s0 =	simm.s32 @p0 $0x1  }
0x13: {  	[smem:$0x3FAC] =	sst s0;
	s0 =	simm.s32 @!p1 $0x0  }
0x14: {  	s2 =	sld [smem:$0x3F90];
	s0 =	simm.s32 @p1 $0x1  }
0x15: {  	[smem:$0x3FAD] =	sst s0;
	s0 =	simm.s32 @!p2 $0x0  }
0x16: {  	s3 =	sld [smem:$0x3FDB];
	s0 =	simm.s32 @p2 $0x1  }
0x17: {  	s4 =	simm.s32 $0x1BF5;
	[smem:$0x3FAF] =	sst s0  }
0x18: {  	s0 =	sld [smem:$0x3F92];
	_ =	swait.ge [sflag:s4], $0x0  }
0x19: {  	s7 =	sld [smem:$0x3F93]  }
0x1a: {  	s8 =	sadd.s32 $0xFFFFE003, lr  }
0x1b: {  	s9 =	sadd.s32 $0xFFFFFEF7, lr;
	s5 =	simm.s32 $0xFFFFFFFF;
	p2 =	slt.u32 s8, $0xFFFFF086  }
0x1c: {  	p1 =	slt.u32 s9, $0xF7A;
	s5 =	simm.s32 @!p2 $0x0  }
0x1d: {  	s5 =	simm.s32 @p1 $0x1;
	p0 =	seq.s32 s7, s2  }
0x1e: {  	s7 =	smul.u32 @!p0 $0xF7A, s2;
	p2 =	seq.s32 @!p0 s5, $0x0  }
0x1f: {  	s9 =	smul.u32 $0xF7A, s1;
	s8 =	simm.s32 @!p0 $0x1BF5;
	p2 =	por !p2, p0  }
0x20: {  	[sflag:s8] =	ssyncset.s32 @!p0 $0xFFFFF086;
	s6 =	sadd.s32 @!p0 s3, s7;
	s7 =	simm.s32 @!p0 $0x108  }
0x21: {  	s3 =	sadd.s32 s3, s9;
	s6 =	sadd.s32 @!p0 $0x88, s6;
	s7 =	simm.s32 @p2 $0x1082  }
0x22: {  	[simem:s7], [sflag:s8] =	dma.local @!p0 [hbm:s6], $0xF7A  }
0x23: {  	s9 =	sor.u32 $0xD0000000, s2;
	s6 =	simm.s32 $0x108;
	_ =	swait.ge @!p0 [sflag:s8], $0x0  }
0x24: {  	s3 =	sadd.s32 $0x88, s3;
	s6 =	simm.s32 @!p1 $0x1082;
	[sflag:s4] =	ssyncset.s32 $0xFFFFF086  }
0x25: {  	[simem:s6], [sflag:s4] =	dma.local [hbm:s3], $0xF7A  }
0x26: {  	[smem:$0x3F93] =	sst s1;
	(tag) =	ssettag s2;
	_ =	strace s9  }
0x27: {  	s1 =	sld [smem:$0x3FA3]  }
0x28: {  	s2 =	sld [smem:$0x3FA4]  }
0x29: {  	s4 =	sld [smem:$0x3FA6]  }
0x2a: {  	p0 =	seq.s32 s5, $0x0;
	s5 =	sld [smem:$0x3FA7]  }
0x2b: {  	s6 =	sld [smem:$0x3FA8]  }
0x2c: {  	s7 =	sld [smem:$0x3FA9]  }
0x2d: {  	s3 =	simm.s32 $0x108;
	s8 =	sld [smem:$0x3FAA]  }
0x2e: {  	s3 =	simm.s32 @!p0 $0x1082;
	s9 =	sld [smem:$0x3FAB]  }
0x2f: {  	lr =	sadd.s32 s0, s3;
	s0 =	sld [smem:$0x3FA2]  }
0x30: {  	s3 =	sld [smem:$0x3FA5]  }
0x31: {  	[smem:$0x3FAE] =	sst s10  }
0x32: {  	s10 =	sld [smem:$0x3FAC];
	_ =	sdelay $0x3  }
0x33: {  	p0 =	seq.s32 s10, $0x1;
	s10 =	sld [smem:$0x3FAE];
	_ =	sdelay $0x3  }
0x34: {  	[smem:$0x3FAE] =	sst s10  }
0x35: {  	s10 =	sld [smem:$0x3FAD];
	_ =	sdelay $0x3  }
0x36: {  	p1 =	seq.s32 s10, $0x1;
	s10 =	sld [smem:$0x3FAE];
	_ =	sdelay $0x3  }
0x37: {  	[smem:$0x3FAE] =	sst s10  }
0x38: {  	s10 =	sld [smem:$0x3FAF]  }
0x39: {  	_ = 	snop;
	(pc) =	sbr.ind lr, $3  }
0x3a: {  	_ = 	snop  }
0x3b: {  	_ = 	snop  }
0x3c: {  	p2 =	seq.s32 s10, $0x1;
	s10 =	sld [smem:$0x3FAE]  }
0x3d: {  	_ =	shalt  }
0x3e: {  	_ =	shalt  }
0x3f: {  	_ =	shalt  }
0x40: {  	_ =	shalt  }
0x41: {  	_ =	shalt  }
0x42: {  	_ =	shalt  }
0x43: {  	_ =	shalt  }
0x44: {  	_ =	shalt  }
0x45: {  	_ =	shalt  }
0x46: {  	_ =	shalt  }
0x47: {  	_ =	shalt  }
0x48: {  	_ =	shalt  }
0x49: {  	_ =	shalt  }
0x4a: {  	_ =	shalt  }
0x4b: {  	_ =	shalt  }
0x4c: {  	_ =	shalt  }
0x4d: {  	_ =	shalt  }
0x4e: {  	_ =	shalt  }
0x4f: {  	_ =	shalt  }
0x50: {  	_ =	shalt  }
0x51: {  	_ =	shalt  }
0x52: {  	_ =	shalt  }
0x53: {  	_ =	shalt  }
0x54: {  	_ =	shalt  }
0x55: {  	_ =	shalt  }
0x56: {  	_ =	shalt  }
0x57: {  	_ =	shalt  }
0x58: {  	_ =	shalt  }
0x59: {  	_ =	shalt  }
0x5a: {  	_ =	shalt  }
0x5b: {  	_ =	shalt  }
0x5c: {  	_ =	shalt  }
0x5d: {  	_ =	shalt  }
0x5e: {  	_ =	shalt  }
0x5f: {  	_ =	shalt  }
0x60: {  	_ =	shalt  }
0x61: {  	_ =	shalt  }
0x62: {  	_ =	shalt  }
0x63: {  	_ =	shalt  }
0x64: {  	_ =	shalt  }
0x65: {  	_ =	shalt  }
0x66: {  	_ =	shalt  }
0x67: {  	_ =	shalt  }
0x68: {  	_ =	shalt  }
0x69: {  	_ =	shalt  }
0x6a: {  	_ =	shalt  }
0x6b: {  	_ =	shalt  }
0x6c: {  	_ =	shalt  }
0x6d: {  	_ =	shalt  }
0x6e: {  	_ =	shalt  }
0x6f: {  	_ =	shalt  }
0x70: {  	_ =	shalt  }
0x71: {  	_ =	shalt  }
0x72: {  	_ =	shalt  }
0x73: {  	_ =	shalt  }
0x74: {  	_ =	shalt  }
0x75: {  	_ =	shalt  }
0x76: {  	_ =	shalt  }
0x77: {  	_ =	shalt  }
0x78: {  	_ =	shalt  }
0x79: {  	_ =	shalt  }
0x7a: {  	_ =	shalt  }
0x7b: {  	_ =	shalt  }
0x7c: {  	_ =	shalt  }
0x7d: {  	_ =	shalt  }
0x7e: {  	_ =	shalt  }
0x7f: {  	_ =	shalt  }
0x80: {  	_ =	shalt  }
0x81: {  	_ =	shalt  }
0x82: {  	_ =	shalt  }
0x83: {  	_ =	shalt  }
0x84: {  	_ =	shalt  }
0x85: {  	_ =	shalt  }
0x86: {  	_ =	shalt  }
0x87: {  	_ =	shalt  }
.Lfunc_end0:
.L_simem_size_0:
called_computation.4_lowered:
.L_overlay_start_0:
0x88: {  	s2 =	sld [smem:$0x3FD9]  }
0x89: {  	s3 =	sld [smem:$0x3FFE];
	_ =	sdelay $0x1  }
0x8a: {  	s1 =	srdreg.scid  }
0x8b: {  	s0 =	sand.u32 $0x1, s1  }
0x8c: {  	s16 =	sshll.u32 s0, $0xA;
	s2 =	sadd.s32 s3, s2  }
0x8d: {  	s2 =	sadd.s32 s2, s16  }
0x8e: {  	[smem:$0x3FBA] =	sst s2  }
0x8f: {  	_ = 	snop  }
0x90: {  	(tm) =	ssettm $0x1  }
0x91: {  	s17 =	sld [smem:$0x3FFB];
	_ =	sdelay $0x3  }
0x92: {  	_ =	strace s17  }
0x93: {  	s2 =	sld [smem:$0x3FFC];
	_ =	sdelay $0x3  }
0x94: {  	_ =	strace s2  }
0x95: {  	s2 =	sld [smem:$0x3FFD];
	_ =	sdelay $0x3  }
0x96: {  	_ =	strace s2  }
0x97: {  	_ =	strace $0x8FFFFFFF  }
0x98: {  	s18 =	sld [smem:$0x3FDB];
	_ =	sdelay $0x1  }
0x99: {  	s19 =	simm.s32 $_scs_section_size  }
0x9a: {  	s4 =	simm.s32 $_size__tile_overlayer_lowered;
	s5 =	simm.s32 $_tile_overlayer_lowered  }
0x9b: {  	s22 =	simm.s32 $0x1BFF;
	s21 =	sshll.u32 s5, $0x1;
	s2 =	sadd.s32 s19, s18  }
0x9c: {  	s6 =	simm.s32 $0x0;
	s20 =	sshll.u32 s4, $0x1;
	s4 =	sadd.s32 s21, s2  }
0x9d: {  	[timem:s6], [sflag:s22] =	dma.local [hbm:s4], s20  }
0x9e: {  	_ =	swait.ge [sflag:s22], s20  }
0x9f: {  	s3 =	ssub.s32 $0x0, s20;
	[sflag:s22] =	ssyncset.done $0x0  }
0xa0: {  	[sflag:s22] =	ssyncadd.s32 s3;
	_ =	sdelay $0x1  }
0xa1: {  	s23 =	simm.s32 $0x1B8B  }
0xa2: {  	_ =	swait.ge [sflag:s23], $0x1  }
0xa3: {  	[sflag:s23] =	ssyncset.done $0x0  }
0xa4: {  	s25 =	simm.s32 $0x1B8E;
	s24 =	sld [smem:$0x3FFE];
	[sflag:s23] =	ssyncadd.s32 $0xFFFFFFFF  }
0xa5: {  	s26 =	simm.s32 $execute0_lowered;
	[smem:$0x3FD2] =	sst s25  }
0xa6: {  	s4 =	sshll.u32 s26, $0x1;
	_ =	strace $0x80000052;
	[dreg:$0x1] =	wrdreg $0xFFFFFFFF  }
0xa7: {  	s28 =	simm.s32 $_size_execute0_lowered;
	s2 =	sadd.s32 s2, s4;
	[dreg:$0x0] =	wrdreg $0x0  }
0xa8: {  	s4 =	sshll.u32 s28, $0x1;
	[dreg:$0x2] =	wrdreg s2  }
0xa9: {  	[dreg:$0x3] =	wrdreg s4  }
0xaa: {  	[dreg:$0x4] =	wrdreg $0xC0  }
0xab: {  	_ =	task [dreg:s6], $0x5FFFF  }
0xac: {  	[dreg:$0x1] =	wrdreg $0xFFFFFFFF  }
0xad: {  	[dreg:$0x0] =	wrdreg $0x60  }
0xae: {  	[dreg:$0x2] =	wrdreg s24  }
0xaf: {  	[dreg:$0x3] =	wrdreg $0xA0000  }
0xb0: {  	[dreg:$0x4] =	wrdreg $0x9  }
0xb1: {  	_ =	task.clear_ibuf [dreg:s6], $0x5FFFF;
	_ =	strace $0x90000052  }
0xb2: {  	s29 =	simm.s32 $0x9;
	_ =	strace $0x80000054  }
0xb3: {  	_ =	swait.ge [sflag:s29], $0x1  }
0xb4: {  	[sflag:s29] =	ssyncadd.s32 $0xFFFFFFFF  }
0xb5: {  	_ =	strace $0x90000054  }
0xb6: {  	_ =	sfence  }
0xb7: {  	s30 =	sld [smem:$0x0];
	_ =	sdelay $0x2  }
0xb8: {  	s31 =	sshll.u32 s1, $0xD;
	s1 =	sshrl.u32 s1, $0x2  }
0xb9: {  	s3 =	sand.u32 $0x4000, s31;
	s1 =	sadd.s32 s1, s30  }
0xba: {  	s0 =	sor.u32 s3, s0;
	s1 =	sshll.u32 s1, $0x11  }
0xbb: {  	s0 =	sor.u32 s1, s0  }
0xbc: {  	s0 =	sadd.s32 $0x8F2B, s0  }
0xbd: {  	[sflag:s0] =	ssyncadd.remote.s32 $0x1  }
0xbe: {  	_ =	sfence.sel $0xFFFF  }
0xbf: {  	[dreg:$0x0] =	wrdreg $0xFFFFFFFF;
	(pc) =	sbr.abs _section_cstart, $3  }
0xc0: {  	[dreg:$0x1] =	wrdreg $0xFFFFFFFF  }
0xc1: {  	_ =	task.clear_ibuf [dreg:s6], $0x2FFFF;
	_ =	strace $0x9FFFFFFF  }
0xc2: {  	(tm) =	ssettm $0x7FFFFFFF  }
0xc3: {  	_ =	shalt  }
tec
execute0_lowered:
.L_overlay_start_1:
0x0: {  	(tag) =	ssettag $0x1  }
0x1: {  	s4 =	rddreg [dreg:$0x0]  }
0x2: {  	s2 =	rddreg [dreg:$0x1]  }
0x3: {  	s0 =	rddreg [dreg:$0x2]  }
0x4: {  	s3 =	simm.s32 $0x0;
	s1 =	stileid.u32;
	s5 =	srdreg.scid  }
0x5: {  	s13 =	simm.s32 $0x50;
	s14 =	simm.s32 $0x5000;
	s15 =	simm.s32 $0x7800  }
0x6: {  	s16 =	simm.s32 $0x1;
	s17 =	simm.s32 $0x2;
	s18 =	simm.s32 $0x4F60  }
0x7: {  	s19 =	simm.s32 $0x4FB0;
	[smem:$0x7FF] =	sst s3;
	s6 =	smul.u32 $0x500, s1  }
0x8: {  	s5 =	sand.u32 $0x1, s5;
	s9 =	smul.u32 $0x14000, s1;
	s11 =	sshll.u32 s1, $0x6  }
0x9: {  	_ =	strace $0x80000053;
	s7 =	smul.u32 $0x28000, s5;
	s5 =	ssub.s32 $0x2, s5  }
0xa: {  	s11 =	sor.u32 $0x1C03, s11;
	s6 =	sadd.s32 s6, s4;
	s8 =	sshrl.u32 s5, $0x1  }
0xb: {  	s12 =	sadd.s32 s9, s2;
	s20 =	sshrl.u32 s9, $0x3;
	s9 =	simm.s32 $0x2800  }
0xc: {  	s7 =	sadd.s32 s7, s4;
	s8 =	ssub.s32 s5, s8;
	s4 =	sadd.s32 $0x3200, s6  }
0xd: {  	s5 =	sadd.s32 $0x8200, s6;
	s12 =	sshrl.u32 s12, $0x3;
	s6 =	sadd.s32 $0x12400, s7  }
0xe: {  	s21 =	sadd.s32 $0x62400, s7;
	s7 =	smax.u32 s8, $0x1;
	s8 =	simm.s32 $0x3  }
0xf: {  	s10 =	sadd.s32 s20, s6;
	s20 =	sadd.s32 s20, s21;
	s21 =	simm.s32 $0x0  }
.LBB2_1:
0x10: {  	[tilespmem:s3], [sflag:$0x3] =	stream.linear.gather [hbm4b:s4+s3], $0x2800, $0x38;
	[tilespmem:$0x1E000] =	vst v63  }
0x11: {  	_ =	swait.ge [sflag:s8], $0x2800  }
0x12: {  	[sflag:s8] =	ssyncset.done $0x0  }
0x13: {  	[sflag:s8] =	ssyncadd.s32 $0xFFFFD800  }
0x14: {  	[tilespmem:s9], [sflag:$0x3] =	stream.linear.gather [hbm4b:s5+s3], $0x2800, $0x38;
	[tilespmem:$0x1E000] =	vst v63  }
0x15: {  	_ =	swait.ge [sflag:s8], $0x2800  }
0x16: {  	[sflag:s8] =	ssyncset.done $0x0  }
0x17: {  	[sflag:s8] =	ssyncadd.s32 $0xFFFFD800  }
0x18: {  	[spmem:s12], [sflag:s11] =	dma.local [hbm:s10], $0x2800  }
0x19: {  	_ =	swait.ge [sflag:s8], $0x2800  }
0x1a: {  	[sflag:s8] =	ssyncset.done $0x0  }
0x1b: {  	[sflag:s8] =	ssyncadd.s32 $0xFFFFD800  }
0x1c: {  	[tilespmem:s14], [sflag:$0x1] =	stream.indirect.gather [hbm4b:s6+s13], $0x80, s3, s13, $0xb8;
	[tilespmem:$0x1E000] =	vst v63  }
0x1d: {  	_ = 	snop  }
0x1e: {  	[tilespmem:s15], [sflag:$0x2] =	stream.indirect.gather [hbm4b:s6+s13], $0x80, s13, s13, $0xb8;
	[tilespmem:$0x1E000] =	vst v63  }
0x1f: {  	[bflag:$0x0] =	sbarrier.arrive $0xFFFF  }
0x20: {  	_ =	swait.ge [sflag:s16], $0x2800  }
0x21: {  	[sflag:s16] =	ssyncset.done $0x0  }
0x22: {  	s22 =	simm.s32 $0x2800;
	[sflag:s16] =	ssyncadd.s32 $0xFFFFD800  }
0x23: {  	[spmem:s2] =	stream.indirect.scatter.add.f32 [tilespmem:s14], [sflag:$0x3], $0x80, s22, s13, $0xb8;
	[tilespmem:$0x1E000] =	vst v63  }
0x24: {  	_ =	swait.ge [sflag:s8], $0x2800  }
0x25: {  	[sflag:s8] =	ssyncset.done $0x0  }
0x26: {  	s30 =	simm.s32 $0xA0;
	[sflag:s8] =	ssyncadd.s32 $0xFFFFD800  }
0x27: {  	[tilespmem:s14], [sflag:$0x1] =	stream.indirect.gather [hbm4b:s6+s13], $0x80, s30, s13, $0xb8;
	[tilespmem:$0x1E000] =	vst v63  }
0x28: {  	_ =	swait.ge [sflag:s17], $0x2800  }
0x29: {  	[sflag:s17] =	ssyncset.done $0x0  }
0x2a: {  	s31 =	simm.s32 $0x2850;
	[sflag:s17] =	ssyncadd.s32 $0xFFFFD800  }
0x2b: {  	[spmem:s2] =	stream.indirect.scatter.add.f32 [tilespmem:s15], [sflag:$0x3], $0x80, s31, s13, $0xb8;
	[tilespmem:$0x1E000] =	vst v63  }
0x2c: {  	_ =	swait.ge [sflag:s8], $0x2800  }
0x2d: {  	[sflag:s8] =	ssyncset.done $0x0  }
0x2e: {  	s23 =	simm.s32 $0xF0;
	s22 =	simm.s32 $0x280;
	[sflag:s8] =	ssyncadd.s32 $0xFFFFD800  }
.LBB2_2:
0x2f: {  	[tilespmem:s15], [sflag:$0x2] =	stream.indirect.gather [hbm4b:s6+s13], $0x80, s23, s13, $0xb8;
	[tilespmem:$0x1E000] =	vst v63  }
0x30: {  	s23 =	smov.u32 s22  }
0x31: {  	p0 =	sne.s32 s22, $0x9B00;
	s22 =	sadd.s32 $0x280, s22;
	_ =	swait.ge [sflag:s16], $0x2800  }
0x32: {  	s23 =	sshra.s32 s23, $0x2;
	[sflag:s16] =	ssyncset.done $0x0  }
0x33: {  	s24 =	sadd.s32 $0x2800, s23;
	[sflag:s16] =	ssyncadd.s32 $0xFFFFD800  }
0x34: {  	[spmem:s2] =	stream.indirect.scatter.add.f32 [tilespmem:s14], [sflag:$0x3], $0x80, s24, s13, $0xb8;
	[tilespmem:$0x1E000] =	vst v63  }
0x35: {  	_ =	swait.ge [sflag:s8], $0x2800  }
0x36: {  	[sflag:s8] =	ssyncset.done $0x0  }
0x37: {  	s24 =	sadd.s32 $0xA0, s23;
	[sflag:s8] =	ssyncadd.s32 $0xFFFFD800  }
0x38: {  	[tilespmem:s14], [sflag:$0x1] =	stream.indirect.gather [hbm4b:s6+s13], $0x80, s24, s13, $0xb8;
	[tilespmem:$0x1E000] =	vst v63  }
0x39: {  	_ =	swait.ge [sflag:s17], $0x2800  }
0x3a: {  	[sflag:s17] =	ssyncset.done $0x0  }
.Ltmp0:
0x3b: {  	s24 =	sadd.s32 $0x2850, s23;
	[sflag:s17] =	ssyncadd.s32 $0xFFFFD800;
	(pc) =	sbr.rel @p0 .LBB2_2-.Ltmp0, $4  }
0x3c: {  	[spmem:s2] =	stream.indirect.scatter.add.f32 [tilespmem:s15], [sflag:$0x3], $0x80, s24, s13, $0xb8;
	[tilespmem:$0x1E000] =	vst v63  }
0x3d: {  	_ =	swait.ge [sflag:s8], $0x2800  }
0x3e: {  	[sflag:s8] =	ssyncset.done $0x0  }
0x3f: {  	s23 =	sadd.s32 $0xF0, s23;
	[sflag:s8] =	ssyncadd.s32 $0xFFFFD800  }
0x40: {  	[tilespmem:s15], [sflag:$0x2] =	stream.indirect.gather [hbm4b:s6+s13], $0x80, s23, s13, $0xb8;
	[tilespmem:$0x1E000] =	vst v63  }
0x41: {  	_ =	swait.ge [sflag:s16], $0x2800  }
0x42: {  	[sflag:s16] =	ssyncset.done $0x0  }
0x43: {  	[sflag:s16] =	ssyncadd.s32 $0xFFFFD800  }
0x44: {  	[spmem:s2] =	stream.indirect.scatter.add.f32 [tilespmem:s14], [sflag:$0x3], $0x80, s18, s13, $0xb8;
	[tilespmem:$0x1E000] =	vst v63  }
0x45: {  	_ =	swait.ge [sflag:s8], $0x2800  }
0x46: {  	[sflag:s8] =	ssyncset.done $0x0  }
0x47: {  	[sflag:s8] =	ssyncadd.s32 $0xFFFFD800  }
0x48: {  	_ =	swait.ge [sflag:s17], $0x2800  }
0x49: {  	[sflag:s17] =	ssyncset.done $0x0  }
0x4a: {  	[sflag:s17] =	ssyncadd.s32 $0xFFFFD800  }
0x4b: {  	[spmem:s2] =	stream.indirect.scatter.add.f32 [tilespmem:s15], [sflag:$0x3], $0x80, s19, s13, $0xb8;
	[tilespmem:$0x1E000] =	vst v63  }
0x4c: {  	_ =	swait.ge [sflag:s8], $0x2800  }
0x4d: {  	[sflag:s8] =	ssyncset.done $0x0  }
0x4e: {  	s21 =	sadd.s32 $0x1, s21;
	[sflag:s8] =	ssyncadd.s32 $0xFFFFD800  }
0x4f: {  	p0 =	sne.s32 s21, s7;
	[bflag:$0x0] =	sbarrier.arrive $0xFFFF  }
0x50: {  	[hbm:s20], [sflag:s11] =	dma.local [spmem:s12], $0x2800  }
.Ltmp1:
0x51: {  	_ =	swait.ge [sflag:s8], $0x2800;
	(pc) =	sbr.rel @p0 .LBB2_1-.Ltmp1, $3  }
0x52: {  	[sflag:s8] =	ssyncset.done $0x0  }
0x53: {  	[sflag:s8] =	ssyncadd.s32 $0xFFFFD800  }
0x54: {  	[bflag:$0x0] =	sbarrier.arrive $0xFFFF;
	_ =	sdelay $0x1  }
0x55: {  	_ =	sfence.sel $0x180000  }
0x56: {  	[bflag:$0x0] =	sbarrier.arrive $0xFFFF  }
0x57: {  	p0 =	sne.s32 s1, $0x0;
	_ =	strace $0x90000053  }
0x58: {  	s0 =	sadd.s32 @!p0 $0x100000, s0;
	[bflag:$0x2] =	sbarrier.arrive $0xFFFF  }
0x59: {  	[sflag:s0] =	ssyncadd.tile.s32 @!p0 $0x1;
	_ =	shalt  }
.Lfunc_end2:
_tile_overlayer_lowered:
.L_overlay_start_2:
0x5a: {  	(tag) =	ssettag $0x2  }
0x5b: {  	s0 =	rddreg [dreg:$0x0];
	s2 =	stileid.u32  }
0x5c: {  	s1 =	rddreg [dreg:$0x1];
	p0 =	sne.s32 s2, $0x0  }
0x5d: {  	s3 =	rddreg [dreg:$0x2];
	[bflag:$0x3] =	sbarrier.arrive $0xFFFF;
	s2 =	simm.s32 @!p0 $0x1C03  }
0x5e: {  	[timem:s3], [sflag:s2] =	dma.local @!p0 [hbm:s0], s1  }
0x5f: {  	s0 =	simm.s32 @!p0 $0x3  }
0x60: {  	_ =	swait.ge @!p0 [sflag:s0], s1  }
0x61: {  	s1 =	ssub.s32 @!p0 $0x0, s1;
	[sflag:s0] =	ssyncset.done @!p0 $0x0  }
0x62: {  	[sflag:s0] =	ssyncadd.s32 @!p0 s1  }
0x63: {  	[bflag:$0x3] =	sbarrier.arrive $0xFFFF  }
0x64: {  	_ =	shalt  }

// kernel: kernel.29.cloned.1.call-start
scs
__scs_entry_jumppad:
0x0: {  	(pc) =	sbr.rel $0x88, $3  }
0x1: {  	(tag) =	ssettag $0x0;
	lr =	simm.s32 $0x1  }
0x2: {  	[smem:$0x3F93] =	sst lr;
	_ =	strace $0xD0000000  }
0x3: {  	_ = 	snop  }
0x4: {  	_ = 	snop  }
0x5: {  	_ = 	snop  }
0x6: {  	_ = 	snop  }
0x7: {  	_ = 	snop  }
__scs_overlays_trampoline_lowered:
0x8: {  	[smem:$0x3FA2] =	sst s0  }
0x9: {  	[smem:$0x3FA3] =	sst s1  }
0xa: {  	[smem:$0x3FA4] =	sst s2  }
0xb: {  	[smem:$0x3FA5] =	sst s3  }
0xc: {  	[smem:$0x3FA6] =	sst s4  }
0xd: {  	[smem:$0x3FA7] =	sst s5  }
0xe: {  	[smem:$0x3FA8] =	sst s6  }
0xf: {  	[smem:$0x3FA9] =	sst s7  }
0x10: {  	[smem:$0x3FAA] =	sst s8  }
0x11: {  	[smem:$0x3FAB] =	sst s9;
	s0 =	simm.s32 @!p0 $0x0  }
0x12: {  	s1 =	sld [smem:$0x3F91];
	s0 =	simm.s32 @p0 $0x1  }
0x13: {  	[smem:$0x3FAC] =	sst s0;
	s0 =	simm.s32 @!p1 $0x0  }
0x14: {  	s2 =	sld [smem:$0x3F90];
	s0 =	simm.s32 @p1 $0x1  }
0x15: {  	[smem:$0x3FAD] =	sst s0;
	s0 =	simm.s32 @!p2 $0x0  }
0x16: {  	s3 =	sld [smem:$0x3FDB];
	s0 =	simm.s32 @p2 $0x1  }
0x17: {  	s4 =	simm.s32 $0x1BF5;
	[smem:$0x3FAF] =	sst s0  }
0x18: {  	s0 =	sld [smem:$0x3F92];
	_ =	swait.ge [sflag:s4], $0x0  }
0x19: {  	s7 =	sld [smem:$0x3F93]  }
0x1a: {  	s8 =	sadd.s32 $0xFFFFE003, lr  }
0x1b: {  	s9 =	sadd.s32 $0xFFFFFEF7, lr;
	s5 =	simm.s32 $0xFFFFFFFF;
	p2 =	slt.u32 s8, $0xFFFFF086  }
0x1c: {  	p1 =	slt.u32 s9, $0xF7A;
	s5 =	simm.s32 @!p2 $0x0  }
0x1d: {  	s5 =	simm.s32 @p1 $0x1;
	p0 =	seq.s32 s7, s2  }
0x1e: {  	s7 =	smul.u32 @!p0 $0xF7A, s2;
	p2 =	seq.s32 @!p0 s5, $0x0  }
0x1f: {  	s9 =	smul.u32 $0xF7A, s1;
	s8 =	simm.s32 @!p0 $0x1BF5;
	p2 =	por !p2, p0  }
0x20: {  	[sflag:s8] =	ssyncset.s32 @!p0 $0xFFFFF086;
	s6 =	sadd.s32 @!p0 s3, s7;
	s7 =	simm.s32 @!p0 $0x108  }
0x21: {  	s3 =	sadd.s32 s3, s9;
	s6 =	sadd.s32 @!p0 $0x88, s6;
	s7 =	simm.s32 @p2 $0x1082  }
0x22: {  	[simem:s7], [sflag:s8] =	dma.local @!p0 [hbm:s6], $0xF7A  }
0x23: {  	s9 =	sor.u32 $0xD0000000, s2;
	s6 =	simm.s32 $0x108;
	_ =	swait.ge @!p0 [sflag:s8], $0x0  }
0x24: {  	s3 =	sadd.s32 $0x88, s3;
	s6 =	simm.s32 @!p1 $0x1082;
	[sflag:s4] =	ssyncset.s32 $0xFFFFF086  }
0x25: {  	[simem:s6], [sflag:s4] =	dma.local [hbm:s3], $0xF7A  }
0x26: {  	[smem:$0x3F93] =	sst s1;
	(tag) =	ssettag s2;
	_ =	strace s9  }
0x27: {  	s1 =	sld [smem:$0x3FA3]  }
0x28: {  	s2 =	sld [smem:$0x3FA4]  }
0x29: {  	s4 =	sld [smem:$0x3FA6]  }
0x2a: {  	p0 =	seq.s32 s5, $0x0;
	s5 =	sld [smem:$0x3FA7]  }
0x2b: {  	s6 =	sld [smem:$0x3FA8]  }
0x2c: {  	s7 =	sld [smem:$0x3FA9]  }
0x2d: {  	s3 =	simm.s32 $0x108;
	s8 =	sld [smem:$0x3FAA]  }
0x2e: {  	s3 =	simm.s32 @!p0 $0x1082;
	s9 =	sld [smem:$0x3FAB]  }
0x2f: {  	lr =	sadd.s32 s0, s3;
	s0 =	sld [smem:$0x3FA2]  }
0x30: {  	s3 =	sld [smem:$0x3FA5]  }
0x31: {  	[smem:$0x3FAE] =	sst s10  }
0x32: {  	s10 =	sld [smem:$0x3FAC];
	_ =	sdelay $0x3  }
0x33: {  	p0 =	seq.s32 s10, $0x1;
	s10 =	sld [smem:$0x3FAE];
	_ =	sdelay $0x3  }
0x34: {  	[smem:$0x3FAE] =	sst s10  }
0x35: {  	s10 =	sld [smem:$0x3FAD];
	_ =	sdelay $0x3  }
0x36: {  	p1 =	seq.s32 s10, $0x1;
	s10 =	sld [smem:$0x3FAE];
	_ =	sdelay $0x3  }
0x37: {  	[smem:$0x3FAE] =	sst s10  }
0x38: {  	s10 =	sld [smem:$0x3FAF]  }
0x39: {  	_ = 	snop;
	(pc) =	sbr.ind lr, $3  }
0x3a: {  	_ = 	snop  }
0x3b: {  	_ = 	snop  }
0x3c: {  	p2 =	seq.s32 s10, $0x1;
	s10 =	sld [smem:$0x3FAE]  }
0x3d: {  	_ =	shalt  }
0x3e: {  	_ =	shalt  }
0x3f: {  	_ =	shalt  }
0x40: {  	_ =	shalt  }
0x41: {  	_ =	shalt  }
0x42: {  	_ =	shalt  }
0x43: {  	_ =	shalt  }
0x44: {  	_ =	shalt  }
0x45: {  	_ =	shalt  }
0x46: {  	_ =	shalt  }
0x47: {  	_ =	shalt  }
0x48: {  	_ =	shalt  }
0x49: {  	_ =	shalt  }
0x4a: {  	_ =	shalt  }
0x4b: {  	_ =	shalt  }
0x4c: {  	_ =	shalt  }
0x4d: {  	_ =	shalt  }
0x4e: {  	_ =	shalt  }
0x4f: {  	_ =	shalt  }
0x50: {  	_ =	shalt  }
0x51: {  	_ =	shalt  }
0x52: {  	_ =	shalt  }
0x53: {  	_ =	shalt  }
0x54: {  	_ =	shalt  }
0x55: {  	_ =	shalt  }
0x56: {  	_ =	shalt  }
0x57: {  	_ =	shalt  }
0x58: {  	_ =	shalt  }
0x59: {  	_ =	shalt  }
0x5a: {  	_ =	shalt  }
0x5b: {  	_ =	shalt  }
0x5c: {  	_ =	shalt  }
0x5d: {  	_ =	shalt  }
0x5e: {  	_ =	shalt  }
0x5f: {  	_ =	shalt  }
0x60: {  	_ =	shalt  }
0x61: {  	_ =	shalt  }
0x62: {  	_ =	shalt  }
0x63: {  	_ =	shalt  }
0x64: {  	_ =	shalt  }
0x65: {  	_ =	shalt  }
0x66: {  	_ =	shalt  }
0x67: {  	_ =	shalt  }
0x68: {  	_ =	shalt  }
0x69: {  	_ =	shalt  }
0x6a: {  	_ =	shalt  }
0x6b: {  	_ =	shalt  }
0x6c: {  	_ =	shalt  }
0x6d: {  	_ =	shalt  }
0x6e: {  	_ =	shalt  }
0x6f: {  	_ =	shalt  }
0x70: {  	_ =	shalt  }
0x71: {  	_ =	shalt  }
0x72: {  	_ =	shalt  }
0x73: {  	_ =	shalt  }
0x74: {  	_ =	shalt  }
0x75: {  	_ =	shalt  }
0x76: {  	_ =	shalt  }
0x77: {  	_ =	shalt  }
0x78: {  	_ =	shalt  }
0x79: {  	_ =	shalt  }
0x7a: {  	_ =	shalt  }
0x7b: {  	_ =	shalt  }
0x7c: {  	_ =	shalt  }
0x7d: {  	_ =	shalt  }
0x7e: {  	_ =	shalt  }
0x7f: {  	_ =	shalt  }
0x80: {  	_ =	shalt  }
0x81: {  	_ =	shalt  }
0x82: {  	_ =	shalt  }
0x83: {  	_ =	shalt  }
0x84: {  	_ =	shalt  }
0x85: {  	_ =	shalt  }
0x86: {  	_ =	shalt  }
0x87: {  	_ =	shalt  }
.Lfunc_end0:
.L_simem_size_0:
called_computation.5_lowered:
.L_overlay_start_0:
0x88: {  	s2 =	sld [smem:$0x3FD9]  }
0x89: {  	s3 =	sld [smem:$0x3FFE];
	_ =	sdelay $0x1  }
0x8a: {  	s1 =	srdreg.scid  }
0x8b: {  	s0 =	sand.u32 $0x1, s1  }
0x8c: {  	s16 =	sshll.u32 s0, $0xA;
	s2 =	sadd.s32 s3, s2  }
0x8d: {  	s2 =	sadd.s32 s2, s16  }
0x8e: {  	[smem:$0x3FBA] =	sst s2  }
0x8f: {  	_ = 	snop  }
0x90: {  	(tm) =	ssettm $0x1  }
0x91: {  	s17 =	sld [smem:$0x3FFB];
	_ =	sdelay $0x3  }
0x92: {  	_ =	strace s17  }
0x93: {  	s2 =	sld [smem:$0x3FFC];
	_ =	sdelay $0x3  }
0x94: {  	_ =	strace s2  }
0x95: {  	s2 =	sld [smem:$0x3FFD];
	_ =	sdelay $0x3  }
0x96: {  	_ =	strace s2  }
0x97: {  	_ =	strace $0x8FFFFFFF  }
0x98: {  	s18 =	sld [smem:$0x3FDB];
	_ =	sdelay $0x1  }
0x99: {  	s19 =	simm.s32 $_scs_section_size  }
0x9a: {  	s4 =	simm.s32 $_size__tile_overlayer_lowered;
	s5 =	simm.s32 $_tile_overlayer_lowered  }
0x9b: {  	s22 =	simm.s32 $0x1BFF;
	s21 =	sshll.u32 s5, $0x1;
	s2 =	sadd.s32 s19, s18  }
0x9c: {  	s6 =	simm.s32 $0x0;
	s20 =	sshll.u32 s4, $0x1;
	s4 =	sadd.s32 s21, s2  }
0x9d: {  	[timem:s6], [sflag:s22] =	dma.local [hbm:s4], s20  }
0x9e: {  	_ =	swait.ge [sflag:s22], s20  }
0x9f: {  	s3 =	ssub.s32 $0x0, s20;
	[sflag:s22] =	ssyncset.done $0x0  }
0xa0: {  	[sflag:s22] =	ssyncadd.s32 s3;
	_ =	sdelay $0x1  }
0xa1: {  	s23 =	simm.s32 $0x1B8B  }
0xa2: {  	_ =	swait.ge [sflag:s23], $0x1  }
0xa3: {  	[sflag:s23] =	ssyncset.done $0x0  }
0xa4: {  	s25 =	simm.s32 $0x1B8E;
	s24 =	sld [smem:$0x3FFE];
	[sflag:s23] =	ssyncadd.s32 $0xFFFFFFFF  }
0xa5: {  	s26 =	simm.s32 $execute0_lowered;
	[smem:$0x3FD2] =	sst s25  }
0xa6: {  	s4 =	sshll.u32 s26, $0x1;
	_ =	strace $0x80000055;
	[dreg:$0x1] =	wrdreg $0xFFFFFFFF  }
0xa7: {  	s28 =	simm.s32 $_size_execute0_lowered;
	s2 =	sadd.s32 s2, s4;
	[dreg:$0x0] =	wrdreg $0x0  }
0xa8: {  	s4 =	sshll.u32 s28, $0x1;
	[dreg:$0x2] =	wrdreg s2  }
0xa9: {  	[dreg:$0x3] =	wrdreg s4  }
0xaa: {  	[dreg:$0x4] =	wrdreg $0xC0  }
0xab: {  	_ =	task [dreg:s6], $0x5FFFF  }
0xac: {  	[dreg:$0x1] =	wrdreg $0xFFFFFFFF  }
0xad: {  	[dreg:$0x0] =	wrdreg $0x60  }
0xae: {  	[dreg:$0x2] =	wrdreg s24  }
0xaf: {  	[dreg:$0x3] =	wrdreg $0xA0000  }
0xb0: {  	[dreg:$0x4] =	wrdreg $0x9  }
0xb1: {  	_ =	task.clear_ibuf [dreg:s6], $0x5FFFF;
	_ =	strace $0x90000055  }
0xb2: {  	s29 =	simm.s32 $0x9;
	_ =	strace $0x80000057  }
0xb3: {  	_ =	swait.ge [sflag:s29], $0x1  }
0xb4: {  	[sflag:s29] =	ssyncadd.s32 $0xFFFFFFFF  }
0xb5: {  	_ =	strace $0x90000057  }
0xb6: {  	_ =	sfence  }
0xb7: {  	s30 =	sld [smem:$0x0];
	_ =	sdelay $0x2  }
0xb8: {  	s31 =	sshll.u32 s1, $0xD;
	s1 =	sshrl.u32 s1, $0x2  }
0xb9: {  	s3 =	sand.u32 $0x4000, s31;
	s1 =	sadd.s32 s1, s30  }
0xba: {  	s0 =	sor.u32 s3, s0;
	s1 =	sshll.u32 s1, $0x11  }
0xbb: {  	s0 =	sor.u32 s1, s0  }
0xbc: {  	s0 =	sadd.s32 $0x8F2B, s0  }
0xbd: {  	[sflag:s0] =	ssyncadd.remote.s32 $0x1  }
0xbe: {  	_ =	sfence.sel $0xFFFF  }
0xbf: {  	[dreg:$0x0] =	wrdreg $0xFFFFFFFF;
	(pc) =	sbr.abs _section_cstart, $3  }
0xc0: {  	[dreg:$0x1] =	wrdreg $0xFFFFFFFF  }
0xc1: {  	_ =	task.clear_ibuf [dreg:s6], $0x2FFFF;
	_ =	strace $0x9FFFFFFF  }
0xc2: {  	(tm) =	ssettm $0x7FFFFFFF  }
0xc3: {  	_ =	shalt  }
tec
execute0_lowered:
.L_overlay_start_1:
0x0: {  	(tag) =	ssettag $0x1  }
0x1: {  	s4 =	rddreg [dreg:$0x0]  }
0x2: {  	s2 =	rddreg [dreg:$0x1]  }
0x3: {  	s0 =	rddreg [dreg:$0x2];
	s3 =	simm.s32 $0x0  }
0x4: {  	s1 =	stileid.u32;
	s5 =	srdreg.scid;
	s15 =	simm.s32 $0x50  }
0x5: {  	s16 =	simm.s32 $0x5000;
	s17 =	simm.s32 $0x7800;
	s18 =	simm.s32 $0x1  }
0x6: {  	s19 =	simm.s32 $0x2;
	s20 =	simm.s32 $0x4F60;
	s21 =	simm.s32 $0x4FB0  }
0x7: {  	s24 =	simm.s32 $0x0;
	[smem:$0x7FF] =	sst s3;
	s6 =	smul.u32 $0x500, s1  }
0x8: {  	s5 =	sand.u32 $0x1, s5;
	s8 =	sadd.s32 $0x12400, s4;
	s9 =	smul.u32 $0x14000, s1  }
0x9: {  	s12 =	sadd.s32 $0xB2400, s4;
	s31 =	sshll.u32 s1, $0x6;
	s11 =	smul.u32 $0x140000, s5  }
0xa: {  	_ =	strace $0x80000056;
	s7 =	ssub.s32 $0x2, s5;
	s13 =	smul.u32 $0x28000, s5  }
0xb: {  	s6 =	sadd.s32 s6, s4;
	s10 =	sshrl.u32 s7, $0x1;
	s14 =	sadd.s32 s9, s2  }
0xc: {  	s10 =	ssub.s32 s7, s10;
	s4 =	sadd.s32 $0x3200, s6;
	s5 =	sadd.s32 $0x8200, s6  }
0xd: {  	s30 =	sshrl.u32 s11, $0x3;
	s6 =	sadd.s32 s8, s13;
	s7 =	sshrl.u32 s9, $0x3  }
0xe: {  	s22 =	sadd.s32 s12, s13;
	s13 =	sor.u32 $0x1C03, s31;
	s14 =	sshrl.u32 s14, $0x3  }
0xf: {  	s11 =	sadd.s32 $0x50000, s30;
	s9 =	smax.u32 s10, $0x1;
	s10 =	simm.s32 $0x3  }
0x10: {  	s22 =	sadd.s32 s7, s22;
	s8 =	sadd.s32 s8, s11;
	s23 =	sadd.s32 s12, s11  }
0x11: {  	s11 =	simm.s32 $0x2800;
	s12 =	sadd.s32 s7, s6;
	s23 =	sadd.s32 s7, s23  }
.LBB2_1:
0x12: {  	[tilespmem:s3], [sflag:$0x3] =	stream.linear.gather [hbm4b:s4+s3], $0x2800, $0x38;
	[tilespmem:$0x1E000] =	vst v63  }
0x13: {  	_ =	swait.ge [sflag:s10], $0x2800  }
0x14: {  	[sflag:s10] =	ssyncset.done $0x0  }
0x15: {  	[sflag:s10] =	ssyncadd.s32 $0xFFFFD800  }
0x16: {  	[tilespmem:s11], [sflag:$0x3] =	stream.linear.gather [hbm4b:s5+s3], $0x2800, $0x38;
	[tilespmem:$0x1E000] =	vst v63  }
0x17: {  	_ =	swait.ge [sflag:s10], $0x2800  }
0x18: {  	[sflag:s10] =	ssyncset.done $0x0  }
0x19: {  	[sflag:s10] =	ssyncadd.s32 $0xFFFFD800  }
0x1a: {  	[spmem:s14], [sflag:s13] =	dma.local [hbm:s12], $0x2800  }
0x1b: {  	_ =	swait.ge [sflag:s10], $0x2800  }
0x1c: {  	[sflag:s10] =	ssyncset.done $0x0  }
0x1d: {  	[sflag:s10] =	ssyncadd.s32 $0xFFFFD800  }
0x1e: {  	[tilespmem:s16], [sflag:$0x1] =	stream.indirect.gather [hbm4b:s6+s15], $0x80, s3, s15, $0xb8;
	[tilespmem:$0x1E000] =	vst v63  }
0x1f: {  	_ = 	snop  }
0x20: {  	[tilespmem:s17], [sflag:$0x2] =	stream.indirect.gather [hbm4b:s6+s15], $0x80, s15, s15, $0xb8;
	[tilespmem:$0x1E000] =	vst v63  }
0x21: {  	[bflag:$0x0] =	sbarrier.arrive $0xFFFF  }
0x22: {  	_ =	swait.ge [sflag:s18], $0x2800  }
0x23: {  	[sflag:s18] =	ssyncset.done $0x0  }
0x24: {  	s25 =	simm.s32 $0x2800;
	[sflag:s18] =	ssyncadd.s32 $0xFFFFD800  }
0x25: {  	[spmem:s2] =	stream.indirect.scatter.add.f32 [tilespmem:s16], [sflag:$0x3], $0x80, s25, s15, $0xb8;
	[tilespmem:$0x1E000] =	vst v63  }
0x26: {  	_ =	swait.ge [sflag:s10], $0x2800  }
0x27: {  	[sflag:s10] =	ssyncset.done $0x0  }
0x28: {  	s30 =	simm.s32 $0xA0;
	[sflag:s10] =	ssyncadd.s32 $0xFFFFD800  }
0x29: {  	[tilespmem:s16], [sflag:$0x1] =	stream.indirect.gather [hbm4b:s6+s15], $0x80, s30, s15, $0xb8;
	[tilespmem:$0x1E000] =	vst v63  }
0x2a: {  	_ =	swait.ge [sflag:s19], $0x2800  }
0x2b: {  	[sflag:s19] =	ssyncset.done $0x0  }
0x2c: {  	s31 =	simm.s32 $0x2850;
	[sflag:s19] =	ssyncadd.s32 $0xFFFFD800  }
0x2d: {  	[spmem:s2] =	stream.indirect.scatter.add.f32 [tilespmem:s17], [sflag:$0x3], $0x80, s31, s15, $0xb8;
	[tilespmem:$0x1E000] =	vst v63  }
0x2e: {  	_ =	swait.ge [sflag:s10], $0x2800  }
0x2f: {  	[sflag:s10] =	ssyncset.done $0x0  }
0x30: {  	s26 =	simm.s32 $0xF0;
	s25 =	simm.s32 $0x280;
	[sflag:s10] =	ssyncadd.s32 $0xFFFFD800  }
.LBB2_2:
0x31: {  	[tilespmem:s17], [sflag:$0x2] =	stream.indirect.gather [hbm4b:s6+s15], $0x80, s26, s15, $0xb8;
	[tilespmem:$0x1E000] =	vst v63  }
0x32: {  	s26 =	smov.u32 s25  }
0x33: {  	p0 =	sne.s32 s25, $0x9B00;
	s25 =	sadd.s32 $0x280, s25;
	_ =	swait.ge [sflag:s18], $0x2800  }
0x34: {  	s26 =	sshra.s32 s26, $0x2;
	[sflag:s18] =	ssyncset.done $0x0  }
0x35: {  	s28 =	sadd.s32 $0x2800, s26;
	[sflag:s18] =	ssyncadd.s32 $0xFFFFD800  }
0x36: {  	[spmem:s2] =	stream.indirect.scatter.add.f32 [tilespmem:s16], [sflag:$0x3], $0x80, s28, s15, $0xb8;
	[tilespmem:$0x1E000] =	vst v63  }
0x37: {  	_ =	swait.ge [sflag:s10], $0x2800  }
0x38: {  	[sflag:s10] =	ssyncset.done $0x0  }
0x39: {  	s28 =	sadd.s32 $0xA0, s26;
	[sflag:s10] =	ssyncadd.s32 $0xFFFFD800  }
0x3a: {  	[tilespmem:s16], [sflag:$0x1] =	stream.indirect.gather [hbm4b:s6+s15], $0x80, s28, s15, $0xb8;
	[tilespmem:$0x1E000] =	vst v63  }
0x3b: {  	_ =	swait.ge [sflag:s19], $0x2800  }
0x3c: {  	[sflag:s19] =	ssyncset.done $0x0  }
.Ltmp0:
0x3d: {  	s28 =	sadd.s32 $0x2850, s26;
	[sflag:s19] =	ssyncadd.s32 $0xFFFFD800;
	(pc) =	sbr.rel @p0 .LBB2_2-.Ltmp0, $4  }
0x3e: {  	[spmem:s2] =	stream.indirect.scatter.add.f32 [tilespmem:s17], [sflag:$0x3], $0x80, s28, s15, $0xb8;
	[tilespmem:$0x1E000] =	vst v63  }
0x3f: {  	_ =	swait.ge [sflag:s10], $0x2800  }
0x40: {  	[sflag:s10] =	ssyncset.done $0x0  }
0x41: {  	s26 =	sadd.s32 $0xF0, s26;
	[sflag:s10] =	ssyncadd.s32 $0xFFFFD800  }
0x42: {  	[tilespmem:s17], [sflag:$0x2] =	stream.indirect.gather [hbm4b:s6+s15], $0x80, s26, s15, $0xb8;
	[tilespmem:$0x1E000] =	vst v63  }
0x43: {  	_ =	swait.ge [sflag:s18], $0x2800  }
0x44: {  	[sflag:s18] =	ssyncset.done $0x0  }
0x45: {  	[sflag:s18] =	ssyncadd.s32 $0xFFFFD800  }
0x46: {  	[spmem:s2] =	stream.indirect.scatter.add.f32 [tilespmem:s16], [sflag:$0x3], $0x80, s20, s15, $0xb8;
	[tilespmem:$0x1E000] =	vst v63  }
0x47: {  	_ =	swait.ge [sflag:s10], $0x2800  }
0x48: {  	[sflag:s10] =	ssyncset.done $0x0  }
0x49: {  	[sflag:s10] =	ssyncadd.s32 $0xFFFFD800  }
0x4a: {  	_ =	swait.ge [sflag:s19], $0x2800  }
0x4b: {  	[sflag:s19] =	ssyncset.done $0x0  }
0x4c: {  	[sflag:s19] =	ssyncadd.s32 $0xFFFFD800  }
0x4d: {  	[spmem:s2] =	stream.indirect.scatter.add.f32 [tilespmem:s17], [sflag:$0x3], $0x80, s21, s15, $0xb8;
	[tilespmem:$0x1E000] =	vst v63  }
0x4e: {  	_ =	swait.ge [sflag:s10], $0x2800  }
0x4f: {  	[sflag:s10] =	ssyncset.done $0x0  }
0x50: {  	[sflag:s10] =	ssyncadd.s32 $0xFFFFD800  }
0x51: {  	[bflag:$0x0] =	sbarrier.arrive $0xFFFF  }
0x52: {  	[hbm:s22], [sflag:s13] =	dma.local [spmem:s14], $0x2800  }
0x53: {  	_ =	swait.ge [sflag:s10], $0x2800  }
0x54: {  	[sflag:s10] =	ssyncset.done $0x0  }
0x55: {  	[sflag:s10] =	ssyncadd.s32 $0xFFFFD800  }
0x56: {  	s25 =	sadd.s32 s7, s8;
	[bflag:$0x0] =	sbarrier.arrive $0xFFFF  }
0x57: {  	[spmem:s14], [sflag:s13] =	dma.local [hbm:s25], $0x2800  }
0x58: {  	_ =	swait.ge [sflag:s10], $0x2800  }
0x59: {  	[sflag:s10] =	ssyncset.done $0x0  }
0x5a: {  	s28 =	simm.s32 $0x0;
	[sflag:s10] =	ssyncadd.s32 $0xFFFFD800  }
0x5b: {  	[tilespmem:s16], [sflag:$0x1] =	stream.indirect.gather [hbm4b:s8+s15], $0x80, s28, s15, $0xb8;
	[tilespmem:$0x1E000] =	vst v63  }
0x5c: {  	_ = 	snop  }
0x5d: {  	[tilespmem:s17], [sflag:$0x2] =	stream.indirect.gather [hbm4b:s8+s15], $0x80, s15, s15, $0xb8;
	[tilespmem:$0x1E000] =	vst v63  }
0x5e: {  	[bflag:$0x0] =	sbarrier.arrive $0xFFFF  }
0x5f: {  	_ =	swait.ge [sflag:s18], $0x2800  }
0x60: {  	[sflag:s18] =	ssyncset.done $0x0  }
0x61: {  	s29 =	simm.s32 $0x2800;
	[sflag:s18] =	ssyncadd.s32 $0xFFFFD800  }
0x62: {  	[spmem:s2] =	stream.indirect.scatter.add.f32 [tilespmem:s16], [sflag:$0x3], $0x80, s29, s15, $0xb8;
	[tilespmem:$0x1E000] =	vst v63  }
0x63: {  	_ =	swait.ge [sflag:s10], $0x2800  }
0x64: {  	[sflag:s10] =	ssyncset.done $0x0  }
0x65: {  	s30 =	simm.s32 $0xA0;
	[sflag:s10] =	ssyncadd.s32 $0xFFFFD800  }
0x66: {  	[tilespmem:s16], [sflag:$0x1] =	stream.indirect.gather [hbm4b:s8+s15], $0x80, s30, s15, $0xb8;
	[tilespmem:$0x1E000] =	vst v63  }
0x67: {  	_ =	swait.ge [sflag:s19], $0x2800  }
0x68: {  	[sflag:s19] =	ssyncset.done $0x0  }
0x69: {  	s31 =	simm.s32 $0x2850;
	[sflag:s19] =	ssyncadd.s32 $0xFFFFD800  }
0x6a: {  	[spmem:s2] =	stream.indirect.scatter.add.f32 [tilespmem:s17], [sflag:$0x3], $0x80, s31, s15, $0xb8;
	[tilespmem:$0x1E000] =	vst v63  }
0x6b: {  	_ =	swait.ge [sflag:s10], $0x2800  }
0x6c: {  	[sflag:s10] =	ssyncset.done $0x0  }
0x6d: {  	s26 =	simm.s32 $0xF0;
	s25 =	simm.s32 $0x280;
	[sflag:s10] =	ssyncadd.s32 $0xFFFFD800  }
.LBB2_4:
0x6e: {  	[tilespmem:s17], [sflag:$0x2] =	stream.indirect.gather [hbm4b:s8+s15], $0x80, s26, s15, $0xb8;
	[tilespmem:$0x1E000] =	vst v63  }
0x6f: {  	s26 =	smov.u32 s25  }
0x70: {  	p0 =	sne.s32 s25, $0x9B00;
	s25 =	sadd.s32 $0x280, s25;
	_ =	swait.ge [sflag:s18], $0x2800  }
0x71: {  	s26 =	sshra.s32 s26, $0x2;
	[sflag:s18] =	ssyncset.done $0x0  }
0x72: {  	s28 =	sadd.s32 $0x2800, s26;
	[sflag:s18] =	ssyncadd.s32 $0xFFFFD800  }
0x73: {  	[spmem:s2] =	stream.indirect.scatter.add.f32 [tilespmem:s16], [sflag:$0x3], $0x80, s28, s15, $0xb8;
	[tilespmem:$0x1E000] =	vst v63  }
0x74: {  	_ =	swait.ge [sflag:s10], $0x2800  }
0x75: {  	[sflag:s10] =	ssyncset.done $0x0  }
0x76: {  	s28 =	sadd.s32 $0xA0, s26;
	[sflag:s10] =	ssyncadd.s32 $0xFFFFD800  }
0x77: {  	[tilespmem:s16], [sflag:$0x1] =	stream.indirect.gather [hbm4b:s8+s15], $0x80, s28, s15, $0xb8;
	[tilespmem:$0x1E000] =	vst v63  }
0x78: {  	_ =	swait.ge [sflag:s19], $0x2800  }
0x79: {  	[sflag:s19] =	ssyncset.done $0x0  }
.Ltmp1:
0x7a: {  	s28 =	sadd.s32 $0x2850, s26;
	[sflag:s19] =	ssyncadd.s32 $0xFFFFD800;
	(pc) =	sbr.rel @p0 .LBB2_4-.Ltmp1, $4  }
0x7b: {  	[spmem:s2] =	stream.indirect.scatter.add.f32 [tilespmem:s17], [sflag:$0x3], $0x80, s28, s15, $0xb8;
	[tilespmem:$0x1E000] =	vst v63  }
0x7c: {  	_ =	swait.ge [sflag:s10], $0x2800  }
0x7d: {  	[sflag:s10] =	ssyncset.done $0x0  }
0x7e: {  	s26 =	sadd.s32 $0xF0, s26;
	[sflag:s10] =	ssyncadd.s32 $0xFFFFD800  }
0x7f: {  	[tilespmem:s17], [sflag:$0x2] =	stream.indirect.gather [hbm4b:s8+s15], $0x80, s26, s15, $0xb8;
	[tilespmem:$0x1E000] =	vst v63  }
0x80: {  	_ =	swait.ge [sflag:s18], $0x2800  }
0x81: {  	[sflag:s18] =	ssyncset.done $0x0  }
0x82: {  	[sflag:s18] =	ssyncadd.s32 $0xFFFFD800  }
0x83: {  	[spmem:s2] =	stream.indirect.scatter.add.f32 [tilespmem:s16], [sflag:$0x3], $0x80, s20, s15, $0xb8;
	[tilespmem:$0x1E000] =	vst v63  }
0x84: {  	_ =	swait.ge [sflag:s10], $0x2800  }
0x85: {  	[sflag:s10] =	ssyncset.done $0x0  }
0x86: {  	[sflag:s10] =	ssyncadd.s32 $0xFFFFD800  }
0x87: {  	_ =	swait.ge [sflag:s19], $0x2800  }
0x88: {  	[sflag:s19] =	ssyncset.done $0x0  }
0x89: {  	[sflag:s19] =	ssyncadd.s32 $0xFFFFD800  }
0x8a: {  	[spmem:s2] =	stream.indirect.scatter.add.f32 [tilespmem:s17], [sflag:$0x3], $0x80, s21, s15, $0xb8;
	[tilespmem:$0x1E000] =	vst v63  }
0x8b: {  	_ =	swait.ge [sflag:s10], $0x2800  }
0x8c: {  	[sflag:s10] =	ssyncset.done $0x0  }
0x8d: {  	s24 =	sadd.s32 $0x1, s24;
	[sflag:s10] =	ssyncadd.s32 $0xFFFFD800  }
0x8e: {  	p0 =	sne.s32 s24, s9;
	[bflag:$0x0] =	sbarrier.arrive $0xFFFF  }
0x8f: {  	[hbm:s23], [sflag:s13] =	dma.local [spmem:s14], $0x2800  }
.Ltmp2:
0x90: {  	_ =	swait.ge [sflag:s10], $0x2800;
	(pc) =	sbr.rel @p0 .LBB2_1-.Ltmp2, $3  }
0x91: {  	[sflag:s10] =	ssyncset.done $0x0  }
0x92: {  	[sflag:s10] =	ssyncadd.s32 $0xFFFFD800  }
0x93: {  	[bflag:$0x0] =	sbarrier.arrive $0xFFFF;
	_ =	sdelay $0x1  }
0x94: {  	_ =	sfence.sel $0x180000  }
0x95: {  	[bflag:$0x0] =	sbarrier.arrive $0xFFFF  }
0x96: {  	p0 =	sne.s32 s1, $0x0;
	_ =	strace $0x90000056  }
0x97: {  	s0 =	sadd.s32 @!p0 $0x100000, s0;
	[bflag:$0x2] =	sbarrier.arrive $0xFFFF  }
0x98: {  	[sflag:s0] =	ssyncadd.tile.s32 @!p0 $0x1;
	_ =	shalt  }
.Lfunc_end2:
_tile_overlayer_lowered:
.L_overlay_start_2:
0x99: {  	(tag) =	ssettag $0x2  }
0x9a: {  	s0 =	rddreg [dreg:$0x0];
	s2 =	stileid.u32  }
0x9b: {  	s1 =	rddreg [dreg:$0x1];
	p0 =	sne.s32 s2, $0x0  }
0x9c: {  	s3 =	rddreg [dreg:$0x2];
	[bflag:$0x3] =	sbarrier.arrive $0xFFFF;
	s2 =	simm.s32 @!p0 $0x1C03  }
0x9d: {  	[timem:s3], [sflag:s2] =	dma.local @!p0 [hbm:s0], s1  }
0x9e: {  	s0 =	simm.s32 @!p0 $0x3  }
0x9f: {  	_ =	swait.ge @!p0 [sflag:s0], s1  }
0xa0: {  	s1 =	ssub.s32 @!p0 $0x0, s1;
	[sflag:s0] =	ssyncset.done @!p0 $0x0  }
0xa1: {  	[sflag:s0] =	ssyncadd.s32 @!p0 s1  }
0xa2: {  	[bflag:$0x3] =	sbarrier.arrive $0xFFFF  }
0xa3: {  	_ =	shalt  }

</sc_bundles>
